<compile_context>
chip_gen: v7x
topology: tpu7x:2x2x1
jax: 0.10.2.dev20260603
libtpu: 0.0.44.dev20260713+nightly
codegen_flags: <defaults>
</compile_context>

<pallas_src>
import dataclasses
import functools

import jax
import jax.numpy as jnp
from jax import lax
from jax.experimental import pallas as pl
from jax.experimental.pallas import tpu as pltpu
from jax.experimental.pallas import tpu_sc as plsc

N = 10000
HID = 128
R = 16
E = 320000
SEG = N * R

NC = 2
NS = 16
NW = NC * NS
LANES = 16

CHUNK = 100
EPW = E // NW
NCH = EPW // CHUNK
EPS = E // NS
CCH = EPS // CHUNK
WIN = 10
SEG_PS = SEG // NW

_f32 = jnp.float32
_i32 = jnp.int32


def _sc_compiler_params():
    cp = pltpu.CompilerParams()
    if "needs_layout_passes" in pltpu.CompilerParams.__dataclass_fields__:
        cp = dataclasses.replace(cp, needs_layout_passes=False)
    return cp


def _vector_mesh():
    return plsc.VectorSubcoreMesh(core_axis_name="c", subcore_axis_name="s")


def _edge_norm(comb3, comb4, zeros_seg):
    @functools.partial(
        pl.kernel,
        out_type=(jax.ShapeDtypeStruct((NC * SEG,), _f32),
                  jax.ShapeDtypeStruct((NW, NCH, CHUNK), _f32)),
        mesh=_vector_mesh(),
        scratch_types=[
            pltpu.VMEM_SHARED((SEG,), _f32),
            pltpu.VMEM((CCH, CHUNK), _i32),
            pltpu.VMEM((CHUNK,), _f32),
            pltpu.VMEM((SEG - 9984 * (NS - 1),), _f32),
            pltpu.VMEM((NCH, CHUNK), _f32),
            pltpu.SemaphoreType.DMA,
        ],
        compiler_params=_sc_compiler_params(),
    )
    def k(comb3_hbm, comb4_hbm, zero_hbm, inv_hbm, norm_hbm,
          cnt_sh, comb_v, ones_v, inv_v, nv, sem):
        c = lax.axis_index("c")
        s = lax.axis_index("s")
        wid = s * NC + c

        pltpu.sync_copy(comb3_hbm.at[s], comb_v)

        @pl.when(s == 0)
        def _():
            pltpu.sync_copy(zero_hbm, cnt_sh)

        @pl.loop(0, CHUNK, step=LANES)
        def _(i):
            ones_v[pl.ds(i, LANES)] = jnp.full((LANES,), 1.0, _f32)

        plsc.subcore_barrier()

        @pl.loop(0, CCH, step=WIN)
        def _(j):
            for b in range(WIN):
                pltpu.async_copy(ones_v, cnt_sh.at[comb_v.at[j + b]], sem,
                                 add=True)
            for b in range(WIN):
                pltpu.make_async_copy(ones_v, cnt_sh.at[comb_v.at[j + b]],
                                      sem).wait()

        plsc.subcore_barrier()

        def _inv_stripe(ibase, size):
            pltpu.sync_copy(cnt_sh.at[pl.ds(ibase, size)],
                            inv_v.at[pl.ds(0, size)])

            @pl.loop(0, size, step=LANES)
            def _(i):
                v = inv_v[pl.ds(i, LANES)]
                inv_v[pl.ds(i, LANES)] = 1.0 / jnp.maximum(v, 1.0)

            pltpu.sync_copy(inv_v.at[pl.ds(0, size)],
                            inv_hbm.at[pl.ds(c * SEG + ibase, size)])

        @pl.when(s < NS - 1)
        def _():
            _inv_stripe(s * 9984, 9984)

        @pl.when(s == NS - 1)
        def _():
            _inv_stripe(9984 * (NS - 1), SEG - 9984 * (NS - 1))

        plsc.subcore_barrier()

        pltpu.sync_copy(comb4_hbm.at[wid], comb_v.at[pl.ds(0, NCH)])
        off = jnp.broadcast_to(c * SEG, (LANES,)).astype(_i32)

        @pl.loop(0, NCH)
        def _(j):
            @pl.loop(0, CHUNK, step=LANES)
            def _(t):
                comb_v[j, pl.ds(t, LANES)] = comb_v[j, pl.ds(t, LANES)] + off

        @pl.loop(0, NCH, step=WIN)
        def _(j):
            for b in range(WIN):
                pltpu.async_copy(inv_hbm.at[comb_v.at[j + b]],
                                 nv.at[j + b], sem)
            for b in range(WIN):
                pltpu.make_async_copy(inv_hbm.at[comb_v.at[j + b]],
                                      nv.at[j + b], sem).wait()

        pltpu.sync_copy(nv, norm_hbm.at[wid])

    return k(comb3, comb4, zeros_seg)[1]


def _scatter_layer(xr_flat, flat3, dst3, norm3, zeros_nd):
    @functools.partial(
        pl.kernel,
        out_type=jax.ShapeDtypeStruct((NC, N, HID), _f32),
        mesh=_vector_mesh(),
        scratch_types=[
            pltpu.VMEM_SHARED((N, HID), _f32),
            pltpu.VMEM((NCH, CHUNK), _i32),
            pltpu.VMEM((CHUNK,), _i32),
            pltpu.VMEM((CHUNK,), _i32),
            pltpu.VMEM((CHUNK,), _f32),
            pltpu.VMEM((CHUNK,), _f32),
            pltpu.VMEM((CHUNK, HID), _f32),
            pltpu.VMEM((CHUNK, HID), _f32),
            pltpu.SemaphoreType.DMA,
            pltpu.SemaphoreType.DMA,
            pltpu.SemaphoreType.DMA,
            pltpu.SemaphoreType.DMA,
        ],
        compiler_params=_sc_compiler_params(),
    )
    def k(xr_hbm, fi_hbm, dst_hbm, nrm_hbm, zero_hbm, part_hbm,
          agg_sh, flat_v, dst0, dst1, nrm0, nrm1, rows0, rows1,
          sem0, sem1, ssem0, ssem1):
        c = lax.axis_index("c")
        s = lax.axis_index("s")
        wid = s * NC + c

        pltpu.sync_copy(fi_hbm.at[wid], flat_v)

        @pl.when(s == 0)
        def _():
            pltpu.sync_copy(zero_hbm, agg_sh)

        plsc.subcore_barrier()

        rows = (rows0, rows1)
        dsts = (dst0, dst1)
        nrms = (nrm0, nrm1)
        sems = (sem0, sem1)
        ssems = (ssem0, ssem1)
        for b in range(2):
            pltpu.async_copy(xr_hbm.at[flat_v.at[b]], rows[b], sems[b])
            pltpu.async_copy(dst_hbm.at[wid].at[b], dsts[b], sems[b])
            pltpu.async_copy(nrm_hbm.at[wid].at[b], nrms[b], sems[b])

        @pl.loop(0, NCH, step=2)
        def _(j):
            for b in range(2):
                jj = j + b
                rbuf = rows[b]
                sbuf = sems[b]
                pltpu.make_async_copy(xr_hbm.at[flat_v.at[jj]], rbuf,
                                      sbuf).wait()
                pltpu.make_async_copy(dst_hbm.at[wid].at[jj], dsts[b],
                                      sbuf).wait()
                pltpu.make_async_copy(nrm_hbm.at[wid].at[jj], nrms[b],
                                      sbuf).wait()

                @pl.loop(0, CHUNK, step=2)
                def _(i):
                    sp0 = plsc.load_gather(
                        nrms[b], [jnp.broadcast_to(i, (LANES,))])
                    sp1 = plsc.load_gather(
                        nrms[b], [jnp.broadcast_to(i + 1, (LANES,))])
                    for f in range(0, HID, LANES):
                        rbuf[i, pl.ds(f, LANES)] = (
                            rbuf[i, pl.ds(f, LANES)] * sp0)
                        rbuf[i + 1, pl.ds(f, LANES)] = (
                            rbuf[i + 1, pl.ds(f, LANES)] * sp1)

                pltpu.async_copy(rbuf, agg_sh.at[dsts[b]], ssems[b], add=True)

                @pl.when(jj + 2 < NCH)
                def _():
                    pltpu.make_async_copy(rbuf, agg_sh.at[dsts[b]],
                                          ssems[b]).wait()
                    pltpu.async_copy(xr_hbm.at[flat_v.at[jj + 2]], rbuf, sbuf)
                    pltpu.async_copy(dst_hbm.at[wid].at[jj + 2], dsts[b], sbuf)
                    pltpu.async_copy(nrm_hbm.at[wid].at[jj + 2], nrms[b], sbuf)

        for b in range(2):
            pltpu.make_async_copy(rows[b], agg_sh.at[dsts[b]], ssems[b]).wait()

        plsc.subcore_barrier()

        @pl.when(s < NS - 1)
        def _():
            pltpu.sync_copy(agg_sh.at[pl.ds(s * 624, 624)],
                            part_hbm.at[c].at[pl.ds(s * 624, 624)])

        @pl.when(s == NS - 1)
        def _():
            pltpu.sync_copy(agg_sh.at[pl.ds(624 * (NS - 1), N - 624 * (NS - 1))],
                            part_hbm.at[c].at[pl.ds(624 * (NS - 1), N - 624 * (NS - 1))])

    return k(xr_flat, flat3, dst3, norm3, zeros_nd)


_BN = 2000


def _xr_body(x_ref, w_ref, o_ref):
    o_ref[0] = jnp.dot(x_ref[...], w_ref[0], preferred_element_type=_f32)


def _per_relation_transform(x, W):
    return pl.pallas_call(
        _xr_body,
        grid=(R,),
        in_specs=[
            pl.BlockSpec((N, HID), lambda r: (0, 0)),
            pl.BlockSpec((1, HID, HID), lambda r: (r, 0, 0)),
        ],
        out_specs=pl.BlockSpec((1, N, HID), lambda r: (r, 0, 0)),
        out_shape=jax.ShapeDtypeStruct((R, N, HID), _f32),
    )(x, W)


def _combine_transform_body(p_ref, x_ref, r_ref, b_ref, w_ref,
                            x1_ref, xr_ref, x1s):
    @pl.when(pl.program_id(0) == 0)
    def _():
        y = (p_ref[0] + p_ref[1]
             + jnp.dot(x_ref[...], r_ref[...], preferred_element_type=_f32)
             + b_ref[0])
        y = jnp.maximum(y, 0.0)
        x1s[...] = y
        x1_ref[...] = y

    xr_ref[0] = jnp.dot(x1s[...], w_ref[0], preferred_element_type=_f32)


def _combine_transform(part, x, root, b, Wnext):
    return pl.pallas_call(
        _combine_transform_body,
        grid=(R,),
        in_specs=[
            pl.BlockSpec((NC, N, HID), lambda r: (0, 0, 0)),
            pl.BlockSpec((N, HID), lambda r: (0, 0)),
            pl.BlockSpec((HID, HID), lambda r: (0, 0)),
            pl.BlockSpec((1, HID), lambda r: (0, 0)),
            pl.BlockSpec((1, HID, HID), lambda r: (r, 0, 0)),
        ],
        out_specs=[
            pl.BlockSpec((N, HID), lambda r: (0, 0)),
            pl.BlockSpec((1, N, HID), lambda r: (r, 0, 0)),
        ],
        out_shape=[
            jax.ShapeDtypeStruct((N, HID), _f32),
            jax.ShapeDtypeStruct((R, N, HID), _f32),
        ],
        scratch_shapes=[pltpu.VMEM((N, HID), _f32)],
    )(part, x, root, b, Wnext)


def _combine_body(p_ref, x_ref, r_ref, b_ref, o_ref, *, relu):
    y = (p_ref[0] + p_ref[1]
         + jnp.dot(x_ref[...], r_ref[...], preferred_element_type=_f32)
         + b_ref[0])
    o_ref[...] = jnp.maximum(y, 0.0) if relu else y


def _combine(part, x, root, b, relu):
    return pl.pallas_call(
        functools.partial(_combine_body, relu=relu),
        grid=(N // _BN,),
        in_specs=[
            pl.BlockSpec((NC, _BN, HID), lambda n: (0, n, 0)),
            pl.BlockSpec((_BN, HID), lambda n: (n, 0)),
            pl.BlockSpec((HID, HID), lambda n: (0, 0)),
            pl.BlockSpec((1, HID), lambda n: (0, 0)),
        ],
        out_specs=pl.BlockSpec((_BN, HID), lambda n: (n, 0)),
        out_shape=jax.ShapeDtypeStruct((N, HID), _f32),
    )(part, x, root, b)


def kernel(edge_index, edge_type, node_emb, W1, root1, b1, W2, root2, b2):
    src = edge_index[0]
    dst = edge_index[1]
    rel = edge_type
    comb = dst * R + rel
    flat_idx = rel * N + src
    comb3 = comb.reshape(NS, CCH, CHUNK)
    comb4 = comb.reshape(NW, NCH, CHUNK)
    flat3 = flat_idx.reshape(NW, NCH, CHUNK)
    dst3 = dst.reshape(NW, NCH, CHUNK)
    zeros_seg = jnp.zeros((SEG,), _f32)
    zeros_nd = jnp.zeros((N, HID), _f32)

    norm3 = _edge_norm(comb3, comb4, zeros_seg)

    xr1 = _per_relation_transform(node_emb, W1).reshape(SEG, HID)
    part1 = _scatter_layer(xr1, flat3, dst3, norm3, zeros_nd)
    x1, xr2 = _combine_transform(part1, node_emb, root1,
                                 b1.reshape(1, HID), W2)
    part2 = _scatter_layer(xr2.reshape(SEG, HID), flat3, dst3, norm3,
                           zeros_nd)
    return _combine(part2, x1, root2, b2.reshape(1, HID), relu=False)

# --- scband reference (transcript-rebuilt; emitter-appended) ---
"""Pipeline reference for scband-rel-gcn-82042465288592 (READ-ONLY COPY).

The authoritative reference and input builder live on the scoring server;
editing this copy changes nothing except your own understanding.
"""

import jax, jax.numpy as jnp
import numpy as np

NUM_NODES = 10000
HID = 128
NUM_REL = 16
NUM_EDGES = 320000


def setup_inputs(seed: int = 0) -> dict:
    key = jax.random.key(seed)
    ks = jax.random.split(key, 10)
    edge_index = jax.random.randint(ks[0], (2, NUM_EDGES), 0, NUM_NODES, dtype=jnp.int32)
    edge_type = jax.random.randint(ks[1], (NUM_EDGES,), 0, NUM_REL, dtype=jnp.int32)
    s = 1.0 / np.sqrt(HID)
    node_emb = jax.random.normal(ks[2], (NUM_NODES, HID), dtype=jnp.float32) * s
    W1 = jax.random.normal(ks[3], (NUM_REL, HID, HID), dtype=jnp.float32) * s
    root1 = jax.random.normal(ks[4], (HID, HID), dtype=jnp.float32) * s
    b1 = jnp.zeros((HID,), dtype=jnp.float32)
    W2 = jax.random.normal(ks[5], (NUM_REL, HID, HID), dtype=jnp.float32) * s
    root2 = jax.random.normal(ks[6], (HID, HID), dtype=jnp.float32) * s
    b2 = jnp.zeros((HID,), dtype=jnp.float32)
    return {"edge_index": edge_index, "edge_type": edge_type, "node_emb": node_emb,
            "W1": W1, "root1": root1, "b1": b1, "W2": W2, "root2": root2, "b2": b2}


def _rgcn_layer(x, edge_index, edge_type, W, root, bias):
    # PyG RGCNConv: per-relation linear transform, mean aggregation per relation
    # per destination node, plus root (self-loop) weight and bias.
    src = edge_index[0]
    dst = edge_index[1]
    # transform node features under every relation: [N, R, F]
    xr = jnp.einsum('nd,rdf->nrf', x, W)
    # gather the relation-specific transformed source features per edge
    msg = xr[src, edge_type]  # [E, F]
    # per (dst, relation) mean normalization
    comb = dst * NUM_REL + edge_type
    cnt = jax.ops.segment_sum(jnp.ones((NUM_EDGES,), jnp.float32), comb,
                              num_segments=NUM_NODES * NUM_REL)
    norm = 1.0 / jnp.maximum(cnt[comb], 1.0)
    agg = jnp.zeros((NUM_NODES, W.shape[-1]), x.dtype).at[dst].add(msg * norm[:, None])
    return agg + x @ root + bias


def reference(edge_index, edge_type, node_emb, W1, root1, b1, W2, root2, b2):
    x = node_emb
    x = jax.nn.relu(_rgcn_layer(x, edge_index, edge_type, W1, root1, b1))
    x = _rgcn_layer(x, edge_index, edge_type, W2, root2, b2)
    return x

if __name__ == "__main__":
    import jax
    _d = setup_inputs()
    print(jax.jit(kernel)(*tuple(_d.values())))

</pallas_src>

<mosaic_0001>
#map = affine_map<(d0, d1) -> (0, 0)>
#map1 = affine_map<(d0, d1) -> (0, 0, 0)>
module attributes {stable_mosaic.version = 14 : i64} {
  func.func @k(%arg0: i32, %arg1: i32, %arg2: memref<160000x128xf32, #tpu.memory_space<hbm>>, %arg3: memref<32x100x100xi32, #tpu.memory_space<hbm>>, %arg4: memref<32x100x100xi32, #tpu.memory_space<hbm>>, %arg5: memref<32x100x100xf32, #tpu.memory_space<hbm>>, %arg6: memref<10000x128xf32, #tpu.memory_space<hbm>>, %arg7: memref<2x10000x128xf32, #tpu.memory_space<hbm>>, %arg8: memref<10000x128xf32, #tpu.memory_space<vmem_shared>>, %arg9: memref<100x100xi32, #tpu.memory_space<vmem>>, %arg10: memref<100xi32, #tpu.memory_space<vmem>>, %arg11: memref<100xi32, #tpu.memory_space<vmem>>, %arg12: memref<100xf32, #tpu.memory_space<vmem>>, %arg13: memref<100xf32, #tpu.memory_space<vmem>>, %arg14: memref<100x128xf32, #tpu.memory_space<vmem>>, %arg15: memref<100x128xf32, #tpu.memory_space<vmem>>, %arg16: memref<!tpu.dma_semaphore, #tpu.memory_space<semaphore_mem>>, %arg17: memref<!tpu.dma_semaphore, #tpu.memory_space<semaphore_mem>>, %arg18: memref<!tpu.dma_semaphore, #tpu.memory_space<semaphore_mem>>, %arg19: memref<!tpu.dma_semaphore, #tpu.memory_space<semaphore_mem>>) attributes {dimension_semantics = [#tpu.dimension_semantics<core_parallel>, #tpu.dimension_semantics<subcore_parallel>], iteration_bounds = array<i64: 2, 16>, scalar_prefetch = 0 : i64, scratch_operands = 12 : i64, tpu.core_type = #tpu.core_type<sc_vector_subcore>, window_params = [{transform_indices = #map}, {transform_indices = #map1}, {transform_indices = #map1}, {transform_indices = #map1}, {transform_indices = #map}, {transform_indices = #map1}]} {
    %mul3A = arith.constant 2 : i32
    %mul3A_0 = arith.muli %arg1, %mul3A : i32
    %add3A = arith.addi %mul3A_0, %arg0 : i32
    "tpu.region"() ({
      %run_scoped3A = tpu.sem_alloc : memref<!tpu.dma_semaphore, #tpu.memory_space<semaphore_mem>>
      %dma_start3A_95 = arith.constant 0 : i32
      %dma_start3A_96 = arith.constant 0 : i32
      %dma_start3A_97 = tpu.memref_slice %arg3[%add3A, %dma_start3A_95, %dma_start3A_96] : memref<32x100x100xi32, #tpu.memory_space<hbm>> -> memref<1x100x100xi32, #tpu.memory_space<hbm>>
      %dma_start3A_98 = tpu.memref_squeeze %dma_start3A_97 : memref<1x100x100xi32, #tpu.memory_space<hbm>> -> memref<100x100xi32, #tpu.memory_space<hbm>>
      %dma_start3A_99 = arith.constant 0 : i32
      %dma_start3A_100 = arith.constant 0 : i32
      %dma_start3A_101 = tpu.memref_slice %arg3[%add3A, %dma_start3A_99, %dma_start3A_100] : memref<32x100x100xi32, #tpu.memory_space<hbm>> -> memref<1x100x100xi32, #tpu.memory_space<hbm>>
      %dma_start3A_102 = tpu.memref_squeeze %dma_start3A_101 : memref<1x100x100xi32, #tpu.memory_space<hbm>> -> memref<100x100xi32, #tpu.memory_space<hbm>>
      tpu.enqueue_dma source(%dma_start3A_102 : memref<100x100xi32, #tpu.memory_space<hbm>>) target(%arg9 : memref<100x100xi32, #tpu.memory_space<vmem>>) target_semaphore(%run_scoped3A : memref<!tpu.dma_semaphore, #tpu.memory_space<semaphore_mem>>)
      %dma_wait3A_103 = arith.constant 0 : i32
      %dma_wait3A_104 = arith.constant 0 : i32
      %dma_wait3A_105 = tpu.memref_slice %arg3[%add3A, %dma_wait3A_103, %dma_wait3A_104] : memref<32x100x100xi32, #tpu.memory_space<hbm>> -> memref<1x100x100xi32, #tpu.memory_space<hbm>>
      %dma_wait3A_106 = tpu.memref_squeeze %dma_wait3A_105 : memref<1x100x100xi32, #tpu.memory_space<hbm>> -> memref<100x100xi32, #tpu.memory_space<hbm>>
      %dma_wait3A_107 = arith.constant 0 : i32
      %dma_wait3A_108 = arith.constant 0 : i32
      %dma_wait3A_109 = tpu.memref_slice %arg3[%add3A, %dma_wait3A_107, %dma_wait3A_108] : memref<32x100x100xi32, #tpu.memory_space<hbm>> -> memref<1x100x100xi32, #tpu.memory_space<hbm>>
      %dma_wait3A_110 = tpu.memref_squeeze %dma_wait3A_109 : memref<1x100x100xi32, #tpu.memory_space<hbm>> -> memref<100x100xi32, #tpu.memory_space<hbm>>
      tpu.wait_dma2 semaphore(%run_scoped3A : memref<!tpu.dma_semaphore, #tpu.memory_space<semaphore_mem>>) src(%dma_wait3A_110 : memref<100x100xi32, #tpu.memory_space<hbm>>) dst(%arg9 : memref<100x100xi32, #tpu.memory_space<vmem>>)
      tpu.yield
    }) : () -> ()
    %eq3A = arith.constant 0 : i32
    %eq3A_1 = arith.cmpi eq, %arg1, %eq3A : i32
    %convert_element_type3A = arith.extui %eq3A_1 : i1 to i32
    %cond3A = arith.constant 0 : i32
    %cond3A_2 = arith.cmpi ne, %convert_element_type3A, %cond3A : i32
    scf.if %cond3A_2 {
      "tpu.region"() ({
        %run_scoped3A = tpu.sem_alloc : memref<!tpu.dma_semaphore, #tpu.memory_space<semaphore_mem>>
        tpu.enqueue_dma source(%arg6 : memref<10000x128xf32, #tpu.memory_space<hbm>>) target(%arg8 : memref<10000x128xf32, #tpu.memory_space<vmem_shared>>) target_semaphore(%run_scoped3A : memref<!tpu.dma_semaphore, #tpu.memory_space<semaphore_mem>>)
        tpu.wait_dma2 semaphore(%run_scoped3A : memref<!tpu.dma_semaphore, #tpu.memory_space<semaphore_mem>>) src(%arg6 : memref<10000x128xf32, #tpu.memory_space<hbm>>) dst(%arg8 : memref<10000x128xf32, #tpu.memory_space<vmem_shared>>)
        tpu.yield
      }) : () -> ()
    } else {
    }
    %barrier3A = arith.constant 0 : index
    tpu.barrier barrier_id(%barrier3A)
    %dma_start3A = arith.constant 0 : i32
    %dma_start3A_3 = arith.constant 0 : i32
    %dma_start3A_4 = tpu.memref_slice %arg9[%dma_start3A, %dma_start3A_3] : memref<100x100xi32, #tpu.memory_space<vmem>> -> memref<1x100xi32, #tpu.memory_space<vmem>>
    %dma_start3A_5 = tpu.memref_squeeze %dma_start3A_4 : memref<1x100xi32, #tpu.memory_space<vmem>> -> memref<100xi32, #tpu.memory_space<vmem>>
    %dma_start3A_6 = arith.constant 0 : i32
    %dma_start3A_7 = arith.constant 0 : i32
    %dma_start3A_8 = tpu.memref_slice %arg2[%dma_start3A_6, %dma_start3A_7] : memref<160000x128xf32, #tpu.memory_space<hbm>> -> memref<160000x128xf32, #tpu.memory_space<hbm>>
    tpu.enqueue_indirect_dma source(%dma_start3A_8 : memref<160000x128xf32, #tpu.memory_space<hbm>>) target(%arg14 : memref<100x128xf32, #tpu.memory_space<vmem>>) offsets(%dma_start3A_5 : memref<100xi32, #tpu.memory_space<vmem>>) semaphore(%arg16 : memref<!tpu.dma_semaphore, #tpu.memory_space<semaphore_mem>>)
    %dma_start3A_9 = arith.constant 0 : i32
    %dma_start3A_10 = arith.constant 0 : i32
    %dma_start3A_11 = arith.constant 0 : i32
    %dma_start3A_12 = tpu.memref_slice %arg4[%add3A, %dma_start3A_10, %dma_start3A_11] : memref<32x100x100xi32, #tpu.memory_space<hbm>> -> memref<1x100x100xi32, #tpu.memory_space<hbm>>
    %dma_start3A_13 = tpu.memref_squeeze %dma_start3A_12 : memref<1x100x100xi32, #tpu.memory_space<hbm>> -> memref<100x100xi32, #tpu.memory_space<hbm>>
    %dma_start3A_14 = arith.constant 0 : i32
    %dma_start3A_15 = tpu.memref_slice %dma_start3A_13[%dma_start3A_9, %dma_start3A_14] : memref<100x100xi32, #tpu.memory_space<hbm>> -> memref<1x100xi32, #tpu.memory_space<hbm>>
    %dma_start3A_16 = tpu.memref_squeeze %dma_start3A_15 : memref<1x100xi32, #tpu.memory_space<hbm>> -> memref<100xi32, #tpu.memory_space<hbm>>
    %dma_start3A_17 = arith.constant 0 : i32
    %dma_start3A_18 = arith.constant 0 : i32
    %dma_start3A_19 = tpu.memref_slice %arg4[%add3A, %dma_start3A_17, %dma_start3A_18] : memref<32x100x100xi32, #tpu.memory_space<hbm>> -> memref<1x100x100xi32, #tpu.memory_space<hbm>>
    %dma_start3A_20 = tpu.memref_squeeze %dma_start3A_19 : memref<1x100x100xi32, #tpu.memory_space<hbm>> -> memref<100x100xi32, #tpu.memory_space<hbm>>
    %dma_start3A_21 = arith.constant 0 : i32
    %dma_start3A_22 = tpu.memref_slice %dma_start3A_20[%dma_start3A_9, %dma_start3A_21] : memref<100x100xi32, #tpu.memory_space<hbm>> -> memref<1x100xi32, #tpu.memory_space<hbm>>
    %dma_start3A_23 = tpu.memref_squeeze %dma_start3A_22 : memref<1x100xi32, #tpu.memory_space<hbm>> -> memref<100xi32, #tpu.memory_space<hbm>>
    tpu.enqueue_dma source(%dma_start3A_23 : memref<100xi32, #tpu.memory_space<hbm>>) target(%arg10 : memref<100xi32, #tpu.memory_space<vmem>>) target_semaphore(%arg16 : memref<!tpu.dma_semaphore, #tpu.memory_space<semaphore_mem>>)
    %dma_start3A_24 = arith.constant 0 : i32
    %dma_start3A_25 = arith.constant 0 : i32
    %dma_start3A_26 = arith.constant 0 : i32
    %dma_start3A_27 = tpu.memref_slice %arg5[%add3A, %dma_start3A_25, %dma_start3A_26] : memref<32x100x100xf32, #tpu.memory_space<hbm>> -> memref<1x100x100xf32, #tpu.memory_space<hbm>>
    %dma_start3A_28 = tpu.memref_squeeze %dma_start3A_27 : memref<1x100x100xf32, #tpu.memory_space<hbm>> -> memref<100x100xf32, #tpu.memory_space<hbm>>
    %dma_start3A_29 = arith.constant 0 : i32
    %dma_start3A_30 = tpu.memref_slice %dma_start3A_28[%dma_start3A_24, %dma_start3A_29] : memref<100x100xf32, #tpu.memory_space<hbm>> -> memref<1x100xf32, #tpu.memory_space<hbm>>
    %dma_start3A_31 = tpu.memref_squeeze %dma_start3A_30 : memref<1x100xf32, #tpu.memory_space<hbm>> -> memref<100xf32, #tpu.memory_space<hbm>>
    %dma_start3A_32 = arith.constant 0 : i32
    %dma_start3A_33 = arith.constant 0 : i32
    %dma_start3A_34 = tpu.memref_slice %arg5[%add3A, %dma_start3A_32, %dma_start3A_33] : memref<32x100x100xf32, #tpu.memory_space<hbm>> -> memref<1x100x100xf32, #tpu.memory_space<hbm>>
    %dma_start3A_35 = tpu.memref_squeeze %dma_start3A_34 : memref<1x100x100xf32, #tpu.memory_space<hbm>> -> memref<100x100xf32, #tpu.memory_space<hbm>>
    %dma_start3A_36 = arith.constant 0 : i32
    %dma_start3A_37 = tpu.memref_slice %dma_start3A_35[%dma_start3A_24, %dma_start3A_36] : memref<100x100xf32, #tpu.memory_space<hbm>> -> memref<1x100xf32, #tpu.memory_space<hbm>>
    %dma_start3A_38 = tpu.memref_squeeze %dma_start3A_37 : memref<1x100xf32, #tpu.memory_space<hbm>> -> memref<100xf32, #tpu.memory_space<hbm>>
    tpu.enqueue_dma source(%dma_start3A_38 : memref<100xf32, #tpu.memory_space<hbm>>) target(%arg12 : memref<100xf32, #tpu.memory_space<vmem>>) target_semaphore(%arg16 : memref<!tpu.dma_semaphore, #tpu.memory_space<semaphore_mem>>)
    %dma_start3A_39 = arith.constant 1 : i32
    %dma_start3A_40 = arith.constant 0 : i32
    %dma_start3A_41 = tpu.memref_slice %arg9[%dma_start3A_39, %dma_start3A_40] : memref<100x100xi32, #tpu.memory_space<vmem>> -> memref<1x100xi32, #tpu.memory_space<vmem>>
    %dma_start3A_42 = tpu.memref_squeeze %dma_start3A_41 : memref<1x100xi32, #tpu.memory_space<vmem>> -> memref<100xi32, #tpu.memory_space<vmem>>
    %dma_start3A_43 = arith.constant 0 : i32
    %dma_start3A_44 = arith.constant 0 : i32
    %dma_start3A_45 = tpu.memref_slice %arg2[%dma_start3A_43, %dma_start3A_44] : memref<160000x128xf32, #tpu.memory_space<hbm>> -> memref<160000x128xf32, #tpu.memory_space<hbm>>
    tpu.enqueue_indirect_dma source(%dma_start3A_45 : memref<160000x128xf32, #tpu.memory_space<hbm>>) target(%arg15 : memref<100x128xf32, #tpu.memory_space<vmem>>) offsets(%dma_start3A_42 : memref<100xi32, #tpu.memory_space<vmem>>) semaphore(%arg17 : memref<!tpu.dma_semaphore, #tpu.memory_space<semaphore_mem>>)
    %dma_start3A_46 = arith.constant 1 : i32
    %dma_start3A_47 = arith.constant 0 : i32
    %dma_start3A_48 = arith.constant 0 : i32
    %dma_start3A_49 = tpu.memref_slice %arg4[%add3A, %dma_start3A_47, %dma_start3A_48] : memref<32x100x100xi32, #tpu.memory_space<hbm>> -> memref<1x100x100xi32, #tpu.memory_space<hbm>>
    %dma_start3A_50 = tpu.memref_squeeze %dma_start3A_49 : memref<1x100x100xi32, #tpu.memory_space<hbm>> -> memref<100x100xi32, #tpu.memory_space<hbm>>
    %dma_start3A_51 = arith.constant 0 : i32
    %dma_start3A_52 = tpu.memref_slice %dma_start3A_50[%dma_start3A_46, %dma_start3A_51] : memref<100x100xi32, #tpu.memory_space<hbm>> -> memref<1x100xi32, #tpu.memory_space<hbm>>
    %dma_start3A_53 = tpu.memref_squeeze %dma_start3A_52 : memref<1x100xi32, #tpu.memory_space<hbm>> -> memref<100xi32, #tpu.memory_space<hbm>>
    %dma_start3A_54 = arith.constant 0 : i32
    %dma_start3A_55 = arith.constant 0 : i32
    %dma_start3A_56 = tpu.memref_slice %arg4[%add3A, %dma_start3A_54, %dma_start3A_55] : memref<32x100x100xi32, #tpu.memory_space<hbm>> -> memref<1x100x100xi32, #tpu.memory_space<hbm>>
    %dma_start3A_57 = tpu.memref_squeeze %dma_start3A_56 : memref<1x100x100xi32, #tpu.memory_space<hbm>> -> memref<100x100xi32, #tpu.memory_space<hbm>>
    %dma_start3A_58 = arith.constant 0 : i32
    %dma_start3A_59 = tpu.memref_slice %dma_start3A_57[%dma_start3A_46, %dma_start3A_58] : memref<100x100xi32, #tpu.memory_space<hbm>> -> memref<1x100xi32, #tpu.memory_space<hbm>>
    %dma_start3A_60 = tpu.memref_squeeze %dma_start3A_59 : memref<1x100xi32, #tpu.memory_space<hbm>> -> memref<100xi32, #tpu.memory_space<hbm>>
    tpu.enqueue_dma source(%dma_start3A_60 : memref<100xi32, #tpu.memory_space<hbm>>) target(%arg11 : memref<100xi32, #tpu.memory_space<vmem>>) target_semaphore(%arg17 : memref<!tpu.dma_semaphore, #tpu.memory_space<semaphore_mem>>)
    %dma_start3A_61 = arith.constant 1 : i32
    %dma_start3A_62 = arith.constant 0 : i32
    %dma_start3A_63 = arith.constant 0 : i32
    %dma_start3A_64 = tpu.memref_slice %arg5[%add3A, %dma_start3A_62, %dma_start3A_63] : memref<32x100x100xf32, #tpu.memory_space<hbm>> -> memref<1x100x100xf32, #tpu.memory_space<hbm>>
    %dma_start3A_65 = tpu.memref_squeeze %dma_start3A_64 : memref<1x100x100xf32, #tpu.memory_space<hbm>> -> memref<100x100xf32, #tpu.memory_space<hbm>>
    %dma_start3A_66 = arith.constant 0 : i32
    %dma_start3A_67 = tpu.memref_slice %dma_start3A_65[%dma_start3A_61, %dma_start3A_66] : memref<100x100xf32, #tpu.memory_space<hbm>> -> memref<1x100xf32, #tpu.memory_space<hbm>>
    %dma_start3A_68 = tpu.memref_squeeze %dma_start3A_67 : memref<1x100xf32, #tpu.memory_space<hbm>> -> memref<100xf32, #tpu.memory_space<hbm>>
    %dma_start3A_69 = arith.constant 0 : i32
    %dma_start3A_70 = arith.constant 0 : i32
    %dma_start3A_71 = tpu.memref_slice %arg5[%add3A, %dma_start3A_69, %dma_start3A_70] : memref<32x100x100xf32, #tpu.memory_space<hbm>> -> memref<1x100x100xf32, #tpu.memory_space<hbm>>
    %dma_start3A_72 = tpu.memref_squeeze %dma_start3A_71 : memref<1x100x100xf32, #tpu.memory_space<hbm>> -> memref<100x100xf32, #tpu.memory_space<hbm>>
    %dma_start3A_73 = arith.constant 0 : i32
    %dma_start3A_74 = tpu.memref_slice %dma_start3A_72[%dma_start3A_61, %dma_start3A_73] : memref<100x100xf32, #tpu.memory_space<hbm>> -> memref<1x100xf32, #tpu.memory_space<hbm>>
    %dma_start3A_75 = tpu.memref_squeeze %dma_start3A_74 : memref<1x100xf32, #tpu.memory_space<hbm>> -> memref<100xf32, #tpu.memory_space<hbm>>
    tpu.enqueue_dma source(%dma_start3A_75 : memref<100xf32, #tpu.memory_space<hbm>>) target(%arg13 : memref<100xf32, #tpu.memory_space<vmem>>) target_semaphore(%arg17 : memref<!tpu.dma_semaphore, #tpu.memory_space<semaphore_mem>>)
    %scan3A = arith.constant 0 : i32
    %scan3A_76 = arith.constant 50 : i32
    %scan3A_77 = arith.addi %scan3A, %scan3A_76 : i32
    %scan3A_78 = arith.constant 1 : i32
    scf.for %scan3A_95 = %scan3A to %scan3A_77 step %scan3A_78  : i32 {
      %mul3A_96 = arith.constant 2 : i32
      %mul3A_97 = arith.muli %scan3A_95, %mul3A_96 : i32
      %add3A_98 = arith.constant 0 : i32
      %add3A_99 = arith.addi %add3A_98, %mul3A_97 : i32
      %add3A_100 = arith.constant 0 : i32
      %add3A_101 = arith.addi %add3A_99, %add3A_100 : i32
      %dma_wait3A_102 = arith.constant 0 : i32
      %dma_wait3A_103 = tpu.memref_slice %arg9[%add3A_101, %dma_wait3A_102] : memref<100x100xi32, #tpu.memory_space<vmem>> -> memref<1x100xi32, #tpu.memory_space<vmem>>
      %dma_wait3A_104 = tpu.memref_squeeze %dma_wait3A_103 : memref<1x100xi32, #tpu.memory_space<vmem>> -> memref<100xi32, #tpu.memory_space<vmem>>
      %dma_wait3A_105 = arith.constant 0 : i32
      %dma_wait3A_106 = arith.constant 0 : i32
      %dma_wait3A_107 = tpu.memref_slice %arg2[%dma_wait3A_105, %dma_wait3A_106] : memref<160000x128xf32, #tpu.memory_space<hbm>> -> memref<160000x128xf32, #tpu.memory_space<hbm>>
      tpu.wait_indirect_dma semaphore(%arg16 : memref<!tpu.dma_semaphore, #tpu.memory_space<semaphore_mem>>) src(%dma_wait3A_107 : memref<160000x128xf32, #tpu.memory_space<hbm>>) dst(%arg14 : memref<100x128xf32, #tpu.memory_space<vmem>>)
      %dma_wait3A_108 = arith.constant 0 : i32
      %dma_wait3A_109 = arith.constant 0 : i32
      %dma_wait3A_110 = tpu.memref_slice %arg4[%add3A, %dma_wait3A_108, %dma_wait3A_109] : memref<32x100x100xi32, #tpu.memory_space<hbm>> -> memref<1x100x100xi32, #tpu.memory_space<hbm>>
      %dma_wait3A_111 = tpu.memref_squeeze %dma_wait3A_110 : memref<1x100x100xi32, #tpu.memory_space<hbm>> -> memref<100x100xi32, #tpu.memory_space<hbm>>
      %dma_wait3A_112 = arith.constant 0 : i32
      %dma_wait3A_113 = tpu.memref_slice %dma_wait3A_111[%add3A_101, %dma_wait3A_112] : memref<100x100xi32, #tpu.memory_space<hbm>> -> memref<1x100xi32, #tpu.memory_space<hbm>>
      %dma_wait3A_114 = tpu.memref_squeeze %dma_wait3A_113 : memref<1x100xi32, #tpu.memory_space<hbm>> -> memref<100xi32, #tpu.memory_space<hbm>>
      %dma_wait3A_115 = arith.constant 0 : i32
      %dma_wait3A_116 = arith.constant 0 : i32
      %dma_wait3A_117 = tpu.memref_slice %arg4[%add3A, %dma_wait3A_115, %dma_wait3A_116] : memref<32x100x100xi32, #tpu.memory_space<hbm>> -> memref<1x100x100xi32, #tpu.memory_space<hbm>>
      %dma_wait3A_118 = tpu.memref_squeeze %dma_wait3A_117 : memref<1x100x100xi32, #tpu.memory_space<hbm>> -> memref<100x100xi32, #tpu.memory_space<hbm>>
      %dma_wait3A_119 = arith.constant 0 : i32
      %dma_wait3A_120 = tpu.memref_slice %dma_wait3A_118[%add3A_101, %dma_wait3A_119] : memref<100x100xi32, #tpu.memory_space<hbm>> -> memref<1x100xi32, #tpu.memory_space<hbm>>
      %dma_wait3A_121 = tpu.memref_squeeze %dma_wait3A_120 : memref<1x100xi32, #tpu.memory_space<hbm>> -> memref<100xi32, #tpu.memory_space<hbm>>
      tpu.wait_dma2 semaphore(%arg16 : memref<!tpu.dma_semaphore, #tpu.memory_space<semaphore_mem>>) src(%dma_wait3A_121 : memref<100xi32, #tpu.memory_space<hbm>>) dst(%arg10 : memref<100xi32, #tpu.memory_space<vmem>>)
      %dma_wait3A_122 = arith.constant 0 : i32
      %dma_wait3A_123 = arith.constant 0 : i32
      %dma_wait3A_124 = tpu.memref_slice %arg5[%add3A, %dma_wait3A_122, %dma_wait3A_123] : memref<32x100x100xf32, #tpu.memory_space<hbm>> -> memref<1x100x100xf32, #tpu.memory_space<hbm>>
      %dma_wait3A_125 = tpu.memref_squeeze %dma_wait3A_124 : memref<1x100x100xf32, #tpu.memory_space<hbm>> -> memref<100x100xf32, #tpu.memory_space<hbm>>
      %dma_wait3A_126 = arith.constant 0 : i32
      %dma_wait3A_127 = tpu.memref_slice %dma_wait3A_125[%add3A_101, %dma_wait3A_126] : memref<100x100xf32, #tpu.memory_space<hbm>> -> memref<1x100xf32, #tpu.memory_space<hbm>>
      %dma_wait3A_128 = tpu.memref_squeeze %dma_wait3A_127 : memref<1x100xf32, #tpu.memory_space<hbm>> -> memref<100xf32, #tpu.memory_space<hbm>>
      %dma_wait3A_129 = arith.constant 0 : i32
      %dma_wait3A_130 = arith.constant 0 : i32
      %dma_wait3A_131 = tpu.memref_slice %arg5[%add3A, %dma_wait3A_129, %dma_wait3A_130] : memref<32x100x100xf32, #tpu.memory_space<hbm>> -> memref<1x100x100xf32, #tpu.memory_space<hbm>>
      %dma_wait3A_132 = tpu.memref_squeeze %dma_wait3A_131 : memref<1x100x100xf32, #tpu.memory_space<hbm>> -> memref<100x100xf32, #tpu.memory_space<hbm>>
      %dma_wait3A_133 = arith.constant 0 : i32
      %dma_wait3A_134 = tpu.memref_slice %dma_wait3A_132[%add3A_101, %dma_wait3A_133] : memref<100x100xf32, #tpu.memory_space<hbm>> -> memref<1x100xf32, #tpu.memory_space<hbm>>
      %dma_wait3A_135 = tpu.memref_squeeze %dma_wait3A_134 : memref<1x100xf32, #tpu.memory_space<hbm>> -> memref<100xf32, #tpu.memory_space<hbm>>
      tpu.wait_dma2 semaphore(%arg16 : memref<!tpu.dma_semaphore, #tpu.memory_space<semaphore_mem>>) src(%dma_wait3A_135 : memref<100xf32, #tpu.memory_space<hbm>>) dst(%arg12 : memref<100xf32, #tpu.memory_space<vmem>>)
      %scan3A_136 = arith.constant 0 : i32
      %scan3A_137 = arith.constant 50 : i32
      %scan3A_138 = arith.addi %scan3A_136, %scan3A_137 : i32
      %scan3A_139 = arith.constant 1 : i32
      scf.for %scan3A_202 = %scan3A_136 to %scan3A_138 step %scan3A_139  : i32 {
        %mul3A_203 = arith.constant 2 : i32
        %mul3A_204 = arith.muli %scan3A_202, %mul3A_203 : i32
        %add3A_205 = arith.constant 0 : i32
        %add3A_206 = arith.addi %add3A_205, %mul3A_204 : i32
        %broadcast_in_dim3A = vector.broadcast %add3A_206 : i32 to vector<16xi32>
        %gather3A = tpu.vector_load_idx %arg12[%broadcast_in_dim3A] : memref<100xf32, #tpu.memory_space<vmem>>[vector<16xi32>], vector<16xf32>,
        %add3A_207 = arith.constant 1 : i32
        %add3A_208 = arith.addi %add3A_206, %add3A_207 : i32
        %broadcast_in_dim3A_209 = vector.broadcast %add3A_208 : i32 to vector<16xi32>
        %gather3A_210 = tpu.vector_load_idx %arg12[%broadcast_in_dim3A_209] : memref<100xf32, #tpu.memory_space<vmem>>[vector<16xi32>], vector<16xf32>,
        %get3A = arith.index_cast %add3A_206 : i32 to index
        %get3A_211 = arith.constant 0 : index
        %get3A_212 = tpu.vector_load %arg14[%get3A, %get3A_211] {strides = array<i32>} : memref<100x128xf32, #tpu.memory_space<vmem>>, vector<16xf32>,
        %mul3A_213 = arith.mulf %get3A_212, %gather3A : vector<16xf32>
        %swap3A = arith.index_cast %add3A_206 : i32 to index
        %swap3A_214 = arith.constant 0 : index
        %swap3A_215 = tpu.vector_load %arg14[%swap3A, %swap3A_214] {strides = array<i32>} : memref<100x128xf32, #tpu.memory_space<vmem>>, vector<16xf32>,
        tpu.vector_store %arg14[%swap3A, %swap3A_214], %mul3A_213 {strides = array<i32>} : memref<100x128xf32, #tpu.memory_space<vmem>>, vector<16xf32>,
        %add3A_216 = arith.constant 1 : i32
        %add3A_217 = arith.addi %add3A_206, %add3A_216 : i32
        %get3A_218 = arith.index_cast %add3A_217 : i32 to index
        %get3A_219 = arith.constant 0 : index
        %get3A_220 = tpu.vector_load %arg14[%get3A_218, %get3A_219] {strides = array<i32>} : memref<100x128xf32, #tpu.memory_space<vmem>>, vector<16xf32>,
        %mul3A_221 = arith.mulf %get3A_220, %gather3A_210 : vector<16xf32>
        %add3A_222 = arith.constant 1 : i32
        %add3A_223 = arith.addi %add3A_206, %add3A_222 : i32
        %swap3A_224 = arith.index_cast %add3A_223 : i32 to index
        %swap3A_225 = arith.constant 0 : index
        %swap3A_226 = tpu.vector_load %arg14[%swap3A_224, %swap3A_225] {strides = array<i32>} : memref<100x128xf32, #tpu.memory_space<vmem>>, vector<16xf32>,
        tpu.vector_store %arg14[%swap3A_224, %swap3A_225], %mul3A_221 {strides = array<i32>} : memref<100x128xf32, #tpu.memory_space<vmem>>, vector<16xf32>,
        %get3A_227 = arith.index_cast %add3A_206 : i32 to index
        %get3A_228 = arith.constant 16 : index
        %get3A_229 = tpu.vector_load %arg14[%get3A_227, %get3A_228] {strides = array<i32>} : memref<100x128xf32, #tpu.memory_space<vmem>>, vector<16xf32>,
        %mul3A_230 = arith.mulf %get3A_229, %gather3A : vector<16xf32>
        %swap3A_231 = arith.index_cast %add3A_206 : i32 to index
        %swap3A_232 = arith.constant 16 : index
        %swap3A_233 = tpu.vector_load %arg14[%swap3A_231, %swap3A_232] {strides = array<i32>} : memref<100x128xf32, #tpu.memory_space<vmem>>, vector<16xf32>,
        tpu.vector_store %arg14[%swap3A_231, %swap3A_232], %mul3A_230 {strides = array<i32>} : memref<100x128xf32, #tpu.memory_space<vmem>>, vector<16xf32>,
        %add3A_234 = arith.constant 1 : i32
        %add3A_235 = arith.addi %add3A_206, %add3A_234 : i32
        %get3A_236 = arith.index_cast %add3A_235 : i32 to index
        %get3A_237 = arith.constant 16 : index
        %get3A_238 = tpu.vector_load %arg14[%get3A_236, %get3A_237] {strides = array<i32>} : memref<100x128xf32, #tpu.memory_space<vmem>>, vector<16xf32>,
        %mul3A_239 = arith.mulf %get3A_238, %gather3A_210 : vector<16xf32>
        %add3A_240 = arith.constant 1 : i32
        %add3A_241 = arith.addi %add3A_206, %add3A_240 : i32
        %swap3A_242 = arith.index_cast %add3A_241 : i32 to index
        %swap3A_243 = arith.constant 16 : index
        %swap3A_244 = tpu.vector_load %arg14[%swap3A_242, %swap3A_243] {strides = array<i32>} : memref<100x128xf32, #tpu.memory_space<vmem>>, vector<16xf32>,
        tpu.vector_store %arg14[%swap3A_242, %swap3A_243], %mul3A_239 {strides = array<i32>} : memref<100x128xf32, #tpu.memory_space<vmem>>, vector<16xf32>,
        %get3A_245 = arith.index_cast %add3A_206 : i32 to index
        %get3A_246 = arith.constant 32 : index
        %get3A_247 = tpu.vector_load %arg14[%get3A_245, %get3A_246] {strides = array<i32>} : memref<100x128xf32, #tpu.memory_space<vmem>>, vector<16xf32>,
        %mul3A_248 = arith.mulf %get3A_247, %gather3A : vector<16xf32>
        %swap3A_249 = arith.index_cast %add3A_206 : i32 to index
        %swap3A_250 = arith.constant 32 : index
        %swap3A_251 = tpu.vector_load %arg14[%swap3A_249, %swap3A_250] {strides = array<i32>} : memref<100x128xf32, #tpu.memory_space<vmem>>, vector<16xf32>,
        tpu.vector_store %arg14[%swap3A_249, %swap3A_250], %mul3A_248 {strides = array<i32>} : memref<100x128xf32, #tpu.memory_space<vmem>>, vector<16xf32>,
        %add3A_252 = arith.constant 1 : i32
        %add3A_253 = arith.addi %add3A_206, %add3A_252 : i32
        %get3A_254 = arith.index_cast %add3A_253 : i32 to index
        %get3A_255 = arith.constant 32 : index
        %get3A_256 = tpu.vector_load %arg14[%get3A_254, %get3A_255] {strides = array<i32>} : memref<100x128xf32, #tpu.memory_space<vmem>>, vector<16xf32>,
        %mul3A_257 = arith.mulf %get3A_256, %gather3A_210 : vector<16xf32>
        %add3A_258 = arith.constant 1 : i32
        %add3A_259 = arith.addi %add3A_206, %add3A_258 : i32
        %swap3A_260 = arith.index_cast %add3A_259 : i32 to index
        %swap3A_261 = arith.constant 32 : index
        %swap3A_262 = tpu.vector_load %arg14[%swap3A_260, %swap3A_261] {strides = array<i32>} : memref<100x128xf32, #tpu.memory_space<vmem>>, vector<16xf32>,
        tpu.vector_store %arg14[%swap3A_260, %swap3A_261], %mul3A_257 {strides = array<i32>} : memref<100x128xf32, #tpu.memory_space<vmem>>, vector<16xf32>,
        %get3A_263 = arith.index_cast %add3A_206 : i32 to index
        %get3A_264 = arith.constant 48 : index
        %get3A_265 = tpu.vector_load %arg14[%get3A_263, %get3A_264] {strides = array<i32>} : memref<100x128xf32, #tpu.memory_space<vmem>>, vector<16xf32>,
        %mul3A_266 = arith.mulf %get3A_265, %gather3A : vector<16xf32>
        %swap3A_267 = arith.index_cast %add3A_206 : i32 to index
        %swap3A_268 = arith.constant 48 : index
        %swap3A_269 = tpu.vector_load %arg14[%swap3A_267, %swap3A_268] {strides = array<i32>} : memref<100x128xf32, #tpu.memory_space<vmem>>, vector<16xf32>,
        tpu.vector_store %arg14[%swap3A_267, %swap3A_268], %mul3A_266 {strides = array<i32>} : memref<100x128xf32, #tpu.memory_space<vmem>>, vector<16xf32>,
        %add3A_270 = arith.constant 1 : i32
        %add3A_271 = arith.addi %add3A_206, %add3A_270 : i32
        %get3A_272 = arith.index_cast %add3A_271 : i32 to index
        %get3A_273 = arith.constant 48 : index
        %get3A_274 = tpu.vector_load %arg14[%get3A_272, %get3A_273] {strides = array<i32>} : memref<100x128xf32, #tpu.memory_space<vmem>>, vector<16xf32>,
        %mul3A_275 = arith.mulf %get3A_274, %gather3A_210 : vector<16xf32>
        %add3A_276 = arith.constant 1 : i32
        %add3A_277 = arith.addi %add3A_206, %add3A_276 : i32
        %swap3A_278 = arith.index_cast %add3A_277 : i32 to index
        %swap3A_279 = arith.constant 48 : index
        %swap3A_280 = tpu.vector_load %arg14[%swap3A_278, %swap3A_279] {strides = array<i32>} : memref<100x128xf32, #tpu.memory_space<vmem>>, vector<16xf32>,
        tpu.vector_store %arg14[%swap3A_278, %swap3A_279], %mul3A_275 {strides = array<i32>} : memref<100x128xf32, #tpu.memory_space<vmem>>, vector<16xf32>,
        %get3A_281 = arith.index_cast %add3A_206 : i32 to index
        %get3A_282 = arith.constant 64 : index
        %get3A_283 = tpu.vector_load %arg14[%get3A_281, %get3A_282] {strides = array<i32>} : memref<100x128xf32, #tpu.memory_space<vmem>>, vector<16xf32>,
        %mul3A_284 = arith.mulf %get3A_283, %gather3A : vector<16xf32>
        %swap3A_285 = arith.index_cast %add3A_206 : i32 to index
        %swap3A_286 = arith.constant 64 : index
        %swap3A_287 = tpu.vector_load %arg14[%swap3A_285, %swap3A_286] {strides = array<i32>} : memref<100x128xf32, #tpu.memory_space<vmem>>, vector<16xf32>,
        tpu.vector_store %arg14[%swap3A_285, %swap3A_286], %mul3A_284 {strides = array<i32>} : memref<100x128xf32, #tpu.memory_space<vmem>>, vector<16xf32>,
        %add3A_288 = arith.constant 1 : i32
        %add3A_289 = arith.addi %add3A_206, %add3A_288 : i32
        %get3A_290 = arith.index_cast %add3A_289 : i32 to index
        %get3A_291 = arith.constant 64 : index
        %get3A_292 = tpu.vector_load %arg14[%get3A_290, %get3A_291] {strides = array<i32>} : memref<100x128xf32, #tpu.memory_space<vmem>>, vector<16xf32>,
        %mul3A_293 = arith.mulf %get3A_292, %gather3A_210 : vector<16xf32>
        %add3A_294 = arith.constant 1 : i32
        %add3A_295 = arith.addi %add3A_206, %add3A_294 : i32
        %swap3A_296 = arith.index_cast %add3A_295 : i32 to index
        %swap3A_297 = arith.constant 64 : index
        %swap3A_298 = tpu.vector_load %arg14[%swap3A_296, %swap3A_297] {strides = array<i32>} : memref<100x128xf32, #tpu.memory_space<vmem>>, vector<16xf32>,
        tpu.vector_store %arg14[%swap3A_296, %swap3A_297], %mul3A_293 {strides = array<i32>} : memref<100x128xf32, #tpu.memory_space<vmem>>, vector<16xf32>,
        %get3A_299 = arith.index_cast %add3A_206 : i32 to index
        %get3A_300 = arith.constant 80 : index
        %get3A_301 = tpu.vector_load %arg14[%get3A_299, %get3A_300] {strides = array<i32>} : memref<100x128xf32, #tpu.memory_space<vmem>>, vector<16xf32>,
        %mul3A_302 = arith.mulf %get3A_301, %gather3A : vector<16xf32>
        %swap3A_303 = arith.index_cast %add3A_206 : i32 to index
        %swap3A_304 = arith.constant 80 : index
        %swap3A_305 = tpu.vector_load %arg14[%swap3A_303, %swap3A_304] {strides = array<i32>} : memref<100x128xf32, #tpu.memory_space<vmem>>, vector<16xf32>,
        tpu.vector_store %arg14[%swap3A_303, %swap3A_304], %mul3A_302 {strides = array<i32>} : memref<100x128xf32, #tpu.memory_space<vmem>>, vector<16xf32>,
        %add3A_306 = arith.constant 1 : i32
        %add3A_307 = arith.addi %add3A_206, %add3A_306 : i32
        %get3A_308 = arith.index_cast %add3A_307 : i32 to index
        %get3A_309 = arith.constant 80 : index
        %get3A_310 = tpu.vector_load %arg14[%get3A_308, %get3A_309] {strides = array<i32>} : memref<100x128xf32, #tpu.memory_space<vmem>>, vector<16xf32>,
        %mul3A_311 = arith.mulf %get3A_310, %gather3A_210 : vector<16xf32>
        %add3A_312 = arith.constant 1 : i32
        %add3A_313 = arith.addi %add3A_206, %add3A_312 : i32
        %swap3A_314 = arith.index_cast %add3A_313 : i32 to index
        %swap3A_315 = arith.constant 80 : index
        %swap3A_316 = tpu.vector_load %arg14[%swap3A_314, %swap3A_315] {strides = array<i32>} : memref<100x128xf32, #tpu.memory_space<vmem>>, vector<16xf32>,
        tpu.vector_store %arg14[%swap3A_314, %swap3A_315], %mul3A_311 {strides = array<i32>} : memref<100x128xf32, #tpu.memory_space<vmem>>, vector<16xf32>,
        %get3A_317 = arith.index_cast %add3A_206 : i32 to index
        %get3A_318 = arith.constant 96 : index
        %get3A_319 = tpu.vector_load %arg14[%get3A_317, %get3A_318] {strides = array<i32>} : memref<100x128xf32, #tpu.memory_space<vmem>>, vector<16xf32>,
        %mul3A_320 = arith.mulf %get3A_319, %gather3A : vector<16xf32>
        %swap3A_321 = arith.index_cast %add3A_206 : i32 to index
        %swap3A_322 = arith.constant 96 : index
        %swap3A_323 = tpu.vector_load %arg14[%swap3A_321, %swap3A_322] {strides = array<i32>} : memref<100x128xf32, #tpu.memory_space<vmem>>, vector<16xf32>,
        tpu.vector_store %arg14[%swap3A_321, %swap3A_322], %mul3A_320 {strides = array<i32>} : memref<100x128xf32, #tpu.memory_space<vmem>>, vector<16xf32>,
        %add3A_324 = arith.constant 1 : i32
        %add3A_325 = arith.addi %add3A_206, %add3A_324 : i32
        %get3A_326 = arith.index_cast %add3A_325 : i32 to index
        %get3A_327 = arith.constant 96 : index
        %get3A_328 = tpu.vector_load %arg14[%get3A_326, %get3A_327] {strides = array<i32>} : memref<100x128xf32, #tpu.memory_space<vmem>>, vector<16xf32>,
        %mul3A_329 = arith.mulf %get3A_328, %gather3A_210 : vector<16xf32>
        %add3A_330 = arith.constant 1 : i32
        %add3A_331 = arith.addi %add3A_206, %add3A_330 : i32
        %swap3A_332 = arith.index_cast %add3A_331 : i32 to index
        %swap3A_333 = arith.constant 96 : index
        %swap3A_334 = tpu.vector_load %arg14[%swap3A_332, %swap3A_333] {strides = array<i32>} : memref<100x128xf32, #tpu.memory_space<vmem>>, vector<16xf32>,
        tpu.vector_store %arg14[%swap3A_332, %swap3A_333], %mul3A_329 {strides = array<i32>} : memref<100x128xf32, #tpu.memory_space<vmem>>, vector<16xf32>,
        %get3A_335 = arith.index_cast %add3A_206 : i32 to index
        %get3A_336 = arith.constant 112 : index
        %get3A_337 = tpu.vector_load %arg14[%get3A_335, %get3A_336] {strides = array<i32>} : memref<100x128xf32, #tpu.memory_space<vmem>>, vector<16xf32>,
        %mul3A_338 = arith.mulf %get3A_337, %gather3A : vector<16xf32>
        %swap3A_339 = arith.index_cast %add3A_206 : i32 to index
        %swap3A_340 = arith.constant 112 : index
        %swap3A_341 = tpu.vector_load %arg14[%swap3A_339, %swap3A_340] {strides = array<i32>} : memref<100x128xf32, #tpu.memory_space<vmem>>, vector<16xf32>,
        tpu.vector_store %arg14[%swap3A_339, %swap3A_340], %mul3A_338 {strides = array<i32>} : memref<100x128xf32, #tpu.memory_space<vmem>>, vector<16xf32>,
        %add3A_342 = arith.constant 1 : i32
        %add3A_343 = arith.addi %add3A_206, %add3A_342 : i32
        %get3A_344 = arith.index_cast %add3A_343 : i32 to index
        %get3A_345 = arith.constant 112 : index
        %get3A_346 = tpu.vector_load %arg14[%get3A_344, %get3A_345] {strides = array<i32>} : memref<100x128xf32, #tpu.memory_space<vmem>>, vector<16xf32>,
        %mul3A_347 = arith.mulf %get3A_346, %gather3A_210 : vector<16xf32>
        %add3A_348 = arith.constant 1 : i32
        %add3A_349 = arith.addi %add3A_206, %add3A_348 : i32
        %swap3A_350 = arith.index_cast %add3A_349 : i32 to index
        %swap3A_351 = arith.constant 112 : index
        %swap3A_352 = tpu.vector_load %arg14[%swap3A_350, %swap3A_351] {strides = array<i32>} : memref<100x128xf32, #tpu.memory_space<vmem>>, vector<16xf32>,
        tpu.vector_store %arg14[%swap3A_350, %swap3A_351], %mul3A_347 {strides = array<i32>} : memref<100x128xf32, #tpu.memory_space<vmem>>, vector<16xf32>,
      }
      %scan3A_140 = arith.constant 50 : i32
      %dma_start3A_141 = arith.constant 0 : i32
      %dma_start3A_142 = arith.constant 0 : i32
      %dma_start3A_143 = tpu.memref_slice %arg8[%dma_start3A_141, %dma_start3A_142] : memref<10000x128xf32, #tpu.memory_space<vmem_shared>> -> memref<10000x128xf32, #tpu.memory_space<vmem_shared>>
      tpu.enqueue_indirect_dma source(%arg14 : memref<100x128xf32, #tpu.memory_space<vmem>>) target(%dma_start3A_143 : memref<10000x128xf32, #tpu.memory_space<vmem_shared>>) offsets(%arg10 : memref<100xi32, #tpu.memory_space<vmem>>) semaphore(%arg18 : memref<!tpu.dma_semaphore, #tpu.memory_space<semaphore_mem>>) {add = true}
      %add3A_144 = arith.constant 2 : i32
      %add3A_145 = arith.addi %add3A_101, %add3A_144 : i32
      %lt3A_146 = arith.constant 100 : i32
      %lt3A_147 = arith.cmpi slt, %add3A_145, %lt3A_146 : i32
      %convert_element_type3A_148 = arith.extui %lt3A_147 : i1 to i32
      %cond3A_149 = arith.constant 0 : i32
      %cond3A_150 = arith.cmpi ne, %convert_element_type3A_148, %cond3A_149 : i32
      scf.if %cond3A_150 {
        %dma_wait3A_202 = arith.constant 0 : i32
        %dma_wait3A_203 = arith.constant 0 : i32
        %dma_wait3A_204 = tpu.memref_slice %arg8[%dma_wait3A_202, %dma_wait3A_203] : memref<10000x128xf32, #tpu.memory_space<vmem_shared>> -> memref<10000x128xf32, #tpu.memory_space<vmem_shared>>
        tpu.wait_indirect_dma semaphore(%arg18 : memref<!tpu.dma_semaphore, #tpu.memory_space<semaphore_mem>>) src(%arg14 : memref<100x128xf32, #tpu.memory_space<vmem>>) dst(%dma_wait3A_204 : memref<10000x128xf32, #tpu.memory_space<vmem_shared>>)
        %add3A_205 = arith.constant 2 : i32
        %add3A_206 = arith.addi %add3A_101, %add3A_205 : i32
        %dma_start3A_207 = arith.constant 0 : i32
        %dma_start3A_208 = tpu.memref_slice %arg9[%add3A_206, %dma_start3A_207] : memref<100x100xi32, #tpu.memory_space<vmem>> -> memref<1x100xi32, #tpu.memory_space<vmem>>
        %dma_start3A_209 = tpu.memref_squeeze %dma_start3A_208 : memref<1x100xi32, #tpu.memory_space<vmem>> -> memref<100xi32, #tpu.memory_space<vmem>>
        %dma_start3A_210 = arith.constant 0 : i32
        %dma_start3A_211 = arith.constant 0 : i32
        %dma_start3A_212 = tpu.memref_slice %arg2[%dma_start3A_210, %dma_start3A_211] : memref<160000x128xf32, #tpu.memory_space<hbm>> -> memref<160000x128xf32, #tpu.memory_space<hbm>>
        tpu.enqueue_indirect_dma source(%dma_start3A_212 : memref<160000x128xf32, #tpu.memory_space<hbm>>) target(%arg14 : memref<100x128xf32, #tpu.memory_space<vmem>>) offsets(%dma_start3A_209 : memref<100xi32, #tpu.memory_space<vmem>>) semaphore(%arg16 : memref<!tpu.dma_semaphore, #tpu.memory_space<semaphore_mem>>)
        %add3A_213 = arith.constant 2 : i32
        %add3A_214 = arith.addi %add3A_101, %add3A_213 : i32
        %dma_start3A_215 = arith.constant 0 : i32
        %dma_start3A_216 = arith.constant 0 : i32
        %dma_start3A_217 = tpu.memref_slice %arg4[%add3A, %dma_start3A_215, %dma_start3A_216] : memref<32x100x100xi32, #tpu.memory_space<hbm>> -> memref<1x100x100xi32, #tpu.memory_space<hbm>>
        %dma_start3A_218 = tpu.memref_squeeze %dma_start3A_217 : memref<1x100x100xi32, #tpu.memory_space<hbm>> -> memref<100x100xi32, #tpu.memory_space<hbm>>
        %dma_start3A_219 = arith.constant 0 : i32
        %dma_start3A_220 = tpu.memref_slice %dma_start3A_218[%add3A_214, %dma_start3A_219] : memref<100x100xi32, #tpu.memory_space<hbm>> -> memref<1x100xi32, #tpu.memory_space<hbm>>
        %dma_start3A_221 = tpu.memref_squeeze %dma_start3A_220 : memref<1x100xi32, #tpu.memory_space<hbm>> -> memref<100xi32, #tpu.memory_space<hbm>>
        %dma_start3A_222 = arith.constant 0 : i32
        %dma_start3A_223 = arith.constant 0 : i32
        %dma_start3A_224 = tpu.memref_slice %arg4[%add3A, %dma_start3A_222, %dma_start3A_223] : memref<32x100x100xi32, #tpu.memory_space<hbm>> -> memref<1x100x100xi32, #tpu.memory_space<hbm>>
        %dma_start3A_225 = tpu.memref_squeeze %dma_start3A_224 : memref<1x100x100xi32, #tpu.memory_space<hbm>> -> memref<100x100xi32, #tpu.memory_space<hbm>>
        %dma_start3A_226 = arith.constant 0 : i32
        %dma_start3A_227 = tpu.memref_slice %dma_start3A_225[%add3A_214, %dma_start3A_226] : memref<100x100xi32, #tpu.memory_space<hbm>> -> memref<1x100xi32, #tpu.memory_space<hbm>>
        %dma_start3A_228 = tpu.memref_squeeze %dma_start3A_227 : memref<1x100xi32, #tpu.memory_space<hbm>> -> memref<100xi32, #tpu.memory_space<hbm>>
        tpu.enqueue_dma source(%dma_start3A_228 : memref<100xi32, #tpu.memory_space<hbm>>) target(%arg10 : memref<100xi32, #tpu.memory_space<vmem>>) target_semaphore(%arg16 : memref<!tpu.dma_semaphore, #tpu.memory_space<semaphore_mem>>)
        %add3A_229 = arith.constant 2 : i32
        %add3A_230 = arith.addi %add3A_101, %add3A_229 : i32
        %dma_start3A_231 = arith.constant 0 : i32
        %dma_start3A_232 = arith.constant 0 : i32
        %dma_start3A_233 = tpu.memref_slice %arg5[%add3A, %dma_start3A_231, %dma_start3A_232] : memref<32x100x100xf32, #tpu.memory_space<hbm>> -> memref<1x100x100xf32, #tpu.memory_space<hbm>>
        %dma_start3A_234 = tpu.memref_squeeze %dma_start3A_233 : memref<1x100x100xf32, #tpu.memory_space<hbm>> -> memref<100x100xf32, #tpu.memory_space<hbm>>
        %dma_start3A_235 = arith.constant 0 : i32
        %dma_start3A_236 = tpu.memref_slice %dma_start3A_234[%add3A_230, %dma_start3A_235] : memref<100x100xf32, #tpu.memory_space<hbm>> -> memref<1x100xf32, #tpu.memory_space<hbm>>
        %dma_start3A_237 = tpu.memref_squeeze %dma_start3A_236 : memref<1x100xf32, #tpu.memory_space<hbm>> -> memref<100xf32, #tpu.memory_space<hbm>>
        %dma_start3A_238 = arith.constant 0 : i32
        %dma_start3A_239 = arith.constant 0 : i32
        %dma_start3A_240 = tpu.memref_slice %arg5[%add3A, %dma_start3A_238, %dma_start3A_239] : memref<32x100x100xf32, #tpu.memory_space<hbm>> -> memref<1x100x100xf32, #tpu.memory_space<hbm>>
        %dma_start3A_241 = tpu.memref_squeeze %dma_start3A_240 : memref<1x100x100xf32, #tpu.memory_space<hbm>> -> memref<100x100xf32, #tpu.memory_space<hbm>>
        %dma_start3A_242 = arith.constant 0 : i32
        %dma_start3A_243 = tpu.memref_slice %dma_start3A_241[%add3A_230, %dma_start3A_242] : memref<100x100xf32, #tpu.memory_space<hbm>> -> memref<1x100xf32, #tpu.memory_space<hbm>>
        %dma_start3A_244 = tpu.memref_squeeze %dma_start3A_243 : memref<1x100xf32, #tpu.memory_space<hbm>> -> memref<100xf32, #tpu.memory_space<hbm>>
        tpu.enqueue_dma source(%dma_start3A_244 : memref<100xf32, #tpu.memory_space<hbm>>) target(%arg12 : memref<100xf32, #tpu.memory_space<vmem>>) target_semaphore(%arg16 : memref<!tpu.dma_semaphore, #tpu.memory_space<semaphore_mem>>)
      } else {
      }
      %add3A_151 = arith.constant 1 : i32
      %add3A_152 = arith.addi %add3A_99, %add3A_151 : i32
      %dma_wait3A_153 = arith.constant 0 : i32
      %dma_wait3A_154 = tpu.memref_slice %arg9[%add3A_152, %dma_wait3A_153] : memref<100x100xi32, #tpu.memory_space<vmem>> -> memref<1x100xi32, #tpu.memory_space<vmem>>
      %dma_wait3A_155 = tpu.memref_squeeze %dma_wait3A_154 : memref<1x100xi32, #tpu.memory_space<vmem>> -> memref<100xi32, #tpu.memory_space<vmem>>
      %dma_wait3A_156 = arith.constant 0 : i32
      %dma_wait3A_157 = arith.constant 0 : i32
      %dma_wait3A_158 = tpu.memref_slice %arg2[%dma_wait3A_156, %dma_wait3A_157] : memref<160000x128xf32, #tpu.memory_space<hbm>> -> memref<160000x128xf32, #tpu.memory_space<hbm>>
      tpu.wait_indirect_dma semaphore(%arg17 : memref<!tpu.dma_semaphore, #tpu.memory_space<semaphore_mem>>) src(%dma_wait3A_158 : memref<160000x128xf32, #tpu.memory_space<hbm>>) dst(%arg15 : memref<100x128xf32, #tpu.memory_space<vmem>>)
      %dma_wait3A_159 = arith.constant 0 : i32
      %dma_wait3A_160 = arith.constant 0 : i32
      %dma_wait3A_161 = tpu.memref_slice %arg4[%add3A, %dma_wait3A_159, %dma_wait3A_160] : memref<32x100x100xi32, #tpu.memory_space<hbm>> -> memref<1x100x100xi32, #tpu.memory_space<hbm>>
      %dma_wait3A_162 = tpu.memref_squeeze %dma_wait3A_161 : memref<1x100x100xi32, #tpu.memory_space<hbm>> -> memref<100x100xi32, #tpu.memory_space<hbm>>
      %dma_wait3A_163 = arith.constant 0 : i32
      %dma_wait3A_164 = tpu.memref_slice %dma_wait3A_162[%add3A_152, %dma_wait3A_163] : memref<100x100xi32, #tpu.memory_space<hbm>> -> memref<1x100xi32, #tpu.memory_space<hbm>>
      %dma_wait3A_165 = tpu.memref_squeeze %dma_wait3A_164 : memref<1x100xi32, #tpu.memory_space<hbm>> -> memref<100xi32, #tpu.memory_space<hbm>>
      %dma_wait3A_166 = arith.constant 0 : i32
      %dma_wait3A_167 = arith.constant 0 : i32
      %dma_wait3A_168 = tpu.memref_slice %arg4[%add3A, %dma_wait3A_166, %dma_wait3A_167] : memref<32x100x100xi32, #tpu.memory_space<hbm>> -> memref<1x100x100xi32, #tpu.memory_space<hbm>>
      %dma_wait3A_169 = tpu.memref_squeeze %dma_wait3A_168 : memref<1x100x100xi32, #tpu.memory_space<hbm>> -> memref<100x100xi32, #tpu.memory_space<hbm>>
      %dma_wait3A_170 = arith.constant 0 : i32
      %dma_wait3A_171 = tpu.memref_slice %dma_wait3A_169[%add3A_152, %dma_wait3A_170] : memref<100x100xi32, #tpu.memory_space<hbm>> -> memref<1x100xi32, #tpu.memory_space<hbm>>
      %dma_wait3A_172 = tpu.memref_squeeze %dma_wait3A_171 : memref<1x100xi32, #tpu.memory_space<hbm>> -> memref<100xi32, #tpu.memory_space<hbm>>
      tpu.wait_dma2 semaphore(%arg17 : memref<!tpu.dma_semaphore, #tpu.memory_space<semaphore_mem>>) src(%dma_wait3A_172 : memref<100xi32, #tpu.memory_space<hbm>>) dst(%arg11 : memref<100xi32, #tpu.memory_space<vmem>>)
      %dma_wait3A_173 = arith.constant 0 : i32
      %dma_wait3A_174 = arith.constant 0 : i32
      %dma_wait3A_175 = tpu.memref_slice %arg5[%add3A, %dma_wait3A_173, %dma_wait3A_174] : memref<32x100x100xf32, #tpu.memory_space<hbm>> -> memref<1x100x100xf32, #tpu.memory_space<hbm>>
      %dma_wait3A_176 = tpu.memref_squeeze %dma_wait3A_175 : memref<1x100x100xf32, #tpu.memory_space<hbm>> -> memref<100x100xf32, #tpu.memory_space<hbm>>
      %dma_wait3A_177 = arith.constant 0 : i32
      %dma_wait3A_178 = tpu.memref_slice %dma_wait3A_176[%add3A_152, %dma_wait3A_177] : memref<100x100xf32, #tpu.memory_space<hbm>> -> memref<1x100xf32, #tpu.memory_space<hbm>>
      %dma_wait3A_179 = tpu.memref_squeeze %dma_wait3A_178 : memref<1x100xf32, #tpu.memory_space<hbm>> -> memref<100xf32, #tpu.memory_space<hbm>>
      %dma_wait3A_180 = arith.constant 0 : i32
      %dma_wait3A_181 = arith.constant 0 : i32
      %dma_wait3A_182 = tpu.memref_slice %arg5[%add3A, %dma_wait3A_180, %dma_wait3A_181] : memref<32x100x100xf32, #tpu.memory_space<hbm>> -> memref<1x100x100xf32, #tpu.memory_space<hbm>>
      %dma_wait3A_183 = tpu.memref_squeeze %dma_wait3A_182 : memref<1x100x100xf32, #tpu.memory_space<hbm>> -> memref<100x100xf32, #tpu.memory_space<hbm>>
      %dma_wait3A_184 = arith.constant 0 : i32
      %dma_wait3A_185 = tpu.memref_slice %dma_wait3A_183[%add3A_152, %dma_wait3A_184] : memref<100x100xf32, #tpu.memory_space<hbm>> -> memref<1x100xf32, #tpu.memory_space<hbm>>
      %dma_wait3A_186 = tpu.memref_squeeze %dma_wait3A_185 : memref<1x100xf32, #tpu.memory_space<hbm>> -> memref<100xf32, #tpu.memory_space<hbm>>
      tpu.wait_dma2 semaphore(%arg17 : memref<!tpu.dma_semaphore, #tpu.memory_space<semaphore_mem>>) src(%dma_wait3A_186 : memref<100xf32, #tpu.memory_space<hbm>>) dst(%arg13 : memref<100xf32, #tpu.memory_space<vmem>>)
      %scan3A_187 = arith.constant 0 : i32
      %scan3A_188 = arith.constant 50 : i32
      %scan3A_189 = arith.addi %scan3A_187, %scan3A_188 : i32
      %scan3A_190 = arith.constant 1 : i32
      scf.for %scan3A_202 = %scan3A_187 to %scan3A_189 step %scan3A_190  : i32 {
        %mul3A_203 = arith.constant 2 : i32
        %mul3A_204 = arith.muli %scan3A_202, %mul3A_203 : i32
        %add3A_205 = arith.constant 0 : i32
        %add3A_206 = arith.addi %add3A_205, %mul3A_204 : i32
        %broadcast_in_dim3A = vector.broadcast %add3A_206 : i32 to vector<16xi32>
        %gather3A = tpu.vector_load_idx %arg13[%broadcast_in_dim3A] : memref<100xf32, #tpu.memory_space<vmem>>[vector<16xi32>], vector<16xf32>,
        %add3A_207 = arith.constant 1 : i32
        %add3A_208 = arith.addi %add3A_206, %add3A_207 : i32
        %broadcast_in_dim3A_209 = vector.broadcast %add3A_208 : i32 to vector<16xi32>
        %gather3A_210 = tpu.vector_load_idx %arg13[%broadcast_in_dim3A_209] : memref<100xf32, #tpu.memory_space<vmem>>[vector<16xi32>], vector<16xf32>,
        %get3A = arith.index_cast %add3A_206 : i32 to index
        %get3A_211 = arith.constant 0 : index
        %get3A_212 = tpu.vector_load %arg15[%get3A, %get3A_211] {strides = array<i32>} : memref<100x128xf32, #tpu.memory_space<vmem>>, vector<16xf32>,
        %mul3A_213 = arith.mulf %get3A_212, %gather3A : vector<16xf32>
        %swap3A = arith.index_cast %add3A_206 : i32 to index
        %swap3A_214 = arith.constant 0 : index
        %swap3A_215 = tpu.vector_load %arg15[%swap3A, %swap3A_214] {strides = array<i32>} : memref<100x128xf32, #tpu.memory_space<vmem>>, vector<16xf32>,
        tpu.vector_store %arg15[%swap3A, %swap3A_214], %mul3A_213 {strides = array<i32>} : memref<100x128xf32, #tpu.memory_space<vmem>>, vector<16xf32>,
        %add3A_216 = arith.constant 1 : i32
        %add3A_217 = arith.addi %add3A_206, %add3A_216 : i32
        %get3A_218 = arith.index_cast %add3A_217 : i32 to index
        %get3A_219 = arith.constant 0 : index
        %get3A_220 = tpu.vector_load %arg15[%get3A_218, %get3A_219] {strides = array<i32>} : memref<100x128xf32, #tpu.memory_space<vmem>>, vector<16xf32>,
        %mul3A_221 = arith.mulf %get3A_220, %gather3A_210 : vector<16xf32>
        %add3A_222 = arith.constant 1 : i32
        %add3A_223 = arith.addi %add3A_206, %add3A_222 : i32
        %swap3A_224 = arith.index_cast %add3A_223 : i32 to index
        %swap3A_225 = arith.constant 0 : index
        %swap3A_226 = tpu.vector_load %arg15[%swap3A_224, %swap3A_225] {strides = array<i32>} : memref<100x128xf32, #tpu.memory_space<vmem>>, vector<16xf32>,
        tpu.vector_store %arg15[%swap3A_224, %swap3A_225], %mul3A_221 {strides = array<i32>} : memref<100x128xf32, #tpu.memory_space<vmem>>, vector<16xf32>,
        %get3A_227 = arith.index_cast %add3A_206 : i32 to index
        %get3A_228 = arith.constant 16 : index
        %get3A_229 = tpu.vector_load %arg15[%get3A_227, %get3A_228] {strides = array<i32>} : memref<100x128xf32, #tpu.memory_space<vmem>>, vector<16xf32>,
        %mul3A_230 = arith.mulf %get3A_229, %gather3A : vector<16xf32>
        %swap3A_231 = arith.index_cast %add3A_206 : i32 to index
        %swap3A_232 = arith.constant 16 : index
        %swap3A_233 = tpu.vector_load %arg15[%swap3A_231, %swap3A_232] {strides = array<i32>} : memref<100x128xf32, #tpu.memory_space<vmem>>, vector<16xf32>,
        tpu.vector_store %arg15[%swap3A_231, %swap3A_232], %mul3A_230 {strides = array<i32>} : memref<100x128xf32, #tpu.memory_space<vmem>>, vector<16xf32>,
        %add3A_234 = arith.constant 1 : i32
        %add3A_235 = arith.addi %add3A_206, %add3A_234 : i32
        %get3A_236 = arith.index_cast %add3A_235 : i32 to index
        %get3A_237 = arith.constant 16 : index
        %get3A_238 = tpu.vector_load %arg15[%get3A_236, %get3A_237] {strides = array<i32>} : memref<100x128xf32, #tpu.memory_space<vmem>>, vector<16xf32>,
        %mul3A_239 = arith.mulf %get3A_238, %gather3A_210 : vector<16xf32>
        %add3A_240 = arith.constant 1 : i32
        %add3A_241 = arith.addi %add3A_206, %add3A_240 : i32
        %swap3A_242 = arith.index_cast %add3A_241 : i32 to index
        %swap3A_243 = arith.constant 16 : index
        %swap3A_244 = tpu.vector_load %arg15[%swap3A_242, %swap3A_243] {strides = array<i32>} : memref<100x128xf32, #tpu.memory_space<vmem>>, vector<16xf32>,
        tpu.vector_store %arg15[%swap3A_242, %swap3A_243], %mul3A_239 {strides = array<i32>} : memref<100x128xf32, #tpu.memory_space<vmem>>, vector<16xf32>,
        %get3A_245 = arith.index_cast %add3A_206 : i32 to index
        %get3A_246 = arith.constant 32 : index
        %get3A_247 = tpu.vector_load %arg15[%get3A_245, %get3A_246] {strides = array<i32>} : memref<100x128xf32, #tpu.memory_space<vmem>>, vector<16xf32>,
        %mul3A_248 = arith.mulf %get3A_247, %gather3A : vector<16xf32>
        %swap3A_249 = arith.index_cast %add3A_206 : i32 to index
        %swap3A_250 = arith.constant 32 : index
        %swap3A_251 = tpu.vector_load %arg15[%swap3A_249, %swap3A_250] {strides = array<i32>} : memref<100x128xf32, #tpu.memory_space<vmem>>, vector<16xf32>,
        tpu.vector_store %arg15[%swap3A_249, %swap3A_250], %mul3A_248 {strides = array<i32>} : memref<100x128xf32, #tpu.memory_space<vmem>>, vector<16xf32>,
        %add3A_252 = arith.constant 1 : i32
        %add3A_253 = arith.addi %add3A_206, %add3A_252 : i32
        %get3A_254 = arith.index_cast %add3A_253 : i32 to index
        %get3A_255 = arith.constant 32 : index
        %get3A_256 = tpu.vector_load %arg15[%get3A_254, %get3A_255] {strides = array<i32>} : memref<100x128xf32, #tpu.memory_space<vmem>>, vector<16xf32>,
        %mul3A_257 = arith.mulf %get3A_256, %gather3A_210 : vector<16xf32>
        %add3A_258 = arith.constant 1 : i32
        %add3A_259 = arith.addi %add3A_206, %add3A_258 : i32
        %swap3A_260 = arith.index_cast %add3A_259 : i32 to index
        %swap3A_261 = arith.constant 32 : index
        %swap3A_262 = tpu.vector_load %arg15[%swap3A_260, %swap3A_261] {strides = array<i32>} : memref<100x128xf32, #tpu.memory_space<vmem>>, vector<16xf32>,
        tpu.vector_store %arg15[%swap3A_260, %swap3A_261], %mul3A_257 {strides = array<i32>} : memref<100x128xf32, #tpu.memory_space<vmem>>, vector<16xf32>,
        %get3A_263 = arith.index_cast %add3A_206 : i32 to index
        %get3A_264 = arith.constant 48 : index
        %get3A_265 = tpu.vector_load %arg15[%get3A_263, %get3A_264] {strides = array<i32>} : memref<100x128xf32, #tpu.memory_space<vmem>>, vector<16xf32>,
        %mul3A_266 = arith.mulf %get3A_265, %gather3A : vector<16xf32>
        %swap3A_267 = arith.index_cast %add3A_206 : i32 to index
        %swap3A_268 = arith.constant 48 : index
        %swap3A_269 = tpu.vector_load %arg15[%swap3A_267, %swap3A_268] {strides = array<i32>} : memref<100x128xf32, #tpu.memory_space<vmem>>, vector<16xf32>,
        tpu.vector_store %arg15[%swap3A_267, %swap3A_268], %mul3A_266 {strides = array<i32>} : memref<100x128xf32, #tpu.memory_space<vmem>>, vector<16xf32>,
        %add3A_270 = arith.constant 1 : i32
        %add3A_271 = arith.addi %add3A_206, %add3A_270 : i32
        %get3A_272 = arith.index_cast %add3A_271 : i32 to index
        %get3A_273 = arith.constant 48 : index
        %get3A_274 = tpu.vector_load %arg15[%get3A_272, %get3A_273] {strides = array<i32>} : memref<100x128xf32, #tpu.memory_space<vmem>>, vector<16xf32>,
        %mul3A_275 = arith.mulf %get3A_274, %gather3A_210 : vector<16xf32>
        %add3A_276 = arith.constant 1 : i32
        %add3A_277 = arith.addi %add3A_206, %add3A_276 : i32
        %swap3A_278 = arith.index_cast %add3A_277 : i32 to index
        %swap3A_279 = arith.constant 48 : index
        %swap3A_280 = tpu.vector_load %arg15[%swap3A_278, %swap3A_279] {strides = array<i32>} : memref<100x128xf32, #tpu.memory_space<vmem>>, vector<16xf32>,
        tpu.vector_store %arg15[%swap3A_278, %swap3A_279], %mul3A_275 {strides = array<i32>} : memref<100x128xf32, #tpu.memory_space<vmem>>, vector<16xf32>,
        %get3A_281 = arith.index_cast %add3A_206 : i32 to index
        %get3A_282 = arith.constant 64 : index
        %get3A_283 = tpu.vector_load %arg15[%get3A_281, %get3A_282] {strides = array<i32>} : memref<100x128xf32, #tpu.memory_space<vmem>>, vector<16xf32>,
        %mul3A_284 = arith.mulf %get3A_283, %gather3A : vector<16xf32>
        %swap3A_285 = arith.index_cast %add3A_206 : i32 to index
        %swap3A_286 = arith.constant 64 : index
        %swap3A_287 = tpu.vector_load %arg15[%swap3A_285, %swap3A_286] {strides = array<i32>} : memref<100x128xf32, #tpu.memory_space<vmem>>, vector<16xf32>,
        tpu.vector_store %arg15[%swap3A_285, %swap3A_286], %mul3A_284 {strides = array<i32>} : memref<100x128xf32, #tpu.memory_space<vmem>>, vector<16xf32>,
        %add3A_288 = arith.constant 1 : i32
        %add3A_289 = arith.addi %add3A_206, %add3A_288 : i32
        %get3A_290 = arith.index_cast %add3A_289 : i32 to index
        %get3A_291 = arith.constant 64 : index
        %get3A_292 = tpu.vector_load %arg15[%get3A_290, %get3A_291] {strides = array<i32>} : memref<100x128xf32, #tpu.memory_space<vmem>>, vector<16xf32>,
        %mul3A_293 = arith.mulf %get3A_292, %gather3A_210 : vector<16xf32>
        %add3A_294 = arith.constant 1 : i32
        %add3A_295 = arith.addi %add3A_206, %add3A_294 : i32
        %swap3A_296 = arith.index_cast %add3A_295 : i32 to index
        %swap3A_297 = arith.constant 64 : index
        %swap3A_298 = tpu.vector_load %arg15[%swap3A_296, %swap3A_297] {strides = array<i32>} : memref<100x128xf32, #tpu.memory_space<vmem>>, vector<16xf32>,
        tpu.vector_store %arg15[%swap3A_296, %swap3A_297], %mul3A_293 {strides = array<i32>} : memref<100x128xf32, #tpu.memory_space<vmem>>, vector<16xf32>,
        %get3A_299 = arith.index_cast %add3A_206 : i32 to index
        %get3A_300 = arith.constant 80 : index
        %get3A_301 = tpu.vector_load %arg15[%get3A_299, %get3A_300] {strides = array<i32>} : memref<100x128xf32, #tpu.memory_space<vmem>>, vector<16xf32>,
        %mul3A_302 = arith.mulf %get3A_301, %gather3A : vector<16xf32>
        %swap3A_303 = arith.index_cast %add3A_206 : i32 to index
        %swap3A_304 = arith.constant 80 : index
        %swap3A_305 = tpu.vector_load %arg15[%swap3A_303, %swap3A_304] {strides = array<i32>} : memref<100x128xf32, #tpu.memory_space<vmem>>, vector<16xf32>,
        tpu.vector_store %arg15[%swap3A_303, %swap3A_304], %mul3A_302 {strides = array<i32>} : memref<100x128xf32, #tpu.memory_space<vmem>>, vector<16xf32>,
        %add3A_306 = arith.constant 1 : i32
        %add3A_307 = arith.addi %add3A_206, %add3A_306 : i32
        %get3A_308 = arith.index_cast %add3A_307 : i32 to index
        %get3A_309 = arith.constant 80 : index
        %get3A_310 = tpu.vector_load %arg15[%get3A_308, %get3A_309] {strides = array<i32>} : memref<100x128xf32, #tpu.memory_space<vmem>>, vector<16xf32>,
        %mul3A_311 = arith.mulf %get3A_310, %gather3A_210 : vector<16xf32>
        %add3A_312 = arith.constant 1 : i32
        %add3A_313 = arith.addi %add3A_206, %add3A_312 : i32
        %swap3A_314 = arith.index_cast %add3A_313 : i32 to index
        %swap3A_315 = arith.constant 80 : index
        %swap3A_316 = tpu.vector_load %arg15[%swap3A_314, %swap3A_315] {strides = array<i32>} : memref<100x128xf32, #tpu.memory_space<vmem>>, vector<16xf32>,
        tpu.vector_store %arg15[%swap3A_314, %swap3A_315], %mul3A_311 {strides = array<i32>} : memref<100x128xf32, #tpu.memory_space<vmem>>, vector<16xf32>,
        %get3A_317 = arith.index_cast %add3A_206 : i32 to index
        %get3A_318 = arith.constant 96 : index
        %get3A_319 = tpu.vector_load %arg15[%get3A_317, %get3A_318] {strides = array<i32>} : memref<100x128xf32, #tpu.memory_space<vmem>>, vector<16xf32>,
        %mul3A_320 = arith.mulf %get3A_319, %gather3A : vector<16xf32>
        %swap3A_321 = arith.index_cast %add3A_206 : i32 to index
        %swap3A_322 = arith.constant 96 : index
        %swap3A_323 = tpu.vector_load %arg15[%swap3A_321, %swap3A_322] {strides = array<i32>} : memref<100x128xf32, #tpu.memory_space<vmem>>, vector<16xf32>,
        tpu.vector_store %arg15[%swap3A_321, %swap3A_322], %mul3A_320 {strides = array<i32>} : memref<100x128xf32, #tpu.memory_space<vmem>>, vector<16xf32>,
        %add3A_324 = arith.constant 1 : i32
        %add3A_325 = arith.addi %add3A_206, %add3A_324 : i32
        %get3A_326 = arith.index_cast %add3A_325 : i32 to index
        %get3A_327 = arith.constant 96 : index
        %get3A_328 = tpu.vector_load %arg15[%get3A_326, %get3A_327] {strides = array<i32>} : memref<100x128xf32, #tpu.memory_space<vmem>>, vector<16xf32>,
        %mul3A_329 = arith.mulf %get3A_328, %gather3A_210 : vector<16xf32>
        %add3A_330 = arith.constant 1 : i32
        %add3A_331 = arith.addi %add3A_206, %add3A_330 : i32
        %swap3A_332 = arith.index_cast %add3A_331 : i32 to index
        %swap3A_333 = arith.constant 96 : index
        %swap3A_334 = tpu.vector_load %arg15[%swap3A_332, %swap3A_333] {strides = array<i32>} : memref<100x128xf32, #tpu.memory_space<vmem>>, vector<16xf32>,
        tpu.vector_store %arg15[%swap3A_332, %swap3A_333], %mul3A_329 {strides = array<i32>} : memref<100x128xf32, #tpu.memory_space<vmem>>, vector<16xf32>,
        %get3A_335 = arith.index_cast %add3A_206 : i32 to index
        %get3A_336 = arith.constant 112 : index
        %get3A_337 = tpu.vector_load %arg15[%get3A_335, %get3A_336] {strides = array<i32>} : memref<100x128xf32, #tpu.memory_space<vmem>>, vector<16xf32>,
        %mul3A_338 = arith.mulf %get3A_337, %gather3A : vector<16xf32>
        %swap3A_339 = arith.index_cast %add3A_206 : i32 to index
        %swap3A_340 = arith.constant 112 : index
        %swap3A_341 = tpu.vector_load %arg15[%swap3A_339, %swap3A_340] {strides = array<i32>} : memref<100x128xf32, #tpu.memory_space<vmem>>, vector<16xf32>,
        tpu.vector_store %arg15[%swap3A_339, %swap3A_340], %mul3A_338 {strides = array<i32>} : memref<100x128xf32, #tpu.memory_space<vmem>>, vector<16xf32>,
        %add3A_342 = arith.constant 1 : i32
        %add3A_343 = arith.addi %add3A_206, %add3A_342 : i32
        %get3A_344 = arith.index_cast %add3A_343 : i32 to index
        %get3A_345 = arith.constant 112 : index
        %get3A_346 = tpu.vector_load %arg15[%get3A_344, %get3A_345] {strides = array<i32>} : memref<100x128xf32, #tpu.memory_space<vmem>>, vector<16xf32>,
        %mul3A_347 = arith.mulf %get3A_346, %gather3A_210 : vector<16xf32>
        %add3A_348 = arith.constant 1 : i32
        %add3A_349 = arith.addi %add3A_206, %add3A_348 : i32
        %swap3A_350 = arith.index_cast %add3A_349 : i32 to index
        %swap3A_351 = arith.constant 112 : index
        %swap3A_352 = tpu.vector_load %arg15[%swap3A_350, %swap3A_351] {strides = array<i32>} : memref<100x128xf32, #tpu.memory_space<vmem>>, vector<16xf32>,
        tpu.vector_store %arg15[%swap3A_350, %swap3A_351], %mul3A_347 {strides = array<i32>} : memref<100x128xf32, #tpu.memory_space<vmem>>, vector<16xf32>,
      }
      %scan3A_191 = arith.constant 50 : i32
      %dma_start3A_192 = arith.constant 0 : i32
      %dma_start3A_193 = arith.constant 0 : i32
      %dma_start3A_194 = tpu.memref_slice %arg8[%dma_start3A_192, %dma_start3A_193] : memref<10000x128xf32, #tpu.memory_space<vmem_shared>> -> memref<10000x128xf32, #tpu.memory_space<vmem_shared>>
      tpu.enqueue_indirect_dma source(%arg15 : memref<100x128xf32, #tpu.memory_space<vmem>>) target(%dma_start3A_194 : memref<10000x128xf32, #tpu.memory_space<vmem_shared>>) offsets(%arg11 : memref<100xi32, #tpu.memory_space<vmem>>) semaphore(%arg19 : memref<!tpu.dma_semaphore, #tpu.memory_space<semaphore_mem>>) {add = true}
      %add3A_195 = arith.constant 2 : i32
      %add3A_196 = arith.addi %add3A_152, %add3A_195 : i32
      %lt3A_197 = arith.constant 100 : i32
      %lt3A_198 = arith.cmpi slt, %add3A_196, %lt3A_197 : i32
      %convert_element_type3A_199 = arith.extui %lt3A_198 : i1 to i32
      %cond3A_200 = arith.constant 0 : i32
      %cond3A_201 = arith.cmpi ne, %convert_element_type3A_199, %cond3A_200 : i32
      scf.if %cond3A_201 {
        %dma_wait3A_202 = arith.constant 0 : i32
        %dma_wait3A_203 = arith.constant 0 : i32
        %dma_wait3A_204 = tpu.memref_slice %arg8[%dma_wait3A_202, %dma_wait3A_203] : memref<10000x128xf32, #tpu.memory_space<vmem_shared>> -> memref<10000x128xf32, #tpu.memory_space<vmem_shared>>
        tpu.wait_indirect_dma semaphore(%arg19 : memref<!tpu.dma_semaphore, #tpu.memory_space<semaphore_mem>>) src(%arg15 : memref<100x128xf32, #tpu.memory_space<vmem>>) dst(%dma_wait3A_204 : memref<10000x128xf32, #tpu.memory_space<vmem_shared>>)
        %add3A_205 = arith.constant 2 : i32
        %add3A_206 = arith.addi %add3A_152, %add3A_205 : i32
        %dma_start3A_207 = arith.constant 0 : i32
        %dma_start3A_208 = tpu.memref_slice %arg9[%add3A_206, %dma_start3A_207] : memref<100x100xi32, #tpu.memory_space<vmem>> -> memref<1x100xi32, #tpu.memory_space<vmem>>
        %dma_start3A_209 = tpu.memref_squeeze %dma_start3A_208 : memref<1x100xi32, #tpu.memory_space<vmem>> -> memref<100xi32, #tpu.memory_space<vmem>>
        %dma_start3A_210 = arith.constant 0 : i32
        %dma_start3A_211 = arith.constant 0 : i32
        %dma_start3A_212 = tpu.memref_slice %arg2[%dma_start3A_210, %dma_start3A_211] : memref<160000x128xf32, #tpu.memory_space<hbm>> -> memref<160000x128xf32, #tpu.memory_space<hbm>>
        tpu.enqueue_indirect_dma source(%dma_start3A_212 : memref<160000x128xf32, #tpu.memory_space<hbm>>) target(%arg15 : memref<100x128xf32, #tpu.memory_space<vmem>>) offsets(%dma_start3A_209 : memref<100xi32, #tpu.memory_space<vmem>>) semaphore(%arg17 : memref<!tpu.dma_semaphore, #tpu.memory_space<semaphore_mem>>)
        %add3A_213 = arith.constant 2 : i32
        %add3A_214 = arith.addi %add3A_152, %add3A_213 : i32
        %dma_start3A_215 = arith.constant 0 : i32
        %dma_start3A_216 = arith.constant 0 : i32
        %dma_start3A_217 = tpu.memref_slice %arg4[%add3A, %dma_start3A_215, %dma_start3A_216] : memref<32x100x100xi32, #tpu.memory_space<hbm>> -> memref<1x100x100xi32, #tpu.memory_space<hbm>>
        %dma_start3A_218 = tpu.memref_squeeze %dma_start3A_217 : memref<1x100x100xi32, #tpu.memory_space<hbm>> -> memref<100x100xi32, #tpu.memory_space<hbm>>
        %dma_start3A_219 = arith.constant 0 : i32
        %dma_start3A_220 = tpu.memref_slice %dma_start3A_218[%add3A_214, %dma_start3A_219] : memref<100x100xi32, #tpu.memory_space<hbm>> -> memref<1x100xi32, #tpu.memory_space<hbm>>
        %dma_start3A_221 = tpu.memref_squeeze %dma_start3A_220 : memref<1x100xi32, #tpu.memory_space<hbm>> -> memref<100xi32, #tpu.memory_space<hbm>>
        %dma_start3A_222 = arith.constant 0 : i32
        %dma_start3A_223 = arith.constant 0 : i32
        %dma_start3A_224 = tpu.memref_slice %arg4[%add3A, %dma_start3A_222, %dma_start3A_223] : memref<32x100x100xi32, #tpu.memory_space<hbm>> -> memref<1x100x100xi32, #tpu.memory_space<hbm>>
        %dma_start3A_225 = tpu.memref_squeeze %dma_start3A_224 : memref<1x100x100xi32, #tpu.memory_space<hbm>> -> memref<100x100xi32, #tpu.memory_space<hbm>>
        %dma_start3A_226 = arith.constant 0 : i32
        %dma_start3A_227 = tpu.memref_slice %dma_start3A_225[%add3A_214, %dma_start3A_226] : memref<100x100xi32, #tpu.memory_space<hbm>> -> memref<1x100xi32, #tpu.memory_space<hbm>>
        %dma_start3A_228 = tpu.memref_squeeze %dma_start3A_227 : memref<1x100xi32, #tpu.memory_space<hbm>> -> memref<100xi32, #tpu.memory_space<hbm>>
        tpu.enqueue_dma source(%dma_start3A_228 : memref<100xi32, #tpu.memory_space<hbm>>) target(%arg11 : memref<100xi32, #tpu.memory_space<vmem>>) target_semaphore(%arg17 : memref<!tpu.dma_semaphore, #tpu.memory_space<semaphore_mem>>)
        %add3A_229 = arith.constant 2 : i32
        %add3A_230 = arith.addi %add3A_152, %add3A_229 : i32
        %dma_start3A_231 = arith.constant 0 : i32
        %dma_start3A_232 = arith.constant 0 : i32
        %dma_start3A_233 = tpu.memref_slice %arg5[%add3A, %dma_start3A_231, %dma_start3A_232] : memref<32x100x100xf32, #tpu.memory_space<hbm>> -> memref<1x100x100xf32, #tpu.memory_space<hbm>>
        %dma_start3A_234 = tpu.memref_squeeze %dma_start3A_233 : memref<1x100x100xf32, #tpu.memory_space<hbm>> -> memref<100x100xf32, #tpu.memory_space<hbm>>
        %dma_start3A_235 = arith.constant 0 : i32
        %dma_start3A_236 = tpu.memref_slice %dma_start3A_234[%add3A_230, %dma_start3A_235] : memref<100x100xf32, #tpu.memory_space<hbm>> -> memref<1x100xf32, #tpu.memory_space<hbm>>
        %dma_start3A_237 = tpu.memref_squeeze %dma_start3A_236 : memref<1x100xf32, #tpu.memory_space<hbm>> -> memref<100xf32, #tpu.memory_space<hbm>>
        %dma_start3A_238 = arith.constant 0 : i32
        %dma_start3A_239 = arith.constant 0 : i32
        %dma_start3A_240 = tpu.memref_slice %arg5[%add3A, %dma_start3A_238, %dma_start3A_239] : memref<32x100x100xf32, #tpu.memory_space<hbm>> -> memref<1x100x100xf32, #tpu.memory_space<hbm>>
        %dma_start3A_241 = tpu.memref_squeeze %dma_start3A_240 : memref<1x100x100xf32, #tpu.memory_space<hbm>> -> memref<100x100xf32, #tpu.memory_space<hbm>>
        %dma_start3A_242 = arith.constant 0 : i32
        %dma_start3A_243 = tpu.memref_slice %dma_start3A_241[%add3A_230, %dma_start3A_242] : memref<100x100xf32, #tpu.memory_space<hbm>> -> memref<1x100xf32, #tpu.memory_space<hbm>>
        %dma_start3A_244 = tpu.memref_squeeze %dma_start3A_243 : memref<1x100xf32, #tpu.memory_space<hbm>> -> memref<100xf32, #tpu.memory_space<hbm>>
        tpu.enqueue_dma source(%dma_start3A_244 : memref<100xf32, #tpu.memory_space<hbm>>) target(%arg13 : memref<100xf32, #tpu.memory_space<vmem>>) target_semaphore(%arg17 : memref<!tpu.dma_semaphore, #tpu.memory_space<semaphore_mem>>)
      } else {
      }
    }
    %scan3A_79 = arith.constant 50 : i32
    %dma_wait3A = arith.constant 0 : i32
    %dma_wait3A_80 = arith.constant 0 : i32
    %dma_wait3A_81 = tpu.memref_slice %arg8[%dma_wait3A, %dma_wait3A_80] : memref<10000x128xf32, #tpu.memory_space<vmem_shared>> -> memref<10000x128xf32, #tpu.memory_space<vmem_shared>>
    tpu.wait_indirect_dma semaphore(%arg18 : memref<!tpu.dma_semaphore, #tpu.memory_space<semaphore_mem>>) src(%arg14 : memref<100x128xf32, #tpu.memory_space<vmem>>) dst(%dma_wait3A_81 : memref<10000x128xf32, #tpu.memory_space<vmem_shared>>)
    %dma_wait3A_82 = arith.constant 0 : i32
    %dma_wait3A_83 = arith.constant 0 : i32
    %dma_wait3A_84 = tpu.memref_slice %arg8[%dma_wait3A_82, %dma_wait3A_83] : memref<10000x128xf32, #tpu.memory_space<vmem_shared>> -> memref<10000x128xf32, #tpu.memory_space<vmem_shared>>
    tpu.wait_indirect_dma semaphore(%arg19 : memref<!tpu.dma_semaphore, #tpu.memory_space<semaphore_mem>>) src(%arg15 : memref<100x128xf32, #tpu.memory_space<vmem>>) dst(%dma_wait3A_84 : memref<10000x128xf32, #tpu.memory_space<vmem_shared>>)
    %barrier3A_85 = arith.constant 0 : index
    tpu.barrier barrier_id(%barrier3A_85)
    %lt3A = arith.constant 15 : i32
    %lt3A_86 = arith.cmpi slt, %arg1, %lt3A : i32
    %convert_element_type3A_87 = arith.extui %lt3A_86 : i1 to i32
    %cond3A_88 = arith.constant 0 : i32
    %cond3A_89 = arith.cmpi ne, %convert_element_type3A_87, %cond3A_88 : i32
    scf.if %cond3A_89 {
      %mul3A_95 = arith.constant 624 : i32
      %mul3A_96 = arith.muli %arg1, %mul3A_95 : i32
      %mul3A_97 = arith.constant 624 : i32
      %mul3A_98 = arith.muli %arg1, %mul3A_97 : i32
      "tpu.region"() ({
        %run_scoped3A = tpu.sem_alloc : memref<!tpu.dma_semaphore, #tpu.memory_space<semaphore_mem>>
        %dma_start3A_99 = arith.constant 0 : i32
        %dma_start3A_100 = arith.constant 0 : i32
        %dma_start3A_101 = tpu.memref_slice %arg7[%arg0, %dma_start3A_99, %dma_start3A_100] : memref<2x10000x128xf32, #tpu.memory_space<hbm>> -> memref<1x10000x128xf32, #tpu.memory_space<hbm>>
        %dma_start3A_102 = tpu.memref_squeeze %dma_start3A_101 : memref<1x10000x128xf32, #tpu.memory_space<hbm>> -> memref<10000x128xf32, #tpu.memory_space<hbm>>
        %dma_start3A_103 = arith.constant 0 : i32
        %dma_start3A_104 = tpu.memref_slice %dma_start3A_102[%mul3A_98, %dma_start3A_103] : memref<10000x128xf32, #tpu.memory_space<hbm>> -> memref<624x128xf32, #tpu.memory_space<hbm>>
        %dma_start3A_105 = arith.constant 0 : i32
        %dma_start3A_106 = tpu.memref_slice %arg8[%mul3A_96, %dma_start3A_105] : memref<10000x128xf32, #tpu.memory_space<vmem_shared>> -> memref<624x128xf32, #tpu.memory_space<vmem_shared>>
        tpu.enqueue_dma source(%dma_start3A_106 : memref<624x128xf32, #tpu.memory_space<vmem_shared>>) target(%dma_start3A_104 : memref<624x128xf32, #tpu.memory_space<hbm>>) target_semaphore(%run_scoped3A : memref<!tpu.dma_semaphore, #tpu.memory_space<semaphore_mem>>)
        %dma_wait3A_107 = arith.constant 0 : i32
        %dma_wait3A_108 = arith.constant 0 : i32
        %dma_wait3A_109 = tpu.memref_slice %arg7[%arg0, %dma_wait3A_107, %dma_wait3A_108] : memref<2x10000x128xf32, #tpu.memory_space<hbm>> -> memref<1x10000x128xf32, #tpu.memory_space<hbm>>
        %dma_wait3A_110 = tpu.memref_squeeze %dma_wait3A_109 : memref<1x10000x128xf32, #tpu.memory_space<hbm>> -> memref<10000x128xf32, #tpu.memory_space<hbm>>
        %dma_wait3A_111 = arith.constant 0 : i32
        %dma_wait3A_112 = tpu.memref_slice %dma_wait3A_110[%mul3A_98, %dma_wait3A_111] : memref<10000x128xf32, #tpu.memory_space<hbm>> -> memref<624x128xf32, #tpu.memory_space<hbm>>
        %dma_wait3A_113 = arith.constant 0 : i32
        %dma_wait3A_114 = tpu.memref_slice %arg8[%mul3A_96, %dma_wait3A_113] : memref<10000x128xf32, #tpu.memory_space<vmem_shared>> -> memref<624x128xf32, #tpu.memory_space<vmem_shared>>
        tpu.wait_dma2 semaphore(%run_scoped3A : memref<!tpu.dma_semaphore, #tpu.memory_space<semaphore_mem>>) src(%dma_wait3A_114 : memref<624x128xf32, #tpu.memory_space<vmem_shared>>) dst(%dma_wait3A_112 : memref<624x128xf32, #tpu.memory_space<hbm>>)
        tpu.yield
      }) : () -> ()
    } else {
    }
    %eq3A_90 = arith.constant 15 : i32
    %eq3A_91 = arith.cmpi eq, %arg1, %eq3A_90 : i32
    %convert_element_type3A_92 = arith.extui %eq3A_91 : i1 to i32
    %cond3A_93 = arith.constant 0 : i32
    %cond3A_94 = arith.cmpi ne, %convert_element_type3A_92, %cond3A_93 : i32
    scf.if %cond3A_94 {
      "tpu.region"() ({
        %run_scoped3A = tpu.sem_alloc : memref<!tpu.dma_semaphore, #tpu.memory_space<semaphore_mem>>
        %dma_start3A_95 = arith.constant 0 : i32
        %dma_start3A_96 = arith.constant 0 : i32
        %dma_start3A_97 = tpu.memref_slice %arg7[%arg0, %dma_start3A_95, %dma_start3A_96] : memref<2x10000x128xf32, #tpu.memory_space<hbm>> -> memref<1x10000x128xf32, #tpu.memory_space<hbm>>
        %dma_start3A_98 = tpu.memref_squeeze %dma_start3A_97 : memref<1x10000x128xf32, #tpu.memory_space<hbm>> -> memref<10000x128xf32, #tpu.memory_space<hbm>>
        %dma_start3A_99 = arith.constant 9360 : i32
        %dma_start3A_100 = arith.constant 0 : i32
        %dma_start3A_101 = tpu.memref_slice %dma_start3A_98[%dma_start3A_99, %dma_start3A_100] : memref<10000x128xf32, #tpu.memory_space<hbm>> -> memref<640x128xf32, #tpu.memory_space<hbm>>
        %dma_start3A_102 = arith.constant 9360 : i32
        %dma_start3A_103 = arith.constant 0 : i32
        %dma_start3A_104 = tpu.memref_slice %arg8[%dma_start3A_102, %dma_start3A_103] : memref<10000x128xf32, #tpu.memory_space<vmem_shared>> -> memref<640x128xf32, #tpu.memory_space<vmem_shared>>
        tpu.enqueue_dma source(%dma_start3A_104 : memref<640x128xf32, #tpu.memory_space<vmem_shared>>) target(%dma_start3A_101 : memref<640x128xf32, #tpu.memory_space<hbm>>) target_semaphore(%run_scoped3A : memref<!tpu.dma_semaphore, #tpu.memory_space<semaphore_mem>>)
        %dma_wait3A_105 = arith.constant 0 : i32
        %dma_wait3A_106 = arith.constant 0 : i32
        %dma_wait3A_107 = tpu.memref_slice %arg7[%arg0, %dma_wait3A_105, %dma_wait3A_106] : memref<2x10000x128xf32, #tpu.memory_space<hbm>> -> memref<1x10000x128xf32, #tpu.memory_space<hbm>>
        %dma_wait3A_108 = tpu.memref_squeeze %dma_wait3A_107 : memref<1x10000x128xf32, #tpu.memory_space<hbm>> -> memref<10000x128xf32, #tpu.memory_space<hbm>>
        %dma_wait3A_109 = arith.constant 9360 : i32
        %dma_wait3A_110 = arith.constant 0 : i32
        %dma_wait3A_111 = tpu.memref_slice %dma_wait3A_108[%dma_wait3A_109, %dma_wait3A_110] : memref<10000x128xf32, #tpu.memory_space<hbm>> -> memref<640x128xf32, #tpu.memory_space<hbm>>
        %dma_wait3A_112 = arith.constant 9360 : i32
        %dma_wait3A_113 = arith.constant 0 : i32
        %dma_wait3A_114 = tpu.memref_slice %arg8[%dma_wait3A_112, %dma_wait3A_113] : memref<10000x128xf32, #tpu.memory_space<vmem_shared>> -> memref<640x128xf32, #tpu.memory_space<vmem_shared>>
        tpu.wait_dma2 semaphore(%run_scoped3A : memref<!tpu.dma_semaphore, #tpu.memory_space<semaphore_mem>>) src(%dma_wait3A_114 : memref<640x128xf32, #tpu.memory_space<vmem_shared>>) dst(%dma_wait3A_111 : memref<640x128xf32, #tpu.memory_space<hbm>>)
        tpu.yield
      }) : () -> ()
    } else {
    }
    return
  }
}

#map = affine_map<(d0, d1) -> (0, 0, 0)>
#map1 = affine_map<(d0, d1) -> (0)>
module attributes {stable_mosaic.version = 14 : i64} {
  func.func @k(%arg0: i32, %arg1: i32, %arg2: memref<16x200x100xi32, #tpu.memory_space<hbm>>, %arg3: memref<32x100x100xi32, #tpu.memory_space<hbm>>, %arg4: memref<160000xf32, #tpu.memory_space<hbm>>, %arg5: memref<320000xf32, #tpu.memory_space<hbm>>, %arg6: memref<32x100x100xf32, #tpu.memory_space<hbm>>, %arg7: memref<160000xf32, #tpu.memory_space<vmem_shared>>, %arg8: memref<200x100xi32, #tpu.memory_space<vmem>>, %arg9: memref<100xf32, #tpu.memory_space<vmem>>, %arg10: memref<10240xf32, #tpu.memory_space<vmem>>, %arg11: memref<100x100xf32, #tpu.memory_space<vmem>>, %arg12: memref<!tpu.dma_semaphore, #tpu.memory_space<semaphore_mem>>) attributes {dimension_semantics = [#tpu.dimension_semantics<core_parallel>, #tpu.dimension_semantics<subcore_parallel>], iteration_bounds = array<i64: 2, 16>, scalar_prefetch = 0 : i64, scratch_operands = 6 : i64, tpu.core_type = #tpu.core_type<sc_vector_subcore>, window_params = [{transform_indices = #map}, {transform_indices = #map}, {transform_indices = #map1}, {transform_indices = #map1}, {transform_indices = #map}]} {
    %mul3A = arith.constant 2 : i32
    %mul3A_0 = arith.muli %arg1, %mul3A : i32
    %add3A = arith.addi %mul3A_0, %arg0 : i32
    "tpu.region"() ({
      %run_scoped3A = tpu.sem_alloc : memref<!tpu.dma_semaphore, #tpu.memory_space<semaphore_mem>>
      %dma_start3A = arith.constant 0 : i32
      %dma_start3A_35 = arith.constant 0 : i32
      %dma_start3A_36 = tpu.memref_slice %arg2[%arg1, %dma_start3A, %dma_start3A_35] : memref<16x200x100xi32, #tpu.memory_space<hbm>> -> memref<1x200x100xi32, #tpu.memory_space<hbm>>
      %dma_start3A_37 = tpu.memref_squeeze %dma_start3A_36 : memref<1x200x100xi32, #tpu.memory_space<hbm>> -> memref<200x100xi32, #tpu.memory_space<hbm>>
      %dma_start3A_38 = arith.constant 0 : i32
      %dma_start3A_39 = arith.constant 0 : i32
      %dma_start3A_40 = tpu.memref_slice %arg2[%arg1, %dma_start3A_38, %dma_start3A_39] : memref<16x200x100xi32, #tpu.memory_space<hbm>> -> memref<1x200x100xi32, #tpu.memory_space<hbm>>
      %dma_start3A_41 = tpu.memref_squeeze %dma_start3A_40 : memref<1x200x100xi32, #tpu.memory_space<hbm>> -> memref<200x100xi32, #tpu.memory_space<hbm>>
      tpu.enqueue_dma source(%dma_start3A_41 : memref<200x100xi32, #tpu.memory_space<hbm>>) target(%arg8 : memref<200x100xi32, #tpu.memory_space<vmem>>) target_semaphore(%run_scoped3A : memref<!tpu.dma_semaphore, #tpu.memory_space<semaphore_mem>>)
      %dma_wait3A = arith.constant 0 : i32
      %dma_wait3A_42 = arith.constant 0 : i32
      %dma_wait3A_43 = tpu.memref_slice %arg2[%arg1, %dma_wait3A, %dma_wait3A_42] : memref<16x200x100xi32, #tpu.memory_space<hbm>> -> memref<1x200x100xi32, #tpu.memory_space<hbm>>
      %dma_wait3A_44 = tpu.memref_squeeze %dma_wait3A_43 : memref<1x200x100xi32, #tpu.memory_space<hbm>> -> memref<200x100xi32, #tpu.memory_space<hbm>>
      %dma_wait3A_45 = arith.constant 0 : i32
      %dma_wait3A_46 = arith.constant 0 : i32
      %dma_wait3A_47 = tpu.memref_slice %arg2[%arg1, %dma_wait3A_45, %dma_wait3A_46] : memref<16x200x100xi32, #tpu.memory_space<hbm>> -> memref<1x200x100xi32, #tpu.memory_space<hbm>>
      %dma_wait3A_48 = tpu.memref_squeeze %dma_wait3A_47 : memref<1x200x100xi32, #tpu.memory_space<hbm>> -> memref<200x100xi32, #tpu.memory_space<hbm>>
      tpu.wait_dma2 semaphore(%run_scoped3A : memref<!tpu.dma_semaphore, #tpu.memory_space<semaphore_mem>>) src(%dma_wait3A_48 : memref<200x100xi32, #tpu.memory_space<hbm>>) dst(%arg8 : memref<200x100xi32, #tpu.memory_space<vmem>>)
      tpu.yield
    }) : () -> ()
    %eq3A = arith.constant 0 : i32
    %eq3A_1 = arith.cmpi eq, %arg1, %eq3A : i32
    %convert_element_type3A = arith.extui %eq3A_1 : i1 to i32
    %cond3A = arith.constant 0 : i32
    %cond3A_2 = arith.cmpi ne, %convert_element_type3A, %cond3A : i32
    scf.if %cond3A_2 {
      "tpu.region"() ({
        %run_scoped3A = tpu.sem_alloc : memref<!tpu.dma_semaphore, #tpu.memory_space<semaphore_mem>>
        tpu.enqueue_dma source(%arg4 : memref<160000xf32, #tpu.memory_space<hbm>>) target(%arg7 : memref<160000xf32, #tpu.memory_space<vmem_shared>>) target_semaphore(%run_scoped3A : memref<!tpu.dma_semaphore, #tpu.memory_space<semaphore_mem>>)
        tpu.wait_dma2 semaphore(%run_scoped3A : memref<!tpu.dma_semaphore, #tpu.memory_space<semaphore_mem>>) src(%arg4 : memref<160000xf32, #tpu.memory_space<hbm>>) dst(%arg7 : memref<160000xf32, #tpu.memory_space<vmem_shared>>)
        tpu.yield
      }) : () -> ()
    } else {
    }
    %scan3A = arith.constant 0 : i32
    %scan3A_3 = arith.constant 7 : i32
    %scan3A_4 = arith.addi %scan3A, %scan3A_3 : i32
    %scan3A_5 = arith.constant 1 : i32
    scf.for %scan3A_35 = %scan3A to %scan3A_4 step %scan3A_5  : i32 {
      %mul3A_36 = arith.constant 16 : i32
      %mul3A_37 = arith.muli %scan3A_35, %mul3A_36 : i32
      %add3A_38 = arith.constant 0 : i32
      %add3A_39 = arith.addi %add3A_38, %mul3A_37 : i32
      %broadcast_in_dim3A_40 = arith.constant 1.000000e+00 : f32
      %broadcast_in_dim3A_41 = vector.broadcast %broadcast_in_dim3A_40 : f32 to vector<16xf32>
      %swap3A = arith.index_cast %add3A_39 : i32 to index
      %swap3A_42 = tpu.vector_load %arg9[%swap3A] {strides = array<i32>} : memref<100xf32, #tpu.memory_space<vmem>>, vector<16xf32>,
      tpu.vector_store %arg9[%swap3A], %broadcast_in_dim3A_41 {strides = array<i32>} : memref<100xf32, #tpu.memory_space<vmem>>, vector<16xf32>,
    }
    %scan3A_6 = arith.constant 7 : i32
    %barrier3A = arith.constant 0 : index
    tpu.barrier barrier_id(%barrier3A)
    %scan3A_7 = arith.constant 0 : i32
    %scan3A_8 = arith.constant 20 : i32
    %scan3A_9 = arith.addi %scan3A_7, %scan3A_8 : i32
    %scan3A_10 = arith.constant 1 : i32
    scf.for %scan3A_35 = %scan3A_7 to %scan3A_9 step %scan3A_10  : i32 {
      %mul3A_36 = arith.constant 10 : i32
      %mul3A_37 = arith.muli %scan3A_35, %mul3A_36 : i32
      %add3A_38 = arith.constant 0 : i32
      %add3A_39 = arith.addi %add3A_38, %mul3A_37 : i32
      %add3A_40 = arith.constant 0 : i32
      %add3A_41 = arith.addi %add3A_39, %add3A_40 : i32
      %dma_start3A = arith.constant 0 : i32
      %dma_start3A_42 = tpu.memref_slice %arg8[%add3A_41, %dma_start3A] : memref<200x100xi32, #tpu.memory_space<vmem>> -> memref<1x100xi32, #tpu.memory_space<vmem>>
      %dma_start3A_43 = tpu.memref_squeeze %dma_start3A_42 : memref<1x100xi32, #tpu.memory_space<vmem>> -> memref<100xi32, #tpu.memory_space<vmem>>
      %dma_start3A_44 = arith.constant 0 : i32
      %dma_start3A_45 = tpu.memref_slice %arg7[%dma_start3A_44] : memref<160000xf32, #tpu.memory_space<vmem_shared>> -> memref<160000xf32, #tpu.memory_space<vmem_shared>>
      tpu.enqueue_indirect_dma source(%arg9 : memref<100xf32, #tpu.memory_space<vmem>>) target(%dma_start3A_45 : memref<160000xf32, #tpu.memory_space<vmem_shared>>) offsets(%dma_start3A_43 : memref<100xi32, #tpu.memory_space<vmem>>) semaphore(%arg12 : memref<!tpu.dma_semaphore, #tpu.memory_space<semaphore_mem>>) {add = true}
      %add3A_46 = arith.constant 1 : i32
      %add3A_47 = arith.addi %add3A_39, %add3A_46 : i32
      %dma_start3A_48 = arith.constant 0 : i32
      %dma_start3A_49 = tpu.memref_slice %arg8[%add3A_47, %dma_start3A_48] : memref<200x100xi32, #tpu.memory_space<vmem>> -> memref<1x100xi32, #tpu.memory_space<vmem>>
      %dma_start3A_50 = tpu.memref_squeeze %dma_start3A_49 : memref<1x100xi32, #tpu.memory_space<vmem>> -> memref<100xi32, #tpu.memory_space<vmem>>
      %dma_start3A_51 = arith.constant 0 : i32
      %dma_start3A_52 = tpu.memref_slice %arg7[%dma_start3A_51] : memref<160000xf32, #tpu.memory_space<vmem_shared>> -> memref<160000xf32, #tpu.memory_space<vmem_shared>>
      tpu.enqueue_indirect_dma source(%arg9 : memref<100xf32, #tpu.memory_space<vmem>>) target(%dma_start3A_52 : memref<160000xf32, #tpu.memory_space<vmem_shared>>) offsets(%dma_start3A_50 : memref<100xi32, #tpu.memory_space<vmem>>) semaphore(%arg12 : memref<!tpu.dma_semaphore, #tpu.memory_space<semaphore_mem>>) {add = true}
      %add3A_53 = arith.constant 2 : i32
      %add3A_54 = arith.addi %add3A_39, %add3A_53 : i32
      %dma_start3A_55 = arith.constant 0 : i32
      %dma_start3A_56 = tpu.memref_slice %arg8[%add3A_54, %dma_start3A_55] : memref<200x100xi32, #tpu.memory_space<vmem>> -> memref<1x100xi32, #tpu.memory_space<vmem>>
      %dma_start3A_57 = tpu.memref_squeeze %dma_start3A_56 : memref<1x100xi32, #tpu.memory_space<vmem>> -> memref<100xi32, #tpu.memory_space<vmem>>
      %dma_start3A_58 = arith.constant 0 : i32
      %dma_start3A_59 = tpu.memref_slice %arg7[%dma_start3A_58] : memref<160000xf32, #tpu.memory_space<vmem_shared>> -> memref<160000xf32, #tpu.memory_space<vmem_shared>>
      tpu.enqueue_indirect_dma source(%arg9 : memref<100xf32, #tpu.memory_space<vmem>>) target(%dma_start3A_59 : memref<160000xf32, #tpu.memory_space<vmem_shared>>) offsets(%dma_start3A_57 : memref<100xi32, #tpu.memory_space<vmem>>) semaphore(%arg12 : memref<!tpu.dma_semaphore, #tpu.memory_space<semaphore_mem>>) {add = true}
      %add3A_60 = arith.constant 3 : i32
      %add3A_61 = arith.addi %add3A_39, %add3A_60 : i32
      %dma_start3A_62 = arith.constant 0 : i32
      %dma_start3A_63 = tpu.memref_slice %arg8[%add3A_61, %dma_start3A_62] : memref<200x100xi32, #tpu.memory_space<vmem>> -> memref<1x100xi32, #tpu.memory_space<vmem>>
      %dma_start3A_64 = tpu.memref_squeeze %dma_start3A_63 : memref<1x100xi32, #tpu.memory_space<vmem>> -> memref<100xi32, #tpu.memory_space<vmem>>
      %dma_start3A_65 = arith.constant 0 : i32
      %dma_start3A_66 = tpu.memref_slice %arg7[%dma_start3A_65] : memref<160000xf32, #tpu.memory_space<vmem_shared>> -> memref<160000xf32, #tpu.memory_space<vmem_shared>>
      tpu.enqueue_indirect_dma source(%arg9 : memref<100xf32, #tpu.memory_space<vmem>>) target(%dma_start3A_66 : memref<160000xf32, #tpu.memory_space<vmem_shared>>) offsets(%dma_start3A_64 : memref<100xi32, #tpu.memory_space<vmem>>) semaphore(%arg12 : memref<!tpu.dma_semaphore, #tpu.memory_space<semaphore_mem>>) {add = true}
      %add3A_67 = arith.constant 4 : i32
      %add3A_68 = arith.addi %add3A_39, %add3A_67 : i32
      %dma_start3A_69 = arith.constant 0 : i32
      %dma_start3A_70 = tpu.memref_slice %arg8[%add3A_68, %dma_start3A_69] : memref<200x100xi32, #tpu.memory_space<vmem>> -> memref<1x100xi32, #tpu.memory_space<vmem>>
      %dma_start3A_71 = tpu.memref_squeeze %dma_start3A_70 : memref<1x100xi32, #tpu.memory_space<vmem>> -> memref<100xi32, #tpu.memory_space<vmem>>
      %dma_start3A_72 = arith.constant 0 : i32
      %dma_start3A_73 = tpu.memref_slice %arg7[%dma_start3A_72] : memref<160000xf32, #tpu.memory_space<vmem_shared>> -> memref<160000xf32, #tpu.memory_space<vmem_shared>>
      tpu.enqueue_indirect_dma source(%arg9 : memref<100xf32, #tpu.memory_space<vmem>>) target(%dma_start3A_73 : memref<160000xf32, #tpu.memory_space<vmem_shared>>) offsets(%dma_start3A_71 : memref<100xi32, #tpu.memory_space<vmem>>) semaphore(%arg12 : memref<!tpu.dma_semaphore, #tpu.memory_space<semaphore_mem>>) {add = true}
      %add3A_74 = arith.constant 5 : i32
      %add3A_75 = arith.addi %add3A_39, %add3A_74 : i32
      %dma_start3A_76 = arith.constant 0 : i32
      %dma_start3A_77 = tpu.memref_slice %arg8[%add3A_75, %dma_start3A_76] : memref<200x100xi32, #tpu.memory_space<vmem>> -> memref<1x100xi32, #tpu.memory_space<vmem>>
      %dma_start3A_78 = tpu.memref_squeeze %dma_start3A_77 : memref<1x100xi32, #tpu.memory_space<vmem>> -> memref<100xi32, #tpu.memory_space<vmem>>
      %dma_start3A_79 = arith.constant 0 : i32
      %dma_start3A_80 = tpu.memref_slice %arg7[%dma_start3A_79] : memref<160000xf32, #tpu.memory_space<vmem_shared>> -> memref<160000xf32, #tpu.memory_space<vmem_shared>>
      tpu.enqueue_indirect_dma source(%arg9 : memref<100xf32, #tpu.memory_space<vmem>>) target(%dma_start3A_80 : memref<160000xf32, #tpu.memory_space<vmem_shared>>) offsets(%dma_start3A_78 : memref<100xi32, #tpu.memory_space<vmem>>) semaphore(%arg12 : memref<!tpu.dma_semaphore, #tpu.memory_space<semaphore_mem>>) {add = true}
      %add3A_81 = arith.constant 6 : i32
      %add3A_82 = arith.addi %add3A_39, %add3A_81 : i32
      %dma_start3A_83 = arith.constant 0 : i32
      %dma_start3A_84 = tpu.memref_slice %arg8[%add3A_82, %dma_start3A_83] : memref<200x100xi32, #tpu.memory_space<vmem>> -> memref<1x100xi32, #tpu.memory_space<vmem>>
      %dma_start3A_85 = tpu.memref_squeeze %dma_start3A_84 : memref<1x100xi32, #tpu.memory_space<vmem>> -> memref<100xi32, #tpu.memory_space<vmem>>
      %dma_start3A_86 = arith.constant 0 : i32
      %dma_start3A_87 = tpu.memref_slice %arg7[%dma_start3A_86] : memref<160000xf32, #tpu.memory_space<vmem_shared>> -> memref<160000xf32, #tpu.memory_space<vmem_shared>>
      tpu.enqueue_indirect_dma source(%arg9 : memref<100xf32, #tpu.memory_space<vmem>>) target(%dma_start3A_87 : memref<160000xf32, #tpu.memory_space<vmem_shared>>) offsets(%dma_start3A_85 : memref<100xi32, #tpu.memory_space<vmem>>) semaphore(%arg12 : memref<!tpu.dma_semaphore, #tpu.memory_space<semaphore_mem>>) {add = true}
      %add3A_88 = arith.constant 7 : i32
      %add3A_89 = arith.addi %add3A_39, %add3A_88 : i32
      %dma_start3A_90 = arith.constant 0 : i32
      %dma_start3A_91 = tpu.memref_slice %arg8[%add3A_89, %dma_start3A_90] : memref<200x100xi32, #tpu.memory_space<vmem>> -> memref<1x100xi32, #tpu.memory_space<vmem>>
      %dma_start3A_92 = tpu.memref_squeeze %dma_start3A_91 : memref<1x100xi32, #tpu.memory_space<vmem>> -> memref<100xi32, #tpu.memory_space<vmem>>
      %dma_start3A_93 = arith.constant 0 : i32
      %dma_start3A_94 = tpu.memref_slice %arg7[%dma_start3A_93] : memref<160000xf32, #tpu.memory_space<vmem_shared>> -> memref<160000xf32, #tpu.memory_space<vmem_shared>>
      tpu.enqueue_indirect_dma source(%arg9 : memref<100xf32, #tpu.memory_space<vmem>>) target(%dma_start3A_94 : memref<160000xf32, #tpu.memory_space<vmem_shared>>) offsets(%dma_start3A_92 : memref<100xi32, #tpu.memory_space<vmem>>) semaphore(%arg12 : memref<!tpu.dma_semaphore, #tpu.memory_space<semaphore_mem>>) {add = true}
      %add3A_95 = arith.constant 8 : i32
      %add3A_96 = arith.addi %add3A_39, %add3A_95 : i32
      %dma_start3A_97 = arith.constant 0 : i32
      %dma_start3A_98 = tpu.memref_slice %arg8[%add3A_96, %dma_start3A_97] : memref<200x100xi32, #tpu.memory_space<vmem>> -> memref<1x100xi32, #tpu.memory_space<vmem>>
      %dma_start3A_99 = tpu.memref_squeeze %dma_start3A_98 : memref<1x100xi32, #tpu.memory_space<vmem>> -> memref<100xi32, #tpu.memory_space<vmem>>
      %dma_start3A_100 = arith.constant 0 : i32
      %dma_start3A_101 = tpu.memref_slice %arg7[%dma_start3A_100] : memref<160000xf32, #tpu.memory_space<vmem_shared>> -> memref<160000xf32, #tpu.memory_space<vmem_shared>>
      tpu.enqueue_indirect_dma source(%arg9 : memref<100xf32, #tpu.memory_space<vmem>>) target(%dma_start3A_101 : memref<160000xf32, #tpu.memory_space<vmem_shared>>) offsets(%dma_start3A_99 : memref<100xi32, #tpu.memory_space<vmem>>) semaphore(%arg12 : memref<!tpu.dma_semaphore, #tpu.memory_space<semaphore_mem>>) {add = true}
      %add3A_102 = arith.constant 9 : i32
      %add3A_103 = arith.addi %add3A_39, %add3A_102 : i32
      %dma_start3A_104 = arith.constant 0 : i32
      %dma_start3A_105 = tpu.memref_slice %arg8[%add3A_103, %dma_start3A_104] : memref<200x100xi32, #tpu.memory_space<vmem>> -> memref<1x100xi32, #tpu.memory_space<vmem>>
      %dma_start3A_106 = tpu.memref_squeeze %dma_start3A_105 : memref<1x100xi32, #tpu.memory_space<vmem>> -> memref<100xi32, #tpu.memory_space<vmem>>
      %dma_start3A_107 = arith.constant 0 : i32
      %dma_start3A_108 = tpu.memref_slice %arg7[%dma_start3A_107] : memref<160000xf32, #tpu.memory_space<vmem_shared>> -> memref<160000xf32, #tpu.memory_space<vmem_shared>>
      tpu.enqueue_indirect_dma source(%arg9 : memref<100xf32, #tpu.memory_space<vmem>>) target(%dma_start3A_108 : memref<160000xf32, #tpu.memory_space<vmem_shared>>) offsets(%dma_start3A_106 : memref<100xi32, #tpu.memory_space<vmem>>) semaphore(%arg12 : memref<!tpu.dma_semaphore, #tpu.memory_space<semaphore_mem>>) {add = true}
      %add3A_109 = arith.constant 0 : i32
      %add3A_110 = arith.addi %add3A_39, %add3A_109 : i32
      %dma_wait3A = arith.constant 0 : i32
      %dma_wait3A_111 = tpu.memref_slice %arg8[%add3A_110, %dma_wait3A] : memref<200x100xi32, #tpu.memory_space<vmem>> -> memref<1x100xi32, #tpu.memory_space<vmem>>
      %dma_wait3A_112 = tpu.memref_squeeze %dma_wait3A_111 : memref<1x100xi32, #tpu.memory_space<vmem>> -> memref<100xi32, #tpu.memory_space<vmem>>
      %dma_wait3A_113 = arith.constant 0 : i32
      %dma_wait3A_114 = tpu.memref_slice %arg7[%dma_wait3A_113] : memref<160000xf32, #tpu.memory_space<vmem_shared>> -> memref<160000xf32, #tpu.memory_space<vmem_shared>>
      tpu.wait_indirect_dma semaphore(%arg12 : memref<!tpu.dma_semaphore, #tpu.memory_space<semaphore_mem>>) src(%arg9 : memref<100xf32, #tpu.memory_space<vmem>>) dst(%dma_wait3A_114 : memref<160000xf32, #tpu.memory_space<vmem_shared>>)
      %add3A_115 = arith.constant 1 : i32
      %add3A_116 = arith.addi %add3A_39, %add3A_115 : i32
      %dma_wait3A_117 = arith.constant 0 : i32
      %dma_wait3A_118 = tpu.memref_slice %arg8[%add3A_116, %dma_wait3A_117] : memref<200x100xi32, #tpu.memory_space<vmem>> -> memref<1x100xi32, #tpu.memory_space<vmem>>
      %dma_wait3A_119 = tpu.memref_squeeze %dma_wait3A_118 : memref<1x100xi32, #tpu.memory_space<vmem>> -> memref<100xi32, #tpu.memory_space<vmem>>
      %dma_wait3A_120 = arith.constant 0 : i32
      %dma_wait3A_121 = tpu.memref_slice %arg7[%dma_wait3A_120] : memref<160000xf32, #tpu.memory_space<vmem_shared>> -> memref<160000xf32, #tpu.memory_space<vmem_shared>>
      tpu.wait_indirect_dma semaphore(%arg12 : memref<!tpu.dma_semaphore, #tpu.memory_space<semaphore_mem>>) src(%arg9 : memref<100xf32, #tpu.memory_space<vmem>>) dst(%dma_wait3A_121 : memref<160000xf32, #tpu.memory_space<vmem_shared>>)
      %add3A_122 = arith.constant 2 : i32
      %add3A_123 = arith.addi %add3A_39, %add3A_122 : i32
      %dma_wait3A_124 = arith.constant 0 : i32
      %dma_wait3A_125 = tpu.memref_slice %arg8[%add3A_123, %dma_wait3A_124] : memref<200x100xi32, #tpu.memory_space<vmem>> -> memref<1x100xi32, #tpu.memory_space<vmem>>
      %dma_wait3A_126 = tpu.memref_squeeze %dma_wait3A_125 : memref<1x100xi32, #tpu.memory_space<vmem>> -> memref<100xi32, #tpu.memory_space<vmem>>
      %dma_wait3A_127 = arith.constant 0 : i32
      %dma_wait3A_128 = tpu.memref_slice %arg7[%dma_wait3A_127] : memref<160000xf32, #tpu.memory_space<vmem_shared>> -> memref<160000xf32, #tpu.memory_space<vmem_shared>>
      tpu.wait_indirect_dma semaphore(%arg12 : memref<!tpu.dma_semaphore, #tpu.memory_space<semaphore_mem>>) src(%arg9 : memref<100xf32, #tpu.memory_space<vmem>>) dst(%dma_wait3A_128 : memref<160000xf32, #tpu.memory_space<vmem_shared>>)
      %add3A_129 = arith.constant 3 : i32
      %add3A_130 = arith.addi %add3A_39, %add3A_129 : i32
      %dma_wait3A_131 = arith.constant 0 : i32
      %dma_wait3A_132 = tpu.memref_slice %arg8[%add3A_130, %dma_wait3A_131] : memref<200x100xi32, #tpu.memory_space<vmem>> -> memref<1x100xi32, #tpu.memory_space<vmem>>
      %dma_wait3A_133 = tpu.memref_squeeze %dma_wait3A_132 : memref<1x100xi32, #tpu.memory_space<vmem>> -> memref<100xi32, #tpu.memory_space<vmem>>
      %dma_wait3A_134 = arith.constant 0 : i32
      %dma_wait3A_135 = tpu.memref_slice %arg7[%dma_wait3A_134] : memref<160000xf32, #tpu.memory_space<vmem_shared>> -> memref<160000xf32, #tpu.memory_space<vmem_shared>>
      tpu.wait_indirect_dma semaphore(%arg12 : memref<!tpu.dma_semaphore, #tpu.memory_space<semaphore_mem>>) src(%arg9 : memref<100xf32, #tpu.memory_space<vmem>>) dst(%dma_wait3A_135 : memref<160000xf32, #tpu.memory_space<vmem_shared>>)
      %add3A_136 = arith.constant 4 : i32
      %add3A_137 = arith.addi %add3A_39, %add3A_136 : i32
      %dma_wait3A_138 = arith.constant 0 : i32
      %dma_wait3A_139 = tpu.memref_slice %arg8[%add3A_137, %dma_wait3A_138] : memref<200x100xi32, #tpu.memory_space<vmem>> -> memref<1x100xi32, #tpu.memory_space<vmem>>
      %dma_wait3A_140 = tpu.memref_squeeze %dma_wait3A_139 : memref<1x100xi32, #tpu.memory_space<vmem>> -> memref<100xi32, #tpu.memory_space<vmem>>
      %dma_wait3A_141 = arith.constant 0 : i32
      %dma_wait3A_142 = tpu.memref_slice %arg7[%dma_wait3A_141] : memref<160000xf32, #tpu.memory_space<vmem_shared>> -> memref<160000xf32, #tpu.memory_space<vmem_shared>>
      tpu.wait_indirect_dma semaphore(%arg12 : memref<!tpu.dma_semaphore, #tpu.memory_space<semaphore_mem>>) src(%arg9 : memref<100xf32, #tpu.memory_space<vmem>>) dst(%dma_wait3A_142 : memref<160000xf32, #tpu.memory_space<vmem_shared>>)
      %add3A_143 = arith.constant 5 : i32
      %add3A_144 = arith.addi %add3A_39, %add3A_143 : i32
      %dma_wait3A_145 = arith.constant 0 : i32
      %dma_wait3A_146 = tpu.memref_slice %arg8[%add3A_144, %dma_wait3A_145] : memref<200x100xi32, #tpu.memory_space<vmem>> -> memref<1x100xi32, #tpu.memory_space<vmem>>
      %dma_wait3A_147 = tpu.memref_squeeze %dma_wait3A_146 : memref<1x100xi32, #tpu.memory_space<vmem>> -> memref<100xi32, #tpu.memory_space<vmem>>
      %dma_wait3A_148 = arith.constant 0 : i32
      %dma_wait3A_149 = tpu.memref_slice %arg7[%dma_wait3A_148] : memref<160000xf32, #tpu.memory_space<vmem_shared>> -> memref<160000xf32, #tpu.memory_space<vmem_shared>>
      tpu.wait_indirect_dma semaphore(%arg12 : memref<!tpu.dma_semaphore, #tpu.memory_space<semaphore_mem>>) src(%arg9 : memref<100xf32, #tpu.memory_space<vmem>>) dst(%dma_wait3A_149 : memref<160000xf32, #tpu.memory_space<vmem_shared>>)
      %add3A_150 = arith.constant 6 : i32
      %add3A_151 = arith.addi %add3A_39, %add3A_150 : i32
      %dma_wait3A_152 = arith.constant 0 : i32
      %dma_wait3A_153 = tpu.memref_slice %arg8[%add3A_151, %dma_wait3A_152] : memref<200x100xi32, #tpu.memory_space<vmem>> -> memref<1x100xi32, #tpu.memory_space<vmem>>
      %dma_wait3A_154 = tpu.memref_squeeze %dma_wait3A_153 : memref<1x100xi32, #tpu.memory_space<vmem>> -> memref<100xi32, #tpu.memory_space<vmem>>
      %dma_wait3A_155 = arith.constant 0 : i32
      %dma_wait3A_156 = tpu.memref_slice %arg7[%dma_wait3A_155] : memref<160000xf32, #tpu.memory_space<vmem_shared>> -> memref<160000xf32, #tpu.memory_space<vmem_shared>>
      tpu.wait_indirect_dma semaphore(%arg12 : memref<!tpu.dma_semaphore, #tpu.memory_space<semaphore_mem>>) src(%arg9 : memref<100xf32, #tpu.memory_space<vmem>>) dst(%dma_wait3A_156 : memref<160000xf32, #tpu.memory_space<vmem_shared>>)
      %add3A_157 = arith.constant 7 : i32
      %add3A_158 = arith.addi %add3A_39, %add3A_157 : i32
      %dma_wait3A_159 = arith.constant 0 : i32
      %dma_wait3A_160 = tpu.memref_slice %arg8[%add3A_158, %dma_wait3A_159] : memref<200x100xi32, #tpu.memory_space<vmem>> -> memref<1x100xi32, #tpu.memory_space<vmem>>
      %dma_wait3A_161 = tpu.memref_squeeze %dma_wait3A_160 : memref<1x100xi32, #tpu.memory_space<vmem>> -> memref<100xi32, #tpu.memory_space<vmem>>
      %dma_wait3A_162 = arith.constant 0 : i32
      %dma_wait3A_163 = tpu.memref_slice %arg7[%dma_wait3A_162] : memref<160000xf32, #tpu.memory_space<vmem_shared>> -> memref<160000xf32, #tpu.memory_space<vmem_shared>>
      tpu.wait_indirect_dma semaphore(%arg12 : memref<!tpu.dma_semaphore, #tpu.memory_space<semaphore_mem>>) src(%arg9 : memref<100xf32, #tpu.memory_space<vmem>>) dst(%dma_wait3A_163 : memref<160000xf32, #tpu.memory_space<vmem_shared>>)
      %add3A_164 = arith.constant 8 : i32
      %add3A_165 = arith.addi %add3A_39, %add3A_164 : i32
      %dma_wait3A_166 = arith.constant 0 : i32
      %dma_wait3A_167 = tpu.memref_slice %arg8[%add3A_165, %dma_wait3A_166] : memref<200x100xi32, #tpu.memory_space<vmem>> -> memref<1x100xi32, #tpu.memory_space<vmem>>
      %dma_wait3A_168 = tpu.memref_squeeze %dma_wait3A_167 : memref<1x100xi32, #tpu.memory_space<vmem>> -> memref<100xi32, #tpu.memory_space<vmem>>
      %dma_wait3A_169 = arith.constant 0 : i32
      %dma_wait3A_170 = tpu.memref_slice %arg7[%dma_wait3A_169] : memref<160000xf32, #tpu.memory_space<vmem_shared>> -> memref<160000xf32, #tpu.memory_space<vmem_shared>>
      tpu.wait_indirect_dma semaphore(%arg12 : memref<!tpu.dma_semaphore, #tpu.memory_space<semaphore_mem>>) src(%arg9 : memref<100xf32, #tpu.memory_space<vmem>>) dst(%dma_wait3A_170 : memref<160000xf32, #tpu.memory_space<vmem_shared>>)
      %add3A_171 = arith.constant 9 : i32
      %add3A_172 = arith.addi %add3A_39, %add3A_171 : i32
      %dma_wait3A_173 = arith.constant 0 : i32
      %dma_wait3A_174 = tpu.memref_slice %arg8[%add3A_172, %dma_wait3A_173] : memref<200x100xi32, #tpu.memory_space<vmem>> -> memref<1x100xi32, #tpu.memory_space<vmem>>
      %dma_wait3A_175 = tpu.memref_squeeze %dma_wait3A_174 : memref<1x100xi32, #tpu.memory_space<vmem>> -> memref<100xi32, #tpu.memory_space<vmem>>
      %dma_wait3A_176 = arith.constant 0 : i32
      %dma_wait3A_177 = tpu.memref_slice %arg7[%dma_wait3A_176] : memref<160000xf32, #tpu.memory_space<vmem_shared>> -> memref<160000xf32, #tpu.memory_space<vmem_shared>>
      tpu.wait_indirect_dma semaphore(%arg12 : memref<!tpu.dma_semaphore, #tpu.memory_space<semaphore_mem>>) src(%arg9 : memref<100xf32, #tpu.memory_space<vmem>>) dst(%dma_wait3A_177 : memref<160000xf32, #tpu.memory_space<vmem_shared>>)
    }
    %scan3A_11 = arith.constant 20 : i32
    %barrier3A_12 = arith.constant 0 : index
    tpu.barrier barrier_id(%barrier3A_12)
    %lt3A = arith.constant 15 : i32
    %lt3A_13 = arith.cmpi slt, %arg1, %lt3A : i32
    %convert_element_type3A_14 = arith.extui %lt3A_13 : i1 to i32
    %cond3A_15 = arith.constant 0 : i32
    %cond3A_16 = arith.cmpi ne, %convert_element_type3A_14, %cond3A_15 : i32
    scf.if %cond3A_16 {
      %mul3A_35 = arith.constant 9984 : i32
      %mul3A_36 = arith.muli %arg1, %mul3A_35 : i32
      "tpu.region"() ({
        %run_scoped3A = tpu.sem_alloc : memref<!tpu.dma_semaphore, #tpu.memory_space<semaphore_mem>>
        %dma_start3A = arith.constant 0 : i32
        %dma_start3A_45 = tpu.memref_slice %arg10[%dma_start3A] : memref<10240xf32, #tpu.memory_space<vmem>> -> memref<9984xf32, #tpu.memory_space<vmem>>
        %dma_start3A_46 = tpu.memref_slice %arg7[%mul3A_36] : memref<160000xf32, #tpu.memory_space<vmem_shared>> -> memref<9984xf32, #tpu.memory_space<vmem_shared>>
        %dma_start3A_47 = arith.constant 0 : i32
        %dma_start3A_48 = tpu.memref_slice %arg10[%dma_start3A_47] : memref<10240xf32, #tpu.memory_space<vmem>> -> memref<9984xf32, #tpu.memory_space<vmem>>
        %dma_start3A_49 = tpu.memref_slice %arg7[%mul3A_36] : memref<160000xf32, #tpu.memory_space<vmem_shared>> -> memref<9984xf32, #tpu.memory_space<vmem_shared>>
        tpu.enqueue_dma source(%dma_start3A_49 : memref<9984xf32, #tpu.memory_space<vmem_shared>>) target(%dma_start3A_48 : memref<9984xf32, #tpu.memory_space<vmem>>) target_semaphore(%run_scoped3A : memref<!tpu.dma_semaphore, #tpu.memory_space<semaphore_mem>>)
        %dma_wait3A = arith.constant 0 : i32
        %dma_wait3A_50 = tpu.memref_slice %arg10[%dma_wait3A] : memref<10240xf32, #tpu.memory_space<vmem>> -> memref<9984xf32, #tpu.memory_space<vmem>>
        %dma_wait3A_51 = tpu.memref_slice %arg7[%mul3A_36] : memref<160000xf32, #tpu.memory_space<vmem_shared>> -> memref<9984xf32, #tpu.memory_space<vmem_shared>>
        %dma_wait3A_52 = arith.constant 0 : i32
        %dma_wait3A_53 = tpu.memref_slice %arg10[%dma_wait3A_52] : memref<10240xf32, #tpu.memory_space<vmem>> -> memref<9984xf32, #tpu.memory_space<vmem>>
        %dma_wait3A_54 = tpu.memref_slice %arg7[%mul3A_36] : memref<160000xf32, #tpu.memory_space<vmem_shared>> -> memref<9984xf32, #tpu.memory_space<vmem_shared>>
        tpu.wait_dma2 semaphore(%run_scoped3A : memref<!tpu.dma_semaphore, #tpu.memory_space<semaphore_mem>>) src(%dma_wait3A_54 : memref<9984xf32, #tpu.memory_space<vmem_shared>>) dst(%dma_wait3A_53 : memref<9984xf32, #tpu.memory_space<vmem>>)
        tpu.yield
      }) : () -> ()
      %scan3A_37 = arith.constant 0 : i32
      %scan3A_38 = arith.constant 624 : i32
      %scan3A_39 = arith.addi %scan3A_37, %scan3A_38 : i32
      %scan3A_40 = arith.constant 1 : i32
      scf.for %scan3A_45 = %scan3A_37 to %scan3A_39 step %scan3A_40  : i32 {
        %mul3A_46 = arith.constant 16 : i32
        %mul3A_47 = arith.muli %scan3A_45, %mul3A_46 : i32
        %add3A_48 = arith.constant 0 : i32
        %add3A_49 = arith.addi %add3A_48, %mul3A_47 : i32
        %get3A = arith.index_cast %add3A_49 : i32 to index
        %get3A_50 = tpu.vector_load %arg10[%get3A] {strides = array<i32>} : memref<10240xf32, #tpu.memory_space<vmem>>, vector<16xf32>,
        %max3A = arith.constant 1.000000e+00 : f32
        %max3A_51 = vector.broadcast %max3A : f32 to vector<16xf32>
        %max3A_52 = arith.maximumf %get3A_50, %max3A_51 : vector<16xf32>
        %div3A = arith.constant 1.000000e+00 : f32
        %div3A_53 = vector.broadcast %div3A : f32 to vector<16xf32>
        %div3A_54 = arith.divf %div3A_53, %max3A_52 : vector<16xf32>
        %swap3A = arith.index_cast %add3A_49 : i32 to index
        %swap3A_55 = tpu.vector_load %arg10[%swap3A] {strides = array<i32>} : memref<10240xf32, #tpu.memory_space<vmem>>, vector<16xf32>,
        tpu.vector_store %arg10[%swap3A], %div3A_54 {strides = array<i32>} : memref<10240xf32, #tpu.memory_space<vmem>>, vector<16xf32>,
      }
      %scan3A_41 = arith.constant 624 : i32
      %mul3A_42 = arith.constant 160000 : i32
      %mul3A_43 = arith.muli %arg0, %mul3A_42 : i32
      %add3A_44 = arith.addi %mul3A_43, %mul3A_36 : i32
      "tpu.region"() ({
        %run_scoped3A = tpu.sem_alloc : memref<!tpu.dma_semaphore, #tpu.memory_space<semaphore_mem>>
        %dma_start3A = arith.constant 0 : i32
        %dma_start3A_45 = tpu.memref_slice %arg10[%dma_start3A] : memref<10240xf32, #tpu.memory_space<vmem>> -> memref<9984xf32, #tpu.memory_space<vmem>>
        %dma_start3A_46 = tpu.memref_slice %arg5[%add3A_44] : memref<320000xf32, #tpu.memory_space<hbm>> -> memref<9984xf32, #tpu.memory_space<hbm>>
        %dma_start3A_47 = tpu.memref_slice %arg5[%add3A_44] : memref<320000xf32, #tpu.memory_space<hbm>> -> memref<9984xf32, #tpu.memory_space<hbm>>
        %dma_start3A_48 = arith.constant 0 : i32
        %dma_start3A_49 = tpu.memref_slice %arg10[%dma_start3A_48] : memref<10240xf32, #tpu.memory_space<vmem>> -> memref<9984xf32, #tpu.memory_space<vmem>>
        tpu.enqueue_dma source(%dma_start3A_49 : memref<9984xf32, #tpu.memory_space<vmem>>) target(%dma_start3A_47 : memref<9984xf32, #tpu.memory_space<hbm>>) target_semaphore(%run_scoped3A : memref<!tpu.dma_semaphore, #tpu.memory_space<semaphore_mem>>)
        %dma_wait3A = arith.constant 0 : i32
        %dma_wait3A_50 = tpu.memref_slice %arg10[%dma_wait3A] : memref<10240xf32, #tpu.memory_space<vmem>> -> memref<9984xf32, #tpu.memory_space<vmem>>
        %dma_wait3A_51 = tpu.memref_slice %arg5[%add3A_44] : memref<320000xf32, #tpu.memory_space<hbm>> -> memref<9984xf32, #tpu.memory_space<hbm>>
        %dma_wait3A_52 = tpu.memref_slice %arg5[%add3A_44] : memref<320000xf32, #tpu.memory_space<hbm>> -> memref<9984xf32, #tpu.memory_space<hbm>>
        %dma_wait3A_53 = arith.constant 0 : i32
        %dma_wait3A_54 = tpu.memref_slice %arg10[%dma_wait3A_53] : memref<10240xf32, #tpu.memory_space<vmem>> -> memref<9984xf32, #tpu.memory_space<vmem>>
        tpu.wait_dma2 semaphore(%run_scoped3A : memref<!tpu.dma_semaphore, #tpu.memory_space<semaphore_mem>>) src(%dma_wait3A_54 : memref<9984xf32, #tpu.memory_space<vmem>>) dst(%dma_wait3A_52 : memref<9984xf32, #tpu.memory_space<hbm>>)
        tpu.yield
      }) : () -> ()
    } else {
    }
    %eq3A_17 = arith.constant 15 : i32
    %eq3A_18 = arith.cmpi eq, %arg1, %eq3A_17 : i32
    %convert_element_type3A_19 = arith.extui %eq3A_18 : i1 to i32
    %cond3A_20 = arith.constant 0 : i32
    %cond3A_21 = arith.cmpi ne, %convert_element_type3A_19, %cond3A_20 : i32
    scf.if %cond3A_21 {
      "tpu.region"() ({
        %run_scoped3A = tpu.sem_alloc : memref<!tpu.dma_semaphore, #tpu.memory_space<semaphore_mem>>
        %dma_start3A = arith.constant 0 : i32
        %dma_start3A_44 = tpu.memref_slice %arg10[%dma_start3A] : memref<10240xf32, #tpu.memory_space<vmem>> -> memref<10240xf32, #tpu.memory_space<vmem>>
        %dma_start3A_45 = arith.constant 149760 : i32
        %dma_start3A_46 = tpu.memref_slice %arg7[%dma_start3A_45] : memref<160000xf32, #tpu.memory_space<vmem_shared>> -> memref<10240xf32, #tpu.memory_space<vmem_shared>>
        %dma_start3A_47 = arith.constant 0 : i32
        %dma_start3A_48 = tpu.memref_slice %arg10[%dma_start3A_47] : memref<10240xf32, #tpu.memory_space<vmem>> -> memref<10240xf32, #tpu.memory_space<vmem>>
        %dma_start3A_49 = arith.constant 149760 : i32
        %dma_start3A_50 = tpu.memref_slice %arg7[%dma_start3A_49] : memref<160000xf32, #tpu.memory_space<vmem_shared>> -> memref<10240xf32, #tpu.memory_space<vmem_shared>>
        tpu.enqueue_dma source(%dma_start3A_50 : memref<10240xf32, #tpu.memory_space<vmem_shared>>) target(%dma_start3A_48 : memref<10240xf32, #tpu.memory_space<vmem>>) target_semaphore(%run_scoped3A : memref<!tpu.dma_semaphore, #tpu.memory_space<semaphore_mem>>)
        %dma_wait3A = arith.constant 0 : i32
        %dma_wait3A_51 = tpu.memref_slice %arg10[%dma_wait3A] : memref<10240xf32, #tpu.memory_space<vmem>> -> memref<10240xf32, #tpu.memory_space<vmem>>
        %dma_wait3A_52 = arith.constant 149760 : i32
        %dma_wait3A_53 = tpu.memref_slice %arg7[%dma_wait3A_52] : memref<160000xf32, #tpu.memory_space<vmem_shared>> -> memref<10240xf32, #tpu.memory_space<vmem_shared>>
        %dma_wait3A_54 = arith.constant 0 : i32
        %dma_wait3A_55 = tpu.memref_slice %arg10[%dma_wait3A_54] : memref<10240xf32, #tpu.memory_space<vmem>> -> memref<10240xf32, #tpu.memory_space<vmem>>
        %dma_wait3A_56 = arith.constant 149760 : i32
        %dma_wait3A_57 = tpu.memref_slice %arg7[%dma_wait3A_56] : memref<160000xf32, #tpu.memory_space<vmem_shared>> -> memref<10240xf32, #tpu.memory_space<vmem_shared>>
        tpu.wait_dma2 semaphore(%run_scoped3A : memref<!tpu.dma_semaphore, #tpu.memory_space<semaphore_mem>>) src(%dma_wait3A_57 : memref<10240xf32, #tpu.memory_space<vmem_shared>>) dst(%dma_wait3A_55 : memref<10240xf32, #tpu.memory_space<vmem>>)
        tpu.yield
      }) : () -> ()
      %scan3A_35 = arith.constant 0 : i32
      %scan3A_36 = arith.constant 640 : i32
      %scan3A_37 = arith.addi %scan3A_35, %scan3A_36 : i32
      %scan3A_38 = arith.constant 1 : i32
      scf.for %scan3A_44 = %scan3A_35 to %scan3A_37 step %scan3A_38  : i32 {
        %mul3A_45 = arith.constant 16 : i32
        %mul3A_46 = arith.muli %scan3A_44, %mul3A_45 : i32
        %add3A_47 = arith.constant 0 : i32
        %add3A_48 = arith.addi %add3A_47, %mul3A_46 : i32
        %get3A = arith.index_cast %add3A_48 : i32 to index
        %get3A_49 = tpu.vector_load %arg10[%get3A] {strides = array<i32>} : memref<10240xf32, #tpu.memory_space<vmem>>, vector<16xf32>,
        %max3A = arith.constant 1.000000e+00 : f32
        %max3A_50 = vector.broadcast %max3A : f32 to vector<16xf32>
        %max3A_51 = arith.maximumf %get3A_49, %max3A_50 : vector<16xf32>
        %div3A = arith.constant 1.000000e+00 : f32
        %div3A_52 = vector.broadcast %div3A : f32 to vector<16xf32>
        %div3A_53 = arith.divf %div3A_52, %max3A_51 : vector<16xf32>
        %swap3A = arith.index_cast %add3A_48 : i32 to index
        %swap3A_54 = tpu.vector_load %arg10[%swap3A] {strides = array<i32>} : memref<10240xf32, #tpu.memory_space<vmem>>, vector<16xf32>,
        tpu.vector_store %arg10[%swap3A], %div3A_53 {strides = array<i32>} : memref<10240xf32, #tpu.memory_space<vmem>>, vector<16xf32>,
      }
      %scan3A_39 = arith.constant 640 : i32
      %mul3A_40 = arith.constant 160000 : i32
      %mul3A_41 = arith.muli %arg0, %mul3A_40 : i32
      %add3A_42 = arith.constant 149760 : i32
      %add3A_43 = arith.addi %mul3A_41, %add3A_42 : i32
      "tpu.region"() ({
        %run_scoped3A = tpu.sem_alloc : memref<!tpu.dma_semaphore, #tpu.memory_space<semaphore_mem>>
        %dma_start3A = arith.constant 0 : i32
        %dma_start3A_44 = tpu.memref_slice %arg10[%dma_start3A] : memref<10240xf32, #tpu.memory_space<vmem>> -> memref<10240xf32, #tpu.memory_space<vmem>>
        %dma_start3A_45 = tpu.memref_slice %arg5[%add3A_43] : memref<320000xf32, #tpu.memory_space<hbm>> -> memref<10240xf32, #tpu.memory_space<hbm>>
        %dma_start3A_46 = tpu.memref_slice %arg5[%add3A_43] : memref<320000xf32, #tpu.memory_space<hbm>> -> memref<10240xf32, #tpu.memory_space<hbm>>
        %dma_start3A_47 = arith.constant 0 : i32
        %dma_start3A_48 = tpu.memref_slice %arg10[%dma_start3A_47] : memref<10240xf32, #tpu.memory_space<vmem>> -> memref<10240xf32, #tpu.memory_space<vmem>>
        tpu.enqueue_dma source(%dma_start3A_48 : memref<10240xf32, #tpu.memory_space<vmem>>) target(%dma_start3A_46 : memref<10240xf32, #tpu.memory_space<hbm>>) target_semaphore(%run_scoped3A : memref<!tpu.dma_semaphore, #tpu.memory_space<semaphore_mem>>)
        %dma_wait3A = arith.constant 0 : i32
        %dma_wait3A_49 = tpu.memref_slice %arg10[%dma_wait3A] : memref<10240xf32, #tpu.memory_space<vmem>> -> memref<10240xf32, #tpu.memory_space<vmem>>
        %dma_wait3A_50 = tpu.memref_slice %arg5[%add3A_43] : memref<320000xf32, #tpu.memory_space<hbm>> -> memref<10240xf32, #tpu.memory_space<hbm>>
        %dma_wait3A_51 = tpu.memref_slice %arg5[%add3A_43] : memref<320000xf32, #tpu.memory_space<hbm>> -> memref<10240xf32, #tpu.memory_space<hbm>>
        %dma_wait3A_52 = arith.constant 0 : i32
        %dma_wait3A_53 = tpu.memref_slice %arg10[%dma_wait3A_52] : memref<10240xf32, #tpu.memory_space<vmem>> -> memref<10240xf32, #tpu.memory_space<vmem>>
        tpu.wait_dma2 semaphore(%run_scoped3A : memref<!tpu.dma_semaphore, #tpu.memory_space<semaphore_mem>>) src(%dma_wait3A_53 : memref<10240xf32, #tpu.memory_space<vmem>>) dst(%dma_wait3A_51 : memref<10240xf32, #tpu.memory_space<hbm>>)
        tpu.yield
      }) : () -> ()
    } else {
    }
    %barrier3A_22 = arith.constant 0 : index
    tpu.barrier barrier_id(%barrier3A_22)
    "tpu.region"() ({
      %run_scoped3A = tpu.sem_alloc : memref<!tpu.dma_semaphore, #tpu.memory_space<semaphore_mem>>
      %dma_start3A = arith.constant 0 : i32
      %dma_start3A_35 = arith.constant 0 : i32
      %dma_start3A_36 = tpu.memref_slice %arg8[%dma_start3A, %dma_start3A_35] : memref<200x100xi32, #tpu.memory_space<vmem>> -> memref<100x100xi32, #tpu.memory_space<vmem>>
      %dma_start3A_37 = arith.constant 0 : i32
      %dma_start3A_38 = arith.constant 0 : i32
      %dma_start3A_39 = tpu.memref_slice %arg3[%add3A, %dma_start3A_37, %dma_start3A_38] : memref<32x100x100xi32, #tpu.memory_space<hbm>> -> memref<1x100x100xi32, #tpu.memory_space<hbm>>
      %dma_start3A_40 = tpu.memref_squeeze %dma_start3A_39 : memref<1x100x100xi32, #tpu.memory_space<hbm>> -> memref<100x100xi32, #tpu.memory_space<hbm>>
      %dma_start3A_41 = arith.constant 0 : i32
      %dma_start3A_42 = arith.constant 0 : i32
      %dma_start3A_43 = tpu.memref_slice %arg8[%dma_start3A_41, %dma_start3A_42] : memref<200x100xi32, #tpu.memory_space<vmem>> -> memref<100x100xi32, #tpu.memory_space<vmem>>
      %dma_start3A_44 = arith.constant 0 : i32
      %dma_start3A_45 = arith.constant 0 : i32
      %dma_start3A_46 = tpu.memref_slice %arg3[%add3A, %dma_start3A_44, %dma_start3A_45] : memref<32x100x100xi32, #tpu.memory_space<hbm>> -> memref<1x100x100xi32, #tpu.memory_space<hbm>>
      %dma_start3A_47 = tpu.memref_squeeze %dma_start3A_46 : memref<1x100x100xi32, #tpu.memory_space<hbm>> -> memref<100x100xi32, #tpu.memory_space<hbm>>
      tpu.enqueue_dma source(%dma_start3A_47 : memref<100x100xi32, #tpu.memory_space<hbm>>) target(%dma_start3A_43 : memref<100x100xi32, #tpu.memory_space<vmem>>) target_semaphore(%run_scoped3A : memref<!tpu.dma_semaphore, #tpu.memory_space<semaphore_mem>>)
      %dma_wait3A = arith.constant 0 : i32
      %dma_wait3A_48 = arith.constant 0 : i32
      %dma_wait3A_49 = tpu.memref_slice %arg8[%dma_wait3A, %dma_wait3A_48] : memref<200x100xi32, #tpu.memory_space<vmem>> -> memref<100x100xi32, #tpu.memory_space<vmem>>
      %dma_wait3A_50 = arith.constant 0 : i32
      %dma_wait3A_51 = arith.constant 0 : i32
      %dma_wait3A_52 = tpu.memref_slice %arg3[%add3A, %dma_wait3A_50, %dma_wait3A_51] : memref<32x100x100xi32, #tpu.memory_space<hbm>> -> memref<1x100x100xi32, #tpu.memory_space<hbm>>
      %dma_wait3A_53 = tpu.memref_squeeze %dma_wait3A_52 : memref<1x100x100xi32, #tpu.memory_space<hbm>> -> memref<100x100xi32, #tpu.memory_space<hbm>>
      %dma_wait3A_54 = arith.constant 0 : i32
      %dma_wait3A_55 = arith.constant 0 : i32
      %dma_wait3A_56 = tpu.memref_slice %arg8[%dma_wait3A_54, %dma_wait3A_55] : memref<200x100xi32, #tpu.memory_space<vmem>> -> memref<100x100xi32, #tpu.memory_space<vmem>>
      %dma_wait3A_57 = arith.constant 0 : i32
      %dma_wait3A_58 = arith.constant 0 : i32
      %dma_wait3A_59 = tpu.memref_slice %arg3[%add3A, %dma_wait3A_57, %dma_wait3A_58] : memref<32x100x100xi32, #tpu.memory_space<hbm>> -> memref<1x100x100xi32, #tpu.memory_space<hbm>>
      %dma_wait3A_60 = tpu.memref_squeeze %dma_wait3A_59 : memref<1x100x100xi32, #tpu.memory_space<hbm>> -> memref<100x100xi32, #tpu.memory_space<hbm>>
      tpu.wait_dma2 semaphore(%run_scoped3A : memref<!tpu.dma_semaphore, #tpu.memory_space<semaphore_mem>>) src(%dma_wait3A_60 : memref<100x100xi32, #tpu.memory_space<hbm>>) dst(%dma_wait3A_56 : memref<100x100xi32, #tpu.memory_space<vmem>>)
      tpu.yield
    }) : () -> ()
    %mul3A_23 = arith.constant 160000 : i32
    %mul3A_24 = arith.muli %arg0, %mul3A_23 : i32
    %broadcast_in_dim3A = vector.broadcast %mul3A_24 : i32 to vector<16xi32>
    %scan3A_25 = arith.constant 0 : i32
    %scan3A_26 = arith.constant 100 : i32
    %scan3A_27 = arith.addi %scan3A_25, %scan3A_26 : i32
    %scan3A_28 = arith.constant 1 : i32
    scf.for %scan3A_35 = %scan3A_25 to %scan3A_27 step %scan3A_28  : i32 {
      %mul3A_36 = arith.constant 1 : i32
      %mul3A_37 = arith.muli %scan3A_35, %mul3A_36 : i32
      %add3A_38 = arith.constant 0 : i32
      %add3A_39 = arith.addi %add3A_38, %mul3A_37 : i32
      %scan3A_40 = arith.constant 0 : i32
      %scan3A_41 = arith.constant 7 : i32
      %scan3A_42 = arith.addi %scan3A_40, %scan3A_41 : i32
      %scan3A_43 = arith.constant 1 : i32
      scf.for %scan3A_45 = %scan3A_40 to %scan3A_42 step %scan3A_43  : i32 {
        %mul3A_46 = arith.constant 16 : i32
        %mul3A_47 = arith.muli %scan3A_45, %mul3A_46 : i32
        %add3A_48 = arith.constant 0 : i32
        %add3A_49 = arith.addi %add3A_48, %mul3A_47 : i32
        %get3A = arith.index_cast %add3A_39 : i32 to index
        %get3A_50 = arith.index_cast %add3A_49 : i32 to index
        %get3A_51 = tpu.vector_load %arg8[%get3A, %get3A_50] {strides = array<i32>} : memref<200x100xi32, #tpu.memory_space<vmem>>, vector<16xi32>,
        %add3A_52 = arith.addi %get3A_51, %broadcast_in_dim3A : vector<16xi32>
        %swap3A = arith.index_cast %add3A_39 : i32 to index
        %swap3A_53 = arith.index_cast %add3A_49 : i32 to index
        %swap3A_54 = tpu.vector_load %arg8[%swap3A, %swap3A_53] {strides = array<i32>} : memref<200x100xi32, #tpu.memory_space<vmem>>, vector<16xi32>,
        tpu.vector_store %arg8[%swap3A, %swap3A_53], %add3A_52 {strides = array<i32>} : memref<200x100xi32, #tpu.memory_space<vmem>>, vector<16xi32>,
      }
      %scan3A_44 = arith.constant 7 : i32
    }
    %scan3A_29 = arith.constant 100 : i32
    %scan3A_30 = arith.constant 0 : i32
    %scan3A_31 = arith.constant 10 : i32
    %scan3A_32 = arith.addi %scan3A_30, %scan3A_31 : i32
    %scan3A_33 = arith.constant 1 : i32
    scf.for %scan3A_35 = %scan3A_30 to %scan3A_32 step %scan3A_33  : i32 {
      %mul3A_36 = arith.constant 10 : i32
      %mul3A_37 = arith.muli %scan3A_35, %mul3A_36 : i32
      %add3A_38 = arith.constant 0 : i32
      %add3A_39 = arith.addi %add3A_38, %mul3A_37 : i32
      %add3A_40 = arith.constant 0 : i32
      %add3A_41 = arith.addi %add3A_39, %add3A_40 : i32
      %add3A_42 = arith.constant 0 : i32
      %add3A_43 = arith.addi %add3A_39, %add3A_42 : i32
      %dma_start3A = arith.constant 0 : i32
      %dma_start3A_44 = tpu.memref_slice %arg11[%add3A_43, %dma_start3A] : memref<100x100xf32, #tpu.memory_space<vmem>> -> memref<1x100xf32, #tpu.memory_space<vmem>>
      %dma_start3A_45 = tpu.memref_squeeze %dma_start3A_44 : memref<1x100xf32, #tpu.memory_space<vmem>> -> memref<100xf32, #tpu.memory_space<vmem>>
      %dma_start3A_46 = arith.constant 0 : i32
      %dma_start3A_47 = tpu.memref_slice %arg8[%add3A_41, %dma_start3A_46] : memref<200x100xi32, #tpu.memory_space<vmem>> -> memref<1x100xi32, #tpu.memory_space<vmem>>
      %dma_start3A_48 = tpu.memref_squeeze %dma_start3A_47 : memref<1x100xi32, #tpu.memory_space<vmem>> -> memref<100xi32, #tpu.memory_space<vmem>>
      %dma_start3A_49 = arith.constant 0 : i32
      %dma_start3A_50 = tpu.memref_slice %arg5[%dma_start3A_49] : memref<320000xf32, #tpu.memory_space<hbm>> -> memref<320000xf32, #tpu.memory_space<hbm>>
      tpu.enqueue_indirect_dma source(%dma_start3A_50 : memref<320000xf32, #tpu.memory_space<hbm>>) target(%dma_start3A_45 : memref<100xf32, #tpu.memory_space<vmem>>) offsets(%dma_start3A_48 : memref<100xi32, #tpu.memory_space<vmem>>) semaphore(%arg12 : memref<!tpu.dma_semaphore, #tpu.memory_space<semaphore_mem>>)
      %add3A_51 = arith.constant 1 : i32
      %add3A_52 = arith.addi %add3A_39, %add3A_51 : i32
      %add3A_53 = arith.constant 1 : i32
      %add3A_54 = arith.addi %add3A_39, %add3A_53 : i32
      %dma_start3A_55 = arith.constant 0 : i32
      %dma_start3A_56 = tpu.memref_slice %arg11[%add3A_54, %dma_start3A_55] : memref<100x100xf32, #tpu.memory_space<vmem>> -> memref<1x100xf32, #tpu.memory_space<vmem>>
      %dma_start3A_57 = tpu.memref_squeeze %dma_start3A_56 : memref<1x100xf32, #tpu.memory_space<vmem>> -> memref<100xf32, #tpu.memory_space<vmem>>
      %dma_start3A_58 = arith.constant 0 : i32
      %dma_start3A_59 = tpu.memref_slice %arg8[%add3A_52, %dma_start3A_58] : memref<200x100xi32, #tpu.memory_space<vmem>> -> memref<1x100xi32, #tpu.memory_space<vmem>>
      %dma_start3A_60 = tpu.memref_squeeze %dma_start3A_59 : memref<1x100xi32, #tpu.memory_space<vmem>> -> memref<100xi32, #tpu.memory_space<vmem>>
      %dma_start3A_61 = arith.constant 0 : i32
      %dma_start3A_62 = tpu.memref_slice %arg5[%dma_start3A_61] : memref<320000xf32, #tpu.memory_space<hbm>> -> memref<320000xf32, #tpu.memory_space<hbm>>
      tpu.enqueue_indirect_dma source(%dma_start3A_62 : memref<320000xf32, #tpu.memory_space<hbm>>) target(%dma_start3A_57 : memref<100xf32, #tpu.memory_space<vmem>>) offsets(%dma_start3A_60 : memref<100xi32, #tpu.memory_space<vmem>>) semaphore(%arg12 : memref<!tpu.dma_semaphore, #tpu.memory_space<semaphore_mem>>)
      %add3A_63 = arith.constant 2 : i32
      %add3A_64 = arith.addi %add3A_39, %add3A_63 : i32
      %add3A_65 = arith.constant 2 : i32
      %add3A_66 = arith.addi %add3A_39, %add3A_65 : i32
      %dma_start3A_67 = arith.constant 0 : i32
      %dma_start3A_68 = tpu.memref_slice %arg11[%add3A_66, %dma_start3A_67] : memref<100x100xf32, #tpu.memory_space<vmem>> -> memref<1x100xf32, #tpu.memory_space<vmem>>
      %dma_start3A_69 = tpu.memref_squeeze %dma_start3A_68 : memref<1x100xf32, #tpu.memory_space<vmem>> -> memref<100xf32, #tpu.memory_space<vmem>>
      %dma_start3A_70 = arith.constant 0 : i32
      %dma_start3A_71 = tpu.memref_slice %arg8[%add3A_64, %dma_start3A_70] : memref<200x100xi32, #tpu.memory_space<vmem>> -> memref<1x100xi32, #tpu.memory_space<vmem>>
      %dma_start3A_72 = tpu.memref_squeeze %dma_start3A_71 : memref<1x100xi32, #tpu.memory_space<vmem>> -> memref<100xi32, #tpu.memory_space<vmem>>
      %dma_start3A_73 = arith.constant 0 : i32
      %dma_start3A_74 = tpu.memref_slice %arg5[%dma_start3A_73] : memref<320000xf32, #tpu.memory_space<hbm>> -> memref<320000xf32, #tpu.memory_space<hbm>>
      tpu.enqueue_indirect_dma source(%dma_start3A_74 : memref<320000xf32, #tpu.memory_space<hbm>>) target(%dma_start3A_69 : memref<100xf32, #tpu.memory_space<vmem>>) offsets(%dma_start3A_72 : memref<100xi32, #tpu.memory_space<vmem>>) semaphore(%arg12 : memref<!tpu.dma_semaphore, #tpu.memory_space<semaphore_mem>>)
      %add3A_75 = arith.constant 3 : i32
      %add3A_76 = arith.addi %add3A_39, %add3A_75 : i32
      %add3A_77 = arith.constant 3 : i32
      %add3A_78 = arith.addi %add3A_39, %add3A_77 : i32
      %dma_start3A_79 = arith.constant 0 : i32
      %dma_start3A_80 = tpu.memref_slice %arg11[%add3A_78, %dma_start3A_79] : memref<100x100xf32, #tpu.memory_space<vmem>> -> memref<1x100xf32, #tpu.memory_space<vmem>>
      %dma_start3A_81 = tpu.memref_squeeze %dma_start3A_80 : memref<1x100xf32, #tpu.memory_space<vmem>> -> memref<100xf32, #tpu.memory_space<vmem>>
      %dma_start3A_82 = arith.constant 0 : i32
      %dma_start3A_83 = tpu.memref_slice %arg8[%add3A_76, %dma_start3A_82] : memref<200x100xi32, #tpu.memory_space<vmem>> -> memref<1x100xi32, #tpu.memory_space<vmem>>
      %dma_start3A_84 = tpu.memref_squeeze %dma_start3A_83 : memref<1x100xi32, #tpu.memory_space<vmem>> -> memref<100xi32, #tpu.memory_space<vmem>>
      %dma_start3A_85 = arith.constant 0 : i32
      %dma_start3A_86 = tpu.memref_slice %arg5[%dma_start3A_85] : memref<320000xf32, #tpu.memory_space<hbm>> -> memref<320000xf32, #tpu.memory_space<hbm>>
      tpu.enqueue_indirect_dma source(%dma_start3A_86 : memref<320000xf32, #tpu.memory_space<hbm>>) target(%dma_start3A_81 : memref<100xf32, #tpu.memory_space<vmem>>) offsets(%dma_start3A_84 : memref<100xi32, #tpu.memory_space<vmem>>) semaphore(%arg12 : memref<!tpu.dma_semaphore, #tpu.memory_space<semaphore_mem>>)
      %add3A_87 = arith.constant 4 : i32
      %add3A_88 = arith.addi %add3A_39, %add3A_87 : i32
      %add3A_89 = arith.constant 4 : i32
      %add3A_90 = arith.addi %add3A_39, %add3A_89 : i32
      %dma_start3A_91 = arith.constant 0 : i32
      %dma_start3A_92 = tpu.memref_slice %arg11[%add3A_90, %dma_start3A_91] : memref<100x100xf32, #tpu.memory_space<vmem>> -> memref<1x100xf32, #tpu.memory_space<vmem>>
      %dma_start3A_93 = tpu.memref_squeeze %dma_start3A_92 : memref<1x100xf32, #tpu.memory_space<vmem>> -> memref<100xf32, #tpu.memory_space<vmem>>
      %dma_start3A_94 = arith.constant 0 : i32
      %dma_start3A_95 = tpu.memref_slice %arg8[%add3A_88, %dma_start3A_94] : memref<200x100xi32, #tpu.memory_space<vmem>> -> memref<1x100xi32, #tpu.memory_space<vmem>>
      %dma_start3A_96 = tpu.memref_squeeze %dma_start3A_95 : memref<1x100xi32, #tpu.memory_space<vmem>> -> memref<100xi32, #tpu.memory_space<vmem>>
      %dma_start3A_97 = arith.constant 0 : i32
      %dma_start3A_98 = tpu.memref_slice %arg5[%dma_start3A_97] : memref<320000xf32, #tpu.memory_space<hbm>> -> memref<320000xf32, #tpu.memory_space<hbm>>
      tpu.enqueue_indirect_dma source(%dma_start3A_98 : memref<320000xf32, #tpu.memory_space<hbm>>) target(%dma_start3A_93 : memref<100xf32, #tpu.memory_space<vmem>>) offsets(%dma_start3A_96 : memref<100xi32, #tpu.memory_space<vmem>>) semaphore(%arg12 : memref<!tpu.dma_semaphore, #tpu.memory_space<semaphore_mem>>)
      %add3A_99 = arith.constant 5 : i32
      %add3A_100 = arith.addi %add3A_39, %add3A_99 : i32
      %add3A_101 = arith.constant 5 : i32
      %add3A_102 = arith.addi %add3A_39, %add3A_101 : i32
      %dma_start3A_103 = arith.constant 0 : i32
      %dma_start3A_104 = tpu.memref_slice %arg11[%add3A_102, %dma_start3A_103] : memref<100x100xf32, #tpu.memory_space<vmem>> -> memref<1x100xf32, #tpu.memory_space<vmem>>
      %dma_start3A_105 = tpu.memref_squeeze %dma_start3A_104 : memref<1x100xf32, #tpu.memory_space<vmem>> -> memref<100xf32, #tpu.memory_space<vmem>>
      %dma_start3A_106 = arith.constant 0 : i32
      %dma_start3A_107 = tpu.memref_slice %arg8[%add3A_100, %dma_start3A_106] : memref<200x100xi32, #tpu.memory_space<vmem>> -> memref<1x100xi32, #tpu.memory_space<vmem>>
      %dma_start3A_108 = tpu.memref_squeeze %dma_start3A_107 : memref<1x100xi32, #tpu.memory_space<vmem>> -> memref<100xi32, #tpu.memory_space<vmem>>
      %dma_start3A_109 = arith.constant 0 : i32
      %dma_start3A_110 = tpu.memref_slice %arg5[%dma_start3A_109] : memref<320000xf32, #tpu.memory_space<hbm>> -> memref<320000xf32, #tpu.memory_space<hbm>>
      tpu.enqueue_indirect_dma source(%dma_start3A_110 : memref<320000xf32, #tpu.memory_space<hbm>>) target(%dma_start3A_105 : memref<100xf32, #tpu.memory_space<vmem>>) offsets(%dma_start3A_108 : memref<100xi32, #tpu.memory_space<vmem>>) semaphore(%arg12 : memref<!tpu.dma_semaphore, #tpu.memory_space<semaphore_mem>>)
      %add3A_111 = arith.constant 6 : i32
      %add3A_112 = arith.addi %add3A_39, %add3A_111 : i32
      %add3A_113 = arith.constant 6 : i32
      %add3A_114 = arith.addi %add3A_39, %add3A_113 : i32
      %dma_start3A_115 = arith.constant 0 : i32
      %dma_start3A_116 = tpu.memref_slice %arg11[%add3A_114, %dma_start3A_115] : memref<100x100xf32, #tpu.memory_space<vmem>> -> memref<1x100xf32, #tpu.memory_space<vmem>>
      %dma_start3A_117 = tpu.memref_squeeze %dma_start3A_116 : memref<1x100xf32, #tpu.memory_space<vmem>> -> memref<100xf32, #tpu.memory_space<vmem>>
      %dma_start3A_118 = arith.constant 0 : i32
      %dma_start3A_119 = tpu.memref_slice %arg8[%add3A_112, %dma_start3A_118] : memref<200x100xi32, #tpu.memory_space<vmem>> -> memref<1x100xi32, #tpu.memory_space<vmem>>
      %dma_start3A_120 = tpu.memref_squeeze %dma_start3A_119 : memref<1x100xi32, #tpu.memory_space<vmem>> -> memref<100xi32, #tpu.memory_space<vmem>>
      %dma_start3A_121 = arith.constant 0 : i32
      %dma_start3A_122 = tpu.memref_slice %arg5[%dma_start3A_121] : memref<320000xf32, #tpu.memory_space<hbm>> -> memref<320000xf32, #tpu.memory_space<hbm>>
      tpu.enqueue_indirect_dma source(%dma_start3A_122 : memref<320000xf32, #tpu.memory_space<hbm>>) target(%dma_start3A_117 : memref<100xf32, #tpu.memory_space<vmem>>) offsets(%dma_start3A_120 : memref<100xi32, #tpu.memory_space<vmem>>) semaphore(%arg12 : memref<!tpu.dma_semaphore, #tpu.memory_space<semaphore_mem>>)
      %add3A_123 = arith.constant 7 : i32
      %add3A_124 = arith.addi %add3A_39, %add3A_123 : i32
      %add3A_125 = arith.constant 7 : i32
      %add3A_126 = arith.addi %add3A_39, %add3A_125 : i32
      %dma_start3A_127 = arith.constant 0 : i32
      %dma_start3A_128 = tpu.memref_slice %arg11[%add3A_126, %dma_start3A_127] : memref<100x100xf32, #tpu.memory_space<vmem>> -> memref<1x100xf32, #tpu.memory_space<vmem>>
      %dma_start3A_129 = tpu.memref_squeeze %dma_start3A_128 : memref<1x100xf32, #tpu.memory_space<vmem>> -> memref<100xf32, #tpu.memory_space<vmem>>
      %dma_start3A_130 = arith.constant 0 : i32
      %dma_start3A_131 = tpu.memref_slice %arg8[%add3A_124, %dma_start3A_130] : memref<200x100xi32, #tpu.memory_space<vmem>> -> memref<1x100xi32, #tpu.memory_space<vmem>>
      %dma_start3A_132 = tpu.memref_squeeze %dma_start3A_131 : memref<1x100xi32, #tpu.memory_space<vmem>> -> memref<100xi32, #tpu.memory_space<vmem>>
      %dma_start3A_133 = arith.constant 0 : i32
      %dma_start3A_134 = tpu.memref_slice %arg5[%dma_start3A_133] : memref<320000xf32, #tpu.memory_space<hbm>> -> memref<320000xf32, #tpu.memory_space<hbm>>
      tpu.enqueue_indirect_dma source(%dma_start3A_134 : memref<320000xf32, #tpu.memory_space<hbm>>) target(%dma_start3A_129 : memref<100xf32, #tpu.memory_space<vmem>>) offsets(%dma_start3A_132 : memref<100xi32, #tpu.memory_space<vmem>>) semaphore(%arg12 : memref<!tpu.dma_semaphore, #tpu.memory_space<semaphore_mem>>)
      %add3A_135 = arith.constant 8 : i32
      %add3A_136 = arith.addi %add3A_39, %add3A_135 : i32
      %add3A_137 = arith.constant 8 : i32
      %add3A_138 = arith.addi %add3A_39, %add3A_137 : i32
      %dma_start3A_139 = arith.constant 0 : i32
      %dma_start3A_140 = tpu.memref_slice %arg11[%add3A_138, %dma_start3A_139] : memref<100x100xf32, #tpu.memory_space<vmem>> -> memref<1x100xf32, #tpu.memory_space<vmem>>
      %dma_start3A_141 = tpu.memref_squeeze %dma_start3A_140 : memref<1x100xf32, #tpu.memory_space<vmem>> -> memref<100xf32, #tpu.memory_space<vmem>>
      %dma_start3A_142 = arith.constant 0 : i32
      %dma_start3A_143 = tpu.memref_slice %arg8[%add3A_136, %dma_start3A_142] : memref<200x100xi32, #tpu.memory_space<vmem>> -> memref<1x100xi32, #tpu.memory_space<vmem>>
      %dma_start3A_144 = tpu.memref_squeeze %dma_start3A_143 : memref<1x100xi32, #tpu.memory_space<vmem>> -> memref<100xi32, #tpu.memory_space<vmem>>
      %dma_start3A_145 = arith.constant 0 : i32
      %dma_start3A_146 = tpu.memref_slice %arg5[%dma_start3A_145] : memref<320000xf32, #tpu.memory_space<hbm>> -> memref<320000xf32, #tpu.memory_space<hbm>>
      tpu.enqueue_indirect_dma source(%dma_start3A_146 : memref<320000xf32, #tpu.memory_space<hbm>>) target(%dma_start3A_141 : memref<100xf32, #tpu.memory_space<vmem>>) offsets(%dma_start3A_144 : memref<100xi32, #tpu.memory_space<vmem>>) semaphore(%arg12 : memref<!tpu.dma_semaphore, #tpu.memory_space<semaphore_mem>>)
      %add3A_147 = arith.constant 9 : i32
      %add3A_148 = arith.addi %add3A_39, %add3A_147 : i32
      %add3A_149 = arith.constant 9 : i32
      %add3A_150 = arith.addi %add3A_39, %add3A_149 : i32
      %dma_start3A_151 = arith.constant 0 : i32
      %dma_start3A_152 = tpu.memref_slice %arg11[%add3A_150, %dma_start3A_151] : memref<100x100xf32, #tpu.memory_space<vmem>> -> memref<1x100xf32, #tpu.memory_space<vmem>>
      %dma_start3A_153 = tpu.memref_squeeze %dma_start3A_152 : memref<1x100xf32, #tpu.memory_space<vmem>> -> memref<100xf32, #tpu.memory_space<vmem>>
      %dma_start3A_154 = arith.constant 0 : i32
      %dma_start3A_155 = tpu.memref_slice %arg8[%add3A_148, %dma_start3A_154] : memref<200x100xi32, #tpu.memory_space<vmem>> -> memref<1x100xi32, #tpu.memory_space<vmem>>
      %dma_start3A_156 = tpu.memref_squeeze %dma_start3A_155 : memref<1x100xi32, #tpu.memory_space<vmem>> -> memref<100xi32, #tpu.memory_space<vmem>>
      %dma_start3A_157 = arith.constant 0 : i32
      %dma_start3A_158 = tpu.memref_slice %arg5[%dma_start3A_157] : memref<320000xf32, #tpu.memory_space<hbm>> -> memref<320000xf32, #tpu.memory_space<hbm>>
      tpu.enqueue_indirect_dma source(%dma_start3A_158 : memref<320000xf32, #tpu.memory_space<hbm>>) target(%dma_start3A_153 : memref<100xf32, #tpu.memory_space<vmem>>) offsets(%dma_start3A_156 : memref<100xi32, #tpu.memory_space<vmem>>) semaphore(%arg12 : memref<!tpu.dma_semaphore, #tpu.memory_space<semaphore_mem>>)
      %add3A_159 = arith.constant 0 : i32
      %add3A_160 = arith.addi %add3A_39, %add3A_159 : i32
      %add3A_161 = arith.constant 0 : i32
      %add3A_162 = arith.addi %add3A_39, %add3A_161 : i32
      %dma_wait3A = arith.constant 0 : i32
      %dma_wait3A_163 = tpu.memref_slice %arg11[%add3A_162, %dma_wait3A] : memref<100x100xf32, #tpu.memory_space<vmem>> -> memref<1x100xf32, #tpu.memory_space<vmem>>
      %dma_wait3A_164 = tpu.memref_squeeze %dma_wait3A_163 : memref<1x100xf32, #tpu.memory_space<vmem>> -> memref<100xf32, #tpu.memory_space<vmem>>
      %dma_wait3A_165 = arith.constant 0 : i32
      %dma_wait3A_166 = tpu.memref_slice %arg8[%add3A_160, %dma_wait3A_165] : memref<200x100xi32, #tpu.memory_space<vmem>> -> memref<1x100xi32, #tpu.memory_space<vmem>>
      %dma_wait3A_167 = tpu.memref_squeeze %dma_wait3A_166 : memref<1x100xi32, #tpu.memory_space<vmem>> -> memref<100xi32, #tpu.memory_space<vmem>>
      %dma_wait3A_168 = arith.constant 0 : i32
      %dma_wait3A_169 = tpu.memref_slice %arg5[%dma_wait3A_168] : memref<320000xf32, #tpu.memory_space<hbm>> -> memref<320000xf32, #tpu.memory_space<hbm>>
      tpu.wait_indirect_dma semaphore(%arg12 : memref<!tpu.dma_semaphore, #tpu.memory_space<semaphore_mem>>) src(%dma_wait3A_169 : memref<320000xf32, #tpu.memory_space<hbm>>) dst(%dma_wait3A_164 : memref<100xf32, #tpu.memory_space<vmem>>)
      %add3A_170 = arith.constant 1 : i32
      %add3A_171 = arith.addi %add3A_39, %add3A_170 : i32
      %add3A_172 = arith.constant 1 : i32
      %add3A_173 = arith.addi %add3A_39, %add3A_172 : i32
      %dma_wait3A_174 = arith.constant 0 : i32
      %dma_wait3A_175 = tpu.memref_slice %arg11[%add3A_173, %dma_wait3A_174] : memref<100x100xf32, #tpu.memory_space<vmem>> -> memref<1x100xf32, #tpu.memory_space<vmem>>
      %dma_wait3A_176 = tpu.memref_squeeze %dma_wait3A_175 : memref<1x100xf32, #tpu.memory_space<vmem>> -> memref<100xf32, #tpu.memory_space<vmem>>
      %dma_wait3A_177 = arith.constant 0 : i32
      %dma_wait3A_178 = tpu.memref_slice %arg8[%add3A_171, %dma_wait3A_177] : memref<200x100xi32, #tpu.memory_space<vmem>> -> memref<1x100xi32, #tpu.memory_space<vmem>>
      %dma_wait3A_179 = tpu.memref_squeeze %dma_wait3A_178 : memref<1x100xi32, #tpu.memory_space<vmem>> -> memref<100xi32, #tpu.memory_space<vmem>>
      %dma_wait3A_180 = arith.constant 0 : i32
      %dma_wait3A_181 = tpu.memref_slice %arg5[%dma_wait3A_180] : memref<320000xf32, #tpu.memory_space<hbm>> -> memref<320000xf32, #tpu.memory_space<hbm>>
      tpu.wait_indirect_dma semaphore(%arg12 : memref<!tpu.dma_semaphore, #tpu.memory_space<semaphore_mem>>) src(%dma_wait3A_181 : memref<320000xf32, #tpu.memory_space<hbm>>) dst(%dma_wait3A_176 : memref<100xf32, #tpu.memory_space<vmem>>)
      %add3A_182 = arith.constant 2 : i32
      %add3A_183 = arith.addi %add3A_39, %add3A_182 : i32
      %add3A_184 = arith.constant 2 : i32
      %add3A_185 = arith.addi %add3A_39, %add3A_184 : i32
      %dma_wait3A_186 = arith.constant 0 : i32
      %dma_wait3A_187 = tpu.memref_slice %arg11[%add3A_185, %dma_wait3A_186] : memref<100x100xf32, #tpu.memory_space<vmem>> -> memref<1x100xf32, #tpu.memory_space<vmem>>
      %dma_wait3A_188 = tpu.memref_squeeze %dma_wait3A_187 : memref<1x100xf32, #tpu.memory_space<vmem>> -> memref<100xf32, #tpu.memory_space<vmem>>
      %dma_wait3A_189 = arith.constant 0 : i32
      %dma_wait3A_190 = tpu.memref_slice %arg8[%add3A_183, %dma_wait3A_189] : memref<200x100xi32, #tpu.memory_space<vmem>> -> memref<1x100xi32, #tpu.memory_space<vmem>>
      %dma_wait3A_191 = tpu.memref_squeeze %dma_wait3A_190 : memref<1x100xi32, #tpu.memory_space<vmem>> -> memref<100xi32, #tpu.memory_space<vmem>>
      %dma_wait3A_192 = arith.constant 0 : i32
      %dma_wait3A_193 = tpu.memref_slice %arg5[%dma_wait3A_192] : memref<320000xf32, #tpu.memory_space<hbm>> -> memref<320000xf32, #tpu.memory_space<hbm>>
      tpu.wait_indirect_dma semaphore(%arg12 : memref<!tpu.dma_semaphore, #tpu.memory_space<semaphore_mem>>) src(%dma_wait3A_193 : memref<320000xf32, #tpu.memory_space<hbm>>) dst(%dma_wait3A_188 : memref<100xf32, #tpu.memory_space<vmem>>)
      %add3A_194 = arith.constant 3 : i32
      %add3A_195 = arith.addi %add3A_39, %add3A_194 : i32
      %add3A_196 = arith.constant 3 : i32
      %add3A_197 = arith.addi %add3A_39, %add3A_196 : i32
      %dma_wait3A_198 = arith.constant 0 : i32
      %dma_wait3A_199 = tpu.memref_slice %arg11[%add3A_197, %dma_wait3A_198] : memref<100x100xf32, #tpu.memory_space<vmem>> -> memref<1x100xf32, #tpu.memory_space<vmem>>
      %dma_wait3A_200 = tpu.memref_squeeze %dma_wait3A_199 : memref<1x100xf32, #tpu.memory_space<vmem>> -> memref<100xf32, #tpu.memory_space<vmem>>
      %dma_wait3A_201 = arith.constant 0 : i32
      %dma_wait3A_202 = tpu.memref_slice %arg8[%add3A_195, %dma_wait3A_201] : memref<200x100xi32, #tpu.memory_space<vmem>> -> memref<1x100xi32, #tpu.memory_space<vmem>>
      %dma_wait3A_203 = tpu.memref_squeeze %dma_wait3A_202 : memref<1x100xi32, #tpu.memory_space<vmem>> -> memref<100xi32, #tpu.memory_space<vmem>>
      %dma_wait3A_204 = arith.constant 0 : i32
      %dma_wait3A_205 = tpu.memref_slice %arg5[%dma_wait3A_204] : memref<320000xf32, #tpu.memory_space<hbm>> -> memref<320000xf32, #tpu.memory_space<hbm>>
      tpu.wait_indirect_dma semaphore(%arg12 : memref<!tpu.dma_semaphore, #tpu.memory_space<semaphore_mem>>) src(%dma_wait3A_205 : memref<320000xf32, #tpu.memory_space<hbm>>) dst(%dma_wait3A_200 : memref<100xf32, #tpu.memory_space<vmem>>)
      %add3A_206 = arith.constant 4 : i32
      %add3A_207 = arith.addi %add3A_39, %add3A_206 : i32
      %add3A_208 = arith.constant 4 : i32
      %add3A_209 = arith.addi %add3A_39, %add3A_208 : i32
      %dma_wait3A_210 = arith.constant 0 : i32
      %dma_wait3A_211 = tpu.memref_slice %arg11[%add3A_209, %dma_wait3A_210] : memref<100x100xf32, #tpu.memory_space<vmem>> -> memref<1x100xf32, #tpu.memory_space<vmem>>
      %dma_wait3A_212 = tpu.memref_squeeze %dma_wait3A_211 : memref<1x100xf32, #tpu.memory_space<vmem>> -> memref<100xf32, #tpu.memory_space<vmem>>
      %dma_wait3A_213 = arith.constant 0 : i32
      %dma_wait3A_214 = tpu.memref_slice %arg8[%add3A_207, %dma_wait3A_213] : memref<200x100xi32, #tpu.memory_space<vmem>> -> memref<1x100xi32, #tpu.memory_space<vmem>>
      %dma_wait3A_215 = tpu.memref_squeeze %dma_wait3A_214 : memref<1x100xi32, #tpu.memory_space<vmem>> -> memref<100xi32, #tpu.memory_space<vmem>>
      %dma_wait3A_216 = arith.constant 0 : i32
      %dma_wait3A_217 = tpu.memref_slice %arg5[%dma_wait3A_216] : memref<320000xf32, #tpu.memory_space<hbm>> -> memref<320000xf32, #tpu.memory_space<hbm>>
      tpu.wait_indirect_dma semaphore(%arg12 : memref<!tpu.dma_semaphore, #tpu.memory_space<semaphore_mem>>) src(%dma_wait3A_217 : memref<320000xf32, #tpu.memory_space<hbm>>) dst(%dma_wait3A_212 : memref<100xf32, #tpu.memory_space<vmem>>)
      %add3A_218 = arith.constant 5 : i32
      %add3A_219 = arith.addi %add3A_39, %add3A_218 : i32
      %add3A_220 = arith.constant 5 : i32
      %add3A_221 = arith.addi %add3A_39, %add3A_220 : i32
      %dma_wait3A_222 = arith.constant 0 : i32
      %dma_wait3A_223 = tpu.memref_slice %arg11[%add3A_221, %dma_wait3A_222] : memref<100x100xf32, #tpu.memory_space<vmem>> -> memref<1x100xf32, #tpu.memory_space<vmem>>
      %dma_wait3A_224 = tpu.memref_squeeze %dma_wait3A_223 : memref<1x100xf32, #tpu.memory_space<vmem>> -> memref<100xf32, #tpu.memory_space<vmem>>
      %dma_wait3A_225 = arith.constant 0 : i32
      %dma_wait3A_226 = tpu.memref_slice %arg8[%add3A_219, %dma_wait3A_225] : memref<200x100xi32, #tpu.memory_space<vmem>> -> memref<1x100xi32, #tpu.memory_space<vmem>>
      %dma_wait3A_227 = tpu.memref_squeeze %dma_wait3A_226 : memref<1x100xi32, #tpu.memory_space<vmem>> -> memref<100xi32, #tpu.memory_space<vmem>>
      %dma_wait3A_228 = arith.constant 0 : i32
      %dma_wait3A_229 = tpu.memref_slice %arg5[%dma_wait3A_228] : memref<320000xf32, #tpu.memory_space<hbm>> -> memref<320000xf32, #tpu.memory_space<hbm>>
      tpu.wait_indirect_dma semaphore(%arg12 : memref<!tpu.dma_semaphore, #tpu.memory_space<semaphore_mem>>) src(%dma_wait3A_229 : memref<320000xf32, #tpu.memory_space<hbm>>) dst(%dma_wait3A_224 : memref<100xf32, #tpu.memory_space<vmem>>)
      %add3A_230 = arith.constant 6 : i32
      %add3A_231 = arith.addi %add3A_39, %add3A_230 : i32
      %add3A_232 = arith.constant 6 : i32
      %add3A_233 = arith.addi %add3A_39, %add3A_232 : i32
      %dma_wait3A_234 = arith.constant 0 : i32
      %dma_wait3A_235 = tpu.memref_slice %arg11[%add3A_233, %dma_wait3A_234] : memref<100x100xf32, #tpu.memory_space<vmem>> -> memref<1x100xf32, #tpu.memory_space<vmem>>
      %dma_wait3A_236 = tpu.memref_squeeze %dma_wait3A_235 : memref<1x100xf32, #tpu.memory_space<vmem>> -> memref<100xf32, #tpu.memory_space<vmem>>
      %dma_wait3A_237 = arith.constant 0 : i32
      %dma_wait3A_238 = tpu.memref_slice %arg8[%add3A_231, %dma_wait3A_237] : memref<200x100xi32, #tpu.memory_space<vmem>> -> memref<1x100xi32, #tpu.memory_space<vmem>>
      %dma_wait3A_239 = tpu.memref_squeeze %dma_wait3A_238 : memref<1x100xi32, #tpu.memory_space<vmem>> -> memref<100xi32, #tpu.memory_space<vmem>>
      %dma_wait3A_240 = arith.constant 0 : i32
      %dma_wait3A_241 = tpu.memref_slice %arg5[%dma_wait3A_240] : memref<320000xf32, #tpu.memory_space<hbm>> -> memref<320000xf32, #tpu.memory_space<hbm>>
      tpu.wait_indirect_dma semaphore(%arg12 : memref<!tpu.dma_semaphore, #tpu.memory_space<semaphore_mem>>) src(%dma_wait3A_241 : memref<320000xf32, #tpu.memory_space<hbm>>) dst(%dma_wait3A_236 : memref<100xf32, #tpu.memory_space<vmem>>)
      %add3A_242 = arith.constant 7 : i32
      %add3A_243 = arith.addi %add3A_39, %add3A_242 : i32
      %add3A_244 = arith.constant 7 : i32
      %add3A_245 = arith.addi %add3A_39, %add3A_244 : i32
      %dma_wait3A_246 = arith.constant 0 : i32
      %dma_wait3A_247 = tpu.memref_slice %arg11[%add3A_245, %dma_wait3A_246] : memref<100x100xf32, #tpu.memory_space<vmem>> -> memref<1x100xf32, #tpu.memory_space<vmem>>
      %dma_wait3A_248 = tpu.memref_squeeze %dma_wait3A_247 : memref<1x100xf32, #tpu.memory_space<vmem>> -> memref<100xf32, #tpu.memory_space<vmem>>
      %dma_wait3A_249 = arith.constant 0 : i32
      %dma_wait3A_250 = tpu.memref_slice %arg8[%add3A_243, %dma_wait3A_249] : memref<200x100xi32, #tpu.memory_space<vmem>> -> memref<1x100xi32, #tpu.memory_space<vmem>>
      %dma_wait3A_251 = tpu.memref_squeeze %dma_wait3A_250 : memref<1x100xi32, #tpu.memory_space<vmem>> -> memref<100xi32, #tpu.memory_space<vmem>>
      %dma_wait3A_252 = arith.constant 0 : i32
      %dma_wait3A_253 = tpu.memref_slice %arg5[%dma_wait3A_252] : memref<320000xf32, #tpu.memory_space<hbm>> -> memref<320000xf32, #tpu.memory_space<hbm>>
      tpu.wait_indirect_dma semaphore(%arg12 : memref<!tpu.dma_semaphore, #tpu.memory_space<semaphore_mem>>) src(%dma_wait3A_253 : memref<320000xf32, #tpu.memory_space<hbm>>) dst(%dma_wait3A_248 : memref<100xf32, #tpu.memory_space<vmem>>)
      %add3A_254 = arith.constant 8 : i32
      %add3A_255 = arith.addi %add3A_39, %add3A_254 : i32
      %add3A_256 = arith.constant 8 : i32
      %add3A_257 = arith.addi %add3A_39, %add3A_256 : i32
      %dma_wait3A_258 = arith.constant 0 : i32
      %dma_wait3A_259 = tpu.memref_slice %arg11[%add3A_257, %dma_wait3A_258] : memref<100x100xf32, #tpu.memory_space<vmem>> -> memref<1x100xf32, #tpu.memory_space<vmem>>
      %dma_wait3A_260 = tpu.memref_squeeze %dma_wait3A_259 : memref<1x100xf32, #tpu.memory_space<vmem>> -> memref<100xf32, #tpu.memory_space<vmem>>
      %dma_wait3A_261 = arith.constant 0 : i32
      %dma_wait3A_262 = tpu.memref_slice %arg8[%add3A_255, %dma_wait3A_261] : memref<200x100xi32, #tpu.memory_space<vmem>> -> memref<1x100xi32, #tpu.memory_space<vmem>>
      %dma_wait3A_263 = tpu.memref_squeeze %dma_wait3A_262 : memref<1x100xi32, #tpu.memory_space<vmem>> -> memref<100xi32, #tpu.memory_space<vmem>>
      %dma_wait3A_264 = arith.constant 0 : i32
      %dma_wait3A_265 = tpu.memref_slice %arg5[%dma_wait3A_264] : memref<320000xf32, #tpu.memory_space<hbm>> -> memref<320000xf32, #tpu.memory_space<hbm>>
      tpu.wait_indirect_dma semaphore(%arg12 : memref<!tpu.dma_semaphore, #tpu.memory_space<semaphore_mem>>) src(%dma_wait3A_265 : memref<320000xf32, #tpu.memory_space<hbm>>) dst(%dma_wait3A_260 : memref<100xf32, #tpu.memory_space<vmem>>)
      %add3A_266 = arith.constant 9 : i32
      %add3A_267 = arith.addi %add3A_39, %add3A_266 : i32
      %add3A_268 = arith.constant 9 : i32
      %add3A_269 = arith.addi %add3A_39, %add3A_268 : i32
      %dma_wait3A_270 = arith.constant 0 : i32
      %dma_wait3A_271 = tpu.memref_slice %arg11[%add3A_269, %dma_wait3A_270] : memref<100x100xf32, #tpu.memory_space<vmem>> -> memref<1x100xf32, #tpu.memory_space<vmem>>
      %dma_wait3A_272 = tpu.memref_squeeze %dma_wait3A_271 : memref<1x100xf32, #tpu.memory_space<vmem>> -> memref<100xf32, #tpu.memory_space<vmem>>
      %dma_wait3A_273 = arith.constant 0 : i32
      %dma_wait3A_274 = tpu.memref_slice %arg8[%add3A_267, %dma_wait3A_273] : memref<200x100xi32, #tpu.memory_space<vmem>> -> memref<1x100xi32, #tpu.memory_space<vmem>>
      %dma_wait3A_275 = tpu.memref_squeeze %dma_wait3A_274 : memref<1x100xi32, #tpu.memory_space<vmem>> -> memref<100xi32, #tpu.memory_space<vmem>>
      %dma_wait3A_276 = arith.constant 0 : i32
      %dma_wait3A_277 = tpu.memref_slice %arg5[%dma_wait3A_276] : memref<320000xf32, #tpu.memory_space<hbm>> -> memref<320000xf32, #tpu.memory_space<hbm>>
      tpu.wait_indirect_dma semaphore(%arg12 : memref<!tpu.dma_semaphore, #tpu.memory_space<semaphore_mem>>) src(%dma_wait3A_277 : memref<320000xf32, #tpu.memory_space<hbm>>) dst(%dma_wait3A_272 : memref<100xf32, #tpu.memory_space<vmem>>)
    }
    %scan3A_34 = arith.constant 10 : i32
    "tpu.region"() ({
      %run_scoped3A = tpu.sem_alloc : memref<!tpu.dma_semaphore, #tpu.memory_space<semaphore_mem>>
      %dma_start3A = arith.constant 0 : i32
      %dma_start3A_35 = arith.constant 0 : i32
      %dma_start3A_36 = tpu.memref_slice %arg6[%add3A, %dma_start3A, %dma_start3A_35] : memref<32x100x100xf32, #tpu.memory_space<hbm>> -> memref<1x100x100xf32, #tpu.memory_space<hbm>>
      %dma_start3A_37 = tpu.memref_squeeze %dma_start3A_36 : memref<1x100x100xf32, #tpu.memory_space<hbm>> -> memref<100x100xf32, #tpu.memory_space<hbm>>
      %dma_start3A_38 = arith.constant 0 : i32
      %dma_start3A_39 = arith.constant 0 : i32
      %dma_start3A_40 = tpu.memref_slice %arg6[%add3A, %dma_start3A_38, %dma_start3A_39] : memref<32x100x100xf32, #tpu.memory_space<hbm>> -> memref<1x100x100xf32, #tpu.memory_space<hbm>>
      %dma_start3A_41 = tpu.memref_squeeze %dma_start3A_40 : memref<1x100x100xf32, #tpu.memory_space<hbm>> -> memref<100x100xf32, #tpu.memory_space<hbm>>
      tpu.enqueue_dma source(%arg11 : memref<100x100xf32, #tpu.memory_space<vmem>>) target(%dma_start3A_41 : memref<100x100xf32, #tpu.memory_space<hbm>>) target_semaphore(%run_scoped3A : memref<!tpu.dma_semaphore, #tpu.memory_space<semaphore_mem>>)
      %dma_wait3A = arith.constant 0 : i32
      %dma_wait3A_42 = arith.constant 0 : i32
      %dma_wait3A_43 = tpu.memref_slice %arg6[%add3A, %dma_wait3A, %dma_wait3A_42] : memref<32x100x100xf32, #tpu.memory_space<hbm>> -> memref<1x100x100xf32, #tpu.memory_space<hbm>>
      %dma_wait3A_44 = tpu.memref_squeeze %dma_wait3A_43 : memref<1x100x100xf32, #tpu.memory_space<hbm>> -> memref<100x100xf32, #tpu.memory_space<hbm>>
      %dma_wait3A_45 = arith.constant 0 : i32
      %dma_wait3A_46 = arith.constant 0 : i32
      %dma_wait3A_47 = tpu.memref_slice %arg6[%add3A, %dma_wait3A_45, %dma_wait3A_46] : memref<32x100x100xf32, #tpu.memory_space<hbm>> -> memref<1x100x100xf32, #tpu.memory_space<hbm>>
      %dma_wait3A_48 = tpu.memref_squeeze %dma_wait3A_47 : memref<1x100x100xf32, #tpu.memory_space<hbm>> -> memref<100x100xf32, #tpu.memory_space<hbm>>
      tpu.wait_dma2 semaphore(%run_scoped3A : memref<!tpu.dma_semaphore, #tpu.memory_space<semaphore_mem>>) src(%arg11 : memref<100x100xf32, #tpu.memory_space<vmem>>) dst(%dma_wait3A_48 : memref<100x100xf32, #tpu.memory_space<hbm>>)
      tpu.yield
    }) : () -> ()
    return
  }
}

#map = affine_map<(d0, d1) -> (0, 0)>
#map1 = affine_map<(d0, d1) -> (0, 0, 0)>
module attributes {stable_mosaic.version = 14 : i64} {
  func.func @k(%arg0: i32, %arg1: i32, %arg2: memref<160000x128xf32, #tpu.memory_space<hbm>>, %arg3: memref<32x100x100xi32, #tpu.memory_space<hbm>>, %arg4: memref<32x100x100xi32, #tpu.memory_space<hbm>>, %arg5: memref<32x100x100xf32, #tpu.memory_space<hbm>>, %arg6: memref<10000x128xf32, #tpu.memory_space<hbm>>, %arg7: memref<2x10000x128xf32, #tpu.memory_space<hbm>>, %arg8: memref<10000x128xf32, #tpu.memory_space<vmem_shared>>, %arg9: memref<100x100xi32, #tpu.memory_space<vmem>>, %arg10: memref<100xi32, #tpu.memory_space<vmem>>, %arg11: memref<100xi32, #tpu.memory_space<vmem>>, %arg12: memref<100xf32, #tpu.memory_space<vmem>>, %arg13: memref<100xf32, #tpu.memory_space<vmem>>, %arg14: memref<100x128xf32, #tpu.memory_space<vmem>>, %arg15: memref<100x128xf32, #tpu.memory_space<vmem>>, %arg16: memref<!tpu.dma_semaphore, #tpu.memory_space<semaphore_mem>>, %arg17: memref<!tpu.dma_semaphore, #tpu.memory_space<semaphore_mem>>, %arg18: memref<!tpu.dma_semaphore, #tpu.memory_space<semaphore_mem>>, %arg19: memref<!tpu.dma_semaphore, #tpu.memory_space<semaphore_mem>>) attributes {dimension_semantics = [#tpu.dimension_semantics<core_parallel>, #tpu.dimension_semantics<subcore_parallel>], iteration_bounds = array<i64: 2, 16>, scalar_prefetch = 0 : i64, scratch_operands = 12 : i64, tpu.core_type = #tpu.core_type<sc_vector_subcore>, window_params = [{transform_indices = #map}, {transform_indices = #map1}, {transform_indices = #map1}, {transform_indices = #map1}, {transform_indices = #map}, {transform_indices = #map1}]} {
    %mul3A = arith.constant 2 : i32
    %mul3A_0 = arith.muli %arg1, %mul3A : i32
    %add3A = arith.addi %mul3A_0, %arg0 : i32
    "tpu.region"() ({
      %run_scoped3A = tpu.sem_alloc : memref<!tpu.dma_semaphore, #tpu.memory_space<semaphore_mem>>
      %dma_start3A_95 = arith.constant 0 : i32
      %dma_start3A_96 = arith.constant 0 : i32
      %dma_start3A_97 = tpu.memref_slice %arg3[%add3A, %dma_start3A_95, %dma_start3A_96] : memref<32x100x100xi32, #tpu.memory_space<hbm>> -> memref<1x100x100xi32, #tpu.memory_space<hbm>>
      %dma_start3A_98 = tpu.memref_squeeze %dma_start3A_97 : memref<1x100x100xi32, #tpu.memory_space<hbm>> -> memref<100x100xi32, #tpu.memory_space<hbm>>
      %dma_start3A_99 = arith.constant 0 : i32
      %dma_start3A_100 = arith.constant 0 : i32
      %dma_start3A_101 = tpu.memref_slice %arg3[%add3A, %dma_start3A_99, %dma_start3A_100] : memref<32x100x100xi32, #tpu.memory_space<hbm>> -> memref<1x100x100xi32, #tpu.memory_space<hbm>>
      %dma_start3A_102 = tpu.memref_squeeze %dma_start3A_101 : memref<1x100x100xi32, #tpu.memory_space<hbm>> -> memref<100x100xi32, #tpu.memory_space<hbm>>
      tpu.enqueue_dma source(%dma_start3A_102 : memref<100x100xi32, #tpu.memory_space<hbm>>) target(%arg9 : memref<100x100xi32, #tpu.memory_space<vmem>>) target_semaphore(%run_scoped3A : memref<!tpu.dma_semaphore, #tpu.memory_space<semaphore_mem>>)
      %dma_wait3A_103 = arith.constant 0 : i32
      %dma_wait3A_104 = arith.constant 0 : i32
      %dma_wait3A_105 = tpu.memref_slice %arg3[%add3A, %dma_wait3A_103, %dma_wait3A_104] : memref<32x100x100xi32, #tpu.memory_space<hbm>> -> memref<1x100x100xi32, #tpu.memory_space<hbm>>
      %dma_wait3A_106 = tpu.memref_squeeze %dma_wait3A_105 : memref<1x100x100xi32, #tpu.memory_space<hbm>> -> memref<100x100xi32, #tpu.memory_space<hbm>>
      %dma_wait3A_107 = arith.constant 0 : i32
      %dma_wait3A_108 = arith.constant 0 : i32
      %dma_wait3A_109 = tpu.memref_slice %arg3[%add3A, %dma_wait3A_107, %dma_wait3A_108] : memref<32x100x100xi32, #tpu.memory_space<hbm>> -> memref<1x100x100xi32, #tpu.memory_space<hbm>>
      %dma_wait3A_110 = tpu.memref_squeeze %dma_wait3A_109 : memref<1x100x100xi32, #tpu.memory_space<hbm>> -> memref<100x100xi32, #tpu.memory_space<hbm>>
      tpu.wait_dma2 semaphore(%run_scoped3A : memref<!tpu.dma_semaphore, #tpu.memory_space<semaphore_mem>>) src(%dma_wait3A_110 : memref<100x100xi32, #tpu.memory_space<hbm>>) dst(%arg9 : memref<100x100xi32, #tpu.memory_space<vmem>>)
      tpu.yield
    }) : () -> ()
    %eq3A = arith.constant 0 : i32
    %eq3A_1 = arith.cmpi eq, %arg1, %eq3A : i32
    %convert_element_type3A = arith.extui %eq3A_1 : i1 to i32
    %cond3A = arith.constant 0 : i32
    %cond3A_2 = arith.cmpi ne, %convert_element_type3A, %cond3A : i32
    scf.if %cond3A_2 {
      "tpu.region"() ({
        %run_scoped3A = tpu.sem_alloc : memref<!tpu.dma_semaphore, #tpu.memory_space<semaphore_mem>>
        tpu.enqueue_dma source(%arg6 : memref<10000x128xf32, #tpu.memory_space<hbm>>) target(%arg8 : memref<10000x128xf32, #tpu.memory_space<vmem_shared>>) target_semaphore(%run_scoped3A : memref<!tpu.dma_semaphore, #tpu.memory_space<semaphore_mem>>)
        tpu.wait_dma2 semaphore(%run_scoped3A : memref<!tpu.dma_semaphore, #tpu.memory_space<semaphore_mem>>) src(%arg6 : memref<10000x128xf32, #tpu.memory_space<hbm>>) dst(%arg8 : memref<10000x128xf32, #tpu.memory_space<vmem_shared>>)
        tpu.yield
      }) : () -> ()
    } else {
    }
    %barrier3A = arith.constant 0 : index
    tpu.barrier barrier_id(%barrier3A)
    %dma_start3A = arith.constant 0 : i32
    %dma_start3A_3 = arith.constant 0 : i32
    %dma_start3A_4 = tpu.memref_slice %arg9[%dma_start3A, %dma_start3A_3] : memref<100x100xi32, #tpu.memory_space<vmem>> -> memref<1x100xi32, #tpu.memory_space<vmem>>
    %dma_start3A_5 = tpu.memref_squeeze %dma_start3A_4 : memref<1x100xi32, #tpu.memory_space<vmem>> -> memref<100xi32, #tpu.memory_space<vmem>>
    %dma_start3A_6 = arith.constant 0 : i32
    %dma_start3A_7 = arith.constant 0 : i32
    %dma_start3A_8 = tpu.memref_slice %arg2[%dma_start3A_6, %dma_start3A_7] : memref<160000x128xf32, #tpu.memory_space<hbm>> -> memref<160000x128xf32, #tpu.memory_space<hbm>>
    tpu.enqueue_indirect_dma source(%dma_start3A_8 : memref<160000x128xf32, #tpu.memory_space<hbm>>) target(%arg14 : memref<100x128xf32, #tpu.memory_space<vmem>>) offsets(%dma_start3A_5 : memref<100xi32, #tpu.memory_space<vmem>>) semaphore(%arg16 : memref<!tpu.dma_semaphore, #tpu.memory_space<semaphore_mem>>)
    %dma_start3A_9 = arith.constant 0 : i32
    %dma_start3A_10 = arith.constant 0 : i32
    %dma_start3A_11 = arith.constant 0 : i32
    %dma_start3A_12 = tpu.memref_slice %arg4[%add3A, %dma_start3A_10, %dma_start3A_11] : memref<32x100x100xi32, #tpu.memory_space<hbm>> -> memref<1x100x100xi32, #tpu.memory_space<hbm>>
    %dma_start3A_13 = tpu.memref_squeeze %dma_start3A_12 : memref<1x100x100xi32, #tpu.memory_space<hbm>> -> memref<100x100xi32, #tpu.memory_space<hbm>>
    %dma_start3A_14 = arith.constant 0 : i32
    %dma_start3A_15 = tpu.memref_slice %dma_start3A_13[%dma_start3A_9, %dma_start3A_14] : memref<100x100xi32, #tpu.memory_space<hbm>> -> memref<1x100xi32, #tpu.memory_space<hbm>>
    %dma_start3A_16 = tpu.memref_squeeze %dma_start3A_15 : memref<1x100xi32, #tpu.memory_space<hbm>> -> memref<100xi32, #tpu.memory_space<hbm>>
    %dma_start3A_17 = arith.constant 0 : i32
    %dma_start3A_18 = arith.constant 0 : i32
    %dma_start3A_19 = tpu.memref_slice %arg4[%add3A, %dma_start3A_17, %dma_start3A_18] : memref<32x100x100xi32, #tpu.memory_space<hbm>> -> memref<1x100x100xi32, #tpu.memory_space<hbm>>
    %dma_start3A_20 = tpu.memref_squeeze %dma_start3A_19 : memref<1x100x100xi32, #tpu.memory_space<hbm>> -> memref<100x100xi32, #tpu.memory_space<hbm>>
    %dma_start3A_21 = arith.constant 0 : i32
    %dma_start3A_22 = tpu.memref_slice %dma_start3A_20[%dma_start3A_9, %dma_start3A_21] : memref<100x100xi32, #tpu.memory_space<hbm>> -> memref<1x100xi32, #tpu.memory_space<hbm>>
    %dma_start3A_23 = tpu.memref_squeeze %dma_start3A_22 : memref<1x100xi32, #tpu.memory_space<hbm>> -> memref<100xi32, #tpu.memory_space<hbm>>
    tpu.enqueue_dma source(%dma_start3A_23 : memref<100xi32, #tpu.memory_space<hbm>>) target(%arg10 : memref<100xi32, #tpu.memory_space<vmem>>) target_semaphore(%arg16 : memref<!tpu.dma_semaphore, #tpu.memory_space<semaphore_mem>>)
    %dma_start3A_24 = arith.constant 0 : i32
    %dma_start3A_25 = arith.constant 0 : i32
    %dma_start3A_26 = arith.constant 0 : i32
    %dma_start3A_27 = tpu.memref_slice %arg5[%add3A, %dma_start3A_25, %dma_start3A_26] : memref<32x100x100xf32, #tpu.memory_space<hbm>> -> memref<1x100x100xf32, #tpu.memory_space<hbm>>
    %dma_start3A_28 = tpu.memref_squeeze %dma_start3A_27 : memref<1x100x100xf32, #tpu.memory_space<hbm>> -> memref<100x100xf32, #tpu.memory_space<hbm>>
    %dma_start3A_29 = arith.constant 0 : i32
    %dma_start3A_30 = tpu.memref_slice %dma_start3A_28[%dma_start3A_24, %dma_start3A_29] : memref<100x100xf32, #tpu.memory_space<hbm>> -> memref<1x100xf32, #tpu.memory_space<hbm>>
    %dma_start3A_31 = tpu.memref_squeeze %dma_start3A_30 : memref<1x100xf32, #tpu.memory_space<hbm>> -> memref<100xf32, #tpu.memory_space<hbm>>
    %dma_start3A_32 = arith.constant 0 : i32
    %dma_start3A_33 = arith.constant 0 : i32
    %dma_start3A_34 = tpu.memref_slice %arg5[%add3A, %dma_start3A_32, %dma_start3A_33] : memref<32x100x100xf32, #tpu.memory_space<hbm>> -> memref<1x100x100xf32, #tpu.memory_space<hbm>>
    %dma_start3A_35 = tpu.memref_squeeze %dma_start3A_34 : memref<1x100x100xf32, #tpu.memory_space<hbm>> -> memref<100x100xf32, #tpu.memory_space<hbm>>
    %dma_start3A_36 = arith.constant 0 : i32
    %dma_start3A_37 = tpu.memref_slice %dma_start3A_35[%dma_start3A_24, %dma_start3A_36] : memref<100x100xf32, #tpu.memory_space<hbm>> -> memref<1x100xf32, #tpu.memory_space<hbm>>
    %dma_start3A_38 = tpu.memref_squeeze %dma_start3A_37 : memref<1x100xf32, #tpu.memory_space<hbm>> -> memref<100xf32, #tpu.memory_space<hbm>>
    tpu.enqueue_dma source(%dma_start3A_38 : memref<100xf32, #tpu.memory_space<hbm>>) target(%arg12 : memref<100xf32, #tpu.memory_space<vmem>>) target_semaphore(%arg16 : memref<!tpu.dma_semaphore, #tpu.memory_space<semaphore_mem>>)
    %dma_start3A_39 = arith.constant 1 : i32
    %dma_start3A_40 = arith.constant 0 : i32
    %dma_start3A_41 = tpu.memref_slice %arg9[%dma_start3A_39, %dma_start3A_40] : memref<100x100xi32, #tpu.memory_space<vmem>> -> memref<1x100xi32, #tpu.memory_space<vmem>>
    %dma_start3A_42 = tpu.memref_squeeze %dma_start3A_41 : memref<1x100xi32, #tpu.memory_space<vmem>> -> memref<100xi32, #tpu.memory_space<vmem>>
    %dma_start3A_43 = arith.constant 0 : i32
    %dma_start3A_44 = arith.constant 0 : i32
    %dma_start3A_45 = tpu.memref_slice %arg2[%dma_start3A_43, %dma_start3A_44] : memref<160000x128xf32, #tpu.memory_space<hbm>> -> memref<160000x128xf32, #tpu.memory_space<hbm>>
    tpu.enqueue_indirect_dma source(%dma_start3A_45 : memref<160000x128xf32, #tpu.memory_space<hbm>>) target(%arg15 : memref<100x128xf32, #tpu.memory_space<vmem>>) offsets(%dma_start3A_42 : memref<100xi32, #tpu.memory_space<vmem>>) semaphore(%arg17 : memref<!tpu.dma_semaphore, #tpu.memory_space<semaphore_mem>>)
    %dma_start3A_46 = arith.constant 1 : i32
    %dma_start3A_47 = arith.constant 0 : i32
    %dma_start3A_48 = arith.constant 0 : i32
    %dma_start3A_49 = tpu.memref_slice %arg4[%add3A, %dma_start3A_47, %dma_start3A_48] : memref<32x100x100xi32, #tpu.memory_space<hbm>> -> memref<1x100x100xi32, #tpu.memory_space<hbm>>
    %dma_start3A_50 = tpu.memref_squeeze %dma_start3A_49 : memref<1x100x100xi32, #tpu.memory_space<hbm>> -> memref<100x100xi32, #tpu.memory_space<hbm>>
    %dma_start3A_51 = arith.constant 0 : i32
    %dma_start3A_52 = tpu.memref_slice %dma_start3A_50[%dma_start3A_46, %dma_start3A_51] : memref<100x100xi32, #tpu.memory_space<hbm>> -> memref<1x100xi32, #tpu.memory_space<hbm>>
    %dma_start3A_53 = tpu.memref_squeeze %dma_start3A_52 : memref<1x100xi32, #tpu.memory_space<hbm>> -> memref<100xi32, #tpu.memory_space<hbm>>
    %dma_start3A_54 = arith.constant 0 : i32
    %dma_start3A_55 = arith.constant 0 : i32
    %dma_start3A_56 = tpu.memref_slice %arg4[%add3A, %dma_start3A_54, %dma_start3A_55] : memref<32x100x100xi32, #tpu.memory_space<hbm>> -> memref<1x100x100xi32, #tpu.memory_space<hbm>>
    %dma_start3A_57 = tpu.memref_squeeze %dma_start3A_56 : memref<1x100x100xi32, #tpu.memory_space<hbm>> -> memref<100x100xi32, #tpu.memory_space<hbm>>
    %dma_start3A_58 = arith.constant 0 : i32
    %dma_start3A_59 = tpu.memref_slice %dma_start3A_57[%dma_start3A_46, %dma_start3A_58] : memref<100x100xi32, #tpu.memory_space<hbm>> -> memref<1x100xi32, #tpu.memory_space<hbm>>
    %dma_start3A_60 = tpu.memref_squeeze %dma_start3A_59 : memref<1x100xi32, #tpu.memory_space<hbm>> -> memref<100xi32, #tpu.memory_space<hbm>>
    tpu.enqueue_dma source(%dma_start3A_60 : memref<100xi32, #tpu.memory_space<hbm>>) target(%arg11 : memref<100xi32, #tpu.memory_space<vmem>>) target_semaphore(%arg17 : memref<!tpu.dma_semaphore, #tpu.memory_space<semaphore_mem>>)
    %dma_start3A_61 = arith.constant 1 : i32
    %dma_start3A_62 = arith.constant 0 : i32
    %dma_start3A_63 = arith.constant 0 : i32
    %dma_start3A_64 = tpu.memref_slice %arg5[%add3A, %dma_start3A_62, %dma_start3A_63] : memref<32x100x100xf32, #tpu.memory_space<hbm>> -> memref<1x100x100xf32, #tpu.memory_space<hbm>>
    %dma_start3A_65 = tpu.memref_squeeze %dma_start3A_64 : memref<1x100x100xf32, #tpu.memory_space<hbm>> -> memref<100x100xf32, #tpu.memory_space<hbm>>
    %dma_start3A_66 = arith.constant 0 : i32
    %dma_start3A_67 = tpu.memref_slice %dma_start3A_65[%dma_start3A_61, %dma_start3A_66] : memref<100x100xf32, #tpu.memory_space<hbm>> -> memref<1x100xf32, #tpu.memory_space<hbm>>
    %dma_start3A_68 = tpu.memref_squeeze %dma_start3A_67 : memref<1x100xf32, #tpu.memory_space<hbm>> -> memref<100xf32, #tpu.memory_space<hbm>>
    %dma_start3A_69 = arith.constant 0 : i32
    %dma_start3A_70 = arith.constant 0 : i32
    %dma_start3A_71 = tpu.memref_slice %arg5[%add3A, %dma_start3A_69, %dma_start3A_70] : memref<32x100x100xf32, #tpu.memory_space<hbm>> -> memref<1x100x100xf32, #tpu.memory_space<hbm>>
    %dma_start3A_72 = tpu.memref_squeeze %dma_start3A_71 : memref<1x100x100xf32, #tpu.memory_space<hbm>> -> memref<100x100xf32, #tpu.memory_space<hbm>>
    %dma_start3A_73 = arith.constant 0 : i32
    %dma_start3A_74 = tpu.memref_slice %dma_start3A_72[%dma_start3A_61, %dma_start3A_73] : memref<100x100xf32, #tpu.memory_space<hbm>> -> memref<1x100xf32, #tpu.memory_space<hbm>>
    %dma_start3A_75 = tpu.memref_squeeze %dma_start3A_74 : memref<1x100xf32, #tpu.memory_space<hbm>> -> memref<100xf32, #tpu.memory_space<hbm>>
    tpu.enqueue_dma source(%dma_start3A_75 : memref<100xf32, #tpu.memory_space<hbm>>) target(%arg13 : memref<100xf32, #tpu.memory_space<vmem>>) target_semaphore(%arg17 : memref<!tpu.dma_semaphore, #tpu.memory_space<semaphore_mem>>)
    %scan3A = arith.constant 0 : i32
    %scan3A_76 = arith.constant 50 : i32
    %scan3A_77 = arith.addi %scan3A, %scan3A_76 : i32
    %scan3A_78 = arith.constant 1 : i32
    scf.for %scan3A_95 = %scan3A to %scan3A_77 step %scan3A_78  : i32 {
      %mul3A_96 = arith.constant 2 : i32
      %mul3A_97 = arith.muli %scan3A_95, %mul3A_96 : i32
      %add3A_98 = arith.constant 0 : i32
      %add3A_99 = arith.addi %add3A_98, %mul3A_97 : i32
      %add3A_100 = arith.constant 0 : i32
      %add3A_101 = arith.addi %add3A_99, %add3A_100 : i32
      %dma_wait3A_102 = arith.constant 0 : i32
      %dma_wait3A_103 = tpu.memref_slice %arg9[%add3A_101, %dma_wait3A_102] : memref<100x100xi32, #tpu.memory_space<vmem>> -> memref<1x100xi32, #tpu.memory_space<vmem>>
      %dma_wait3A_104 = tpu.memref_squeeze %dma_wait3A_103 : memref<1x100xi32, #tpu.memory_space<vmem>> -> memref<100xi32, #tpu.memory_space<vmem>>
      %dma_wait3A_105 = arith.constant 0 : i32
      %dma_wait3A_106 = arith.constant 0 : i32
      %dma_wait3A_107 = tpu.memref_slice %arg2[%dma_wait3A_105, %dma_wait3A_106] : memref<160000x128xf32, #tpu.memory_space<hbm>> -> memref<160000x128xf32, #tpu.memory_space<hbm>>
      tpu.wait_indirect_dma semaphore(%arg16 : memref<!tpu.dma_semaphore, #tpu.memory_space<semaphore_mem>>) src(%dma_wait3A_107 : memref<160000x128xf32, #tpu.memory_space<hbm>>) dst(%arg14 : memref<100x128xf32, #tpu.memory_space<vmem>>)
      %dma_wait3A_108 = arith.constant 0 : i32
      %dma_wait3A_109 = arith.constant 0 : i32
      %dma_wait3A_110 = tpu.memref_slice %arg4[%add3A, %dma_wait3A_108, %dma_wait3A_109] : memref<32x100x100xi32, #tpu.memory_space<hbm>> -> memref<1x100x100xi32, #tpu.memory_space<hbm>>
      %dma_wait3A_111 = tpu.memref_squeeze %dma_wait3A_110 : memref<1x100x100xi32, #tpu.memory_space<hbm>> -> memref<100x100xi32, #tpu.memory_space<hbm>>
      %dma_wait3A_112 = arith.constant 0 : i32
      %dma_wait3A_113 = tpu.memref_slice %dma_wait3A_111[%add3A_101, %dma_wait3A_112] : memref<100x100xi32, #tpu.memory_space<hbm>> -> memref<1x100xi32, #tpu.memory_space<hbm>>
      %dma_wait3A_114 = tpu.memref_squeeze %dma_wait3A_113 : memref<1x100xi32, #tpu.memory_space<hbm>> -> memref<100xi32, #tpu.memory_space<hbm>>
      %dma_wait3A_115 = arith.constant 0 : i32
      %dma_wait3A_116 = arith.constant 0 : i32
      %dma_wait3A_117 = tpu.memref_slice %arg4[%add3A, %dma_wait3A_115, %dma_wait3A_116] : memref<32x100x100xi32, #tpu.memory_space<hbm>> -> memref<1x100x100xi32, #tpu.memory_space<hbm>>
      %dma_wait3A_118 = tpu.memref_squeeze %dma_wait3A_117 : memref<1x100x100xi32, #tpu.memory_space<hbm>> -> memref<100x100xi32, #tpu.memory_space<hbm>>
      %dma_wait3A_119 = arith.constant 0 : i32
      %dma_wait3A_120 = tpu.memref_slice %dma_wait3A_118[%add3A_101, %dma_wait3A_119] : memref<100x100xi32, #tpu.memory_space<hbm>> -> memref<1x100xi32, #tpu.memory_space<hbm>>
      %dma_wait3A_121 = tpu.memref_squeeze %dma_wait3A_120 : memref<1x100xi32, #tpu.memory_space<hbm>> -> memref<100xi32, #tpu.memory_space<hbm>>
      tpu.wait_dma2 semaphore(%arg16 : memref<!tpu.dma_semaphore, #tpu.memory_space<semaphore_mem>>) src(%dma_wait3A_121 : memref<100xi32, #tpu.memory_space<hbm>>) dst(%arg10 : memref<100xi32, #tpu.memory_space<vmem>>)
      %dma_wait3A_122 = arith.constant 0 : i32
      %dma_wait3A_123 = arith.constant 0 : i32
      %dma_wait3A_124 = tpu.memref_slice %arg5[%add3A, %dma_wait3A_122, %dma_wait3A_123] : memref<32x100x100xf32, #tpu.memory_space<hbm>> -> memref<1x100x100xf32, #tpu.memory_space<hbm>>
      %dma_wait3A_125 = tpu.memref_squeeze %dma_wait3A_124 : memref<1x100x100xf32, #tpu.memory_space<hbm>> -> memref<100x100xf32, #tpu.memory_space<hbm>>
      %dma_wait3A_126 = arith.constant 0 : i32
      %dma_wait3A_127 = tpu.memref_slice %dma_wait3A_125[%add3A_101, %dma_wait3A_126] : memref<100x100xf32, #tpu.memory_space<hbm>> -> memref<1x100xf32, #tpu.memory_space<hbm>>
      %dma_wait3A_128 = tpu.memref_squeeze %dma_wait3A_127 : memref<1x100xf32, #tpu.memory_space<hbm>> -> memref<100xf32, #tpu.memory_space<hbm>>
      %dma_wait3A_129 = arith.constant 0 : i32
      %dma_wait3A_130 = arith.constant 0 : i32
      %dma_wait3A_131 = tpu.memref_slice %arg5[%add3A, %dma_wait3A_129, %dma_wait3A_130] : memref<32x100x100xf32, #tpu.memory_space<hbm>> -> memref<1x100x100xf32, #tpu.memory_space<hbm>>
      %dma_wait3A_132 = tpu.memref_squeeze %dma_wait3A_131 : memref<1x100x100xf32, #tpu.memory_space<hbm>> -> memref<100x100xf32, #tpu.memory_space<hbm>>
      %dma_wait3A_133 = arith.constant 0 : i32
      %dma_wait3A_134 = tpu.memref_slice %dma_wait3A_132[%add3A_101, %dma_wait3A_133] : memref<100x100xf32, #tpu.memory_space<hbm>> -> memref<1x100xf32, #tpu.memory_space<hbm>>
      %dma_wait3A_135 = tpu.memref_squeeze %dma_wait3A_134 : memref<1x100xf32, #tpu.memory_space<hbm>> -> memref<100xf32, #tpu.memory_space<hbm>>
      tpu.wait_dma2 semaphore(%arg16 : memref<!tpu.dma_semaphore, #tpu.memory_space<semaphore_mem>>) src(%dma_wait3A_135 : memref<100xf32, #tpu.memory_space<hbm>>) dst(%arg12 : memref<100xf32, #tpu.memory_space<vmem>>)
      %scan3A_136 = arith.constant 0 : i32
      %scan3A_137 = arith.constant 50 : i32
      %scan3A_138 = arith.addi %scan3A_136, %scan3A_137 : i32
      %scan3A_139 = arith.constant 1 : i32
      scf.for %scan3A_202 = %scan3A_136 to %scan3A_138 step %scan3A_139  : i32 {
        %mul3A_203 = arith.constant 2 : i32
        %mul3A_204 = arith.muli %scan3A_202, %mul3A_203 : i32
        %add3A_205 = arith.constant 0 : i32
        %add3A_206 = arith.addi %add3A_205, %mul3A_204 : i32
        %broadcast_in_dim3A = vector.broadcast %add3A_206 : i32 to vector<16xi32>
        %gather3A = tpu.vector_load_idx %arg12[%broadcast_in_dim3A] : memref<100xf32, #tpu.memory_space<vmem>>[vector<16xi32>], vector<16xf32>,
        %add3A_207 = arith.constant 1 : i32
        %add3A_208 = arith.addi %add3A_206, %add3A_207 : i32
        %broadcast_in_dim3A_209 = vector.broadcast %add3A_208 : i32 to vector<16xi32>
        %gather3A_210 = tpu.vector_load_idx %arg12[%broadcast_in_dim3A_209] : memref<100xf32, #tpu.memory_space<vmem>>[vector<16xi32>], vector<16xf32>,
        %get3A = arith.index_cast %add3A_206 : i32 to index
        %get3A_211 = arith.constant 0 : index
        %get3A_212 = tpu.vector_load %arg14[%get3A, %get3A_211] {strides = array<i32>} : memref<100x128xf32, #tpu.memory_space<vmem>>, vector<16xf32>,
        %mul3A_213 = arith.mulf %get3A_212, %gather3A : vector<16xf32>
        %swap3A = arith.index_cast %add3A_206 : i32 to index
        %swap3A_214 = arith.constant 0 : index
        %swap3A_215 = tpu.vector_load %arg14[%swap3A, %swap3A_214] {strides = array<i32>} : memref<100x128xf32, #tpu.memory_space<vmem>>, vector<16xf32>,
        tpu.vector_store %arg14[%swap3A, %swap3A_214], %mul3A_213 {strides = array<i32>} : memref<100x128xf32, #tpu.memory_space<vmem>>, vector<16xf32>,
        %add3A_216 = arith.constant 1 : i32
        %add3A_217 = arith.addi %add3A_206, %add3A_216 : i32
        %get3A_218 = arith.index_cast %add3A_217 : i32 to index
        %get3A_219 = arith.constant 0 : index
        %get3A_220 = tpu.vector_load %arg14[%get3A_218, %get3A_219] {strides = array<i32>} : memref<100x128xf32, #tpu.memory_space<vmem>>, vector<16xf32>,
        %mul3A_221 = arith.mulf %get3A_220, %gather3A_210 : vector<16xf32>
        %add3A_222 = arith.constant 1 : i32
        %add3A_223 = arith.addi %add3A_206, %add3A_222 : i32
        %swap3A_224 = arith.index_cast %add3A_223 : i32 to index
        %swap3A_225 = arith.constant 0 : index
        %swap3A_226 = tpu.vector_load %arg14[%swap3A_224, %swap3A_225] {strides = array<i32>} : memref<100x128xf32, #tpu.memory_space<vmem>>, vector<16xf32>,
        tpu.vector_store %arg14[%swap3A_224, %swap3A_225], %mul3A_221 {strides = array<i32>} : memref<100x128xf32, #tpu.memory_space<vmem>>, vector<16xf32>,
        %get3A_227 = arith.index_cast %add3A_206 : i32 to index
        %get3A_228 = arith.constant 16 : index
        %get3A_229 = tpu.vector_load %arg14[%get3A_227, %get3A_228] {strides = array<i32>} : memref<100x128xf32, #tpu.memory_space<vmem>>, vector<16xf32>,
        %mul3A_230 = arith.mulf %get3A_229, %gather3A : vector<16xf32>
        %swap3A_231 = arith.index_cast %add3A_206 : i32 to index
        %swap3A_232 = arith.constant 16 : index
        %swap3A_233 = tpu.vector_load %arg14[%swap3A_231, %swap3A_232] {strides = array<i32>} : memref<100x128xf32, #tpu.memory_space<vmem>>, vector<16xf32>,
        tpu.vector_store %arg14[%swap3A_231, %swap3A_232], %mul3A_230 {strides = array<i32>} : memref<100x128xf32, #tpu.memory_space<vmem>>, vector<16xf32>,
        %add3A_234 = arith.constant 1 : i32
        %add3A_235 = arith.addi %add3A_206, %add3A_234 : i32
        %get3A_236 = arith.index_cast %add3A_235 : i32 to index
        %get3A_237 = arith.constant 16 : index
        %get3A_238 = tpu.vector_load %arg14[%get3A_236, %get3A_237] {strides = array<i32>} : memref<100x128xf32, #tpu.memory_space<vmem>>, vector<16xf32>,
        %mul3A_239 = arith.mulf %get3A_238, %gather3A_210 : vector<16xf32>
        %add3A_240 = arith.constant 1 : i32
        %add3A_241 = arith.addi %add3A_206, %add3A_240 : i32
        %swap3A_242 = arith.index_cast %add3A_241 : i32 to index
        %swap3A_243 = arith.constant 16 : index
        %swap3A_244 = tpu.vector_load %arg14[%swap3A_242, %swap3A_243] {strides = array<i32>} : memref<100x128xf32, #tpu.memory_space<vmem>>, vector<16xf32>,
        tpu.vector_store %arg14[%swap3A_242, %swap3A_243], %mul3A_239 {strides = array<i32>} : memref<100x128xf32, #tpu.memory_space<vmem>>, vector<16xf32>,
        %get3A_245 = arith.index_cast %add3A_206 : i32 to index
        %get3A_246 = arith.constant 32 : index
        %get3A_247 = tpu.vector_load %arg14[%get3A_245, %get3A_246] {strides = array<i32>} : memref<100x128xf32, #tpu.memory_space<vmem>>, vector<16xf32>,
        %mul3A_248 = arith.mulf %get3A_247, %gather3A : vector<16xf32>
        %swap3A_249 = arith.index_cast %add3A_206 : i32 to index
        %swap3A_250 = arith.constant 32 : index
        %swap3A_251 = tpu.vector_load %arg14[%swap3A_249, %swap3A_250] {strides = array<i32>} : memref<100x128xf32, #tpu.memory_space<vmem>>, vector<16xf32>,
        tpu.vector_store %arg14[%swap3A_249, %swap3A_250], %mul3A_248 {strides = array<i32>} : memref<100x128xf32, #tpu.memory_space<vmem>>, vector<16xf32>,
        %add3A_252 = arith.constant 1 : i32
        %add3A_253 = arith.addi %add3A_206, %add3A_252 : i32
        %get3A_254 = arith.index_cast %add3A_253 : i32 to index
        %get3A_255 = arith.constant 32 : index
        %get3A_256 = tpu.vector_load %arg14[%get3A_254, %get3A_255] {strides = array<i32>} : memref<100x128xf32, #tpu.memory_space<vmem>>, vector<16xf32>,
        %mul3A_257 = arith.mulf %get3A_256, %gather3A_210 : vector<16xf32>
        %add3A_258 = arith.constant 1 : i32
        %add3A_259 = arith.addi %add3A_206, %add3A_258 : i32
        %swap3A_260 = arith.index_cast %add3A_259 : i32 to index
        %swap3A_261 = arith.constant 32 : index
        %swap3A_262 = tpu.vector_load %arg14[%swap3A_260, %swap3A_261] {strides = array<i32>} : memref<100x128xf32, #tpu.memory_space<vmem>>, vector<16xf32>,
        tpu.vector_store %arg14[%swap3A_260, %swap3A_261], %mul3A_257 {strides = array<i32>} : memref<100x128xf32, #tpu.memory_space<vmem>>, vector<16xf32>,
        %get3A_263 = arith.index_cast %add3A_206 : i32 to index
        %get3A_264 = arith.constant 48 : index
        %get3A_265 = tpu.vector_load %arg14[%get3A_263, %get3A_264] {strides = array<i32>} : memref<100x128xf32, #tpu.memory_space<vmem>>, vector<16xf32>,
        %mul3A_266 = arith.mulf %get3A_265, %gather3A : vector<16xf32>
        %swap3A_267 = arith.index_cast %add3A_206 : i32 to index
        %swap3A_268 = arith.constant 48 : index
        %swap3A_269 = tpu.vector_load %arg14[%swap3A_267, %swap3A_268] {strides = array<i32>} : memref<100x128xf32, #tpu.memory_space<vmem>>, vector<16xf32>,
        tpu.vector_store %arg14[%swap3A_267, %swap3A_268], %mul3A_266 {strides = array<i32>} : memref<100x128xf32, #tpu.memory_space<vmem>>, vector<16xf32>,
        %add3A_270 = arith.constant 1 : i32
        %add3A_271 = arith.addi %add3A_206, %add3A_270 : i32
        %get3A_272 = arith.index_cast %add3A_271 : i32 to index
        %get3A_273 = arith.constant 48 : index
        %get3A_274 = tpu.vector_load %arg14[%get3A_272, %get3A_273] {strides = array<i32>} : memref<100x128xf32, #tpu.memory_space<vmem>>, vector<16xf32>,
        %mul3A_275 = arith.mulf %get3A_274, %gather3A_210 : vector<16xf32>
        %add3A_276 = arith.constant 1 : i32
        %add3A_277 = arith.addi %add3A_206, %add3A_276 : i32
        %swap3A_278 = arith.index_cast %add3A_277 : i32 to index
        %swap3A_279 = arith.constant 48 : index
        %swap3A_280 = tpu.vector_load %arg14[%swap3A_278, %swap3A_279] {strides = array<i32>} : memref<100x128xf32, #tpu.memory_space<vmem>>, vector<16xf32>,
        tpu.vector_store %arg14[%swap3A_278, %swap3A_279], %mul3A_275 {strides = array<i32>} : memref<100x128xf32, #tpu.memory_space<vmem>>, vector<16xf32>,
        %get3A_281 = arith.index_cast %add3A_206 : i32 to index
        %get3A_282 = arith.constant 64 : index
        %get3A_283 = tpu.vector_load %arg14[%get3A_281, %get3A_282] {strides = array<i32>} : memref<100x128xf32, #tpu.memory_space<vmem>>, vector<16xf32>,
        %mul3A_284 = arith.mulf %get3A_283, %gather3A : vector<16xf32>
        %swap3A_285 = arith.index_cast %add3A_206 : i32 to index
        %swap3A_286 = arith.constant 64 : index
        %swap3A_287 = tpu.vector_load %arg14[%swap3A_285, %swap3A_286] {strides = array<i32>} : memref<100x128xf32, #tpu.memory_space<vmem>>, vector<16xf32>,
        tpu.vector_store %arg14[%swap3A_285, %swap3A_286], %mul3A_284 {strides = array<i32>} : memref<100x128xf32, #tpu.memory_space<vmem>>, vector<16xf32>,
        %add3A_288 = arith.constant 1 : i32
        %add3A_289 = arith.addi %add3A_206, %add3A_288 : i32
        %get3A_290 = arith.index_cast %add3A_289 : i32 to index
        %get3A_291 = arith.constant 64 : index
        %get3A_292 = tpu.vector_load %arg14[%get3A_290, %get3A_291] {strides = array<i32>} : memref<100x128xf32, #tpu.memory_space<vmem>>, vector<16xf32>,
        %mul3A_293 = arith.mulf %get3A_292, %gather3A_210 : vector<16xf32>
        %add3A_294 = arith.constant 1 : i32
        %add3A_295 = arith.addi %add3A_206, %add3A_294 : i32
        %swap3A_296 = arith.index_cast %add3A_295 : i32 to index
        %swap3A_297 = arith.constant 64 : index
        %swap3A_298 = tpu.vector_load %arg14[%swap3A_296, %swap3A_297] {strides = array<i32>} : memref<100x128xf32, #tpu.memory_space<vmem>>, vector<16xf32>,
        tpu.vector_store %arg14[%swap3A_296, %swap3A_297], %mul3A_293 {strides = array<i32>} : memref<100x128xf32, #tpu.memory_space<vmem>>, vector<16xf32>,
        %get3A_299 = arith.index_cast %add3A_206 : i32 to index
        %get3A_300 = arith.constant 80 : index
        %get3A_301 = tpu.vector_load %arg14[%get3A_299, %get3A_300] {strides = array<i32>} : memref<100x128xf32, #tpu.memory_space<vmem>>, vector<16xf32>,
        %mul3A_302 = arith.mulf %get3A_301, %gather3A : vector<16xf32>
        %swap3A_303 = arith.index_cast %add3A_206 : i32 to index
        %swap3A_304 = arith.constant 80 : index
        %swap3A_305 = tpu.vector_load %arg14[%swap3A_303, %swap3A_304] {strides = array<i32>} : memref<100x128xf32, #tpu.memory_space<vmem>>, vector<16xf32>,
        tpu.vector_store %arg14[%swap3A_303, %swap3A_304], %mul3A_302 {strides = array<i32>} : memref<100x128xf32, #tpu.memory_space<vmem>>, vector<16xf32>,
        %add3A_306 = arith.constant 1 : i32
        %add3A_307 = arith.addi %add3A_206, %add3A_306 : i32
        %get3A_308 = arith.index_cast %add3A_307 : i32 to index
        %get3A_309 = arith.constant 80 : index
        %get3A_310 = tpu.vector_load %arg14[%get3A_308, %get3A_309] {strides = array<i32>} : memref<100x128xf32, #tpu.memory_space<vmem>>, vector<16xf32>,
        %mul3A_311 = arith.mulf %get3A_310, %gather3A_210 : vector<16xf32>
        %add3A_312 = arith.constant 1 : i32
        %add3A_313 = arith.addi %add3A_206, %add3A_312 : i32
        %swap3A_314 = arith.index_cast %add3A_313 : i32 to index
        %swap3A_315 = arith.constant 80 : index
        %swap3A_316 = tpu.vector_load %arg14[%swap3A_314, %swap3A_315] {strides = array<i32>} : memref<100x128xf32, #tpu.memory_space<vmem>>, vector<16xf32>,
        tpu.vector_store %arg14[%swap3A_314, %swap3A_315], %mul3A_311 {strides = array<i32>} : memref<100x128xf32, #tpu.memory_space<vmem>>, vector<16xf32>,
        %get3A_317 = arith.index_cast %add3A_206 : i32 to index
        %get3A_318 = arith.constant 96 : index
        %get3A_319 = tpu.vector_load %arg14[%get3A_317, %get3A_318] {strides = array<i32>} : memref<100x128xf32, #tpu.memory_space<vmem>>, vector<16xf32>,
        %mul3A_320 = arith.mulf %get3A_319, %gather3A : vector<16xf32>
        %swap3A_321 = arith.index_cast %add3A_206 : i32 to index
        %swap3A_322 = arith.constant 96 : index
        %swap3A_323 = tpu.vector_load %arg14[%swap3A_321, %swap3A_322] {strides = array<i32>} : memref<100x128xf32, #tpu.memory_space<vmem>>, vector<16xf32>,
        tpu.vector_store %arg14[%swap3A_321, %swap3A_322], %mul3A_320 {strides = array<i32>} : memref<100x128xf32, #tpu.memory_space<vmem>>, vector<16xf32>,
        %add3A_324 = arith.constant 1 : i32
        %add3A_325 = arith.addi %add3A_206, %add3A_324 : i32
        %get3A_326 = arith.index_cast %add3A_325 : i32 to index
        %get3A_327 = arith.constant 96 : index
        %get3A_328 = tpu.vector_load %arg14[%get3A_326, %get3A_327] {strides = array<i32>} : memref<100x128xf32, #tpu.memory_space<vmem>>, vector<16xf32>,
        %mul3A_329 = arith.mulf %get3A_328, %gather3A_210 : vector<16xf32>
        %add3A_330 = arith.constant 1 : i32
        %add3A_331 = arith.addi %add3A_206, %add3A_330 : i32
        %swap3A_332 = arith.index_cast %add3A_331 : i32 to index
        %swap3A_333 = arith.constant 96 : index
        %swap3A_334 = tpu.vector_load %arg14[%swap3A_332, %swap3A_333] {strides = array<i32>} : memref<100x128xf32, #tpu.memory_space<vmem>>, vector<16xf32>,
        tpu.vector_store %arg14[%swap3A_332, %swap3A_333], %mul3A_329 {strides = array<i32>} : memref<100x128xf32, #tpu.memory_space<vmem>>, vector<16xf32>,
        %get3A_335 = arith.index_cast %add3A_206 : i32 to index
        %get3A_336 = arith.constant 112 : index
        %get3A_337 = tpu.vector_load %arg14[%get3A_335, %get3A_336] {strides = array<i32>} : memref<100x128xf32, #tpu.memory_space<vmem>>, vector<16xf32>,
        %mul3A_338 = arith.mulf %get3A_337, %gather3A : vector<16xf32>
        %swap3A_339 = arith.index_cast %add3A_206 : i32 to index
        %swap3A_340 = arith.constant 112 : index
        %swap3A_341 = tpu.vector_load %arg14[%swap3A_339, %swap3A_340] {strides = array<i32>} : memref<100x128xf32, #tpu.memory_space<vmem>>, vector<16xf32>,
        tpu.vector_store %arg14[%swap3A_339, %swap3A_340], %mul3A_338 {strides = array<i32>} : memref<100x128xf32, #tpu.memory_space<vmem>>, vector<16xf32>,
        %add3A_342 = arith.constant 1 : i32
        %add3A_343 = arith.addi %add3A_206, %add3A_342 : i32
        %get3A_344 = arith.index_cast %add3A_343 : i32 to index
        %get3A_345 = arith.constant 112 : index
        %get3A_346 = tpu.vector_load %arg14[%get3A_344, %get3A_345] {strides = array<i32>} : memref<100x128xf32, #tpu.memory_space<vmem>>, vector<16xf32>,
        %mul3A_347 = arith.mulf %get3A_346, %gather3A_210 : vector<16xf32>
        %add3A_348 = arith.constant 1 : i32
        %add3A_349 = arith.addi %add3A_206, %add3A_348 : i32
        %swap3A_350 = arith.index_cast %add3A_349 : i32 to index
        %swap3A_351 = arith.constant 112 : index
        %swap3A_352 = tpu.vector_load %arg14[%swap3A_350, %swap3A_351] {strides = array<i32>} : memref<100x128xf32, #tpu.memory_space<vmem>>, vector<16xf32>,
        tpu.vector_store %arg14[%swap3A_350, %swap3A_351], %mul3A_347 {strides = array<i32>} : memref<100x128xf32, #tpu.memory_space<vmem>>, vector<16xf32>,
      }
      %scan3A_140 = arith.constant 50 : i32
      %dma_start3A_141 = arith.constant 0 : i32
      %dma_start3A_142 = arith.constant 0 : i32
      %dma_start3A_143 = tpu.memref_slice %arg8[%dma_start3A_141, %dma_start3A_142] : memref<10000x128xf32, #tpu.memory_space<vmem_shared>> -> memref<10000x128xf32, #tpu.memory_space<vmem_shared>>
      tpu.enqueue_indirect_dma source(%arg14 : memref<100x128xf32, #tpu.memory_space<vmem>>) target(%dma_start3A_143 : memref<10000x128xf32, #tpu.memory_space<vmem_shared>>) offsets(%arg10 : memref<100xi32, #tpu.memory_space<vmem>>) semaphore(%arg18 : memref<!tpu.dma_semaphore, #tpu.memory_space<semaphore_mem>>) {add = true}
      %add3A_144 = arith.constant 2 : i32
      %add3A_145 = arith.addi %add3A_101, %add3A_144 : i32
      %lt3A_146 = arith.constant 100 : i32
      %lt3A_147 = arith.cmpi slt, %add3A_145, %lt3A_146 : i32
      %convert_element_type3A_148 = arith.extui %lt3A_147 : i1 to i32
      %cond3A_149 = arith.constant 0 : i32
      %cond3A_150 = arith.cmpi ne, %convert_element_type3A_148, %cond3A_149 : i32
      scf.if %cond3A_150 {
        %dma_wait3A_202 = arith.constant 0 : i32
        %dma_wait3A_203 = arith.constant 0 : i32
        %dma_wait3A_204 = tpu.memref_slice %arg8[%dma_wait3A_202, %dma_wait3A_203] : memref<10000x128xf32, #tpu.memory_space<vmem_shared>> -> memref<10000x128xf32, #tpu.memory_space<vmem_shared>>
        tpu.wait_indirect_dma semaphore(%arg18 : memref<!tpu.dma_semaphore, #tpu.memory_space<semaphore_mem>>) src(%arg14 : memref<100x128xf32, #tpu.memory_space<vmem>>) dst(%dma_wait3A_204 : memref<10000x128xf32, #tpu.memory_space<vmem_shared>>)
        %add3A_205 = arith.constant 2 : i32
        %add3A_206 = arith.addi %add3A_101, %add3A_205 : i32
        %dma_start3A_207 = arith.constant 0 : i32
        %dma_start3A_208 = tpu.memref_slice %arg9[%add3A_206, %dma_start3A_207] : memref<100x100xi32, #tpu.memory_space<vmem>> -> memref<1x100xi32, #tpu.memory_space<vmem>>
        %dma_start3A_209 = tpu.memref_squeeze %dma_start3A_208 : memref<1x100xi32, #tpu.memory_space<vmem>> -> memref<100xi32, #tpu.memory_space<vmem>>
        %dma_start3A_210 = arith.constant 0 : i32
        %dma_start3A_211 = arith.constant 0 : i32
        %dma_start3A_212 = tpu.memref_slice %arg2[%dma_start3A_210, %dma_start3A_211] : memref<160000x128xf32, #tpu.memory_space<hbm>> -> memref<160000x128xf32, #tpu.memory_space<hbm>>
        tpu.enqueue_indirect_dma source(%dma_start3A_212 : memref<160000x128xf32, #tpu.memory_space<hbm>>) target(%arg14 : memref<100x128xf32, #tpu.memory_space<vmem>>) offsets(%dma_start3A_209 : memref<100xi32, #tpu.memory_space<vmem>>) semaphore(%arg16 : memref<!tpu.dma_semaphore, #tpu.memory_space<semaphore_mem>>)
        %add3A_213 = arith.constant 2 : i32
        %add3A_214 = arith.addi %add3A_101, %add3A_213 : i32
        %dma_start3A_215 = arith.constant 0 : i32
        %dma_start3A_216 = arith.constant 0 : i32
        %dma_start3A_217 = tpu.memref_slice %arg4[%add3A, %dma_start3A_215, %dma_start3A_216] : memref<32x100x100xi32, #tpu.memory_space<hbm>> -> memref<1x100x100xi32, #tpu.memory_space<hbm>>
        %dma_start3A_218 = tpu.memref_squeeze %dma_start3A_217 : memref<1x100x100xi32, #tpu.memory_space<hbm>> -> memref<100x100xi32, #tpu.memory_space<hbm>>
        %dma_start3A_219 = arith.constant 0 : i32
        %dma_start3A_220 = tpu.memref_slice %dma_start3A_218[%add3A_214, %dma_start3A_219] : memref<100x100xi32, #tpu.memory_space<hbm>> -> memref<1x100xi32, #tpu.memory_space<hbm>>
        %dma_start3A_221 = tpu.memref_squeeze %dma_start3A_220 : memref<1x100xi32, #tpu.memory_space<hbm>> -> memref<100xi32, #tpu.memory_space<hbm>>
        %dma_start3A_222 = arith.constant 0 : i32
        %dma_start3A_223 = arith.constant 0 : i32
        %dma_start3A_224 = tpu.memref_slice %arg4[%add3A, %dma_start3A_222, %dma_start3A_223] : memref<32x100x100xi32, #tpu.memory_space<hbm>> -> memref<1x100x100xi32, #tpu.memory_space<hbm>>
        %dma_start3A_225 = tpu.memref_squeeze %dma_start3A_224 : memref<1x100x100xi32, #tpu.memory_space<hbm>> -> memref<100x100xi32, #tpu.memory_space<hbm>>
        %dma_start3A_226 = arith.constant 0 : i32
        %dma_start3A_227 = tpu.memref_slice %dma_start3A_225[%add3A_214, %dma_start3A_226] : memref<100x100xi32, #tpu.memory_space<hbm>> -> memref<1x100xi32, #tpu.memory_space<hbm>>
        %dma_start3A_228 = tpu.memref_squeeze %dma_start3A_227 : memref<1x100xi32, #tpu.memory_space<hbm>> -> memref<100xi32, #tpu.memory_space<hbm>>
        tpu.enqueue_dma source(%dma_start3A_228 : memref<100xi32, #tpu.memory_space<hbm>>) target(%arg10 : memref<100xi32, #tpu.memory_space<vmem>>) target_semaphore(%arg16 : memref<!tpu.dma_semaphore, #tpu.memory_space<semaphore_mem>>)
        %add3A_229 = arith.constant 2 : i32
        %add3A_230 = arith.addi %add3A_101, %add3A_229 : i32
        %dma_start3A_231 = arith.constant 0 : i32
        %dma_start3A_232 = arith.constant 0 : i32
        %dma_start3A_233 = tpu.memref_slice %arg5[%add3A, %dma_start3A_231, %dma_start3A_232] : memref<32x100x100xf32, #tpu.memory_space<hbm>> -> memref<1x100x100xf32, #tpu.memory_space<hbm>>
        %dma_start3A_234 = tpu.memref_squeeze %dma_start3A_233 : memref<1x100x100xf32, #tpu.memory_space<hbm>> -> memref<100x100xf32, #tpu.memory_space<hbm>>
        %dma_start3A_235 = arith.constant 0 : i32
        %dma_start3A_236 = tpu.memref_slice %dma_start3A_234[%add3A_230, %dma_start3A_235] : memref<100x100xf32, #tpu.memory_space<hbm>> -> memref<1x100xf32, #tpu.memory_space<hbm>>
        %dma_start3A_237 = tpu.memref_squeeze %dma_start3A_236 : memref<1x100xf32, #tpu.memory_space<hbm>> -> memref<100xf32, #tpu.memory_space<hbm>>
        %dma_start3A_238 = arith.constant 0 : i32
        %dma_start3A_239 = arith.constant 0 : i32
        %dma_start3A_240 = tpu.memref_slice %arg5[%add3A, %dma_start3A_238, %dma_start3A_239] : memref<32x100x100xf32, #tpu.memory_space<hbm>> -> memref<1x100x100xf32, #tpu.memory_space<hbm>>
        %dma_start3A_241 = tpu.memref_squeeze %dma_start3A_240 : memref<1x100x100xf32, #tpu.memory_space<hbm>> -> memref<100x100xf32, #tpu.memory_space<hbm>>
        %dma_start3A_242 = arith.constant 0 : i32
        %dma_start3A_243 = tpu.memref_slice %dma_start3A_241[%add3A_230, %dma_start3A_242] : memref<100x100xf32, #tpu.memory_space<hbm>> -> memref<1x100xf32, #tpu.memory_space<hbm>>
        %dma_start3A_244 = tpu.memref_squeeze %dma_start3A_243 : memref<1x100xf32, #tpu.memory_space<hbm>> -> memref<100xf32, #tpu.memory_space<hbm>>
        tpu.enqueue_dma source(%dma_start3A_244 : memref<100xf32, #tpu.memory_space<hbm>>) target(%arg12 : memref<100xf32, #tpu.memory_space<vmem>>) target_semaphore(%arg16 : memref<!tpu.dma_semaphore, #tpu.memory_space<semaphore_mem>>)
      } else {
      }
      %add3A_151 = arith.constant 1 : i32
      %add3A_152 = arith.addi %add3A_99, %add3A_151 : i32
      %dma_wait3A_153 = arith.constant 0 : i32
      %dma_wait3A_154 = tpu.memref_slice %arg9[%add3A_152, %dma_wait3A_153] : memref<100x100xi32, #tpu.memory_space<vmem>> -> memref<1x100xi32, #tpu.memory_space<vmem>>
      %dma_wait3A_155 = tpu.memref_squeeze %dma_wait3A_154 : memref<1x100xi32, #tpu.memory_space<vmem>> -> memref<100xi32, #tpu.memory_space<vmem>>
      %dma_wait3A_156 = arith.constant 0 : i32
      %dma_wait3A_157 = arith.constant 0 : i32
      %dma_wait3A_158 = tpu.memref_slice %arg2[%dma_wait3A_156, %dma_wait3A_157] : memref<160000x128xf32, #tpu.memory_space<hbm>> -> memref<160000x128xf32, #tpu.memory_space<hbm>>
      tpu.wait_indirect_dma semaphore(%arg17 : memref<!tpu.dma_semaphore, #tpu.memory_space<semaphore_mem>>) src(%dma_wait3A_158 : memref<160000x128xf32, #tpu.memory_space<hbm>>) dst(%arg15 : memref<100x128xf32, #tpu.memory_space<vmem>>)
      %dma_wait3A_159 = arith.constant 0 : i32
      %dma_wait3A_160 = arith.constant 0 : i32
      %dma_wait3A_161 = tpu.memref_slice %arg4[%add3A, %dma_wait3A_159, %dma_wait3A_160] : memref<32x100x100xi32, #tpu.memory_space<hbm>> -> memref<1x100x100xi32, #tpu.memory_space<hbm>>
      %dma_wait3A_162 = tpu.memref_squeeze %dma_wait3A_161 : memref<1x100x100xi32, #tpu.memory_space<hbm>> -> memref<100x100xi32, #tpu.memory_space<hbm>>
      %dma_wait3A_163 = arith.constant 0 : i32
      %dma_wait3A_164 = tpu.memref_slice %dma_wait3A_162[%add3A_152, %dma_wait3A_163] : memref<100x100xi32, #tpu.memory_space<hbm>> -> memref<1x100xi32, #tpu.memory_space<hbm>>
      %dma_wait3A_165 = tpu.memref_squeeze %dma_wait3A_164 : memref<1x100xi32, #tpu.memory_space<hbm>> -> memref<100xi32, #tpu.memory_space<hbm>>
      %dma_wait3A_166 = arith.constant 0 : i32
      %dma_wait3A_167 = arith.constant 0 : i32
      %dma_wait3A_168 = tpu.memref_slice %arg4[%add3A, %dma_wait3A_166, %dma_wait3A_167] : memref<32x100x100xi32, #tpu.memory_space<hbm>> -> memref<1x100x100xi32, #tpu.memory_space<hbm>>
      %dma_wait3A_169 = tpu.memref_squeeze %dma_wait3A_168 : memref<1x100x100xi32, #tpu.memory_space<hbm>> -> memref<100x100xi32, #tpu.memory_space<hbm>>
      %dma_wait3A_170 = arith.constant 0 : i32
      %dma_wait3A_171 = tpu.memref_slice %dma_wait3A_169[%add3A_152, %dma_wait3A_170] : memref<100x100xi32, #tpu.memory_space<hbm>> -> memref<1x100xi32, #tpu.memory_space<hbm>>
      %dma_wait3A_172 = tpu.memref_squeeze %dma_wait3A_171 : memref<1x100xi32, #tpu.memory_space<hbm>> -> memref<100xi32, #tpu.memory_space<hbm>>
      tpu.wait_dma2 semaphore(%arg17 : memref<!tpu.dma_semaphore, #tpu.memory_space<semaphore_mem>>) src(%dma_wait3A_172 : memref<100xi32, #tpu.memory_space<hbm>>) dst(%arg11 : memref<100xi32, #tpu.memory_space<vmem>>)
      %dma_wait3A_173 = arith.constant 0 : i32
      %dma_wait3A_174 = arith.constant 0 : i32
      %dma_wait3A_175 = tpu.memref_slice %arg5[%add3A, %dma_wait3A_173, %dma_wait3A_174] : memref<32x100x100xf32, #tpu.memory_space<hbm>> -> memref<1x100x100xf32, #tpu.memory_space<hbm>>
      %dma_wait3A_176 = tpu.memref_squeeze %dma_wait3A_175 : memref<1x100x100xf32, #tpu.memory_space<hbm>> -> memref<100x100xf32, #tpu.memory_space<hbm>>
      %dma_wait3A_177 = arith.constant 0 : i32
      %dma_wait3A_178 = tpu.memref_slice %dma_wait3A_176[%add3A_152, %dma_wait3A_177] : memref<100x100xf32, #tpu.memory_space<hbm>> -> memref<1x100xf32, #tpu.memory_space<hbm>>
      %dma_wait3A_179 = tpu.memref_squeeze %dma_wait3A_178 : memref<1x100xf32, #tpu.memory_space<hbm>> -> memref<100xf32, #tpu.memory_space<hbm>>
      %dma_wait3A_180 = arith.constant 0 : i32
      %dma_wait3A_181 = arith.constant 0 : i32
      %dma_wait3A_182 = tpu.memref_slice %arg5[%add3A, %dma_wait3A_180, %dma_wait3A_181] : memref<32x100x100xf32, #tpu.memory_space<hbm>> -> memref<1x100x100xf32, #tpu.memory_space<hbm>>
      %dma_wait3A_183 = tpu.memref_squeeze %dma_wait3A_182 : memref<1x100x100xf32, #tpu.memory_space<hbm>> -> memref<100x100xf32, #tpu.memory_space<hbm>>
      %dma_wait3A_184 = arith.constant 0 : i32
      %dma_wait3A_185 = tpu.memref_slice %dma_wait3A_183[%add3A_152, %dma_wait3A_184] : memref<100x100xf32, #tpu.memory_space<hbm>> -> memref<1x100xf32, #tpu.memory_space<hbm>>
      %dma_wait3A_186 = tpu.memref_squeeze %dma_wait3A_185 : memref<1x100xf32, #tpu.memory_space<hbm>> -> memref<100xf32, #tpu.memory_space<hbm>>
      tpu.wait_dma2 semaphore(%arg17 : memref<!tpu.dma_semaphore, #tpu.memory_space<semaphore_mem>>) src(%dma_wait3A_186 : memref<100xf32, #tpu.memory_space<hbm>>) dst(%arg13 : memref<100xf32, #tpu.memory_space<vmem>>)
      %scan3A_187 = arith.constant 0 : i32
      %scan3A_188 = arith.constant 50 : i32
      %scan3A_189 = arith.addi %scan3A_187, %scan3A_188 : i32
      %scan3A_190 = arith.constant 1 : i32
      scf.for %scan3A_202 = %scan3A_187 to %scan3A_189 step %scan3A_190  : i32 {
        %mul3A_203 = arith.constant 2 : i32
        %mul3A_204 = arith.muli %scan3A_202, %mul3A_203 : i32
        %add3A_205 = arith.constant 0 : i32
        %add3A_206 = arith.addi %add3A_205, %mul3A_204 : i32
        %broadcast_in_dim3A = vector.broadcast %add3A_206 : i32 to vector<16xi32>
        %gather3A = tpu.vector_load_idx %arg13[%broadcast_in_dim3A] : memref<100xf32, #tpu.memory_space<vmem>>[vector<16xi32>], vector<16xf32>,
        %add3A_207 = arith.constant 1 : i32
        %add3A_208 = arith.addi %add3A_206, %add3A_207 : i32
        %broadcast_in_dim3A_209 = vector.broadcast %add3A_208 : i32 to vector<16xi32>
        %gather3A_210 = tpu.vector_load_idx %arg13[%broadcast_in_dim3A_209] : memref<100xf32, #tpu.memory_space<vmem>>[vector<16xi32>], vector<16xf32>,
        %get3A = arith.index_cast %add3A_206 : i32 to index
        %get3A_211 = arith.constant 0 : index
        %get3A_212 = tpu.vector_load %arg15[%get3A, %get3A_211] {strides = array<i32>} : memref<100x128xf32, #tpu.memory_space<vmem>>, vector<16xf32>,
        %mul3A_213 = arith.mulf %get3A_212, %gather3A : vector<16xf32>
        %swap3A = arith.index_cast %add3A_206 : i32 to index
        %swap3A_214 = arith.constant 0 : index
        %swap3A_215 = tpu.vector_load %arg15[%swap3A, %swap3A_214] {strides = array<i32>} : memref<100x128xf32, #tpu.memory_space<vmem>>, vector<16xf32>,
        tpu.vector_store %arg15[%swap3A, %swap3A_214], %mul3A_213 {strides = array<i32>} : memref<100x128xf32, #tpu.memory_space<vmem>>, vector<16xf32>,
        %add3A_216 = arith.constant 1 : i32
        %add3A_217 = arith.addi %add3A_206, %add3A_216 : i32
        %get3A_218 = arith.index_cast %add3A_217 : i32 to index
        %get3A_219 = arith.constant 0 : index
        %get3A_220 = tpu.vector_load %arg15[%get3A_218, %get3A_219] {strides = array<i32>} : memref<100x128xf32, #tpu.memory_space<vmem>>, vector<16xf32>,
        %mul3A_221 = arith.mulf %get3A_220, %gather3A_210 : vector<16xf32>
        %add3A_222 = arith.constant 1 : i32
        %add3A_223 = arith.addi %add3A_206, %add3A_222 : i32
        %swap3A_224 = arith.index_cast %add3A_223 : i32 to index
        %swap3A_225 = arith.constant 0 : index
        %swap3A_226 = tpu.vector_load %arg15[%swap3A_224, %swap3A_225] {strides = array<i32>} : memref<100x128xf32, #tpu.memory_space<vmem>>, vector<16xf32>,
        tpu.vector_store %arg15[%swap3A_224, %swap3A_225], %mul3A_221 {strides = array<i32>} : memref<100x128xf32, #tpu.memory_space<vmem>>, vector<16xf32>,
        %get3A_227 = arith.index_cast %add3A_206 : i32 to index
        %get3A_228 = arith.constant 16 : index
        %get3A_229 = tpu.vector_load %arg15[%get3A_227, %get3A_228] {strides = array<i32>} : memref<100x128xf32, #tpu.memory_space<vmem>>, vector<16xf32>,
        %mul3A_230 = arith.mulf %get3A_229, %gather3A : vector<16xf32>
        %swap3A_231 = arith.index_cast %add3A_206 : i32 to index
        %swap3A_232 = arith.constant 16 : index
        %swap3A_233 = tpu.vector_load %arg15[%swap3A_231, %swap3A_232] {strides = array<i32>} : memref<100x128xf32, #tpu.memory_space<vmem>>, vector<16xf32>,
        tpu.vector_store %arg15[%swap3A_231, %swap3A_232], %mul3A_230 {strides = array<i32>} : memref<100x128xf32, #tpu.memory_space<vmem>>, vector<16xf32>,
        %add3A_234 = arith.constant 1 : i32
        %add3A_235 = arith.addi %add3A_206, %add3A_234 : i32
        %get3A_236 = arith.index_cast %add3A_235 : i32 to index
        %get3A_237 = arith.constant 16 : index
        %get3A_238 = tpu.vector_load %arg15[%get3A_236, %get3A_237] {strides = array<i32>} : memref<100x128xf32, #tpu.memory_space<vmem>>, vector<16xf32>,
        %mul3A_239 = arith.mulf %get3A_238, %gather3A_210 : vector<16xf32>
        %add3A_240 = arith.constant 1 : i32
        %add3A_241 = arith.addi %add3A_206, %add3A_240 : i32
        %swap3A_242 = arith.index_cast %add3A_241 : i32 to index
        %swap3A_243 = arith.constant 16 : index
        %swap3A_244 = tpu.vector_load %arg15[%swap3A_242, %swap3A_243] {strides = array<i32>} : memref<100x128xf32, #tpu.memory_space<vmem>>, vector<16xf32>,
        tpu.vector_store %arg15[%swap3A_242, %swap3A_243], %mul3A_239 {strides = array<i32>} : memref<100x128xf32, #tpu.memory_space<vmem>>, vector<16xf32>,
        %get3A_245 = arith.index_cast %add3A_206 : i32 to index
        %get3A_246 = arith.constant 32 : index
        %get3A_247 = tpu.vector_load %arg15[%get3A_245, %get3A_246] {strides = array<i32>} : memref<100x128xf32, #tpu.memory_space<vmem>>, vector<16xf32>,
        %mul3A_248 = arith.mulf %get3A_247, %gather3A : vector<16xf32>
        %swap3A_249 = arith.index_cast %add3A_206 : i32 to index
        %swap3A_250 = arith.constant 32 : index
        %swap3A_251 = tpu.vector_load %arg15[%swap3A_249, %swap3A_250] {strides = array<i32>} : memref<100x128xf32, #tpu.memory_space<vmem>>, vector<16xf32>,
        tpu.vector_store %arg15[%swap3A_249, %swap3A_250], %mul3A_248 {strides = array<i32>} : memref<100x128xf32, #tpu.memory_space<vmem>>, vector<16xf32>,
        %add3A_252 = arith.constant 1 : i32
        %add3A_253 = arith.addi %add3A_206, %add3A_252 : i32
        %get3A_254 = arith.index_cast %add3A_253 : i32 to index
        %get3A_255 = arith.constant 32 : index
        %get3A_256 = tpu.vector_load %arg15[%get3A_254, %get3A_255] {strides = array<i32>} : memref<100x128xf32, #tpu.memory_space<vmem>>, vector<16xf32>,
        %mul3A_257 = arith.mulf %get3A_256, %gather3A_210 : vector<16xf32>
        %add3A_258 = arith.constant 1 : i32
        %add3A_259 = arith.addi %add3A_206, %add3A_258 : i32
        %swap3A_260 = arith.index_cast %add3A_259 : i32 to index
        %swap3A_261 = arith.constant 32 : index
        %swap3A_262 = tpu.vector_load %arg15[%swap3A_260, %swap3A_261] {strides = array<i32>} : memref<100x128xf32, #tpu.memory_space<vmem>>, vector<16xf32>,
        tpu.vector_store %arg15[%swap3A_260, %swap3A_261], %mul3A_257 {strides = array<i32>} : memref<100x128xf32, #tpu.memory_space<vmem>>, vector<16xf32>,
        %get3A_263 = arith.index_cast %add3A_206 : i32 to index
        %get3A_264 = arith.constant 48 : index
        %get3A_265 = tpu.vector_load %arg15[%get3A_263, %get3A_264] {strides = array<i32>} : memref<100x128xf32, #tpu.memory_space<vmem>>, vector<16xf32>,
        %mul3A_266 = arith.mulf %get3A_265, %gather3A : vector<16xf32>
        %swap3A_267 = arith.index_cast %add3A_206 : i32 to index
        %swap3A_268 = arith.constant 48 : index
        %swap3A_269 = tpu.vector_load %arg15[%swap3A_267, %swap3A_268] {strides = array<i32>} : memref<100x128xf32, #tpu.memory_space<vmem>>, vector<16xf32>,
        tpu.vector_store %arg15[%swap3A_267, %swap3A_268], %mul3A_266 {strides = array<i32>} : memref<100x128xf32, #tpu.memory_space<vmem>>, vector<16xf32>,
        %add3A_270 = arith.constant 1 : i32
        %add3A_271 = arith.addi %add3A_206, %add3A_270 : i32
        %get3A_272 = arith.index_cast %add3A_271 : i32 to index
        %get3A_273 = arith.constant 48 : index
        %get3A_274 = tpu.vector_load %arg15[%get3A_272, %get3A_273] {strides = array<i32>} : memref<100x128xf32, #tpu.memory_space<vmem>>, vector<16xf32>,
        %mul3A_275 = arith.mulf %get3A_274, %gather3A_210 : vector<16xf32>
        %add3A_276 = arith.constant 1 : i32
        %add3A_277 = arith.addi %add3A_206, %add3A_276 : i32
        %swap3A_278 = arith.index_cast %add3A_277 : i32 to index
        %swap3A_279 = arith.constant 48 : index
        %swap3A_280 = tpu.vector_load %arg15[%swap3A_278, %swap3A_279] {strides = array<i32>} : memref<100x128xf32, #tpu.memory_space<vmem>>, vector<16xf32>,
        tpu.vector_store %arg15[%swap3A_278, %swap3A_279], %mul3A_275 {strides = array<i32>} : memref<100x128xf32, #tpu.memory_space<vmem>>, vector<16xf32>,
        %get3A_281 = arith.index_cast %add3A_206 : i32 to index
        %get3A_282 = arith.constant 64 : index
        %get3A_283 = tpu.vector_load %arg15[%get3A_281, %get3A_282] {strides = array<i32>} : memref<100x128xf32, #tpu.memory_space<vmem>>, vector<16xf32>,
        %mul3A_284 = arith.mulf %get3A_283, %gather3A : vector<16xf32>
        %swap3A_285 = arith.index_cast %add3A_206 : i32 to index
        %swap3A_286 = arith.constant 64 : index
        %swap3A_287 = tpu.vector_load %arg15[%swap3A_285, %swap3A_286] {strides = array<i32>} : memref<100x128xf32, #tpu.memory_space<vmem>>, vector<16xf32>,
        tpu.vector_store %arg15[%swap3A_285, %swap3A_286], %mul3A_284 {strides = array<i32>} : memref<100x128xf32, #tpu.memory_space<vmem>>, vector<16xf32>,
        %add3A_288 = arith.constant 1 : i32
        %add3A_289 = arith.addi %add3A_206, %add3A_288 : i32
        %get3A_290 = arith.index_cast %add3A_289 : i32 to index
        %get3A_291 = arith.constant 64 : index
        %get3A_292 = tpu.vector_load %arg15[%get3A_290, %get3A_291] {strides = array<i32>} : memref<100x128xf32, #tpu.memory_space<vmem>>, vector<16xf32>,
        %mul3A_293 = arith.mulf %get3A_292, %gather3A_210 : vector<16xf32>
        %add3A_294 = arith.constant 1 : i32
        %add3A_295 = arith.addi %add3A_206, %add3A_294 : i32
        %swap3A_296 = arith.index_cast %add3A_295 : i32 to index
        %swap3A_297 = arith.constant 64 : index
        %swap3A_298 = tpu.vector_load %arg15[%swap3A_296, %swap3A_297] {strides = array<i32>} : memref<100x128xf32, #tpu.memory_space<vmem>>, vector<16xf32>,
        tpu.vector_store %arg15[%swap3A_296, %swap3A_297], %mul3A_293 {strides = array<i32>} : memref<100x128xf32, #tpu.memory_space<vmem>>, vector<16xf32>,
        %get3A_299 = arith.index_cast %add3A_206 : i32 to index
        %get3A_300 = arith.constant 80 : index
        %get3A_301 = tpu.vector_load %arg15[%get3A_299, %get3A_300] {strides = array<i32>} : memref<100x128xf32, #tpu.memory_space<vmem>>, vector<16xf32>,
        %mul3A_302 = arith.mulf %get3A_301, %gather3A : vector<16xf32>
        %swap3A_303 = arith.index_cast %add3A_206 : i32 to index
        %swap3A_304 = arith.constant 80 : index
        %swap3A_305 = tpu.vector_load %arg15[%swap3A_303, %swap3A_304] {strides = array<i32>} : memref<100x128xf32, #tpu.memory_space<vmem>>, vector<16xf32>,
        tpu.vector_store %arg15[%swap3A_303, %swap3A_304], %mul3A_302 {strides = array<i32>} : memref<100x128xf32, #tpu.memory_space<vmem>>, vector<16xf32>,
        %add3A_306 = arith.constant 1 : i32
        %add3A_307 = arith.addi %add3A_206, %add3A_306 : i32
        %get3A_308 = arith.index_cast %add3A_307 : i32 to index
        %get3A_309 = arith.constant 80 : index
        %get3A_310 = tpu.vector_load %arg15[%get3A_308, %get3A_309] {strides = array<i32>} : memref<100x128xf32, #tpu.memory_space<vmem>>, vector<16xf32>,
        %mul3A_311 = arith.mulf %get3A_310, %gather3A_210 : vector<16xf32>
        %add3A_312 = arith.constant 1 : i32
        %add3A_313 = arith.addi %add3A_206, %add3A_312 : i32
        %swap3A_314 = arith.index_cast %add3A_313 : i32 to index
        %swap3A_315 = arith.constant 80 : index
        %swap3A_316 = tpu.vector_load %arg15[%swap3A_314, %swap3A_315] {strides = array<i32>} : memref<100x128xf32, #tpu.memory_space<vmem>>, vector<16xf32>,
        tpu.vector_store %arg15[%swap3A_314, %swap3A_315], %mul3A_311 {strides = array<i32>} : memref<100x128xf32, #tpu.memory_space<vmem>>, vector<16xf32>,
        %get3A_317 = arith.index_cast %add3A_206 : i32 to index
        %get3A_318 = arith.constant 96 : index
        %get3A_319 = tpu.vector_load %arg15[%get3A_317, %get3A_318] {strides = array<i32>} : memref<100x128xf32, #tpu.memory_space<vmem>>, vector<16xf32>,
        %mul3A_320 = arith.mulf %get3A_319, %gather3A : vector<16xf32>
        %swap3A_321 = arith.index_cast %add3A_206 : i32 to index
        %swap3A_322 = arith.constant 96 : index
        %swap3A_323 = tpu.vector_load %arg15[%swap3A_321, %swap3A_322] {strides = array<i32>} : memref<100x128xf32, #tpu.memory_space<vmem>>, vector<16xf32>,
        tpu.vector_store %arg15[%swap3A_321, %swap3A_322], %mul3A_320 {strides = array<i32>} : memref<100x128xf32, #tpu.memory_space<vmem>>, vector<16xf32>,
        %add3A_324 = arith.constant 1 : i32
        %add3A_325 = arith.addi %add3A_206, %add3A_324 : i32
        %get3A_326 = arith.index_cast %add3A_325 : i32 to index
        %get3A_327 = arith.constant 96 : index
        %get3A_328 = tpu.vector_load %arg15[%get3A_326, %get3A_327] {strides = array<i32>} : memref<100x128xf32, #tpu.memory_space<vmem>>, vector<16xf32>,
        %mul3A_329 = arith.mulf %get3A_328, %gather3A_210 : vector<16xf32>
        %add3A_330 = arith.constant 1 : i32
        %add3A_331 = arith.addi %add3A_206, %add3A_330 : i32
        %swap3A_332 = arith.index_cast %add3A_331 : i32 to index
        %swap3A_333 = arith.constant 96 : index
        %swap3A_334 = tpu.vector_load %arg15[%swap3A_332, %swap3A_333] {strides = array<i32>} : memref<100x128xf32, #tpu.memory_space<vmem>>, vector<16xf32>,
        tpu.vector_store %arg15[%swap3A_332, %swap3A_333], %mul3A_329 {strides = array<i32>} : memref<100x128xf32, #tpu.memory_space<vmem>>, vector<16xf32>,
        %get3A_335 = arith.index_cast %add3A_206 : i32 to index
        %get3A_336 = arith.constant 112 : index
        %get3A_337 = tpu.vector_load %arg15[%get3A_335, %get3A_336] {strides = array<i32>} : memref<100x128xf32, #tpu.memory_space<vmem>>, vector<16xf32>,
        %mul3A_338 = arith.mulf %get3A_337, %gather3A : vector<16xf32>
        %swap3A_339 = arith.index_cast %add3A_206 : i32 to index
        %swap3A_340 = arith.constant 112 : index
        %swap3A_341 = tpu.vector_load %arg15[%swap3A_339, %swap3A_340] {strides = array<i32>} : memref<100x128xf32, #tpu.memory_space<vmem>>, vector<16xf32>,
        tpu.vector_store %arg15[%swap3A_339, %swap3A_340], %mul3A_338 {strides = array<i32>} : memref<100x128xf32, #tpu.memory_space<vmem>>, vector<16xf32>,
        %add3A_342 = arith.constant 1 : i32
        %add3A_343 = arith.addi %add3A_206, %add3A_342 : i32
        %get3A_344 = arith.index_cast %add3A_343 : i32 to index
        %get3A_345 = arith.constant 112 : index
        %get3A_346 = tpu.vector_load %arg15[%get3A_344, %get3A_345] {strides = array<i32>} : memref<100x128xf32, #tpu.memory_space<vmem>>, vector<16xf32>,
        %mul3A_347 = arith.mulf %get3A_346, %gather3A_210 : vector<16xf32>
        %add3A_348 = arith.constant 1 : i32
        %add3A_349 = arith.addi %add3A_206, %add3A_348 : i32
        %swap3A_350 = arith.index_cast %add3A_349 : i32 to index
        %swap3A_351 = arith.constant 112 : index
        %swap3A_352 = tpu.vector_load %arg15[%swap3A_350, %swap3A_351] {strides = array<i32>} : memref<100x128xf32, #tpu.memory_space<vmem>>, vector<16xf32>,
        tpu.vector_store %arg15[%swap3A_350, %swap3A_351], %mul3A_347 {strides = array<i32>} : memref<100x128xf32, #tpu.memory_space<vmem>>, vector<16xf32>,
      }
      %scan3A_191 = arith.constant 50 : i32
      %dma_start3A_192 = arith.constant 0 : i32
      %dma_start3A_193 = arith.constant 0 : i32
      %dma_start3A_194 = tpu.memref_slice %arg8[%dma_start3A_192, %dma_start3A_193] : memref<10000x128xf32, #tpu.memory_space<vmem_shared>> -> memref<10000x128xf32, #tpu.memory_space<vmem_shared>>
      tpu.enqueue_indirect_dma source(%arg15 : memref<100x128xf32, #tpu.memory_space<vmem>>) target(%dma_start3A_194 : memref<10000x128xf32, #tpu.memory_space<vmem_shared>>) offsets(%arg11 : memref<100xi32, #tpu.memory_space<vmem>>) semaphore(%arg19 : memref<!tpu.dma_semaphore, #tpu.memory_space<semaphore_mem>>) {add = true}
      %add3A_195 = arith.constant 2 : i32
      %add3A_196 = arith.addi %add3A_152, %add3A_195 : i32
      %lt3A_197 = arith.constant 100 : i32
      %lt3A_198 = arith.cmpi slt, %add3A_196, %lt3A_197 : i32
      %convert_element_type3A_199 = arith.extui %lt3A_198 : i1 to i32
      %cond3A_200 = arith.constant 0 : i32
      %cond3A_201 = arith.cmpi ne, %convert_element_type3A_199, %cond3A_200 : i32
      scf.if %cond3A_201 {
        %dma_wait3A_202 = arith.constant 0 : i32
        %dma_wait3A_203 = arith.constant 0 : i32
        %dma_wait3A_204 = tpu.memref_slice %arg8[%dma_wait3A_202, %dma_wait3A_203] : memref<10000x128xf32, #tpu.memory_space<vmem_shared>> -> memref<10000x128xf32, #tpu.memory_space<vmem_shared>>
        tpu.wait_indirect_dma semaphore(%arg19 : memref<!tpu.dma_semaphore, #tpu.memory_space<semaphore_mem>>) src(%arg15 : memref<100x128xf32, #tpu.memory_space<vmem>>) dst(%dma_wait3A_204 : memref<10000x128xf32, #tpu.memory_space<vmem_shared>>)
        %add3A_205 = arith.constant 2 : i32
        %add3A_206 = arith.addi %add3A_152, %add3A_205 : i32
        %dma_start3A_207 = arith.constant 0 : i32
        %dma_start3A_208 = tpu.memref_slice %arg9[%add3A_206, %dma_start3A_207] : memref<100x100xi32, #tpu.memory_space<vmem>> -> memref<1x100xi32, #tpu.memory_space<vmem>>
        %dma_start3A_209 = tpu.memref_squeeze %dma_start3A_208 : memref<1x100xi32, #tpu.memory_space<vmem>> -> memref<100xi32, #tpu.memory_space<vmem>>
        %dma_start3A_210 = arith.constant 0 : i32
        %dma_start3A_211 = arith.constant 0 : i32
        %dma_start3A_212 = tpu.memref_slice %arg2[%dma_start3A_210, %dma_start3A_211] : memref<160000x128xf32, #tpu.memory_space<hbm>> -> memref<160000x128xf32, #tpu.memory_space<hbm>>
        tpu.enqueue_indirect_dma source(%dma_start3A_212 : memref<160000x128xf32, #tpu.memory_space<hbm>>) target(%arg15 : memref<100x128xf32, #tpu.memory_space<vmem>>) offsets(%dma_start3A_209 : memref<100xi32, #tpu.memory_space<vmem>>) semaphore(%arg17 : memref<!tpu.dma_semaphore, #tpu.memory_space<semaphore_mem>>)
        %add3A_213 = arith.constant 2 : i32
        %add3A_214 = arith.addi %add3A_152, %add3A_213 : i32
        %dma_start3A_215 = arith.constant 0 : i32
        %dma_start3A_216 = arith.constant 0 : i32
        %dma_start3A_217 = tpu.memref_slice %arg4[%add3A, %dma_start3A_215, %dma_start3A_216] : memref<32x100x100xi32, #tpu.memory_space<hbm>> -> memref<1x100x100xi32, #tpu.memory_space<hbm>>
        %dma_start3A_218 = tpu.memref_squeeze %dma_start3A_217 : memref<1x100x100xi32, #tpu.memory_space<hbm>> -> memref<100x100xi32, #tpu.memory_space<hbm>>
        %dma_start3A_219 = arith.constant 0 : i32
        %dma_start3A_220 = tpu.memref_slice %dma_start3A_218[%add3A_214, %dma_start3A_219] : memref<100x100xi32, #tpu.memory_space<hbm>> -> memref<1x100xi32, #tpu.memory_space<hbm>>
        %dma_start3A_221 = tpu.memref_squeeze %dma_start3A_220 : memref<1x100xi32, #tpu.memory_space<hbm>> -> memref<100xi32, #tpu.memory_space<hbm>>
        %dma_start3A_222 = arith.constant 0 : i32
        %dma_start3A_223 = arith.constant 0 : i32
        %dma_start3A_224 = tpu.memref_slice %arg4[%add3A, %dma_start3A_222, %dma_start3A_223] : memref<32x100x100xi32, #tpu.memory_space<hbm>> -> memref<1x100x100xi32, #tpu.memory_space<hbm>>
        %dma_start3A_225 = tpu.memref_squeeze %dma_start3A_224 : memref<1x100x100xi32, #tpu.memory_space<hbm>> -> memref<100x100xi32, #tpu.memory_space<hbm>>
        %dma_start3A_226 = arith.constant 0 : i32
        %dma_start3A_227 = tpu.memref_slice %dma_start3A_225[%add3A_214, %dma_start3A_226] : memref<100x100xi32, #tpu.memory_space<hbm>> -> memref<1x100xi32, #tpu.memory_space<hbm>>
        %dma_start3A_228 = tpu.memref_squeeze %dma_start3A_227 : memref<1x100xi32, #tpu.memory_space<hbm>> -> memref<100xi32, #tpu.memory_space<hbm>>
        tpu.enqueue_dma source(%dma_start3A_228 : memref<100xi32, #tpu.memory_space<hbm>>) target(%arg11 : memref<100xi32, #tpu.memory_space<vmem>>) target_semaphore(%arg17 : memref<!tpu.dma_semaphore, #tpu.memory_space<semaphore_mem>>)
        %add3A_229 = arith.constant 2 : i32
        %add3A_230 = arith.addi %add3A_152, %add3A_229 : i32
        %dma_start3A_231 = arith.constant 0 : i32
        %dma_start3A_232 = arith.constant 0 : i32
        %dma_start3A_233 = tpu.memref_slice %arg5[%add3A, %dma_start3A_231, %dma_start3A_232] : memref<32x100x100xf32, #tpu.memory_space<hbm>> -> memref<1x100x100xf32, #tpu.memory_space<hbm>>
        %dma_start3A_234 = tpu.memref_squeeze %dma_start3A_233 : memref<1x100x100xf32, #tpu.memory_space<hbm>> -> memref<100x100xf32, #tpu.memory_space<hbm>>
        %dma_start3A_235 = arith.constant 0 : i32
        %dma_start3A_236 = tpu.memref_slice %dma_start3A_234[%add3A_230, %dma_start3A_235] : memref<100x100xf32, #tpu.memory_space<hbm>> -> memref<1x100xf32, #tpu.memory_space<hbm>>
        %dma_start3A_237 = tpu.memref_squeeze %dma_start3A_236 : memref<1x100xf32, #tpu.memory_space<hbm>> -> memref<100xf32, #tpu.memory_space<hbm>>
        %dma_start3A_238 = arith.constant 0 : i32
        %dma_start3A_239 = arith.constant 0 : i32
        %dma_start3A_240 = tpu.memref_slice %arg5[%add3A, %dma_start3A_238, %dma_start3A_239] : memref<32x100x100xf32, #tpu.memory_space<hbm>> -> memref<1x100x100xf32, #tpu.memory_space<hbm>>
        %dma_start3A_241 = tpu.memref_squeeze %dma_start3A_240 : memref<1x100x100xf32, #tpu.memory_space<hbm>> -> memref<100x100xf32, #tpu.memory_space<hbm>>
        %dma_start3A_242 = arith.constant 0 : i32
        %dma_start3A_243 = tpu.memref_slice %dma_start3A_241[%add3A_230, %dma_start3A_242] : memref<100x100xf32, #tpu.memory_space<hbm>> -> memref<1x100xf32, #tpu.memory_space<hbm>>
        %dma_start3A_244 = tpu.memref_squeeze %dma_start3A_243 : memref<1x100xf32, #tpu.memory_space<hbm>> -> memref<100xf32, #tpu.memory_space<hbm>>
        tpu.enqueue_dma source(%dma_start3A_244 : memref<100xf32, #tpu.memory_space<hbm>>) target(%arg13 : memref<100xf32, #tpu.memory_space<vmem>>) target_semaphore(%arg17 : memref<!tpu.dma_semaphore, #tpu.memory_space<semaphore_mem>>)
      } else {
      }
    }
    %scan3A_79 = arith.constant 50 : i32
    %dma_wait3A = arith.constant 0 : i32
    %dma_wait3A_80 = arith.constant 0 : i32
    %dma_wait3A_81 = tpu.memref_slice %arg8[%dma_wait3A, %dma_wait3A_80] : memref<10000x128xf32, #tpu.memory_space<vmem_shared>> -> memref<10000x128xf32, #tpu.memory_space<vmem_shared>>
    tpu.wait_indirect_dma semaphore(%arg18 : memref<!tpu.dma_semaphore, #tpu.memory_space<semaphore_mem>>) src(%arg14 : memref<100x128xf32, #tpu.memory_space<vmem>>) dst(%dma_wait3A_81 : memref<10000x128xf32, #tpu.memory_space<vmem_shared>>)
    %dma_wait3A_82 = arith.constant 0 : i32
    %dma_wait3A_83 = arith.constant 0 : i32
    %dma_wait3A_84 = tpu.memref_slice %arg8[%dma_wait3A_82, %dma_wait3A_83] : memref<10000x128xf32, #tpu.memory_space<vmem_shared>> -> memref<10000x128xf32, #tpu.memory_space<vmem_shared>>
    tpu.wait_indirect_dma semaphore(%arg19 : memref<!tpu.dma_semaphore, #tpu.memory_space<semaphore_mem>>) src(%arg15 : memref<100x128xf32, #tpu.memory_space<vmem>>) dst(%dma_wait3A_84 : memref<10000x128xf32, #tpu.memory_space<vmem_shared>>)
    %barrier3A_85 = arith.constant 0 : index
    tpu.barrier barrier_id(%barrier3A_85)
    %lt3A = arith.constant 15 : i32
    %lt3A_86 = arith.cmpi slt, %arg1, %lt3A : i32
    %convert_element_type3A_87 = arith.extui %lt3A_86 : i1 to i32
    %cond3A_88 = arith.constant 0 : i32
    %cond3A_89 = arith.cmpi ne, %convert_element_type3A_87, %cond3A_88 : i32
    scf.if %cond3A_89 {
      %mul3A_95 = arith.constant 624 : i32
      %mul3A_96 = arith.muli %arg1, %mul3A_95 : i32
      %mul3A_97 = arith.constant 624 : i32
      %mul3A_98 = arith.muli %arg1, %mul3A_97 : i32
      "tpu.region"() ({
        %run_scoped3A = tpu.sem_alloc : memref<!tpu.dma_semaphore, #tpu.memory_space<semaphore_mem>>
        %dma_start3A_99 = arith.constant 0 : i32
        %dma_start3A_100 = arith.constant 0 : i32
        %dma_start3A_101 = tpu.memref_slice %arg7[%arg0, %dma_start3A_99, %dma_start3A_100] : memref<2x10000x128xf32, #tpu.memory_space<hbm>> -> memref<1x10000x128xf32, #tpu.memory_space<hbm>>
        %dma_start3A_102 = tpu.memref_squeeze %dma_start3A_101 : memref<1x10000x128xf32, #tpu.memory_space<hbm>> -> memref<10000x128xf32, #tpu.memory_space<hbm>>
        %dma_start3A_103 = arith.constant 0 : i32
        %dma_start3A_104 = tpu.memref_slice %dma_start3A_102[%mul3A_98, %dma_start3A_103] : memref<10000x128xf32, #tpu.memory_space<hbm>> -> memref<624x128xf32, #tpu.memory_space<hbm>>
        %dma_start3A_105 = arith.constant 0 : i32
        %dma_start3A_106 = tpu.memref_slice %arg8[%mul3A_96, %dma_start3A_105] : memref<10000x128xf32, #tpu.memory_space<vmem_shared>> -> memref<624x128xf32, #tpu.memory_space<vmem_shared>>
        tpu.enqueue_dma source(%dma_start3A_106 : memref<624x128xf32, #tpu.memory_space<vmem_shared>>) target(%dma_start3A_104 : memref<624x128xf32, #tpu.memory_space<hbm>>) target_semaphore(%run_scoped3A : memref<!tpu.dma_semaphore, #tpu.memory_space<semaphore_mem>>)
        %dma_wait3A_107 = arith.constant 0 : i32
        %dma_wait3A_108 = arith.constant 0 : i32
        %dma_wait3A_109 = tpu.memref_slice %arg7[%arg0, %dma_wait3A_107, %dma_wait3A_108] : memref<2x10000x128xf32, #tpu.memory_space<hbm>> -> memref<1x10000x128xf32, #tpu.memory_space<hbm>>
        %dma_wait3A_110 = tpu.memref_squeeze %dma_wait3A_109 : memref<1x10000x128xf32, #tpu.memory_space<hbm>> -> memref<10000x128xf32, #tpu.memory_space<hbm>>
        %dma_wait3A_111 = arith.constant 0 : i32
        %dma_wait3A_112 = tpu.memref_slice %dma_wait3A_110[%mul3A_98, %dma_wait3A_111] : memref<10000x128xf32, #tpu.memory_space<hbm>> -> memref<624x128xf32, #tpu.memory_space<hbm>>
        %dma_wait3A_113 = arith.constant 0 : i32
        %dma_wait3A_114 = tpu.memref_slice %arg8[%mul3A_96, %dma_wait3A_113] : memref<10000x128xf32, #tpu.memory_space<vmem_shared>> -> memref<624x128xf32, #tpu.memory_space<vmem_shared>>
        tpu.wait_dma2 semaphore(%run_scoped3A : memref<!tpu.dma_semaphore, #tpu.memory_space<semaphore_mem>>) src(%dma_wait3A_114 : memref<624x128xf32, #tpu.memory_space<vmem_shared>>) dst(%dma_wait3A_112 : memref<624x128xf32, #tpu.memory_space<hbm>>)
        tpu.yield
      }) : () -> ()
    } else {
    }
    %eq3A_90 = arith.constant 15 : i32
    %eq3A_91 = arith.cmpi eq, %arg1, %eq3A_90 : i32
    %convert_element_type3A_92 = arith.extui %eq3A_91 : i1 to i32
    %cond3A_93 = arith.constant 0 : i32
    %cond3A_94 = arith.cmpi ne, %convert_element_type3A_92, %cond3A_93 : i32
    scf.if %cond3A_94 {
      "tpu.region"() ({
        %run_scoped3A = tpu.sem_alloc : memref<!tpu.dma_semaphore, #tpu.memory_space<semaphore_mem>>
        %dma_start3A_95 = arith.constant 0 : i32
        %dma_start3A_96 = arith.constant 0 : i32
        %dma_start3A_97 = tpu.memref_slice %arg7[%arg0, %dma_start3A_95, %dma_start3A_96] : memref<2x10000x128xf32, #tpu.memory_space<hbm>> -> memref<1x10000x128xf32, #tpu.memory_space<hbm>>
        %dma_start3A_98 = tpu.memref_squeeze %dma_start3A_97 : memref<1x10000x128xf32, #tpu.memory_space<hbm>> -> memref<10000x128xf32, #tpu.memory_space<hbm>>
        %dma_start3A_99 = arith.constant 9360 : i32
        %dma_start3A_100 = arith.constant 0 : i32
        %dma_start3A_101 = tpu.memref_slice %dma_start3A_98[%dma_start3A_99, %dma_start3A_100] : memref<10000x128xf32, #tpu.memory_space<hbm>> -> memref<640x128xf32, #tpu.memory_space<hbm>>
        %dma_start3A_102 = arith.constant 9360 : i32
        %dma_start3A_103 = arith.constant 0 : i32
        %dma_start3A_104 = tpu.memref_slice %arg8[%dma_start3A_102, %dma_start3A_103] : memref<10000x128xf32, #tpu.memory_space<vmem_shared>> -> memref<640x128xf32, #tpu.memory_space<vmem_shared>>
        tpu.enqueue_dma source(%dma_start3A_104 : memref<640x128xf32, #tpu.memory_space<vmem_shared>>) target(%dma_start3A_101 : memref<640x128xf32, #tpu.memory_space<hbm>>) target_semaphore(%run_scoped3A : memref<!tpu.dma_semaphore, #tpu.memory_space<semaphore_mem>>)
        %dma_wait3A_105 = arith.constant 0 : i32
        %dma_wait3A_106 = arith.constant 0 : i32
        %dma_wait3A_107 = tpu.memref_slice %arg7[%arg0, %dma_wait3A_105, %dma_wait3A_106] : memref<2x10000x128xf32, #tpu.memory_space<hbm>> -> memref<1x10000x128xf32, #tpu.memory_space<hbm>>
        %dma_wait3A_108 = tpu.memref_squeeze %dma_wait3A_107 : memref<1x10000x128xf32, #tpu.memory_space<hbm>> -> memref<10000x128xf32, #tpu.memory_space<hbm>>
        %dma_wait3A_109 = arith.constant 9360 : i32
        %dma_wait3A_110 = arith.constant 0 : i32
        %dma_wait3A_111 = tpu.memref_slice %dma_wait3A_108[%dma_wait3A_109, %dma_wait3A_110] : memref<10000x128xf32, #tpu.memory_space<hbm>> -> memref<640x128xf32, #tpu.memory_space<hbm>>
        %dma_wait3A_112 = arith.constant 9360 : i32
        %dma_wait3A_113 = arith.constant 0 : i32
        %dma_wait3A_114 = tpu.memref_slice %arg8[%dma_wait3A_112, %dma_wait3A_113] : memref<10000x128xf32, #tpu.memory_space<vmem_shared>> -> memref<640x128xf32, #tpu.memory_space<vmem_shared>>
        tpu.wait_dma2 semaphore(%run_scoped3A : memref<!tpu.dma_semaphore, #tpu.memory_space<semaphore_mem>>) src(%dma_wait3A_114 : memref<640x128xf32, #tpu.memory_space<vmem_shared>>) dst(%dma_wait3A_111 : memref<640x128xf32, #tpu.memory_space<hbm>>)
        tpu.yield
      }) : () -> ()
    } else {
    }
    return
  }
}

module attributes {stable_mosaic.version = 14 : i64} {
  func.func @_xr_body(%arg0: i32, %arg1: memref<10000x128xf32, #tpu.memory_space<vmem>>, %arg2: memref<1x128x128xf32, #tpu.memory_space<vmem>>, %arg3: memref<1x10000x128xf32, #tpu.memory_space<vmem>>) attributes {dimension_semantics = [#tpu.dimension_semantics<arbitrary>], iteration_bounds = array<i64: 16>, scalar_prefetch = 0 : i64, scratch_operands = 0 : i64, tpu.core_type = #tpu.core_type<tc>, window_params = [{pipeline_mode = #tpu.pipeline_mode<synchronous>, transform_indices = @transform_0, window_bounds = array<i64: 10000, 128>}, {transform_indices = @transform_1, window_bounds = array<i64: 1, 128, 128>}, {transform_indices = @transform_2, window_bounds = array<i64: 1, 10000, 128>}]} {
    %get3A = arith.constant 0 : index
    %get3A_0 = arith.constant 0 : index
    %get3A_1 = vector.load %arg1[%get3A, %get3A_0] : memref<10000x128xf32, #tpu.memory_space<vmem>>, vector<10000x128xf32>
    %get3A_2 = arith.constant 0 : index
    %get3A_3 = arith.constant 0 : index
    %get3A_4 = arith.constant 0 : index
    %get3A_5 = vector.load %arg2[%get3A_2, %get3A_3, %get3A_4] : memref<1x128x128xf32, #tpu.memory_space<vmem>>, vector<1x128x128xf32>
    %get3A_6 = vector.shape_cast %get3A_5 : vector<1x128x128xf32> to vector<128x128xf32>
    %dot_general3A = arith.constant dense<0.000000e+00> : vector<10000x128xf32>
    %dot_general3A_7 = tpu.matmul %get3A_1, %get3A_6, %dot_general3A {dimension_numbers = #tpu.dot_dimension_numbers<[1], [0], [0], [1], [0, 0, 1, 1], [], []>, transpose_lhs_hint = false} : vector<10000x128xf32>, vector<128x128xf32>, vector<10000x128xf32> -> vector<10000x128xf32>
    %swap3A = arith.constant 0 : index
    %swap3A_8 = arith.constant 0 : index
    %swap3A_9 = arith.constant 0 : index
    %swap3A_10 = vector.load %arg3[%swap3A, %swap3A_8, %swap3A_9] : memref<1x10000x128xf32, #tpu.memory_space<vmem>>, vector<1x10000x128xf32>
    %swap3A_11 = vector.shape_cast %swap3A_10 : vector<1x10000x128xf32> to vector<10000x128xf32>
    %swap3A_12 = vector.shape_cast %dot_general3A_7 : vector<10000x128xf32> to vector<1x10000x128xf32>
    tpu.vector_store %arg3[%swap3A, %swap3A_8, %swap3A_9], %swap3A_12 {strides = array<i32>} : memref<1x10000x128xf32, #tpu.memory_space<vmem>>, vector<1x10000x128xf32>,
    return
  }
  func.func @transform_0(%arg0: i32) -> (i32, i32) {
    %c0_i32 = arith.constant 0 : i32
    %c0_i32_0 = arith.constant 0 : i32
    %c0_i32_1 = arith.constant 0 : i32
    return %c0_i32, %c0_i32_0 : i32, i32
  }
  func.func @transform_1(%arg0: i32) -> (i32, i32, i32) {
    %c0_i32 = arith.constant 0 : i32
    %c0_i32_0 = arith.constant 0 : i32
    %c0_i32_1 = arith.constant 0 : i32
    return %arg0, %c0_i32, %c0_i32_0 : i32, i32, i32
  }
  func.func @transform_2(%arg0: i32) -> (i32, i32, i32) {
    %c0_i32 = arith.constant 0 : i32
    %c0_i32_0 = arith.constant 0 : i32
    %c0_i32_1 = arith.constant 0 : i32
    return %arg0, %c0_i32, %c0_i32_0 : i32, i32, i32
  }
}

module attributes {stable_mosaic.version = 14 : i64} {
  func.func @_combine_transform_body(%arg0: i32, %arg1: memref<2x10000x128xf32, #tpu.memory_space<vmem>>, %arg2: memref<10000x128xf32, #tpu.memory_space<vmem>>, %arg3: memref<128x128xf32, #tpu.memory_space<vmem>>, %arg4: memref<1x128xf32, #tpu.memory_space<vmem>>, %arg5: memref<1x128x128xf32, #tpu.memory_space<vmem>>, %arg6: memref<10000x128xf32, #tpu.memory_space<vmem>>, %arg7: memref<1x10000x128xf32, #tpu.memory_space<vmem>>, %arg8: memref<10000x128xf32, #tpu.memory_space<vmem>>) attributes {dimension_semantics = [#tpu.dimension_semantics<arbitrary>], iteration_bounds = array<i64: 16>, scalar_prefetch = 0 : i64, scratch_operands = 1 : i64, tpu.core_type = #tpu.core_type<tc>, window_params = [{pipeline_mode = #tpu.pipeline_mode<synchronous>, transform_indices = @transform_0, window_bounds = array<i64: 2, 10000, 128>}, {pipeline_mode = #tpu.pipeline_mode<synchronous>, transform_indices = @transform_1, window_bounds = array<i64: 10000, 128>}, {pipeline_mode = #tpu.pipeline_mode<synchronous>, transform_indices = @transform_2, window_bounds = array<i64: 128, 128>}, {pipeline_mode = #tpu.pipeline_mode<synchronous>, transform_indices = @transform_3, window_bounds = array<i64: 1, 128>}, {transform_indices = @transform_4, window_bounds = array<i64: 1, 128, 128>}, {pipeline_mode = #tpu.pipeline_mode<synchronous>, transform_indices = @transform_5, window_bounds = array<i64: 10000, 128>}, {transform_indices = @transform_6, window_bounds = array<i64: 1, 10000, 128>}]} {
    %eq3A = arith.constant 0 : i32
    %eq3A_0 = arith.cmpi eq, %arg0, %eq3A : i32
    %convert_element_type3A = arith.extui %eq3A_0 : i1 to i32
    %cond3A = arith.constant 0 : i32
    %cond3A_1 = arith.cmpi ne, %convert_element_type3A, %cond3A : i32
    scf.if %cond3A_1 {
      %get3A_15 = arith.constant 0 : index
      %get3A_16 = arith.constant 0 : index
      %get3A_17 = arith.constant 0 : index
      %get3A_18 = vector.load %arg1[%get3A_15, %get3A_16, %get3A_17] : memref<2x10000x128xf32, #tpu.memory_space<vmem>>, vector<1x10000x128xf32>
      %get3A_19 = vector.shape_cast %get3A_18 : vector<1x10000x128xf32> to vector<10000x128xf32>
      %get3A_20 = arith.constant 1 : index
      %get3A_21 = arith.constant 0 : index
      %get3A_22 = arith.constant 0 : index
      %get3A_23 = vector.load %arg1[%get3A_20, %get3A_21, %get3A_22] : memref<2x10000x128xf32, #tpu.memory_space<vmem>>, vector<1x10000x128xf32>
      %get3A_24 = vector.shape_cast %get3A_23 : vector<1x10000x128xf32> to vector<10000x128xf32>
      %add3A = arith.addf %get3A_19, %get3A_24 : vector<10000x128xf32>
      %get3A_25 = arith.constant 0 : index
      %get3A_26 = arith.constant 0 : index
      %get3A_27 = vector.load %arg2[%get3A_25, %get3A_26] : memref<10000x128xf32, #tpu.memory_space<vmem>>, vector<10000x128xf32>
      %get3A_28 = arith.constant 0 : index
      %get3A_29 = arith.constant 0 : index
      %get3A_30 = vector.load %arg3[%get3A_28, %get3A_29] : memref<128x128xf32, #tpu.memory_space<vmem>>, vector<128x128xf32>
      %dot_general3A_31 = arith.constant dense<0.000000e+00> : vector<10000x128xf32>
      %dot_general3A_32 = tpu.matmul %get3A_27, %get3A_30, %dot_general3A_31 {dimension_numbers = #tpu.dot_dimension_numbers<[1], [0], [0], [1], [0, 0, 1, 1], [], []>, transpose_lhs_hint = false} : vector<10000x128xf32>, vector<128x128xf32>, vector<10000x128xf32> -> vector<10000x128xf32>
      %add3A_33 = arith.addf %add3A, %dot_general3A_32 : vector<10000x128xf32>
      %get3A_34 = arith.constant 0 : index
      %get3A_35 = arith.constant 0 : index
      %get3A_36 = vector.load %arg4[%get3A_34, %get3A_35] : memref<1x128xf32, #tpu.memory_space<vmem>>, vector<1x128xf32>
      %get3A_37 = vector.shape_cast %get3A_36 : vector<1x128xf32> to vector<128xf32>
      %broadcast_in_dim3A = vector.shape_cast %get3A_37 : vector<128xf32> to vector<1x128xf32>
      %add3A_38 = vector.broadcast %broadcast_in_dim3A : vector<1x128xf32> to vector<10000x128xf32>
      %add3A_39 = arith.addf %add3A_33, %add3A_38 : vector<10000x128xf32>
      %max3A = arith.constant 0.000000e+00 : f32
      %max3A_40 = vector.broadcast %max3A : f32 to vector<10000x128xf32>
      %max3A_41 = arith.maximumf %add3A_39, %max3A_40 : vector<10000x128xf32>
      %swap3A_42 = arith.constant 0 : index
      %swap3A_43 = arith.constant 0 : index
      %swap3A_44 = vector.load %arg8[%swap3A_42, %swap3A_43] : memref<10000x128xf32, #tpu.memory_space<vmem>>, vector<10000x128xf32>
      tpu.vector_store %arg8[%swap3A_42, %swap3A_43], %max3A_41 {strides = array<i32>} : memref<10000x128xf32, #tpu.memory_space<vmem>>, vector<10000x128xf32>,
      %swap3A_45 = arith.constant 0 : index
      %swap3A_46 = arith.constant 0 : index
      %swap3A_47 = vector.load %arg6[%swap3A_45, %swap3A_46] : memref<10000x128xf32, #tpu.memory_space<vmem>>, vector<10000x128xf32>
      tpu.vector_store %arg6[%swap3A_45, %swap3A_46], %max3A_41 {strides = array<i32>} : memref<10000x128xf32, #tpu.memory_space<vmem>>, vector<10000x128xf32>,
    } else {
    }
    %get3A = arith.constant 0 : index
    %get3A_2 = arith.constant 0 : index
    %get3A_3 = vector.load %arg8[%get3A, %get3A_2] : memref<10000x128xf32, #tpu.memory_space<vmem>>, vector<10000x128xf32>
    %get3A_4 = arith.constant 0 : index
    %get3A_5 = arith.constant 0 : index
    %get3A_6 = arith.constant 0 : index
    %get3A_7 = vector.load %arg5[%get3A_4, %get3A_5, %get3A_6] : memref<1x128x128xf32, #tpu.memory_space<vmem>>, vector<1x128x128xf32>
    %get3A_8 = vector.shape_cast %get3A_7 : vector<1x128x128xf32> to vector<128x128xf32>
    %dot_general3A = arith.constant dense<0.000000e+00> : vector<10000x128xf32>
    %dot_general3A_9 = tpu.matmul %get3A_3, %get3A_8, %dot_general3A {dimension_numbers = #tpu.dot_dimension_numbers<[1], [0], [0], [1], [0, 0, 1, 1], [], []>, transpose_lhs_hint = false} : vector<10000x128xf32>, vector<128x128xf32>, vector<10000x128xf32> -> vector<10000x128xf32>
    %swap3A = arith.constant 0 : index
    %swap3A_10 = arith.constant 0 : index
    %swap3A_11 = arith.constant 0 : index
    %swap3A_12 = vector.load %arg7[%swap3A, %swap3A_10, %swap3A_11] : memref<1x10000x128xf32, #tpu.memory_space<vmem>>, vector<1x10000x128xf32>
    %swap3A_13 = vector.shape_cast %swap3A_12 : vector<1x10000x128xf32> to vector<10000x128xf32>
    %swap3A_14 = vector.shape_cast %dot_general3A_9 : vector<10000x128xf32> to vector<1x10000x128xf32>
    tpu.vector_store %arg7[%swap3A, %swap3A_10, %swap3A_11], %swap3A_14 {strides = array<i32>} : memref<1x10000x128xf32, #tpu.memory_space<vmem>>, vector<1x10000x128xf32>,
    return
  }
  func.func @transform_0(%arg0: i32) -> (i32, i32, i32) {
    %c0_i32 = arith.constant 0 : i32
    %c0_i32_0 = arith.constant 0 : i32
    %c0_i32_1 = arith.constant 0 : i32
    %c0_i32_2 = arith.constant 0 : i32
    return %c0_i32, %c0_i32_0, %c0_i32_1 : i32, i32, i32
  }
  func.func @transform_1(%arg0: i32) -> (i32, i32) {
    %c0_i32 = arith.constant 0 : i32
    %c0_i32_0 = arith.constant 0 : i32
    %c0_i32_1 = arith.constant 0 : i32
    return %c0_i32, %c0_i32_0 : i32, i32
  }
  func.func @transform_2(%arg0: i32) -> (i32, i32) {
    %c0_i32 = arith.constant 0 : i32
    %c0_i32_0 = arith.constant 0 : i32
    %c0_i32_1 = arith.constant 0 : i32
    return %c0_i32, %c0_i32_0 : i32, i32
  }
  func.func @transform_3(%arg0: i32) -> (i32, i32) {
    %c0_i32 = arith.constant 0 : i32
    %c0_i32_0 = arith.constant 0 : i32
    %c0_i32_1 = arith.constant 0 : i32
    return %c0_i32, %c0_i32_0 : i32, i32
  }
  func.func @transform_4(%arg0: i32) -> (i32, i32, i32) {
    %c0_i32 = arith.constant 0 : i32
    %c0_i32_0 = arith.constant 0 : i32
    %c0_i32_1 = arith.constant 0 : i32
    return %arg0, %c0_i32, %c0_i32_0 : i32, i32, i32
  }
  func.func @transform_5(%arg0: i32) -> (i32, i32) {
    %c0_i32 = arith.constant 0 : i32
    %c0_i32_0 = arith.constant 0 : i32
    %c0_i32_1 = arith.constant 0 : i32
    return %c0_i32, %c0_i32_0 : i32, i32
  }
  func.func @transform_6(%arg0: i32) -> (i32, i32, i32) {
    %c0_i32 = arith.constant 0 : i32
    %c0_i32_0 = arith.constant 0 : i32
    %c0_i32_1 = arith.constant 0 : i32
    return %arg0, %c0_i32, %c0_i32_0 : i32, i32, i32
  }
}

module attributes {stable_mosaic.version = 14 : i64} {
  func.func @_combine_body(%arg0: i32, %arg1: memref<2x2000x128xf32, #tpu.memory_space<vmem>>, %arg2: memref<2000x128xf32, #tpu.memory_space<vmem>>, %arg3: memref<128x128xf32, #tpu.memory_space<vmem>>, %arg4: memref<1x128xf32, #tpu.memory_space<vmem>>, %arg5: memref<2000x128xf32, #tpu.memory_space<vmem>>) attributes {dimension_semantics = [#tpu.dimension_semantics<arbitrary>], iteration_bounds = array<i64: 5>, scalar_prefetch = 0 : i64, scratch_operands = 0 : i64, tpu.core_type = #tpu.core_type<tc>, window_params = [{transform_indices = @transform_0, window_bounds = array<i64: 2, 2000, 128>}, {transform_indices = @transform_1, window_bounds = array<i64: 2000, 128>}, {pipeline_mode = #tpu.pipeline_mode<synchronous>, transform_indices = @transform_2, window_bounds = array<i64: 128, 128>}, {pipeline_mode = #tpu.pipeline_mode<synchronous>, transform_indices = @transform_3, window_bounds = array<i64: 1, 128>}, {transform_indices = @transform_4, window_bounds = array<i64: 2000, 128>}]} {
    %get3A = arith.constant 0 : index
    %get3A_0 = arith.constant 0 : index
    %get3A_1 = arith.constant 0 : index
    %get3A_2 = vector.load %arg1[%get3A, %get3A_0, %get3A_1] : memref<2x2000x128xf32, #tpu.memory_space<vmem>>, vector<1x2000x128xf32>
    %get3A_3 = vector.shape_cast %get3A_2 : vector<1x2000x128xf32> to vector<2000x128xf32>
    %get3A_4 = arith.constant 1 : index
    %get3A_5 = arith.constant 0 : index
    %get3A_6 = arith.constant 0 : index
    %get3A_7 = vector.load %arg1[%get3A_4, %get3A_5, %get3A_6] : memref<2x2000x128xf32, #tpu.memory_space<vmem>>, vector<1x2000x128xf32>
    %get3A_8 = vector.shape_cast %get3A_7 : vector<1x2000x128xf32> to vector<2000x128xf32>
    %add3A = arith.addf %get3A_3, %get3A_8 : vector<2000x128xf32>
    %get3A_9 = arith.constant 0 : index
    %get3A_10 = arith.constant 0 : index
    %get3A_11 = vector.load %arg2[%get3A_9, %get3A_10] : memref<2000x128xf32, #tpu.memory_space<vmem>>, vector<2000x128xf32>
    %get3A_12 = arith.constant 0 : index
    %get3A_13 = arith.constant 0 : index
    %get3A_14 = vector.load %arg3[%get3A_12, %get3A_13] : memref<128x128xf32, #tpu.memory_space<vmem>>, vector<128x128xf32>
    %dot_general3A = arith.constant dense<0.000000e+00> : vector<2000x128xf32>
    %dot_general3A_15 = tpu.matmul %get3A_11, %get3A_14, %dot_general3A {dimension_numbers = #tpu.dot_dimension_numbers<[1], [0], [0], [1], [0, 0, 1, 1], [], []>, transpose_lhs_hint = false} : vector<2000x128xf32>, vector<128x128xf32>, vector<2000x128xf32> -> vector<2000x128xf32>
    %add3A_16 = arith.addf %add3A, %dot_general3A_15 : vector<2000x128xf32>
    %get3A_17 = arith.constant 0 : index
    %get3A_18 = arith.constant 0 : index
    %get3A_19 = vector.load %arg4[%get3A_17, %get3A_18] : memref<1x128xf32, #tpu.memory_space<vmem>>, vector<1x128xf32>
    %get3A_20 = vector.shape_cast %get3A_19 : vector<1x128xf32> to vector<128xf32>
    %broadcast_in_dim3A = vector.shape_cast %get3A_20 : vector<128xf32> to vector<1x128xf32>
    %add3A_21 = vector.broadcast %broadcast_in_dim3A : vector<1x128xf32> to vector<2000x128xf32>
    %add3A_22 = arith.addf %add3A_16, %add3A_21 : vector<2000x128xf32>
    %swap3A = arith.constant 0 : index
    %swap3A_23 = arith.constant 0 : index
    %swap3A_24 = vector.load %arg5[%swap3A, %swap3A_23] : memref<2000x128xf32, #tpu.memory_space<vmem>>, vector<2000x128xf32>
    tpu.vector_store %arg5[%swap3A, %swap3A_23], %add3A_22 {strides = array<i32>} : memref<2000x128xf32, #tpu.memory_space<vmem>>, vector<2000x128xf32>,
    return
  }
  func.func @transform_0(%arg0: i32) -> (i32, i32, i32) {
    %c0_i32 = arith.constant 0 : i32
    %c0_i32_0 = arith.constant 0 : i32
    %c0_i32_1 = arith.constant 0 : i32
    return %c0_i32, %arg0, %c0_i32_0 : i32, i32, i32
  }
  func.func @transform_1(%arg0: i32) -> (i32, i32) {
    %c0_i32 = arith.constant 0 : i32
    %c0_i32_0 = arith.constant 0 : i32
    return %arg0, %c0_i32 : i32, i32
  }
  func.func @transform_2(%arg0: i32) -> (i32, i32) {
    %c0_i32 = arith.constant 0 : i32
    %c0_i32_0 = arith.constant 0 : i32
    %c0_i32_1 = arith.constant 0 : i32
    return %c0_i32, %c0_i32_0 : i32, i32
  }
  func.func @transform_3(%arg0: i32) -> (i32, i32) {
    %c0_i32 = arith.constant 0 : i32
    %c0_i32_0 = arith.constant 0 : i32
    %c0_i32_1 = arith.constant 0 : i32
    return %c0_i32, %c0_i32_0 : i32, i32
  }
  func.func @transform_4(%arg0: i32) -> (i32, i32) {
    %c0_i32 = arith.constant 0 : i32
    %c0_i32_0 = arith.constant 0 : i32
    return %arg0, %c0_i32 : i32, i32
  }
}

</mosaic_0001>

<sc_bundles>
// kernel: kernel.11.cloned.1.call-start
scs
__scs_entry_jumppad:
0x0: {  	(pc) =	sbr.rel $0x88, $3  }
0x1: {  	(tag) =	ssettag $0x0;
	lr =	simm.s32 $0x1  }
0x2: {  	[smem:$0x3F98] =	sst lr;
	_ =	strace $0xD0000000  }
0x3: {  	_ = 	snop  }
0x4: {  	_ = 	snop  }
0x5: {  	_ = 	snop  }
0x6: {  	_ = 	snop  }
0x7: {  	_ = 	snop  }
__scs_overlays_trampoline_lowered:
0x8: {  	[smem:$0x3FA7] =	sst s0  }
0x9: {  	[smem:$0x3FA8] =	sst s1  }
0xa: {  	[smem:$0x3FA9] =	sst s2  }
0xb: {  	[smem:$0x3FAA] =	sst s3  }
0xc: {  	[smem:$0x3FAB] =	sst s4  }
0xd: {  	[smem:$0x3FAC] =	sst s5  }
0xe: {  	[smem:$0x3FAD] =	sst s6  }
0xf: {  	[smem:$0x3FAE] =	sst s7  }
0x10: {  	[smem:$0x3FAF] =	sst s8  }
0x11: {  	[smem:$0x3FB0] =	sst s9;
	s0 =	simm.s32 @!p0 $0x0  }
0x12: {  	s1 =	sld [smem:$0x3F96];
	s0 =	simm.s32 @p0 $0x1  }
0x13: {  	[smem:$0x3FB1] =	sst s0;
	s0 =	simm.s32 @!p1 $0x0  }
0x14: {  	s2 =	sld [smem:$0x3F95];
	s0 =	simm.s32 @p1 $0x1  }
0x15: {  	[smem:$0x3FB2] =	sst s0;
	s0 =	simm.s32 @!p2 $0x0  }
0x16: {  	s3 =	sld [smem:$0x3FDB];
	s0 =	simm.s32 @p2 $0x1  }
0x17: {  	s4 =	simm.s32 $0x1BF5;
	[smem:$0x3FB4] =	sst s0  }
0x18: {  	s0 =	sld [smem:$0x3F97];
	_ =	swait.ge [sflag:s4], $0x0  }
0x19: {  	s7 =	sld [smem:$0x3F98]  }
0x1a: {  	s8 =	sadd.s32 $0xFFFFE003, lr  }
0x1b: {  	s9 =	sadd.s32 $0xFFFFFEF7, lr;
	s5 =	simm.s32 $0xFFFFFFFF;
	p2 =	slt.u32 s8, $0xFFFFF086  }
0x1c: {  	p1 =	slt.u32 s9, $0xF7A;
	s5 =	simm.s32 @!p2 $0x0  }
0x1d: {  	s5 =	simm.s32 @p1 $0x1;
	p0 =	seq.s32 s7, s2  }
0x1e: {  	s7 =	smul.u32 @!p0 $0xF7A, s2;
	p2 =	seq.s32 @!p0 s5, $0x0  }
0x1f: {  	s9 =	smul.u32 $0xF7A, s1;
	s8 =	simm.s32 @!p0 $0x1BF5;
	p2 =	por !p2, p0  }
0x20: {  	[sflag:s8] =	ssyncset.s32 @!p0 $0xFFFFF086;
	s6 =	sadd.s32 @!p0 s3, s7;
	s7 =	simm.s32 @!p0 $0x108  }
0x21: {  	s3 =	sadd.s32 s3, s9;
	s6 =	sadd.s32 @!p0 $0x88, s6;
	s7 =	simm.s32 @p2 $0x1082  }
0x22: {  	[simem:s7], [sflag:s8] =	dma.local @!p0 [hbm:s6], $0xF7A  }
0x23: {  	s9 =	sor.u32 $0xD0000000, s2;
	s6 =	simm.s32 $0x108;
	_ =	swait.ge @!p0 [sflag:s8], $0x0  }
0x24: {  	s3 =	sadd.s32 $0x88, s3;
	s6 =	simm.s32 @!p1 $0x1082;
	[sflag:s4] =	ssyncset.s32 $0xFFFFF086  }
0x25: {  	[simem:s6], [sflag:s4] =	dma.local [hbm:s3], $0xF7A  }
0x26: {  	[smem:$0x3F98] =	sst s1;
	(tag) =	ssettag s2;
	_ =	strace s9  }
0x27: {  	s1 =	sld [smem:$0x3FA8]  }
0x28: {  	s2 =	sld [smem:$0x3FA9]  }
0x29: {  	s4 =	sld [smem:$0x3FAB]  }
0x2a: {  	p0 =	seq.s32 s5, $0x0;
	s5 =	sld [smem:$0x3FAC]  }
0x2b: {  	s6 =	sld [smem:$0x3FAD]  }
0x2c: {  	s7 =	sld [smem:$0x3FAE]  }
0x2d: {  	s3 =	simm.s32 $0x108;
	s8 =	sld [smem:$0x3FAF]  }
0x2e: {  	s3 =	simm.s32 @!p0 $0x1082;
	s9 =	sld [smem:$0x3FB0]  }
0x2f: {  	lr =	sadd.s32 s0, s3;
	s0 =	sld [smem:$0x3FA7]  }
0x30: {  	s3 =	sld [smem:$0x3FAA]  }
0x31: {  	[smem:$0x3FB3] =	sst s10  }
0x32: {  	s10 =	sld [smem:$0x3FB1];
	_ =	sdelay $0x3  }
0x33: {  	p0 =	seq.s32 s10, $0x1;
	s10 =	sld [smem:$0x3FB3];
	_ =	sdelay $0x3  }
0x34: {  	[smem:$0x3FB3] =	sst s10  }
0x35: {  	s10 =	sld [smem:$0x3FB2];
	_ =	sdelay $0x3  }
0x36: {  	p1 =	seq.s32 s10, $0x1;
	s10 =	sld [smem:$0x3FB3];
	_ =	sdelay $0x3  }
0x37: {  	[smem:$0x3FB3] =	sst s10  }
0x38: {  	s10 =	sld [smem:$0x3FB4]  }
0x39: {  	_ = 	snop;
	(pc) =	sbr.ind lr, $3  }
0x3a: {  	_ = 	snop  }
0x3b: {  	_ = 	snop  }
0x3c: {  	p2 =	seq.s32 s10, $0x1;
	s10 =	sld [smem:$0x3FB3]  }
0x3d: {  	_ =	shalt  }
0x3e: {  	_ =	shalt  }
0x3f: {  	_ =	shalt  }
0x40: {  	_ =	shalt  }
0x41: {  	_ =	shalt  }
0x42: {  	_ =	shalt  }
0x43: {  	_ =	shalt  }
0x44: {  	_ =	shalt  }
0x45: {  	_ =	shalt  }
0x46: {  	_ =	shalt  }
0x47: {  	_ =	shalt  }
0x48: {  	_ =	shalt  }
0x49: {  	_ =	shalt  }
0x4a: {  	_ =	shalt  }
0x4b: {  	_ =	shalt  }
0x4c: {  	_ =	shalt  }
0x4d: {  	_ =	shalt  }
0x4e: {  	_ =	shalt  }
0x4f: {  	_ =	shalt  }
0x50: {  	_ =	shalt  }
0x51: {  	_ =	shalt  }
0x52: {  	_ =	shalt  }
0x53: {  	_ =	shalt  }
0x54: {  	_ =	shalt  }
0x55: {  	_ =	shalt  }
0x56: {  	_ =	shalt  }
0x57: {  	_ =	shalt  }
0x58: {  	_ =	shalt  }
0x59: {  	_ =	shalt  }
0x5a: {  	_ =	shalt  }
0x5b: {  	_ =	shalt  }
0x5c: {  	_ =	shalt  }
0x5d: {  	_ =	shalt  }
0x5e: {  	_ =	shalt  }
0x5f: {  	_ =	shalt  }
0x60: {  	_ =	shalt  }
0x61: {  	_ =	shalt  }
0x62: {  	_ =	shalt  }
0x63: {  	_ =	shalt  }
0x64: {  	_ =	shalt  }
0x65: {  	_ =	shalt  }
0x66: {  	_ =	shalt  }
0x67: {  	_ =	shalt  }
0x68: {  	_ =	shalt  }
0x69: {  	_ =	shalt  }
0x6a: {  	_ =	shalt  }
0x6b: {  	_ =	shalt  }
0x6c: {  	_ =	shalt  }
0x6d: {  	_ =	shalt  }
0x6e: {  	_ =	shalt  }
0x6f: {  	_ =	shalt  }
0x70: {  	_ =	shalt  }
0x71: {  	_ =	shalt  }
0x72: {  	_ =	shalt  }
0x73: {  	_ =	shalt  }
0x74: {  	_ =	shalt  }
0x75: {  	_ =	shalt  }
0x76: {  	_ =	shalt  }
0x77: {  	_ =	shalt  }
0x78: {  	_ =	shalt  }
0x79: {  	_ =	shalt  }
0x7a: {  	_ =	shalt  }
0x7b: {  	_ =	shalt  }
0x7c: {  	_ =	shalt  }
0x7d: {  	_ =	shalt  }
0x7e: {  	_ =	shalt  }
0x7f: {  	_ =	shalt  }
0x80: {  	_ =	shalt  }
0x81: {  	_ =	shalt  }
0x82: {  	_ =	shalt  }
0x83: {  	_ =	shalt  }
0x84: {  	_ =	shalt  }
0x85: {  	_ =	shalt  }
0x86: {  	_ =	shalt  }
0x87: {  	_ =	shalt  }
.Lfunc_end0:
.L_simem_size_0:
called_computation.1_lowered:
.L_overlay_start_0:
0x88: {  	s2 =	sld [smem:$0x3FD9]  }
0x89: {  	s3 =	sld [smem:$0x3FFE];
	_ =	sdelay $0x1  }
0x8a: {  	s1 =	srdreg.scid  }
0x8b: {  	s0 =	sand.u32 $0x1, s1  }
0x8c: {  	s17 =	sshll.u32 s0, $0xA;
	s2 =	sadd.s32 s3, s2  }
0x8d: {  	s2 =	sadd.s32 s2, s17  }
0x8e: {  	[smem:$0x3FBF] =	sst s2  }
0x8f: {  	_ = 	snop  }
0x90: {  	s2 =	sld [smem:$0x3FD0];
	(tm) =	ssettm $0x1  }
0x91: {  	s18 =	sld [smem:$0x3FFB];
	_ =	sdelay $0x3  }
0x92: {  	_ =	strace s18  }
0x93: {  	s3 =	sld [smem:$0x3FFC];
	_ =	sdelay $0x3  }
0x94: {  	_ =	strace s3  }
0x95: {  	s3 =	sld [smem:$0x3FFD];
	_ =	sdelay $0x3  }
0x96: {  	_ =	strace s3  }
0x97: {  	_ =	strace $0x8FFFFFFF  }
0x98: {  	s19 =	sld [smem:$0x3FDB];
	_ =	sdelay $0x1  }
0x99: {  	s4 =	simm.s32 $_scs_section_size  }
0x9a: {  	s5 =	simm.s32 $_size__tile_overlayer_lowered;
	s6 =	simm.s32 $_tile_overlayer_lowered  }
0x9b: {  	s22 =	simm.s32 $0x1BFF;
	s21 =	sshll.u32 s6, $0x1;
	s3 =	sadd.s32 s4, s19  }
0x9c: {  	s7 =	simm.s32 $0x0;
	s20 =	sshll.u32 s5, $0x1;
	s5 =	sadd.s32 s21, s3  }
0x9d: {  	[timem:s7], [sflag:s22] =	dma.local [hbm:s5], s20  }
0x9e: {  	_ =	swait.ge [sflag:s22], s20  }
0x9f: {  	s4 =	ssub.s32 $0x0, s20;
	[sflag:s22] =	ssyncset.done $0x0  }
0xa0: {  	[sflag:s22] =	ssyncadd.s32 s4;
	_ =	sdelay $0x1  }
0xa1: {  	s23 =	simm.s32 $0x1B8B  }
0xa2: {  	_ =	swait.ge [sflag:s23], $0x1  }
0xa3: {  	[sflag:s23] =	ssyncset.done $0x0  }
0xa4: {  	s25 =	simm.s32 $0x1B8E;
	s24 =	sld [smem:$0x3FFE];
	[sflag:s23] =	ssyncadd.s32 $0xFFFFFFFF  }
0xa5: {  	s26 =	simm.s32 $execute0_lowered;
	[smem:$0x3FD2] =	sst s25  }
0xa6: {  	s5 =	sshll.u32 s26, $0x1;
	_ =	strace $0x80000049;
	[dreg:$0x1] =	wrdreg $0xFFFFFFFF  }
0xa7: {  	s28 =	simm.s32 $_size_execute0_lowered;
	s3 =	sadd.s32 s3, s5;
	[dreg:$0x0] =	wrdreg $0x0  }
0xa8: {  	s5 =	sshll.u32 s28, $0x1;
	[dreg:$0x2] =	wrdreg s3  }
0xa9: {  	[dreg:$0x3] =	wrdreg s5  }
0xaa: {  	[dreg:$0x4] =	wrdreg $0xC0  }
0xab: {  	_ =	task [dreg:s7], $0x5FFFF  }
0xac: {  	[dreg:$0x1] =	wrdreg $0xFFFFFFFF  }
0xad: {  	[dreg:$0x0] =	wrdreg $0x60  }
0xae: {  	[dreg:$0x2] =	wrdreg s24  }
0xaf: {  	[dreg:$0x3] =	wrdreg s2  }
0xb0: {  	[dreg:$0x4] =	wrdreg $0x0  }
0xb1: {  	[dreg:$0x5] =	wrdreg $0x9  }
0xb2: {  	_ =	task.clear_ibuf [dreg:s7], $0x6FFFF;
	_ =	strace $0x90000049  }
0xb3: {  	s29 =	simm.s32 $0x9;
	_ =	strace $0x8000004B  }
0xb4: {  	_ =	swait.ge [sflag:s29], $0x1  }
0xb5: {  	[sflag:s29] =	ssyncadd.s32 $0xFFFFFFFF  }
0xb6: {  	_ =	strace $0x9000004B  }
0xb7: {  	_ =	sfence  }
0xb8: {  	s30 =	sld [smem:$0x0];
	_ =	sdelay $0x2  }
0xb9: {  	s31 =	sshll.u32 s1, $0xD;
	s1 =	sshrl.u32 s1, $0x2  }
0xba: {  	s3 =	sand.u32 $0x4000, s31;
	s1 =	sadd.s32 s1, s30  }
0xbb: {  	s0 =	sor.u32 s3, s0;
	s1 =	sshll.u32 s1, $0x11  }
0xbc: {  	s0 =	sor.u32 s1, s0  }
0xbd: {  	s0 =	sadd.s32 $0x8F2B, s0  }
0xbe: {  	[sflag:s0] =	ssyncadd.remote.s32 $0x1  }
0xbf: {  	_ =	sfence.sel $0xFFFF  }
0xc0: {  	[dreg:$0x0] =	wrdreg $0xFFFFFFFF;
	(pc) =	sbr.abs _section_cstart, $3  }
0xc1: {  	[dreg:$0x1] =	wrdreg $0xFFFFFFFF  }
0xc2: {  	_ =	task.clear_ibuf [dreg:s7], $0x2FFFF;
	_ =	strace $0x9FFFFFFF  }
0xc3: {  	(tm) =	ssettm $0x7FFFFFFF  }
tec
execute0_lowered:
.L_overlay_start_1:
0x0: {  	(tag) =	ssettag $0x1  }
0x1: {  	s0 =	rddreg [dreg:$0x0]  }
0x2: {  	s2 =	rddreg [dreg:$0x2]  }
0x3: {  	s1 =	srdreg.scid;
	s11 =	stileid.u32;
	s4 =	simm.s32 $0x0  }
0x4: {  	s12 =	simm.s32 $0x5;
	s14 =	simm.s32 $0x64;
	s15 =	simm.s32 $0x16E80  }
0x5: {  	s16 =	simm.s32 $0x16C80;
	s17 =	simm.s32 $0x16D80;
	s19 =	simm.s32 $0x1A280  }
0x6: {  	s21 =	simm.s32 $0x16D00;
	s28 =	simm.s32 $0x2;
	s29 =	simm.s32 $0x3  }
0x7: {  	s30 =	simm.s32 $0x4;
	s31 =	simm.s32 $0x0;
	s1 =	sand.u32 $0x1, s1  }
0x8: {  	s3 =	sshll.u32 s11, $0x1;
	[smem:$0x7FF] =	sst s4;
	s5 =	sadd.s32 $0x44600, s0  }
0x9: {  	s9 =	smul.u32 $0x4E000, s11;
	p0 =	sne.s32 s11, $0x0;
	p1 =	seq.s32 s11, $0xF  }
0xa: {  	s3 =	sor.u32 s1, s3;
	s6 =	smul.u32 $0x27100, s1;
	s1 =	ssub.s32 $0x2, s1  }
0xb: {  	_ =	strace $0x8000004A;
	s3 =	smul.u32 $0x680, s3;
	s7 =	sshrl.u32 s1, $0x1  }
0xc: {  	s13 =	sshrl.u32 @!p0 s2, $0x3;
	s26 =	sshrl.u32 s9, $0x2;
	s1 =	ssub.s32 s1, s7  }
0xd: {  	s3 =	sadd.s32 s3, s0;
	s0 =	sadd.s32 s6, s0;
	s6 =	sadd.s32 $0x124800, s2  }
.Ltmp0:
0xe: {  	s10 =	smax.u32 s1, $0x1;
	s25 =	sadd.s32 $0x2A600, s3;
	(pc) =	sbr.rel .LBB2_1-.Ltmp0, $4  }
0xf: {  	s7 =	sadd.s32 $0x37600, s3;
	s8 =	sadd.s32 $0x1D600, s3;
	s9 =	sadd.s32 $0x2B5600, s0  }
0x10: {  	s0 =	sadd.s32 s26, s2;
	s3 =	smul.u32 $0x2700, s11;
	s23 =	sshrl.u32 @p1 s6, $0x3  }
0x11: {  	s26 =	simm.s32 $0x16E00;
	[dreg:$0x4] =	wrdreg s25;
	s20 =	sadd.s32 $0x10, s7  }
0x12: {  	s22 =	sadd.s32 $0x10, s8;
	s25 =	sshrl.u32 @!p1 s0, $0x3;
	s24 =	sadd.s32 @!p1 s3, s9  }
.LBB2_8:
0x13: {  	_ =	swait.ge [sflag:s29], $0x3200  }
0x14: {  	[sflag:s29] =	ssyncset.done $0x0  }
0x15: {  	[sflag:s29] =	ssyncadd.s32 $0xFFFFCE00  }
0x16: {  	_ =	swait.ge [sflag:s30], $0x3200  }
0x17: {  	[sflag:s30] =	ssyncset.done $0x0  }
0x18: {  	[sflag:s30] =	ssyncadd.s32 $0xFFFFCE00  }
0x19: {  	s0 =	sadd.s32 @p1 $0x24900, s9;
	s1 =	simm.s32 @p1 $0x1FC5;
	[bflag:$0x0] =	sbarrier.arrive $0xFFFF  }
0x1a: {  	[hbm:s0], [sflag:s1] =	dma.local @p1 [spmem:s23], $0x2800  }
0x1b: {  	s0 =	simm.s32 @p1 $0x5  }
0x1c: {  	s1 =	stileid.u32;
	_ =	swait.ge @p1 [sflag:s0], $0x2800  }
0x1d: {  	s31 =	sadd.s32 $0x1, s31;
	s1 =	sshll.u32 @!p1 s1, $0x6;
	[sflag:s0] =	ssyncset.done @p1 $0x0  }
0x1e: {  	p2 =	sne.s32 s31, s10;
	[sflag:s0] =	ssyncadd.s32 @p1 $0xFFFFD800;
	s0 =	sor.u32 @!p1 $0x1C05, s1  }
0x1f: {  	[hbm:s24], [sflag:s0] =	dma.local @!p1 [spmem:s25], $0x2700  }
.Ltmp1:
0x20: {  	_ = 	snop;
	(pc) =	sbr.rel @!p2 .LBB2_9-.Ltmp1, $4  }
0x21: {  	s0 =	simm.s32 @!p1 $0x5  }
0x22: {  	_ =	swait.ge @!p1 [sflag:s0], $0x2700  }
0x23: {  	[sflag:s0] =	ssyncset.done @!p1 $0x0  }
0x24: {  	[sflag:s0] =	ssyncadd.s32 @!p1 $0xFFFFD900  }
.LBB2_1:
0x25: {  	s0 =	rddreg [dreg:$0x4];
	s3 =	simm.s32 $0x13880  }
0x26: {  	[tilespmem:s3], [sflag:$0x5] =	stream.linear.gather [hbm4b:s0+s4], $0x3200, $0x38;
	[tilespmem:$0x1D680] =	vst v63  }
0x27: {  	_ =	swait.ge [sflag:s12], $0x3200  }
0x28: {  	[sflag:s12] =	ssyncset.done $0x0  }
0x29: {  	[sflag:s12] =	ssyncadd.s32 $0xFFFFCE00  }
0x2a: {  	s0 =	simm.s32 @!p0 $0x1C05;
	s1 =	rddreg [dreg:$0x1]  }
0x2b: {  	[spmem:s13], [sflag:s0] =	dma.local @!p0 [hbm:s1], $0x27100  }
0x2c: {  	s0 =	simm.s32 @!p0 $0x5  }
0x2d: {  	_ =	swait.ge @!p0 [sflag:s0], $0x27100  }
0x2e: {  	[sflag:s0] =	ssyncset.done @!p0 $0x0  }
0x2f: {  	[sflag:s0] =	ssyncadd.s32 @!p0 $0xFFFD8F00  }
0x30: {  	[bflag:$0x0] =	sbarrier.arrive $0xFFFF  }
0x31: {  	[tilespmem:s15], [sflag:$0x1] =	stream.indirect.gather [hbm4b:s5+s14], $0x80, s3, s14, $0xb8;
	[tilespmem:$0x1D680] =	vst v63  }
0x32: {  	_ = 	snop  }
0x33: {  	[tilespmem:s16], [sflag:$0x1] =	stream.linear.gather [hbm4b:s7+s4], $0x80, $0x38;
	[tilespmem:$0x1D680] =	vst v63  }
0x34: {  	_ = 	snop  }
0x35: {  	[tilespmem:s17], [sflag:$0x1] =	stream.linear.gather [hbm4b:s8+s4], $0x80, $0x38;
	[tilespmem:$0x1D680] =	vst v63  }
0x36: {  	s18 =	simm.s32 $0x13900  }
0x37: {  	[tilespmem:s19], [sflag:$0x2] =	stream.indirect.gather [hbm4b:s5+s14], $0x80, s18, s14, $0xb8;
	[tilespmem:$0x1D680] =	vst v63  }
0x38: {  	_ = 	snop  }
0x39: {  	[tilespmem:s21], [sflag:$0x2] =	stream.linear.gather [hbm4b:s20+s4], $0x80, $0x38;
	[tilespmem:$0x1D680] =	vst v63  }
0x3a: {  	s0 =	simm.s32 $0x0  }
0x3b: {  	[tilespmem:s26], [sflag:$0x2] =	stream.linear.gather [hbm4b:s22+s4], $0x80, $0x38;
	[tilespmem:$0x1D680] =	vst v63  }
.LBB2_2:
0x3c: {  	s3 =	simm.s32 $0x1  }
0x3d: {  	_ =	swait.ge [sflag:s3], $0x3200  }
0x3e: {  	[sflag:s3] =	ssyncset.done $0x0  }
0x3f: {  	[sflag:s3] =	ssyncadd.s32 $0xFFFFCE00  }
0x40: {  	_ =	swait.ge [sflag:s3], $0x80  }
0x41: {  	[sflag:s3] =	ssyncset.done $0x0  }
0x42: {  	[sflag:s3] =	ssyncadd.s32 $0xFFFFFF80  }
0x43: {  	_ =	swait.ge [sflag:s3], $0x80  }
0x44: {  	v0 =	vmov s3;
	[sflag:s3] =	ssyncset.done $0x0  }
0x45: {  	s1 =	simm.s32 $0x16F00;
	[sflag:s3] =	ssyncadd.s32 $0xFFFFFF80  }
0x46: {  	v5 =	vld [tilespmem:s1+$0xFFFFFFF0]  }
0x47: {  	s18 =	simm.s32 $0x0;
	v4 =	vld [tilespmem:s1+$0x60]  }
0x48: {  	v1 =	vmov s18;
	v2 =	vld [tilespmem:s1+$0x50]  }
0x49: {  	v1 =	vand.u32 $0xFFFFFFFE, v1;
	v6 =	vld.idx.msk [tilespmem:v0+s17+$0x0], $0xffff  }
0x4a: {  	v0 =	vbroadcast v1, $0x0;
	v1 =	vld [tilespmem:s1+$0x0]  }
0x4b: {  	v3 =	vld [tilespmem:s1+$0x10]  }
0x4c: {  	v7 =	vld [tilespmem:s1+$0x20]  }
0x4d: {  	v9 =	vld [tilespmem:s1+$0x30]  }
0x4e: {  	v10 =	vld [tilespmem:s1+$0x40]  }
0x4f: {  	v11 =	vld [tilespmem:s1+$0x70]  }
0x50: {  	v8 =	vld [tilespmem:s1+$0xFFFFFFD0]  }
0x51: {  	v12 =	vmul.f32 v1, v6;
	v1 =	vld.idx.msk [tilespmem:v0+s17+$0x0], $0xffff;
	v0 =	vmul.f32 v3, v6  }
0x52: {  	v13 =	vld [tilespmem:s1+$0xFFFFFF80];
	v3 =	vmul.f32 v7, v6;
	v7 =	vmul.f32 v9, v6  }
0x53: {  	v63 =	vld [tilespmem:s1+$0xFFFFFFA0];
	v9 =	vmul.f32 v10, v6;
	v10 =	vmul.f32 v2, v6;
	[tilespmem:s1+$0x0] =	vst v12  }
0x54: {  	v2 =	vmul.f32 v11, v6;
	v11 =	vmul.f32 v4, v6;
	v4 =	vld [tilespmem:s1+$0xFFFFFF90];
	[tilespmem:s1+$0x10] =	vst v0  }
0x55: {  	[tilespmem:s1+$0x20] =	vst v3;
	v0 =	vld [tilespmem:s1+$0xFFFFFFB0]  }
0x56: {  	[tilespmem:s1+$0x30] =	vst v7;
	v3 =	vld [tilespmem:s1+$0xFFFFFFE0]  }
0x57: {  	[tilespmem:s1+$0x40] =	vst v9;
	v9 =	vmul.f32 v5, v1;
	v5 =	vld [tilespmem:s1+$0xFFFFFFC0]  }
0x58: {  	[tilespmem:s1+$0x50] =	vst v10;
	v7 =	vmul.f32 v13, v1  }
0x59: {  	s18 =	simm.s32 $0x3;
	s3 =	simm.s32 $0x16F00;
	[tilespmem:s1+$0x60] =	vst v11;
	v6 =	vmul.f32 v63, v1;
	v8 =	vmul.f32 v8, v1  }
.LBB2_3:
0x5a: {  	p2 =	sne.s32 s18, $0x63  }
0x5b: {  	v4 =	vmul.f32 v4, v1;
	v3 =	vmul.f32 v3, v1;
	[tilespmem:s1+$0x70] =	vst v2;
	s3 =	sadd.s32 $0x100, s3;
	s6 =	smov.u32 s18;
	s18 =	sadd.s32 $0x2, s18  }
0x5c: {  	v0 =	vmul.f32 v0, v1;
	v1 =	vmul.f32 v5, v1;
	[tilespmem:s1+$0xFFFFFFF0] =	vst v9  }
0x5d: {  	[tilespmem:s1+$0xFFFFFF80] =	vst v7  }
0x5e: {  	v9 =	vld [tilespmem:s3+$0xFFFFFFF0];
	[tilespmem:s1+$0xFFFFFFD0] =	vst v8  }
0x5f: {  	v2 =	vmov s6;
	v7 =	vld [tilespmem:s3+$0x60];
	[tilespmem:s1+$0xFFFFFFA0] =	vst v6  }
0x60: {  	v6 =	vld [tilespmem:s3+$0x50];
	[tilespmem:s1+$0xFFFFFFB0] =	vst v0  }
0x61: {  	v0 =	vld [tilespmem:s3+$0xFFFFFFB0];
	[tilespmem:s1+$0xFFFFFFC0] =	vst v1  }
0x62: {  	s6 =	sadd.s32 $0xFFFFFFFF, s6;
	v8 =	vld [tilespmem:s3+$0xFFFFFFD0];
	[tilespmem:s1+$0xFFFFFFE0] =	vst v3  }
0x63: {  	v1 =	vmov s6;
	v3 =	vld [tilespmem:s3+$0x70];
	[tilespmem:s1+$0xFFFFFF90] =	vst v4;
	s1 =	smov.u32 s3  }
0x64: {  	v1 =	vand.u32 $0xFFFFFFFE, v1;
	v10 =	vld.idx.msk [tilespmem:v2+s17+$0x0], $0xffff  }
0x65: {  	v1 =	vbroadcast v1, $0x0;
	v2 =	vld [tilespmem:s3+$0x0]  }
0x66: {  	v4 =	vld [tilespmem:s3+$0x10]  }
0x67: {  	v5 =	vld [tilespmem:s3+$0x20]  }
0x68: {  	v11 =	vld [tilespmem:s3+$0x30]  }
0x69: {  	v12 =	vld [tilespmem:s3+$0x40]  }
0x6a: {  	v13 =	vld [tilespmem:s3+$0xFFFFFF80];
	v14 =	vmul.f32 v2, v10;
	v2 =	vmul.f32 v3, v10  }
0x6b: {  	v1 =	vld.idx.msk [tilespmem:v1+s17+$0x0], $0xffff;
	v3 =	vmul.f32 v4, v10  }
0x6c: {  	[tilespmem:s3+$0x0] =	vst v14;
	v14 =	vld [tilespmem:s3+$0xFFFFFFA0];
	v5 =	vmul.f32 v5, v10  }
0x6d: {  	[tilespmem:s3+$0x10] =	vst v3;
	v11 =	vmul.f32 v11, v10;
	v3 =	vld [tilespmem:s3+$0xFFFFFFE0]  }
.Ltmp2:
0x6e: {  	v4 =	vld [tilespmem:s3+$0xFFFFFF90];
	[tilespmem:s3+$0x20] =	vst v5;
	v12 =	vmul.f32 v12, v10;
	(pc) =	sbr.rel @p2 .LBB2_3-.Ltmp2, $4  }
0x6f: {  	v6 =	vmul.f32 v6, v10;
	[tilespmem:s3+$0x30] =	vst v11;
	v5 =	vld [tilespmem:s3+$0xFFFFFFC0]  }
0x70: {  	v10 =	vmul.f32 v7, v10;
	[tilespmem:s3+$0x40] =	vst v12  }
0x71: {  	v7 =	vmul.f32 v13, v1;
	v9 =	vmul.f32 v9, v1;
	[tilespmem:s3+$0x50] =	vst v6  }
0x72: {  	v8 =	vmul.f32 v8, v1;
	v6 =	vmul.f32 v14, v1;
	[tilespmem:s3+$0x60] =	vst v10  }
0x73: {  	[tilespmem:s1+$0x70] =	vst v2  }
0x74: {  	[tilespmem:s1+$0xFFFFFFF0] =	vst v9  }
0x75: {  	[tilespmem:s1+$0xFFFFFF80] =	vst v7  }
0x76: {  	v0 =	vmul.f32 v0, v1;
	[tilespmem:s1+$0xFFFFFFD0] =	vst v8  }
0x77: {  	v3 =	vmul.f32 v3, v1;
	[tilespmem:s1+$0xFFFFFFA0] =	vst v6  }
0x78: {  	v2 =	vmul.f32 v5, v1;
	[tilespmem:s1+$0xFFFFFFB0] =	vst v0  }
0x79: {  	v0 =	vmul.f32 v4, v1;
	[tilespmem:s1+$0xFFFFFFE0] =	vst v3  }
0x7a: {  	p2 =	seq.s32 s0, $0x31;
	[tilespmem:s1+$0xFFFFFFC0] =	vst v2  }
0x7b: {  	s3 =	simm.s32 @!p2 $0x3;
	[tilespmem:s1+$0xFFFFFF90] =	vst v0;
	s1 =	sshll.u32 s0, $0x1  }
0x7c: {  	[spmem:s2] =	stream.indirect.scatter.add.f32 [tilespmem:s15], [sflag:$0x3], $0x80, s16, s14, $0xb8;
	[tilespmem:$0x1D680] =	vst v63  }
0x7d: {  	s6 =	sadd.s32 @!p2 $0x2, s1;
	_ =	swait.ge @!p2 [sflag:s3], $0x3200  }
0x7e: {  	s18 =	sshll.u32 @!p2 s6, $0x7;
	[sflag:s3] =	ssyncset.done @!p2 $0x0  }
0x7f: {  	[sflag:s3] =	ssyncadd.s32 @!p2 $0xFFFFCE00;
	s3 =	sand.u32 @!p2 $0x3FFFFF80, s18  }
0x80: {  	s11 =	simm.s32 @!p2 $0x16E80;
	s18 =	simm.s32 @!p2 $0x64;
	s3 =	sadd.s32 @!p2 $0x13880, s3  }
0x81: {  	[tilespmem:s11], [sflag:$0x1] =	stream.indirect.gather @!p2 [hbm4b:s5+s18], $0x80, s3, s18, $0xb8;
	[tilespmem:$0x1D680] =	vst v63  }
0x82: {  	s3 =	sshll.u32 @!p2 s6, $0x4  }
0x83: {  	s11 =	simm.s32 @!p2 $0x0;
	s18 =	simm.s32 @!p2 $0x16C80;
	s6 =	sadd.s32 @!p2 s7, s3  }
0x84: {  	[tilespmem:s18], [sflag:$0x1] =	stream.linear.gather @!p2 [hbm4b:s6+s11], $0x80, $0x38;
	[tilespmem:$0x1D680] =	vst v63  }
0x85: {  	s3 =	sadd.s32 @!p2 s8, s3;
	s6 =	simm.s32 @!p2 $0x16D80  }
0x86: {  	[tilespmem:s6], [sflag:$0x1] =	stream.linear.gather @!p2 [hbm4b:s3+s11], $0x80, $0x38;
	[tilespmem:$0x1D680] =	vst v63  }
0x87: {  	_ =	swait.ge [sflag:s28], $0x3200  }
0x88: {  	[sflag:s28] =	ssyncset.done $0x0  }
0x89: {  	[sflag:s28] =	ssyncadd.s32 $0xFFFFCE00  }
0x8a: {  	_ =	swait.ge [sflag:s28], $0x80  }
0x8b: {  	[sflag:s28] =	ssyncset.done $0x0  }
0x8c: {  	[sflag:s28] =	ssyncadd.s32 $0xFFFFFF80  }
0x8d: {  	s6 =	simm.s32 $0x1;
	_ =	swait.ge [sflag:s28], $0x80  }
0x8e: {  	v0 =	vmov s6;
	[sflag:s28] =	ssyncset.done $0x0  }
0x8f: {  	s18 =	simm.s32 $0x1A300;
	[sflag:s28] =	ssyncadd.s32 $0xFFFFFF80  }
0x90: {  	v5 =	vld [tilespmem:s18+$0xFFFFFFF0]  }
0x91: {  	s11 =	simm.s32 $0x0;
	v4 =	vld [tilespmem:s18+$0x60]  }
0x92: {  	v1 =	vmov s11;
	v2 =	vld [tilespmem:s18+$0x50]  }
0x93: {  	v1 =	vand.u32 $0xFFFFFFFE, v1;
	v6 =	vld.idx.msk [tilespmem:v0+s26+$0x0], $0xffff  }
0x94: {  	v0 =	vbroadcast v1, $0x0;
	v1 =	vld [tilespmem:s18+$0x0]  }
0x95: {  	v3 =	vld [tilespmem:s18+$0x10]  }
0x96: {  	v7 =	vld [tilespmem:s18+$0x20]  }
0x97: {  	v9 =	vld [tilespmem:s18+$0x30]  }
0x98: {  	v10 =	vld [tilespmem:s18+$0x40]  }
0x99: {  	v11 =	vld [tilespmem:s18+$0x70]  }
0x9a: {  	v8 =	vld [tilespmem:s18+$0xFFFFFFD0]  }
0x9b: {  	v12 =	vmul.f32 v1, v6;
	v1 =	vld.idx.msk [tilespmem:v0+s26+$0x0], $0xffff;
	v0 =	vmul.f32 v3, v6  }
0x9c: {  	v13 =	vld [tilespmem:s18+$0xFFFFFF80];
	v3 =	vmul.f32 v7, v6;
	v7 =	vmul.f32 v9, v6  }
0x9d: {  	v63 =	vld [tilespmem:s18+$0xFFFFFFA0];
	v9 =	vmul.f32 v10, v6;
	v10 =	vmul.f32 v2, v6;
	[tilespmem:s18+$0x0] =	vst v12  }
0x9e: {  	v2 =	vmul.f32 v11, v6;
	v11 =	vmul.f32 v4, v6;
	v4 =	vld [tilespmem:s18+$0xFFFFFF90];
	[tilespmem:s18+$0x10] =	vst v0  }
0x9f: {  	[tilespmem:s18+$0x20] =	vst v3;
	v0 =	vld [tilespmem:s18+$0xFFFFFFB0]  }
0xa0: {  	[tilespmem:s18+$0x30] =	vst v7;
	v3 =	vld [tilespmem:s18+$0xFFFFFFE0]  }
0xa1: {  	[tilespmem:s18+$0x40] =	vst v9;
	v9 =	vmul.f32 v5, v1;
	v5 =	vld [tilespmem:s18+$0xFFFFFFC0]  }
0xa2: {  	[tilespmem:s18+$0x50] =	vst v10;
	v7 =	vmul.f32 v13, v1  }
0xa3: {  	s3 =	simm.s32 $0x3;
	s6 =	simm.s32 $0x1A300;
	[tilespmem:s18+$0x60] =	vst v11;
	v6 =	vmul.f32 v63, v1;
	v8 =	vmul.f32 v8, v1  }
.LBB2_5:
0xa4: {  	p3 =	sne.s32 s3, $0x63  }
0xa5: {  	v4 =	vmul.f32 v4, v1;
	v3 =	vmul.f32 v3, v1;
	[tilespmem:s18+$0x70] =	vst v2;
	s6 =	sadd.s32 $0x100, s6;
	s11 =	smov.u32 s3;
	s3 =	sadd.s32 $0x2, s3  }
0xa6: {  	v0 =	vmul.f32 v0, v1;
	v1 =	vmul.f32 v5, v1;
	[tilespmem:s18+$0xFFFFFFF0] =	vst v9  }
0xa7: {  	[tilespmem:s18+$0xFFFFFF80] =	vst v7  }
0xa8: {  	v9 =	vld [tilespmem:s6+$0xFFFFFFF0];
	[tilespmem:s18+$0xFFFFFFD0] =	vst v8  }
0xa9: {  	v2 =	vmov s11;
	v7 =	vld [tilespmem:s6+$0x60];
	[tilespmem:s18+$0xFFFFFFA0] =	vst v6  }
0xaa: {  	v6 =	vld [tilespmem:s6+$0x50];
	[tilespmem:s18+$0xFFFFFFB0] =	vst v0  }
0xab: {  	v0 =	vld [tilespmem:s6+$0xFFFFFFB0];
	[tilespmem:s18+$0xFFFFFFC0] =	vst v1  }
0xac: {  	s11 =	sadd.s32 $0xFFFFFFFF, s11;
	v8 =	vld [tilespmem:s6+$0xFFFFFFD0];
	[tilespmem:s18+$0xFFFFFFE0] =	vst v3  }
0xad: {  	v1 =	vmov s11;
	v3 =	vld [tilespmem:s6+$0x70];
	[tilespmem:s18+$0xFFFFFF90] =	vst v4;
	s18 =	smov.u32 s6  }
0xae: {  	v1 =	vand.u32 $0xFFFFFFFE, v1;
	v10 =	vld.idx.msk [tilespmem:v2+s26+$0x0], $0xffff  }
0xaf: {  	v1 =	vbroadcast v1, $0x0;
	v2 =	vld [tilespmem:s6+$0x0]  }
0xb0: {  	v4 =	vld [tilespmem:s6+$0x10]  }
0xb1: {  	v5 =	vld [tilespmem:s6+$0x20]  }
0xb2: {  	v11 =	vld [tilespmem:s6+$0x30]  }
0xb3: {  	v12 =	vld [tilespmem:s6+$0x40]  }
0xb4: {  	v13 =	vld [tilespmem:s6+$0xFFFFFF80];
	v14 =	vmul.f32 v2, v10;
	v2 =	vmul.f32 v3, v10  }
0xb5: {  	v1 =	vld.idx.msk [tilespmem:v1+s26+$0x0], $0xffff;
	v3 =	vmul.f32 v4, v10  }
0xb6: {  	[tilespmem:s6+$0x0] =	vst v14;
	v14 =	vld [tilespmem:s6+$0xFFFFFFA0];
	v5 =	vmul.f32 v5, v10  }
0xb7: {  	[tilespmem:s6+$0x10] =	vst v3;
	v11 =	vmul.f32 v11, v10;
	v3 =	vld [tilespmem:s6+$0xFFFFFFE0]  }
.Ltmp3:
0xb8: {  	v4 =	vld [tilespmem:s6+$0xFFFFFF90];
	[tilespmem:s6+$0x20] =	vst v5;
	v12 =	vmul.f32 v12, v10;
	(pc) =	sbr.rel @p3 .LBB2_5-.Ltmp3, $4  }
0xb9: {  	v6 =	vmul.f32 v6, v10;
	[tilespmem:s6+$0x30] =	vst v11;
	v5 =	vld [tilespmem:s6+$0xFFFFFFC0]  }
0xba: {  	v10 =	vmul.f32 v7, v10;
	[tilespmem:s6+$0x40] =	vst v12  }
0xbb: {  	v7 =	vmul.f32 v13, v1;
	v9 =	vmul.f32 v9, v1;
	[tilespmem:s6+$0x50] =	vst v6  }
0xbc: {  	v8 =	vmul.f32 v8, v1;
	v6 =	vmul.f32 v14, v1;
	[tilespmem:s6+$0x60] =	vst v10  }
0xbd: {  	[tilespmem:s18+$0x70] =	vst v2  }
0xbe: {  	[tilespmem:s18+$0xFFFFFFF0] =	vst v9  }
0xbf: {  	[tilespmem:s18+$0xFFFFFF80] =	vst v7  }
0xc0: {  	v0 =	vmul.f32 v0, v1;
	[tilespmem:s18+$0xFFFFFFD0] =	vst v8  }
0xc1: {  	v3 =	vmul.f32 v3, v1;
	[tilespmem:s18+$0xFFFFFFA0] =	vst v6  }
.Ltmp4:
0xc2: {  	v63 =	vmul.f32 v4, v1;
	[tilespmem:s18+$0xFFFFFFB0] =	vst v0;
	(pc) =	sbr.rel @p2 .LBB2_8-.Ltmp4, $4  }
0xc3: {  	v62 =	vmul.f32 v5, v1;
	[tilespmem:s18+$0xFFFFFFE0] =	vst v3  }
0xc4: {  	[tilespmem:s18+$0xFFFFFF90] =	vst v63  }
0xc5: {  	[tilespmem:s18+$0xFFFFFFC0] =	vst v62  }
0xc6: {  	[spmem:s2] =	stream.indirect.scatter.add.f32 [tilespmem:s19], [sflag:$0x4], $0x80, s21, s14, $0xb8;
	[tilespmem:$0x1D680] =	vst v63  }
0xc7: {  	s1 =	sadd.s32 $0x3, s1  }
0xc8: {  	_ =	swait.ge [sflag:s30], $0x3200;
	s3 =	sshll.u32 s1, $0x7  }
0xc9: {  	[sflag:s30] =	ssyncset.done $0x0;
	s3 =	sand.u32 $0x3FFFFF80, s3  }
0xca: {  	[sflag:s30] =	ssyncadd.s32 $0xFFFFCE00;
	s3 =	sadd.s32 $0x13880, s3  }
0xcb: {  	[tilespmem:s19], [sflag:$0x2] =	stream.indirect.gather [hbm4b:s5+s14], $0x80, s3, s14, $0xb8;
	[tilespmem:$0x1D680] =	vst v63  }
.Ltmp5:
0xcc: {  	s1 =	sshll.u32 s1, $0x4;
	(pc) =	sbr.rel .LBB2_2-.Ltmp5, $4  }
0xcd: {  	s18 =	sadd.s32 s7, s1  }
0xce: {  	[tilespmem:s21], [sflag:$0x2] =	stream.linear.gather [hbm4b:s18+s4], $0x80, $0x38;
	[tilespmem:$0x1D680] =	vst v63  }
0xcf: {  	s0 =	sadd.s32 $0x1, s0;
	s1 =	sadd.s32 s8, s1  }
0xd0: {  	[tilespmem:s26], [sflag:$0x2] =	stream.linear.gather [hbm4b:s1+s4], $0x80, $0x38;
	[tilespmem:$0x1D680] =	vst v63  }
.LBB2_9:
0xd1: {  	_ =	sfence.sel $0x180000  }
0xd2: {  	[bflag:$0x0] =	sbarrier.arrive $0xFFFF  }
0xd3: {  	_ =	strace $0x9000004A  }
0xd4: {  	[bflag:$0x2] =	sbarrier.arrive $0xFFFF  }
0xd5: {  	s0 =	rddreg [dreg:$0x3]  }
0xd6: {  	s0 =	sadd.s32 @!p0 $0x100000, s0  }
0xd7: {  	[sflag:s0] =	ssyncadd.tile.s32 @!p0 $0x1;
	_ =	shalt  }
.Lfunc_end2:
_tile_overlayer_lowered:
.L_overlay_start_2:
0xd8: {  	(tag) =	ssettag $0x2  }
0xd9: {  	s0 =	rddreg [dreg:$0x0];
	s2 =	stileid.u32  }
0xda: {  	s1 =	rddreg [dreg:$0x1];
	p0 =	sne.s32 s2, $0x0  }
0xdb: {  	s3 =	rddreg [dreg:$0x2];
	[bflag:$0x3] =	sbarrier.arrive $0xFFFF;
	s2 =	simm.s32 @!p0 $0x1C05  }
0xdc: {  	[timem:s3], [sflag:s2] =	dma.local @!p0 [hbm:s0], s1  }
0xdd: {  	s0 =	simm.s32 @!p0 $0x5  }
0xde: {  	_ =	swait.ge @!p0 [sflag:s0], s1  }
0xdf: {  	s1 =	ssub.s32 @!p0 $0x0, s1;
	[sflag:s0] =	ssyncset.done @!p0 $0x0  }
0xe0: {  	[sflag:s0] =	ssyncadd.s32 @!p0 s1  }
0xe1: {  	[bflag:$0x3] =	sbarrier.arrive $0xFFFF  }
0xe2: {  	_ =	shalt  }

// kernel: kernel.14.cloned.1.call-start
scs
__scs_entry_jumppad:
0x0: {  	(pc) =	sbr.rel $0x88, $3  }
0x1: {  	(tag) =	ssettag $0x0;
	lr =	simm.s32 $0x1  }
0x2: {  	[smem:$0x3F98] =	sst lr;
	_ =	strace $0xD0000000  }
0x3: {  	_ = 	snop  }
0x4: {  	_ = 	snop  }
0x5: {  	_ = 	snop  }
0x6: {  	_ = 	snop  }
0x7: {  	_ = 	snop  }
__scs_overlays_trampoline_lowered:
0x8: {  	[smem:$0x3FA7] =	sst s0  }
0x9: {  	[smem:$0x3FA8] =	sst s1  }
0xa: {  	[smem:$0x3FA9] =	sst s2  }
0xb: {  	[smem:$0x3FAA] =	sst s3  }
0xc: {  	[smem:$0x3FAB] =	sst s4  }
0xd: {  	[smem:$0x3FAC] =	sst s5  }
0xe: {  	[smem:$0x3FAD] =	sst s6  }
0xf: {  	[smem:$0x3FAE] =	sst s7  }
0x10: {  	[smem:$0x3FAF] =	sst s8  }
0x11: {  	[smem:$0x3FB0] =	sst s9;
	s0 =	simm.s32 @!p0 $0x0  }
0x12: {  	s1 =	sld [smem:$0x3F96];
	s0 =	simm.s32 @p0 $0x1  }
0x13: {  	[smem:$0x3FB1] =	sst s0;
	s0 =	simm.s32 @!p1 $0x0  }
0x14: {  	s2 =	sld [smem:$0x3F95];
	s0 =	simm.s32 @p1 $0x1  }
0x15: {  	[smem:$0x3FB2] =	sst s0;
	s0 =	simm.s32 @!p2 $0x0  }
0x16: {  	s3 =	sld [smem:$0x3FDB];
	s0 =	simm.s32 @p2 $0x1  }
0x17: {  	s4 =	simm.s32 $0x1BF5;
	[smem:$0x3FB4] =	sst s0  }
0x18: {  	s0 =	sld [smem:$0x3F97];
	_ =	swait.ge [sflag:s4], $0x0  }
0x19: {  	s7 =	sld [smem:$0x3F98]  }
0x1a: {  	s8 =	sadd.s32 $0xFFFFE003, lr  }
0x1b: {  	s9 =	sadd.s32 $0xFFFFFEF7, lr;
	s5 =	simm.s32 $0xFFFFFFFF;
	p2 =	slt.u32 s8, $0xFFFFF086  }
0x1c: {  	p1 =	slt.u32 s9, $0xF7A;
	s5 =	simm.s32 @!p2 $0x0  }
0x1d: {  	s5 =	simm.s32 @p1 $0x1;
	p0 =	seq.s32 s7, s2  }
0x1e: {  	s7 =	smul.u32 @!p0 $0xF7A, s2;
	p2 =	seq.s32 @!p0 s5, $0x0  }
0x1f: {  	s9 =	smul.u32 $0xF7A, s1;
	s8 =	simm.s32 @!p0 $0x1BF5;
	p2 =	por !p2, p0  }
0x20: {  	[sflag:s8] =	ssyncset.s32 @!p0 $0xFFFFF086;
	s6 =	sadd.s32 @!p0 s3, s7;
	s7 =	simm.s32 @!p0 $0x108  }
0x21: {  	s3 =	sadd.s32 s3, s9;
	s6 =	sadd.s32 @!p0 $0x88, s6;
	s7 =	simm.s32 @p2 $0x1082  }
0x22: {  	[simem:s7], [sflag:s8] =	dma.local @!p0 [hbm:s6], $0xF7A  }
0x23: {  	s9 =	sor.u32 $0xD0000000, s2;
	s6 =	simm.s32 $0x108;
	_ =	swait.ge @!p0 [sflag:s8], $0x0  }
0x24: {  	s3 =	sadd.s32 $0x88, s3;
	s6 =	simm.s32 @!p1 $0x1082;
	[sflag:s4] =	ssyncset.s32 $0xFFFFF086  }
0x25: {  	[simem:s6], [sflag:s4] =	dma.local [hbm:s3], $0xF7A  }
0x26: {  	[smem:$0x3F98] =	sst s1;
	(tag) =	ssettag s2;
	_ =	strace s9  }
0x27: {  	s1 =	sld [smem:$0x3FA8]  }
0x28: {  	s2 =	sld [smem:$0x3FA9]  }
0x29: {  	s4 =	sld [smem:$0x3FAB]  }
0x2a: {  	p0 =	seq.s32 s5, $0x0;
	s5 =	sld [smem:$0x3FAC]  }
0x2b: {  	s6 =	sld [smem:$0x3FAD]  }
0x2c: {  	s7 =	sld [smem:$0x3FAE]  }
0x2d: {  	s3 =	simm.s32 $0x108;
	s8 =	sld [smem:$0x3FAF]  }
0x2e: {  	s3 =	simm.s32 @!p0 $0x1082;
	s9 =	sld [smem:$0x3FB0]  }
0x2f: {  	lr =	sadd.s32 s0, s3;
	s0 =	sld [smem:$0x3FA7]  }
0x30: {  	s3 =	sld [smem:$0x3FAA]  }
0x31: {  	[smem:$0x3FB3] =	sst s10  }
0x32: {  	s10 =	sld [smem:$0x3FB1];
	_ =	sdelay $0x3  }
0x33: {  	p0 =	seq.s32 s10, $0x1;
	s10 =	sld [smem:$0x3FB3];
	_ =	sdelay $0x3  }
0x34: {  	[smem:$0x3FB3] =	sst s10  }
0x35: {  	s10 =	sld [smem:$0x3FB2];
	_ =	sdelay $0x3  }
0x36: {  	p1 =	seq.s32 s10, $0x1;
	s10 =	sld [smem:$0x3FB3];
	_ =	sdelay $0x3  }
0x37: {  	[smem:$0x3FB3] =	sst s10  }
0x38: {  	s10 =	sld [smem:$0x3FB4]  }
0x39: {  	_ = 	snop;
	(pc) =	sbr.ind lr, $3  }
0x3a: {  	_ = 	snop  }
0x3b: {  	_ = 	snop  }
0x3c: {  	p2 =	seq.s32 s10, $0x1;
	s10 =	sld [smem:$0x3FB3]  }
0x3d: {  	_ =	shalt  }
0x3e: {  	_ =	shalt  }
0x3f: {  	_ =	shalt  }
0x40: {  	_ =	shalt  }
0x41: {  	_ =	shalt  }
0x42: {  	_ =	shalt  }
0x43: {  	_ =	shalt  }
0x44: {  	_ =	shalt  }
0x45: {  	_ =	shalt  }
0x46: {  	_ =	shalt  }
0x47: {  	_ =	shalt  }
0x48: {  	_ =	shalt  }
0x49: {  	_ =	shalt  }
0x4a: {  	_ =	shalt  }
0x4b: {  	_ =	shalt  }
0x4c: {  	_ =	shalt  }
0x4d: {  	_ =	shalt  }
0x4e: {  	_ =	shalt  }
0x4f: {  	_ =	shalt  }
0x50: {  	_ =	shalt  }
0x51: {  	_ =	shalt  }
0x52: {  	_ =	shalt  }
0x53: {  	_ =	shalt  }
0x54: {  	_ =	shalt  }
0x55: {  	_ =	shalt  }
0x56: {  	_ =	shalt  }
0x57: {  	_ =	shalt  }
0x58: {  	_ =	shalt  }
0x59: {  	_ =	shalt  }
0x5a: {  	_ =	shalt  }
0x5b: {  	_ =	shalt  }
0x5c: {  	_ =	shalt  }
0x5d: {  	_ =	shalt  }
0x5e: {  	_ =	shalt  }
0x5f: {  	_ =	shalt  }
0x60: {  	_ =	shalt  }
0x61: {  	_ =	shalt  }
0x62: {  	_ =	shalt  }
0x63: {  	_ =	shalt  }
0x64: {  	_ =	shalt  }
0x65: {  	_ =	shalt  }
0x66: {  	_ =	shalt  }
0x67: {  	_ =	shalt  }
0x68: {  	_ =	shalt  }
0x69: {  	_ =	shalt  }
0x6a: {  	_ =	shalt  }
0x6b: {  	_ =	shalt  }
0x6c: {  	_ =	shalt  }
0x6d: {  	_ =	shalt  }
0x6e: {  	_ =	shalt  }
0x6f: {  	_ =	shalt  }
0x70: {  	_ =	shalt  }
0x71: {  	_ =	shalt  }
0x72: {  	_ =	shalt  }
0x73: {  	_ =	shalt  }
0x74: {  	_ =	shalt  }
0x75: {  	_ =	shalt  }
0x76: {  	_ =	shalt  }
0x77: {  	_ =	shalt  }
0x78: {  	_ =	shalt  }
0x79: {  	_ =	shalt  }
0x7a: {  	_ =	shalt  }
0x7b: {  	_ =	shalt  }
0x7c: {  	_ =	shalt  }
0x7d: {  	_ =	shalt  }
0x7e: {  	_ =	shalt  }
0x7f: {  	_ =	shalt  }
0x80: {  	_ =	shalt  }
0x81: {  	_ =	shalt  }
0x82: {  	_ =	shalt  }
0x83: {  	_ =	shalt  }
0x84: {  	_ =	shalt  }
0x85: {  	_ =	shalt  }
0x86: {  	_ =	shalt  }
0x87: {  	_ =	shalt  }
.Lfunc_end0:
.L_simem_size_0:
called_computation.2_lowered:
.L_overlay_start_0:
0x88: {  	s2 =	sld [smem:$0x3FD9]  }
0x89: {  	s3 =	sld [smem:$0x3FFE];
	_ =	sdelay $0x1  }
0x8a: {  	s1 =	srdreg.scid  }
0x8b: {  	s0 =	sand.u32 $0x1, s1  }
0x8c: {  	s17 =	sshll.u32 s0, $0xA;
	s2 =	sadd.s32 s3, s2  }
0x8d: {  	s2 =	sadd.s32 s2, s17  }
0x8e: {  	[smem:$0x3FBF] =	sst s2  }
0x8f: {  	_ = 	snop  }
0x90: {  	s2 =	sld [smem:$0x3FD0];
	(tm) =	ssettm $0x1  }
0x91: {  	s18 =	sld [smem:$0x3FFB];
	_ =	sdelay $0x3  }
0x92: {  	_ =	strace s18  }
0x93: {  	s3 =	sld [smem:$0x3FFC];
	_ =	sdelay $0x3  }
0x94: {  	_ =	strace s3  }
0x95: {  	s3 =	sld [smem:$0x3FFD];
	_ =	sdelay $0x3  }
0x96: {  	_ =	strace s3  }
0x97: {  	_ =	strace $0x8FFFFFFF  }
0x98: {  	s19 =	sld [smem:$0x3FDB];
	_ =	sdelay $0x1  }
0x99: {  	s4 =	simm.s32 $_scs_section_size  }
0x9a: {  	s5 =	simm.s32 $_size__tile_overlayer_lowered;
	s6 =	simm.s32 $_tile_overlayer_lowered  }
0x9b: {  	s22 =	simm.s32 $0x1BFF;
	s21 =	sshll.u32 s6, $0x1;
	s3 =	sadd.s32 s4, s19  }
0x9c: {  	s7 =	simm.s32 $0x0;
	s20 =	sshll.u32 s5, $0x1;
	s5 =	sadd.s32 s21, s3  }
0x9d: {  	[timem:s7], [sflag:s22] =	dma.local [hbm:s5], s20  }
0x9e: {  	_ =	swait.ge [sflag:s22], s20  }
0x9f: {  	s4 =	ssub.s32 $0x0, s20;
	[sflag:s22] =	ssyncset.done $0x0  }
0xa0: {  	[sflag:s22] =	ssyncadd.s32 s4;
	_ =	sdelay $0x1  }
0xa1: {  	s23 =	simm.s32 $0x1B8B  }
0xa2: {  	_ =	swait.ge [sflag:s23], $0x1  }
0xa3: {  	[sflag:s23] =	ssyncset.done $0x0  }
0xa4: {  	s25 =	simm.s32 $0x1B8E;
	s24 =	sld [smem:$0x3FFE];
	[sflag:s23] =	ssyncadd.s32 $0xFFFFFFFF  }
0xa5: {  	s26 =	simm.s32 $execute0_lowered;
	[smem:$0x3FD2] =	sst s25  }
0xa6: {  	s5 =	sshll.u32 s26, $0x1;
	_ =	strace $0x8000004C;
	[dreg:$0x1] =	wrdreg $0xFFFFFFFF  }
0xa7: {  	s28 =	simm.s32 $_size_execute0_lowered;
	s3 =	sadd.s32 s3, s5;
	[dreg:$0x0] =	wrdreg $0x0  }
0xa8: {  	s5 =	sshll.u32 s28, $0x1;
	[dreg:$0x2] =	wrdreg s3  }
0xa9: {  	[dreg:$0x3] =	wrdreg s5  }
0xaa: {  	[dreg:$0x4] =	wrdreg $0xC0  }
0xab: {  	_ =	task [dreg:s7], $0x5FFFF  }
0xac: {  	[dreg:$0x1] =	wrdreg $0xFFFFFFFF  }
0xad: {  	[dreg:$0x0] =	wrdreg $0x60  }
0xae: {  	[dreg:$0x2] =	wrdreg s24  }
0xaf: {  	[dreg:$0x3] =	wrdreg s2  }
0xb0: {  	[dreg:$0x4] =	wrdreg $0x0  }
0xb1: {  	[dreg:$0x5] =	wrdreg $0x9  }
0xb2: {  	_ =	task.clear_ibuf [dreg:s7], $0x6FFFF;
	_ =	strace $0x9000004C  }
0xb3: {  	s29 =	simm.s32 $0x9;
	_ =	strace $0x8000004E  }
0xb4: {  	_ =	swait.ge [sflag:s29], $0x1  }
0xb5: {  	[sflag:s29] =	ssyncadd.s32 $0xFFFFFFFF  }
0xb6: {  	_ =	strace $0x9000004E  }
0xb7: {  	_ =	sfence  }
0xb8: {  	s30 =	sld [smem:$0x0];
	_ =	sdelay $0x2  }
0xb9: {  	s31 =	sshll.u32 s1, $0xD;
	s1 =	sshrl.u32 s1, $0x2  }
0xba: {  	s3 =	sand.u32 $0x4000, s31;
	s1 =	sadd.s32 s1, s30  }
0xbb: {  	s0 =	sor.u32 s3, s0;
	s1 =	sshll.u32 s1, $0x11  }
0xbc: {  	s0 =	sor.u32 s1, s0  }
0xbd: {  	s0 =	sadd.s32 $0x8F2B, s0  }
0xbe: {  	[sflag:s0] =	ssyncadd.remote.s32 $0x1  }
0xbf: {  	_ =	sfence.sel $0xFFFF  }
0xc0: {  	[dreg:$0x0] =	wrdreg $0xFFFFFFFF;
	(pc) =	sbr.abs _section_cstart, $3  }
0xc1: {  	[dreg:$0x1] =	wrdreg $0xFFFFFFFF  }
0xc2: {  	_ =	task.clear_ibuf [dreg:s7], $0x2FFFF;
	_ =	strace $0x9FFFFFFF  }
0xc3: {  	(tm) =	ssettm $0x7FFFFFFF  }
tec
execute0_lowered:
.L_overlay_start_1:
0x0: {  	(tag) =	ssettag $0x1  }
0x1: {  	s0 =	rddreg [dreg:$0x0]  }
0x2: {  	s2 =	rddreg [dreg:$0x2]  }
0x3: {  	s1 =	srdreg.scid;
	s11 =	stileid.u32;
	s4 =	simm.s32 $0x0  }
0x4: {  	s12 =	simm.s32 $0x5;
	s14 =	simm.s32 $0x64;
	s15 =	simm.s32 $0x16E80  }
0x5: {  	s16 =	simm.s32 $0x16C80;
	s17 =	simm.s32 $0x16D80;
	s19 =	simm.s32 $0x1A280  }
0x6: {  	s21 =	simm.s32 $0x16D00;
	s28 =	simm.s32 $0x2;
	s29 =	simm.s32 $0x3  }
0x7: {  	s30 =	simm.s32 $0x4;
	s31 =	simm.s32 $0x0;
	s1 =	sand.u32 $0x1, s1  }
0x8: {  	s3 =	sshll.u32 s11, $0x1;
	[smem:$0x7FF] =	sst s4;
	s5 =	sadd.s32 $0x44600, s0  }
0x9: {  	s9 =	smul.u32 $0x4E000, s11;
	p0 =	sne.s32 s11, $0x0;
	p1 =	seq.s32 s11, $0xF  }
0xa: {  	s3 =	sor.u32 s1, s3;
	s6 =	smul.u32 $0x27100, s1;
	s1 =	ssub.s32 $0x2, s1  }
0xb: {  	_ =	strace $0x8000004D;
	s3 =	smul.u32 $0x680, s3;
	s7 =	sshrl.u32 s1, $0x1  }
0xc: {  	s13 =	sshrl.u32 @!p0 s2, $0x3;
	s26 =	sshrl.u32 s9, $0x2;
	s1 =	ssub.s32 s1, s7  }
0xd: {  	s3 =	sadd.s32 s3, s0;
	s0 =	sadd.s32 s6, s0;
	s6 =	sadd.s32 $0x124800, s2  }
.Ltmp0:
0xe: {  	s10 =	smax.u32 s1, $0x1;
	s25 =	sadd.s32 $0x2A600, s3;
	(pc) =	sbr.rel .LBB2_1-.Ltmp0, $4  }
0xf: {  	s7 =	sadd.s32 $0x37600, s3;
	s8 =	sadd.s32 $0x1D600, s3;
	s9 =	sadd.s32 $0x2B5600, s0  }
0x10: {  	s0 =	sadd.s32 s26, s2;
	s3 =	smul.u32 $0x2700, s11;
	s23 =	sshrl.u32 @p1 s6, $0x3  }
0x11: {  	s26 =	simm.s32 $0x16E00;
	[dreg:$0x4] =	wrdreg s25;
	s20 =	sadd.s32 $0x10, s7  }
0x12: {  	s22 =	sadd.s32 $0x10, s8;
	s25 =	sshrl.u32 @!p1 s0, $0x3;
	s24 =	sadd.s32 @!p1 s3, s9  }
.LBB2_8:
0x13: {  	_ =	swait.ge [sflag:s29], $0x3200  }
0x14: {  	[sflag:s29] =	ssyncset.done $0x0  }
0x15: {  	[sflag:s29] =	ssyncadd.s32 $0xFFFFCE00  }
0x16: {  	_ =	swait.ge [sflag:s30], $0x3200  }
0x17: {  	[sflag:s30] =	ssyncset.done $0x0  }
0x18: {  	[sflag:s30] =	ssyncadd.s32 $0xFFFFCE00  }
0x19: {  	s0 =	sadd.s32 @p1 $0x24900, s9;
	s1 =	simm.s32 @p1 $0x1FC5;
	[bflag:$0x0] =	sbarrier.arrive $0xFFFF  }
0x1a: {  	[hbm:s0], [sflag:s1] =	dma.local @p1 [spmem:s23], $0x2800  }
0x1b: {  	s0 =	simm.s32 @p1 $0x5  }
0x1c: {  	s1 =	stileid.u32;
	_ =	swait.ge @p1 [sflag:s0], $0x2800  }
0x1d: {  	s31 =	sadd.s32 $0x1, s31;
	s1 =	sshll.u32 @!p1 s1, $0x6;
	[sflag:s0] =	ssyncset.done @p1 $0x0  }
0x1e: {  	p2 =	sne.s32 s31, s10;
	[sflag:s0] =	ssyncadd.s32 @p1 $0xFFFFD800;
	s0 =	sor.u32 @!p1 $0x1C05, s1  }
0x1f: {  	[hbm:s24], [sflag:s0] =	dma.local @!p1 [spmem:s25], $0x2700  }
.Ltmp1:
0x20: {  	_ = 	snop;
	(pc) =	sbr.rel @!p2 .LBB2_9-.Ltmp1, $4  }
0x21: {  	s0 =	simm.s32 @!p1 $0x5  }
0x22: {  	_ =	swait.ge @!p1 [sflag:s0], $0x2700  }
0x23: {  	[sflag:s0] =	ssyncset.done @!p1 $0x0  }
0x24: {  	[sflag:s0] =	ssyncadd.s32 @!p1 $0xFFFFD900  }
.LBB2_1:
0x25: {  	s0 =	rddreg [dreg:$0x4];
	s3 =	simm.s32 $0x13880  }
0x26: {  	[tilespmem:s3], [sflag:$0x5] =	stream.linear.gather [hbm4b:s0+s4], $0x3200, $0x38;
	[tilespmem:$0x1D680] =	vst v63  }
0x27: {  	_ =	swait.ge [sflag:s12], $0x3200  }
0x28: {  	[sflag:s12] =	ssyncset.done $0x0  }
0x29: {  	[sflag:s12] =	ssyncadd.s32 $0xFFFFCE00  }
0x2a: {  	s0 =	simm.s32 @!p0 $0x1C05;
	s1 =	rddreg [dreg:$0x1]  }
0x2b: {  	[spmem:s13], [sflag:s0] =	dma.local @!p0 [hbm:s1], $0x27100  }
0x2c: {  	s0 =	simm.s32 @!p0 $0x5  }
0x2d: {  	_ =	swait.ge @!p0 [sflag:s0], $0x27100  }
0x2e: {  	[sflag:s0] =	ssyncset.done @!p0 $0x0  }
0x2f: {  	[sflag:s0] =	ssyncadd.s32 @!p0 $0xFFFD8F00  }
0x30: {  	[bflag:$0x0] =	sbarrier.arrive $0xFFFF  }
0x31: {  	[tilespmem:s15], [sflag:$0x1] =	stream.indirect.gather [hbm4b:s5+s14], $0x80, s3, s14, $0xb8;
	[tilespmem:$0x1D680] =	vst v63  }
0x32: {  	_ = 	snop  }
0x33: {  	[tilespmem:s16], [sflag:$0x1] =	stream.linear.gather [hbm4b:s7+s4], $0x80, $0x38;
	[tilespmem:$0x1D680] =	vst v63  }
0x34: {  	_ = 	snop  }
0x35: {  	[tilespmem:s17], [sflag:$0x1] =	stream.linear.gather [hbm4b:s8+s4], $0x80, $0x38;
	[tilespmem:$0x1D680] =	vst v63  }
0x36: {  	s18 =	simm.s32 $0x13900  }
0x37: {  	[tilespmem:s19], [sflag:$0x2] =	stream.indirect.gather [hbm4b:s5+s14], $0x80, s18, s14, $0xb8;
	[tilespmem:$0x1D680] =	vst v63  }
0x38: {  	_ = 	snop  }
0x39: {  	[tilespmem:s21], [sflag:$0x2] =	stream.linear.gather [hbm4b:s20+s4], $0x80, $0x38;
	[tilespmem:$0x1D680] =	vst v63  }
0x3a: {  	s0 =	simm.s32 $0x0  }
0x3b: {  	[tilespmem:s26], [sflag:$0x2] =	stream.linear.gather [hbm4b:s22+s4], $0x80, $0x38;
	[tilespmem:$0x1D680] =	vst v63  }
.LBB2_2:
0x3c: {  	s3 =	simm.s32 $0x1  }
0x3d: {  	_ =	swait.ge [sflag:s3], $0x3200  }
0x3e: {  	[sflag:s3] =	ssyncset.done $0x0  }
0x3f: {  	[sflag:s3] =	ssyncadd.s32 $0xFFFFCE00  }
0x40: {  	_ =	swait.ge [sflag:s3], $0x80  }
0x41: {  	[sflag:s3] =	ssyncset.done $0x0  }
0x42: {  	[sflag:s3] =	ssyncadd.s32 $0xFFFFFF80  }
0x43: {  	_ =	swait.ge [sflag:s3], $0x80  }
0x44: {  	v0 =	vmov s3;
	[sflag:s3] =	ssyncset.done $0x0  }
0x45: {  	s1 =	simm.s32 $0x16F00;
	[sflag:s3] =	ssyncadd.s32 $0xFFFFFF80  }
0x46: {  	v5 =	vld [tilespmem:s1+$0xFFFFFFF0]  }
0x47: {  	s18 =	simm.s32 $0x0;
	v4 =	vld [tilespmem:s1+$0x60]  }
0x48: {  	v1 =	vmov s18;
	v2 =	vld [tilespmem:s1+$0x50]  }
0x49: {  	v1 =	vand.u32 $0xFFFFFFFE, v1;
	v6 =	vld.idx.msk [tilespmem:v0+s17+$0x0], $0xffff  }
0x4a: {  	v0 =	vbroadcast v1, $0x0;
	v1 =	vld [tilespmem:s1+$0x0]  }
0x4b: {  	v3 =	vld [tilespmem:s1+$0x10]  }
0x4c: {  	v7 =	vld [tilespmem:s1+$0x20]  }
0x4d: {  	v9 =	vld [tilespmem:s1+$0x30]  }
0x4e: {  	v10 =	vld [tilespmem:s1+$0x40]  }
0x4f: {  	v11 =	vld [tilespmem:s1+$0x70]  }
0x50: {  	v8 =	vld [tilespmem:s1+$0xFFFFFFD0]  }
0x51: {  	v12 =	vmul.f32 v1, v6;
	v1 =	vld.idx.msk [tilespmem:v0+s17+$0x0], $0xffff;
	v0 =	vmul.f32 v3, v6  }
0x52: {  	v13 =	vld [tilespmem:s1+$0xFFFFFF80];
	v3 =	vmul.f32 v7, v6;
	v7 =	vmul.f32 v9, v6  }
0x53: {  	v63 =	vld [tilespmem:s1+$0xFFFFFFA0];
	v9 =	vmul.f32 v10, v6;
	v10 =	vmul.f32 v2, v6;
	[tilespmem:s1+$0x0] =	vst v12  }
0x54: {  	v2 =	vmul.f32 v11, v6;
	v11 =	vmul.f32 v4, v6;
	v4 =	vld [tilespmem:s1+$0xFFFFFF90];
	[tilespmem:s1+$0x10] =	vst v0  }
0x55: {  	[tilespmem:s1+$0x20] =	vst v3;
	v0 =	vld [tilespmem:s1+$0xFFFFFFB0]  }
0x56: {  	[tilespmem:s1+$0x30] =	vst v7;
	v3 =	vld [tilespmem:s1+$0xFFFFFFE0]  }
0x57: {  	[tilespmem:s1+$0x40] =	vst v9;
	v9 =	vmul.f32 v5, v1;
	v5 =	vld [tilespmem:s1+$0xFFFFFFC0]  }
0x58: {  	[tilespmem:s1+$0x50] =	vst v10;
	v7 =	vmul.f32 v13, v1  }
0x59: {  	s18 =	simm.s32 $0x3;
	s3 =	simm.s32 $0x16F00;
	[tilespmem:s1+$0x60] =	vst v11;
	v6 =	vmul.f32 v63, v1;
	v8 =	vmul.f32 v8, v1  }
.LBB2_3:
0x5a: {  	p2 =	sne.s32 s18, $0x63  }
0x5b: {  	v4 =	vmul.f32 v4, v1;
	v3 =	vmul.f32 v3, v1;
	[tilespmem:s1+$0x70] =	vst v2;
	s3 =	sadd.s32 $0x100, s3;
	s6 =	smov.u32 s18;
	s18 =	sadd.s32 $0x2, s18  }
0x5c: {  	v0 =	vmul.f32 v0, v1;
	v1 =	vmul.f32 v5, v1;
	[tilespmem:s1+$0xFFFFFFF0] =	vst v9  }
0x5d: {  	[tilespmem:s1+$0xFFFFFF80] =	vst v7  }
0x5e: {  	v9 =	vld [tilespmem:s3+$0xFFFFFFF0];
	[tilespmem:s1+$0xFFFFFFD0] =	vst v8  }
0x5f: {  	v2 =	vmov s6;
	v7 =	vld [tilespmem:s3+$0x60];
	[tilespmem:s1+$0xFFFFFFA0] =	vst v6  }
0x60: {  	v6 =	vld [tilespmem:s3+$0x50];
	[tilespmem:s1+$0xFFFFFFB0] =	vst v0  }
0x61: {  	v0 =	vld [tilespmem:s3+$0xFFFFFFB0];
	[tilespmem:s1+$0xFFFFFFC0] =	vst v1  }
0x62: {  	s6 =	sadd.s32 $0xFFFFFFFF, s6;
	v8 =	vld [tilespmem:s3+$0xFFFFFFD0];
	[tilespmem:s1+$0xFFFFFFE0] =	vst v3  }
0x63: {  	v1 =	vmov s6;
	v3 =	vld [tilespmem:s3+$0x70];
	[tilespmem:s1+$0xFFFFFF90] =	vst v4;
	s1 =	smov.u32 s3  }
0x64: {  	v1 =	vand.u32 $0xFFFFFFFE, v1;
	v10 =	vld.idx.msk [tilespmem:v2+s17+$0x0], $0xffff  }
0x65: {  	v1 =	vbroadcast v1, $0x0;
	v2 =	vld [tilespmem:s3+$0x0]  }
0x66: {  	v4 =	vld [tilespmem:s3+$0x10]  }
0x67: {  	v5 =	vld [tilespmem:s3+$0x20]  }
0x68: {  	v11 =	vld [tilespmem:s3+$0x30]  }
0x69: {  	v12 =	vld [tilespmem:s3+$0x40]  }
0x6a: {  	v13 =	vld [tilespmem:s3+$0xFFFFFF80];
	v14 =	vmul.f32 v2, v10;
	v2 =	vmul.f32 v3, v10  }
0x6b: {  	v1 =	vld.idx.msk [tilespmem:v1+s17+$0x0], $0xffff;
	v3 =	vmul.f32 v4, v10  }
0x6c: {  	[tilespmem:s3+$0x0] =	vst v14;
	v14 =	vld [tilespmem:s3+$0xFFFFFFA0];
	v5 =	vmul.f32 v5, v10  }
0x6d: {  	[tilespmem:s3+$0x10] =	vst v3;
	v11 =	vmul.f32 v11, v10;
	v3 =	vld [tilespmem:s3+$0xFFFFFFE0]  }
.Ltmp2:
0x6e: {  	v4 =	vld [tilespmem:s3+$0xFFFFFF90];
	[tilespmem:s3+$0x20] =	vst v5;
	v12 =	vmul.f32 v12, v10;
	(pc) =	sbr.rel @p2 .LBB2_3-.Ltmp2, $4  }
0x6f: {  	v6 =	vmul.f32 v6, v10;
	[tilespmem:s3+$0x30] =	vst v11;
	v5 =	vld [tilespmem:s3+$0xFFFFFFC0]  }
0x70: {  	v10 =	vmul.f32 v7, v10;
	[tilespmem:s3+$0x40] =	vst v12  }
0x71: {  	v7 =	vmul.f32 v13, v1;
	v9 =	vmul.f32 v9, v1;
	[tilespmem:s3+$0x50] =	vst v6  }
0x72: {  	v8 =	vmul.f32 v8, v1;
	v6 =	vmul.f32 v14, v1;
	[tilespmem:s3+$0x60] =	vst v10  }
0x73: {  	[tilespmem:s1+$0x70] =	vst v2  }
0x74: {  	[tilespmem:s1+$0xFFFFFFF0] =	vst v9  }
0x75: {  	[tilespmem:s1+$0xFFFFFF80] =	vst v7  }
0x76: {  	v0 =	vmul.f32 v0, v1;
	[tilespmem:s1+$0xFFFFFFD0] =	vst v8  }
0x77: {  	v3 =	vmul.f32 v3, v1;
	[tilespmem:s1+$0xFFFFFFA0] =	vst v6  }
0x78: {  	v2 =	vmul.f32 v5, v1;
	[tilespmem:s1+$0xFFFFFFB0] =	vst v0  }
0x79: {  	v0 =	vmul.f32 v4, v1;
	[tilespmem:s1+$0xFFFFFFE0] =	vst v3  }
0x7a: {  	p2 =	seq.s32 s0, $0x31;
	[tilespmem:s1+$0xFFFFFFC0] =	vst v2  }
0x7b: {  	s3 =	simm.s32 @!p2 $0x3;
	[tilespmem:s1+$0xFFFFFF90] =	vst v0;
	s1 =	sshll.u32 s0, $0x1  }
0x7c: {  	[spmem:s2] =	stream.indirect.scatter.add.f32 [tilespmem:s15], [sflag:$0x3], $0x80, s16, s14, $0xb8;
	[tilespmem:$0x1D680] =	vst v63  }
0x7d: {  	s6 =	sadd.s32 @!p2 $0x2, s1;
	_ =	swait.ge @!p2 [sflag:s3], $0x3200  }
0x7e: {  	s18 =	sshll.u32 @!p2 s6, $0x7;
	[sflag:s3] =	ssyncset.done @!p2 $0x0  }
0x7f: {  	[sflag:s3] =	ssyncadd.s32 @!p2 $0xFFFFCE00;
	s3 =	sand.u32 @!p2 $0x3FFFFF80, s18  }
0x80: {  	s11 =	simm.s32 @!p2 $0x16E80;
	s18 =	simm.s32 @!p2 $0x64;
	s3 =	sadd.s32 @!p2 $0x13880, s3  }
0x81: {  	[tilespmem:s11], [sflag:$0x1] =	stream.indirect.gather @!p2 [hbm4b:s5+s18], $0x80, s3, s18, $0xb8;
	[tilespmem:$0x1D680] =	vst v63  }
0x82: {  	s3 =	sshll.u32 @!p2 s6, $0x4  }
0x83: {  	s11 =	simm.s32 @!p2 $0x0;
	s18 =	simm.s32 @!p2 $0x16C80;
	s6 =	sadd.s32 @!p2 s7, s3  }
0x84: {  	[tilespmem:s18], [sflag:$0x1] =	stream.linear.gather @!p2 [hbm4b:s6+s11], $0x80, $0x38;
	[tilespmem:$0x1D680] =	vst v63  }
0x85: {  	s3 =	sadd.s32 @!p2 s8, s3;
	s6 =	simm.s32 @!p2 $0x16D80  }
0x86: {  	[tilespmem:s6], [sflag:$0x1] =	stream.linear.gather @!p2 [hbm4b:s3+s11], $0x80, $0x38;
	[tilespmem:$0x1D680] =	vst v63  }
0x87: {  	_ =	swait.ge [sflag:s28], $0x3200  }
0x88: {  	[sflag:s28] =	ssyncset.done $0x0  }
0x89: {  	[sflag:s28] =	ssyncadd.s32 $0xFFFFCE00  }
0x8a: {  	_ =	swait.ge [sflag:s28], $0x80  }
0x8b: {  	[sflag:s28] =	ssyncset.done $0x0  }
0x8c: {  	[sflag:s28] =	ssyncadd.s32 $0xFFFFFF80  }
0x8d: {  	s6 =	simm.s32 $0x1;
	_ =	swait.ge [sflag:s28], $0x80  }
0x8e: {  	v0 =	vmov s6;
	[sflag:s28] =	ssyncset.done $0x0  }
0x8f: {  	s18 =	simm.s32 $0x1A300;
	[sflag:s28] =	ssyncadd.s32 $0xFFFFFF80  }
0x90: {  	v5 =	vld [tilespmem:s18+$0xFFFFFFF0]  }
0x91: {  	s11 =	simm.s32 $0x0;
	v4 =	vld [tilespmem:s18+$0x60]  }
0x92: {  	v1 =	vmov s11;
	v2 =	vld [tilespmem:s18+$0x50]  }
0x93: {  	v1 =	vand.u32 $0xFFFFFFFE, v1;
	v6 =	vld.idx.msk [tilespmem:v0+s26+$0x0], $0xffff  }
0x94: {  	v0 =	vbroadcast v1, $0x0;
	v1 =	vld [tilespmem:s18+$0x0]  }
0x95: {  	v3 =	vld [tilespmem:s18+$0x10]  }
0x96: {  	v7 =	vld [tilespmem:s18+$0x20]  }
0x97: {  	v9 =	vld [tilespmem:s18+$0x30]  }
0x98: {  	v10 =	vld [tilespmem:s18+$0x40]  }
0x99: {  	v11 =	vld [tilespmem:s18+$0x70]  }
0x9a: {  	v8 =	vld [tilespmem:s18+$0xFFFFFFD0]  }
0x9b: {  	v12 =	vmul.f32 v1, v6;
	v1 =	vld.idx.msk [tilespmem:v0+s26+$0x0], $0xffff;
	v0 =	vmul.f32 v3, v6  }
0x9c: {  	v13 =	vld [tilespmem:s18+$0xFFFFFF80];
	v3 =	vmul.f32 v7, v6;
	v7 =	vmul.f32 v9, v6  }
0x9d: {  	v63 =	vld [tilespmem:s18+$0xFFFFFFA0];
	v9 =	vmul.f32 v10, v6;
	v10 =	vmul.f32 v2, v6;
	[tilespmem:s18+$0x0] =	vst v12  }
0x9e: {  	v2 =	vmul.f32 v11, v6;
	v11 =	vmul.f32 v4, v6;
	v4 =	vld [tilespmem:s18+$0xFFFFFF90];
	[tilespmem:s18+$0x10] =	vst v0  }
0x9f: {  	[tilespmem:s18+$0x20] =	vst v3;
	v0 =	vld [tilespmem:s18+$0xFFFFFFB0]  }
0xa0: {  	[tilespmem:s18+$0x30] =	vst v7;
	v3 =	vld [tilespmem:s18+$0xFFFFFFE0]  }
0xa1: {  	[tilespmem:s18+$0x40] =	vst v9;
	v9 =	vmul.f32 v5, v1;
	v5 =	vld [tilespmem:s18+$0xFFFFFFC0]  }
0xa2: {  	[tilespmem:s18+$0x50] =	vst v10;
	v7 =	vmul.f32 v13, v1  }
0xa3: {  	s3 =	simm.s32 $0x3;
	s6 =	simm.s32 $0x1A300;
	[tilespmem:s18+$0x60] =	vst v11;
	v6 =	vmul.f32 v63, v1;
	v8 =	vmul.f32 v8, v1  }
.LBB2_5:
0xa4: {  	p3 =	sne.s32 s3, $0x63  }
0xa5: {  	v4 =	vmul.f32 v4, v1;
	v3 =	vmul.f32 v3, v1;
	[tilespmem:s18+$0x70] =	vst v2;
	s6 =	sadd.s32 $0x100, s6;
	s11 =	smov.u32 s3;
	s3 =	sadd.s32 $0x2, s3  }
0xa6: {  	v0 =	vmul.f32 v0, v1;
	v1 =	vmul.f32 v5, v1;
	[tilespmem:s18+$0xFFFFFFF0] =	vst v9  }
0xa7: {  	[tilespmem:s18+$0xFFFFFF80] =	vst v7  }
0xa8: {  	v9 =	vld [tilespmem:s6+$0xFFFFFFF0];
	[tilespmem:s18+$0xFFFFFFD0] =	vst v8  }
0xa9: {  	v2 =	vmov s11;
	v7 =	vld [tilespmem:s6+$0x60];
	[tilespmem:s18+$0xFFFFFFA0] =	vst v6  }
0xaa: {  	v6 =	vld [tilespmem:s6+$0x50];
	[tilespmem:s18+$0xFFFFFFB0] =	vst v0  }
0xab: {  	v0 =	vld [tilespmem:s6+$0xFFFFFFB0];
	[tilespmem:s18+$0xFFFFFFC0] =	vst v1  }
0xac: {  	s11 =	sadd.s32 $0xFFFFFFFF, s11;
	v8 =	vld [tilespmem:s6+$0xFFFFFFD0];
	[tilespmem:s18+$0xFFFFFFE0] =	vst v3  }
0xad: {  	v1 =	vmov s11;
	v3 =	vld [tilespmem:s6+$0x70];
	[tilespmem:s18+$0xFFFFFF90] =	vst v4;
	s18 =	smov.u32 s6  }
0xae: {  	v1 =	vand.u32 $0xFFFFFFFE, v1;
	v10 =	vld.idx.msk [tilespmem:v2+s26+$0x0], $0xffff  }
0xaf: {  	v1 =	vbroadcast v1, $0x0;
	v2 =	vld [tilespmem:s6+$0x0]  }
0xb0: {  	v4 =	vld [tilespmem:s6+$0x10]  }
0xb1: {  	v5 =	vld [tilespmem:s6+$0x20]  }
0xb2: {  	v11 =	vld [tilespmem:s6+$0x30]  }
0xb3: {  	v12 =	vld [tilespmem:s6+$0x40]  }
0xb4: {  	v13 =	vld [tilespmem:s6+$0xFFFFFF80];
	v14 =	vmul.f32 v2, v10;
	v2 =	vmul.f32 v3, v10  }
0xb5: {  	v1 =	vld.idx.msk [tilespmem:v1+s26+$0x0], $0xffff;
	v3 =	vmul.f32 v4, v10  }
0xb6: {  	[tilespmem:s6+$0x0] =	vst v14;
	v14 =	vld [tilespmem:s6+$0xFFFFFFA0];
	v5 =	vmul.f32 v5, v10  }
0xb7: {  	[tilespmem:s6+$0x10] =	vst v3;
	v11 =	vmul.f32 v11, v10;
	v3 =	vld [tilespmem:s6+$0xFFFFFFE0]  }
.Ltmp3:
0xb8: {  	v4 =	vld [tilespmem:s6+$0xFFFFFF90];
	[tilespmem:s6+$0x20] =	vst v5;
	v12 =	vmul.f32 v12, v10;
	(pc) =	sbr.rel @p3 .LBB2_5-.Ltmp3, $4  }
0xb9: {  	v6 =	vmul.f32 v6, v10;
	[tilespmem:s6+$0x30] =	vst v11;
	v5 =	vld [tilespmem:s6+$0xFFFFFFC0]  }
0xba: {  	v10 =	vmul.f32 v7, v10;
	[tilespmem:s6+$0x40] =	vst v12  }
0xbb: {  	v7 =	vmul.f32 v13, v1;
	v9 =	vmul.f32 v9, v1;
	[tilespmem:s6+$0x50] =	vst v6  }
0xbc: {  	v8 =	vmul.f32 v8, v1;
	v6 =	vmul.f32 v14, v1;
	[tilespmem:s6+$0x60] =	vst v10  }
0xbd: {  	[tilespmem:s18+$0x70] =	vst v2  }
0xbe: {  	[tilespmem:s18+$0xFFFFFFF0] =	vst v9  }
0xbf: {  	[tilespmem:s18+$0xFFFFFF80] =	vst v7  }
0xc0: {  	v0 =	vmul.f32 v0, v1;
	[tilespmem:s18+$0xFFFFFFD0] =	vst v8  }
0xc1: {  	v3 =	vmul.f32 v3, v1;
	[tilespmem:s18+$0xFFFFFFA0] =	vst v6  }
.Ltmp4:
0xc2: {  	v63 =	vmul.f32 v4, v1;
	[tilespmem:s18+$0xFFFFFFB0] =	vst v0;
	(pc) =	sbr.rel @p2 .LBB2_8-.Ltmp4, $4  }
0xc3: {  	v62 =	vmul.f32 v5, v1;
	[tilespmem:s18+$0xFFFFFFE0] =	vst v3  }
0xc4: {  	[tilespmem:s18+$0xFFFFFF90] =	vst v63  }
0xc5: {  	[tilespmem:s18+$0xFFFFFFC0] =	vst v62  }
0xc6: {  	[spmem:s2] =	stream.indirect.scatter.add.f32 [tilespmem:s19], [sflag:$0x4], $0x80, s21, s14, $0xb8;
	[tilespmem:$0x1D680] =	vst v63  }
0xc7: {  	s1 =	sadd.s32 $0x3, s1  }
0xc8: {  	_ =	swait.ge [sflag:s30], $0x3200;
	s3 =	sshll.u32 s1, $0x7  }
0xc9: {  	[sflag:s30] =	ssyncset.done $0x0;
	s3 =	sand.u32 $0x3FFFFF80, s3  }
0xca: {  	[sflag:s30] =	ssyncadd.s32 $0xFFFFCE00;
	s3 =	sadd.s32 $0x13880, s3  }
0xcb: {  	[tilespmem:s19], [sflag:$0x2] =	stream.indirect.gather [hbm4b:s5+s14], $0x80, s3, s14, $0xb8;
	[tilespmem:$0x1D680] =	vst v63  }
.Ltmp5:
0xcc: {  	s1 =	sshll.u32 s1, $0x4;
	(pc) =	sbr.rel .LBB2_2-.Ltmp5, $4  }
0xcd: {  	s18 =	sadd.s32 s7, s1  }
0xce: {  	[tilespmem:s21], [sflag:$0x2] =	stream.linear.gather [hbm4b:s18+s4], $0x80, $0x38;
	[tilespmem:$0x1D680] =	vst v63  }
0xcf: {  	s0 =	sadd.s32 $0x1, s0;
	s1 =	sadd.s32 s8, s1  }
0xd0: {  	[tilespmem:s26], [sflag:$0x2] =	stream.linear.gather [hbm4b:s1+s4], $0x80, $0x38;
	[tilespmem:$0x1D680] =	vst v63  }
.LBB2_9:
0xd1: {  	_ =	sfence.sel $0x180000  }
0xd2: {  	[bflag:$0x0] =	sbarrier.arrive $0xFFFF  }
0xd3: {  	_ =	strace $0x9000004D  }
0xd4: {  	[bflag:$0x2] =	sbarrier.arrive $0xFFFF  }
0xd5: {  	s0 =	rddreg [dreg:$0x3]  }
0xd6: {  	s0 =	sadd.s32 @!p0 $0x100000, s0  }
0xd7: {  	[sflag:s0] =	ssyncadd.tile.s32 @!p0 $0x1;
	_ =	shalt  }
.Lfunc_end2:
_tile_overlayer_lowered:
.L_overlay_start_2:
0xd8: {  	(tag) =	ssettag $0x2  }
0xd9: {  	s0 =	rddreg [dreg:$0x0];
	s2 =	stileid.u32  }
0xda: {  	s1 =	rddreg [dreg:$0x1];
	p0 =	sne.s32 s2, $0x0  }
0xdb: {  	s3 =	rddreg [dreg:$0x2];
	[bflag:$0x3] =	sbarrier.arrive $0xFFFF;
	s2 =	simm.s32 @!p0 $0x1C05  }
0xdc: {  	[timem:s3], [sflag:s2] =	dma.local @!p0 [hbm:s0], s1  }
0xdd: {  	s0 =	simm.s32 @!p0 $0x5  }
0xde: {  	_ =	swait.ge @!p0 [sflag:s0], s1  }
0xdf: {  	s1 =	ssub.s32 @!p0 $0x0, s1;
	[sflag:s0] =	ssyncset.done @!p0 $0x0  }
0xe0: {  	[sflag:s0] =	ssyncadd.s32 @!p0 s1  }
0xe1: {  	[bflag:$0x3] =	sbarrier.arrive $0xFFFF  }
0xe2: {  	_ =	shalt  }

// kernel: kernel.8.cloned.1.call-start
scs
__scs_entry_jumppad:
0x0: {  	(pc) =	sbr.rel $0x88, $3  }
0x1: {  	(tag) =	ssettag $0x0;
	lr =	simm.s32 $0x1  }
0x2: {  	[smem:$0x3F98] =	sst lr;
	_ =	strace $0xD0000000  }
0x3: {  	_ = 	snop  }
0x4: {  	_ = 	snop  }
0x5: {  	_ = 	snop  }
0x6: {  	_ = 	snop  }
0x7: {  	_ = 	snop  }
__scs_overlays_trampoline_lowered:
0x8: {  	[smem:$0x3FA7] =	sst s0  }
0x9: {  	[smem:$0x3FA8] =	sst s1  }
0xa: {  	[smem:$0x3FA9] =	sst s2  }
0xb: {  	[smem:$0x3FAA] =	sst s3  }
0xc: {  	[smem:$0x3FAB] =	sst s4  }
0xd: {  	[smem:$0x3FAC] =	sst s5  }
0xe: {  	[smem:$0x3FAD] =	sst s6  }
0xf: {  	[smem:$0x3FAE] =	sst s7  }
0x10: {  	[smem:$0x3FAF] =	sst s8  }
0x11: {  	[smem:$0x3FB0] =	sst s9;
	s0 =	simm.s32 @!p0 $0x0  }
0x12: {  	s1 =	sld [smem:$0x3F96];
	s0 =	simm.s32 @p0 $0x1  }
0x13: {  	[smem:$0x3FB1] =	sst s0;
	s0 =	simm.s32 @!p1 $0x0  }
0x14: {  	s2 =	sld [smem:$0x3F95];
	s0 =	simm.s32 @p1 $0x1  }
0x15: {  	[smem:$0x3FB2] =	sst s0;
	s0 =	simm.s32 @!p2 $0x0  }
0x16: {  	s3 =	sld [smem:$0x3FDB];
	s0 =	simm.s32 @p2 $0x1  }
0x17: {  	s4 =	simm.s32 $0x1BF5;
	[smem:$0x3FB4] =	sst s0  }
0x18: {  	s0 =	sld [smem:$0x3F97];
	_ =	swait.ge [sflag:s4], $0x0  }
0x19: {  	s7 =	sld [smem:$0x3F98]  }
0x1a: {  	s8 =	sadd.s32 $0xFFFFE003, lr  }
0x1b: {  	s9 =	sadd.s32 $0xFFFFFEF7, lr;
	s5 =	simm.s32 $0xFFFFFFFF;
	p2 =	slt.u32 s8, $0xFFFFF086  }
0x1c: {  	p1 =	slt.u32 s9, $0xF7A;
	s5 =	simm.s32 @!p2 $0x0  }
0x1d: {  	s5 =	simm.s32 @p1 $0x1;
	p0 =	seq.s32 s7, s2  }
0x1e: {  	s7 =	smul.u32 @!p0 $0xF7A, s2;
	p2 =	seq.s32 @!p0 s5, $0x0  }
0x1f: {  	s9 =	smul.u32 $0xF7A, s1;
	s8 =	simm.s32 @!p0 $0x1BF5;
	p2 =	por !p2, p0  }
0x20: {  	[sflag:s8] =	ssyncset.s32 @!p0 $0xFFFFF086;
	s6 =	sadd.s32 @!p0 s3, s7;
	s7 =	simm.s32 @!p0 $0x108  }
0x21: {  	s3 =	sadd.s32 s3, s9;
	s6 =	sadd.s32 @!p0 $0x88, s6;
	s7 =	simm.s32 @p2 $0x1082  }
0x22: {  	[simem:s7], [sflag:s8] =	dma.local @!p0 [hbm:s6], $0xF7A  }
0x23: {  	s9 =	sor.u32 $0xD0000000, s2;
	s6 =	simm.s32 $0x108;
	_ =	swait.ge @!p0 [sflag:s8], $0x0  }
0x24: {  	s3 =	sadd.s32 $0x88, s3;
	s6 =	simm.s32 @!p1 $0x1082;
	[sflag:s4] =	ssyncset.s32 $0xFFFFF086  }
0x25: {  	[simem:s6], [sflag:s4] =	dma.local [hbm:s3], $0xF7A  }
0x26: {  	[smem:$0x3F98] =	sst s1;
	(tag) =	ssettag s2;
	_ =	strace s9  }
0x27: {  	s1 =	sld [smem:$0x3FA8]  }
0x28: {  	s2 =	sld [smem:$0x3FA9]  }
0x29: {  	s4 =	sld [smem:$0x3FAB]  }
0x2a: {  	p0 =	seq.s32 s5, $0x0;
	s5 =	sld [smem:$0x3FAC]  }
0x2b: {  	s6 =	sld [smem:$0x3FAD]  }
0x2c: {  	s7 =	sld [smem:$0x3FAE]  }
0x2d: {  	s3 =	simm.s32 $0x108;
	s8 =	sld [smem:$0x3FAF]  }
0x2e: {  	s3 =	simm.s32 @!p0 $0x1082;
	s9 =	sld [smem:$0x3FB0]  }
0x2f: {  	lr =	sadd.s32 s0, s3;
	s0 =	sld [smem:$0x3FA7]  }
0x30: {  	s3 =	sld [smem:$0x3FAA]  }
0x31: {  	[smem:$0x3FB3] =	sst s10  }
0x32: {  	s10 =	sld [smem:$0x3FB1];
	_ =	sdelay $0x3  }
0x33: {  	p0 =	seq.s32 s10, $0x1;
	s10 =	sld [smem:$0x3FB3];
	_ =	sdelay $0x3  }
0x34: {  	[smem:$0x3FB3] =	sst s10  }
0x35: {  	s10 =	sld [smem:$0x3FB2];
	_ =	sdelay $0x3  }
0x36: {  	p1 =	seq.s32 s10, $0x1;
	s10 =	sld [smem:$0x3FB3];
	_ =	sdelay $0x3  }
0x37: {  	[smem:$0x3FB3] =	sst s10  }
0x38: {  	s10 =	sld [smem:$0x3FB4]  }
0x39: {  	_ = 	snop;
	(pc) =	sbr.ind lr, $3  }
0x3a: {  	_ = 	snop  }
0x3b: {  	_ = 	snop  }
0x3c: {  	p2 =	seq.s32 s10, $0x1;
	s10 =	sld [smem:$0x3FB3]  }
0x3d: {  	_ =	shalt  }
0x3e: {  	_ =	shalt  }
0x3f: {  	_ =	shalt  }
0x40: {  	_ =	shalt  }
0x41: {  	_ =	shalt  }
0x42: {  	_ =	shalt  }
0x43: {  	_ =	shalt  }
0x44: {  	_ =	shalt  }
0x45: {  	_ =	shalt  }
0x46: {  	_ =	shalt  }
0x47: {  	_ =	shalt  }
0x48: {  	_ =	shalt  }
0x49: {  	_ =	shalt  }
0x4a: {  	_ =	shalt  }
0x4b: {  	_ =	shalt  }
0x4c: {  	_ =	shalt  }
0x4d: {  	_ =	shalt  }
0x4e: {  	_ =	shalt  }
0x4f: {  	_ =	shalt  }
0x50: {  	_ =	shalt  }
0x51: {  	_ =	shalt  }
0x52: {  	_ =	shalt  }
0x53: {  	_ =	shalt  }
0x54: {  	_ =	shalt  }
0x55: {  	_ =	shalt  }
0x56: {  	_ =	shalt  }
0x57: {  	_ =	shalt  }
0x58: {  	_ =	shalt  }
0x59: {  	_ =	shalt  }
0x5a: {  	_ =	shalt  }
0x5b: {  	_ =	shalt  }
0x5c: {  	_ =	shalt  }
0x5d: {  	_ =	shalt  }
0x5e: {  	_ =	shalt  }
0x5f: {  	_ =	shalt  }
0x60: {  	_ =	shalt  }
0x61: {  	_ =	shalt  }
0x62: {  	_ =	shalt  }
0x63: {  	_ =	shalt  }
0x64: {  	_ =	shalt  }
0x65: {  	_ =	shalt  }
0x66: {  	_ =	shalt  }
0x67: {  	_ =	shalt  }
0x68: {  	_ =	shalt  }
0x69: {  	_ =	shalt  }
0x6a: {  	_ =	shalt  }
0x6b: {  	_ =	shalt  }
0x6c: {  	_ =	shalt  }
0x6d: {  	_ =	shalt  }
0x6e: {  	_ =	shalt  }
0x6f: {  	_ =	shalt  }
0x70: {  	_ =	shalt  }
0x71: {  	_ =	shalt  }
0x72: {  	_ =	shalt  }
0x73: {  	_ =	shalt  }
0x74: {  	_ =	shalt  }
0x75: {  	_ =	shalt  }
0x76: {  	_ =	shalt  }
0x77: {  	_ =	shalt  }
0x78: {  	_ =	shalt  }
0x79: {  	_ =	shalt  }
0x7a: {  	_ =	shalt  }
0x7b: {  	_ =	shalt  }
0x7c: {  	_ =	shalt  }
0x7d: {  	_ =	shalt  }
0x7e: {  	_ =	shalt  }
0x7f: {  	_ =	shalt  }
0x80: {  	_ =	shalt  }
0x81: {  	_ =	shalt  }
0x82: {  	_ =	shalt  }
0x83: {  	_ =	shalt  }
0x84: {  	_ =	shalt  }
0x85: {  	_ =	shalt  }
0x86: {  	_ =	shalt  }
0x87: {  	_ =	shalt  }
.Lfunc_end0:
.L_simem_size_0:
called_computation_lowered:
.L_overlay_start_0:
0x88: {  	s2 =	sld [smem:$0x3FD9]  }
0x89: {  	s3 =	sld [smem:$0x3FFE];
	_ =	sdelay $0x1  }
0x8a: {  	s1 =	srdreg.scid  }
0x8b: {  	s0 =	sand.u32 $0x1, s1  }
0x8c: {  	s17 =	sshll.u32 s0, $0xA;
	s2 =	sadd.s32 s3, s2  }
0x8d: {  	s2 =	sadd.s32 s2, s17  }
0x8e: {  	[smem:$0x3FBF] =	sst s2  }
0x8f: {  	_ = 	snop  }
0x90: {  	s2 =	sld [smem:$0x3FD0];
	(tm) =	ssettm $0x1  }
0x91: {  	s18 =	sld [smem:$0x3FFB];
	_ =	sdelay $0x3  }
0x92: {  	_ =	strace s18  }
0x93: {  	s3 =	sld [smem:$0x3FFC];
	_ =	sdelay $0x3  }
0x94: {  	_ =	strace s3  }
0x95: {  	s3 =	sld [smem:$0x3FFD];
	_ =	sdelay $0x3  }
0x96: {  	_ =	strace s3  }
0x97: {  	_ =	strace $0x8FFFFFFF  }
0x98: {  	s19 =	sld [smem:$0x3FDB];
	_ =	sdelay $0x1  }
0x99: {  	s4 =	simm.s32 $_scs_section_size  }
0x9a: {  	s5 =	simm.s32 $_size__tile_overlayer_lowered;
	s6 =	simm.s32 $_tile_overlayer_lowered  }
0x9b: {  	s22 =	simm.s32 $0x1BFF;
	s21 =	sshll.u32 s6, $0x1;
	s3 =	sadd.s32 s4, s19  }
0x9c: {  	s7 =	simm.s32 $0x0;
	s20 =	sshll.u32 s5, $0x1;
	s5 =	sadd.s32 s21, s3  }
0x9d: {  	[timem:s7], [sflag:s22] =	dma.local [hbm:s5], s20  }
0x9e: {  	_ =	swait.ge [sflag:s22], s20  }
0x9f: {  	s4 =	ssub.s32 $0x0, s20;
	[sflag:s22] =	ssyncset.done $0x0  }
0xa0: {  	[sflag:s22] =	ssyncadd.s32 s4;
	_ =	sdelay $0x1  }
0xa1: {  	s23 =	simm.s32 $0x1B8B  }
0xa2: {  	_ =	swait.ge [sflag:s23], $0x1  }
0xa3: {  	[sflag:s23] =	ssyncset.done $0x0  }
0xa4: {  	s25 =	simm.s32 $0x1B8E;
	s24 =	sld [smem:$0x3FFE];
	[sflag:s23] =	ssyncadd.s32 $0xFFFFFFFF  }
0xa5: {  	s26 =	simm.s32 $execute0_lowered;
	[smem:$0x3FD2] =	sst s25  }
0xa6: {  	s5 =	sshll.u32 s26, $0x1;
	_ =	strace $0x80000046;
	[dreg:$0x1] =	wrdreg $0xFFFFFFFF  }
0xa7: {  	s28 =	simm.s32 $_size_execute0_lowered;
	s3 =	sadd.s32 s3, s5;
	[dreg:$0x0] =	wrdreg $0x0  }
0xa8: {  	s5 =	sshll.u32 s28, $0x1;
	[dreg:$0x2] =	wrdreg s3  }
0xa9: {  	[dreg:$0x3] =	wrdreg s5  }
0xaa: {  	[dreg:$0x4] =	wrdreg $0xC0  }
0xab: {  	_ =	task [dreg:s7], $0x5FFFF  }
0xac: {  	[dreg:$0x1] =	wrdreg $0xFFFFFFFF  }
0xad: {  	[dreg:$0x0] =	wrdreg $0x60  }
0xae: {  	[dreg:$0x2] =	wrdreg s24  }
0xaf: {  	[dreg:$0x3] =	wrdreg s2  }
0xb0: {  	[dreg:$0x4] =	wrdreg $0x0  }
0xb1: {  	[dreg:$0x5] =	wrdreg $0x9  }
0xb2: {  	_ =	task.clear_ibuf [dreg:s7], $0x6FFFF;
	_ =	strace $0x90000046  }
0xb3: {  	s29 =	simm.s32 $0x9;
	_ =	strace $0x80000048  }
0xb4: {  	_ =	swait.ge [sflag:s29], $0x1  }
0xb5: {  	[sflag:s29] =	ssyncadd.s32 $0xFFFFFFFF  }
0xb6: {  	_ =	strace $0x90000048  }
0xb7: {  	_ =	sfence  }
0xb8: {  	s30 =	sld [smem:$0x0];
	_ =	sdelay $0x2  }
0xb9: {  	s31 =	sshll.u32 s1, $0xD;
	s1 =	sshrl.u32 s1, $0x2  }
0xba: {  	s3 =	sand.u32 $0x4000, s31;
	s1 =	sadd.s32 s1, s30  }
0xbb: {  	s0 =	sor.u32 s3, s0;
	s1 =	sshll.u32 s1, $0x11  }
0xbc: {  	s0 =	sor.u32 s1, s0  }
0xbd: {  	s0 =	sadd.s32 $0x8F2B, s0  }
0xbe: {  	[sflag:s0] =	ssyncadd.remote.s32 $0x1  }
0xbf: {  	_ =	sfence.sel $0xFFFF  }
0xc0: {  	[dreg:$0x0] =	wrdreg $0xFFFFFFFF;
	(pc) =	sbr.abs _section_cstart, $3  }
0xc1: {  	[dreg:$0x1] =	wrdreg $0xFFFFFFFF  }
0xc2: {  	_ =	task.clear_ibuf [dreg:s7], $0x2FFFF;
	_ =	strace $0x9FFFFFFF  }
0xc3: {  	(tm) =	ssettm $0x7FFFFFFF  }
tec
execute0_lowered:
.L_overlay_start_1:
0x0: {  	(tag) =	ssettag $0x1  }
0x1: {  	s5 =	rddreg [dreg:$0x0]  }
0x2: {  	s10 =	rddreg [dreg:$0x1]  }
0x3: {  	s1 =	rddreg [dreg:$0x2];
	s19 =	stileid.u32  }
0x4: {  	s2 =	srdreg.scid;
	s0 =	rddreg [dreg:$0x3];
	s14 =	simm.s32 $0x2  }
0x5: {  	s16 =	simm.s32 $0x64;
	s17 =	simm.s32 $0x8B10;
	s18 =	simm.s32 $0x1  }
0x6: {  	s21 =	simm.s32 $0x0;
	s4 =	sand.u32 $0x1, s2;
	s6 =	smul.u32 $0xC80, s19  }
0x7: {  	s3 =	sshll.u32 s19, $0x1;
	s2 =	simm.s32 $0x0;
	s7 =	smul.u32 $0x2700, s19  }
0x8: {  	p0 =	sne.s32 s19, $0x0;
	p1 =	seq.s32 s19, $0xF;
	s19 =	simm.s32 $0x8B90  }
0x9: {  	s3 =	sor.u32 s4, s3;
	[smem:$0x7FF] =	sst s2;
	s8 =	ssub.s32 $0x2, s4  }
0xa: {  	s20 =	smul.u32 $0x27100, s4;
	s4 =	sadd.s32 $0x13800, s5;
	s15 =	sshrl.u32 @!p0 s1, $0x3  }
0xb: {  	s11 =	smul.u32 $0x680, s3;
	_ =	strace $0x80000047;
	s29 =	sshrl.u32 s8, $0x1  }
0xc: {  	s6 =	sadd.s32 s6, s5;
	s3 =	sadd.s32 $0xE800, s5;
	s13 =	ssub.s32 s8, s29  }
0xd: {  	s30 =	sadd.s32 s7, s20;
	s9 =	sshrl.u32 s20, $0x3;
	s8 =	sadd.s32 $0x24900, s1  }
0xe: {  	v0 =	vmov s20;
	s20 =	simm.s32 $0xB390;
	s12 =	sadd.s32 s11, s5;
	s5 =	sadd.s32 $0x2000, s6  }
0xf: {  	s6 =	sadd.s32 s7, s1;
	s31 =	sshrl.u32 s30, $0x3;
	s9 =	sadd.s32 s4, s9  }
0x10: {  	s10 =	sadd.s32 s10, s11;
	s7 =	sadd.s32 s4, s31;
	s9 =	sadd.s32 $0x4920, s9  }
0x11: {  	v1 =	vimm.f32 $1.000000000e+00;
	s11 =	sadd.s32 $0x1D600, s12;
	s12 =	smax.u32 s13, $0x1;
	s13 =	simm.s32 $0x2710  }
.LBB2_1:
0x12: {  	[tilespmem:s13], [sflag:$0x2] =	stream.linear.gather [hbm4b:s5+s2], $0x6400, $0x38;
	[tilespmem:$0xE790] =	vst v63  }
0x13: {  	_ =	swait.ge [sflag:s14], $0x6400  }
0x14: {  	[sflag:s14] =	ssyncset.done $0x0  }
0x15: {  	s22 =	simm.s32 @!p0 $0x1C02;
	[sflag:s14] =	ssyncadd.s32 $0xFFFF9C00  }
0x16: {  	[spmem:s15], [sflag:s22] =	dma.local @!p0 [hbm:s3], $0x4E20  }
0x17: {  	s22 =	simm.s32 @!p0 $0x2  }
0x18: {  	_ =	swait.ge @!p0 [sflag:s22], $0x4E20  }
0x19: {  	[sflag:s22] =	ssyncset.done @!p0 $0x0  }
0x1a: {  	[sflag:s22] =	ssyncadd.s32 @!p0 $0xFFFFB1E0  }
0x1b: {  	[tilespmem:$0x8B10] =	vst v1  }
0x1c: {  	[tilespmem:$0x8B20] =	vst v1  }
0x1d: {  	[tilespmem:$0x8B30] =	vst v1  }
0x1e: {  	[tilespmem:$0x8B40] =	vst v1  }
0x1f: {  	[tilespmem:$0x8B50] =	vst v1  }
0x20: {  	[tilespmem:$0x8B60] =	vst v1  }
0x21: {  	[tilespmem:$0x8B70] =	vst v1  }
0x22: {  	s30 =	simm.s32 $0x2710;
	[bflag:$0x0] =	sbarrier.arrive $0xFFFF  }
0x23: {  	[spmem:s1] =	stream.indirect.scatter.add.f32 [tilespmem:s17], [sflag:$0x1], $0x1, s30, s16, $0xb8;
	[tilespmem:$0xE790] =	vst v63  }
0x24: {  	s31 =	simm.s32 $0x2790  }
0x25: {  	[spmem:s1] =	stream.indirect.scatter.add.f32 [tilespmem:s17], [sflag:$0x1], $0x1, s31, s16, $0xb8;
	[tilespmem:$0xE790] =	vst v63  }
0x26: {  	s23 =	simm.s32 $0x2810  }
0x27: {  	[spmem:s1] =	stream.indirect.scatter.add.f32 [tilespmem:s17], [sflag:$0x1], $0x1, s23, s16, $0xb8;
	[tilespmem:$0xE790] =	vst v63  }
0x28: {  	s24 =	simm.s32 $0x2890  }
0x29: {  	[spmem:s1] =	stream.indirect.scatter.add.f32 [tilespmem:s17], [sflag:$0x1], $0x1, s24, s16, $0xb8;
	[tilespmem:$0xE790] =	vst v63  }
0x2a: {  	s25 =	simm.s32 $0x2910  }
0x2b: {  	[spmem:s1] =	stream.indirect.scatter.add.f32 [tilespmem:s17], [sflag:$0x1], $0x1, s25, s16, $0xb8;
	[tilespmem:$0xE790] =	vst v63  }
0x2c: {  	s26 =	simm.s32 $0x2990  }
0x2d: {  	[spmem:s1] =	stream.indirect.scatter.add.f32 [tilespmem:s17], [sflag:$0x1], $0x1, s26, s16, $0xb8;
	[tilespmem:$0xE790] =	vst v63  }
0x2e: {  	s28 =	simm.s32 $0x2A10  }
0x2f: {  	[spmem:s1] =	stream.indirect.scatter.add.f32 [tilespmem:s17], [sflag:$0x1], $0x1, s28, s16, $0xb8;
	[tilespmem:$0xE790] =	vst v63  }
0x30: {  	s29 =	simm.s32 $0x2A90  }
0x31: {  	[spmem:s1] =	stream.indirect.scatter.add.f32 [tilespmem:s17], [sflag:$0x1], $0x1, s29, s16, $0xb8;
	[tilespmem:$0xE790] =	vst v63  }
0x32: {  	s30 =	simm.s32 $0x2B10  }
0x33: {  	[spmem:s1] =	stream.indirect.scatter.add.f32 [tilespmem:s17], [sflag:$0x1], $0x1, s30, s16, $0xb8;
	[tilespmem:$0xE790] =	vst v63  }
0x34: {  	s31 =	simm.s32 $0x2B90  }
0x35: {  	[spmem:s1] =	stream.indirect.scatter.add.f32 [tilespmem:s17], [sflag:$0x1], $0x1, s31, s16, $0xb8;
	[tilespmem:$0xE790] =	vst v63  }
0x36: {  	_ =	swait.ge [sflag:s18], $0x64  }
0x37: {  	[sflag:s18] =	ssyncset.done $0x0  }
0x38: {  	[sflag:s18] =	ssyncadd.s32 $0xFFFFFF9C  }
0x39: {  	_ =	swait.ge [sflag:s18], $0x64  }
0x3a: {  	[sflag:s18] =	ssyncset.done $0x0  }
0x3b: {  	[sflag:s18] =	ssyncadd.s32 $0xFFFFFF9C  }
0x3c: {  	_ =	swait.ge [sflag:s18], $0x64  }
0x3d: {  	[sflag:s18] =	ssyncset.done $0x0  }
0x3e: {  	[sflag:s18] =	ssyncadd.s32 $0xFFFFFF9C  }
0x3f: {  	_ =	swait.ge [sflag:s18], $0x64  }
0x40: {  	[sflag:s18] =	ssyncset.done $0x0  }
0x41: {  	[sflag:s18] =	ssyncadd.s32 $0xFFFFFF9C  }
0x42: {  	_ =	swait.ge [sflag:s18], $0x64  }
0x43: {  	[sflag:s18] =	ssyncset.done $0x0  }
0x44: {  	[sflag:s18] =	ssyncadd.s32 $0xFFFFFF9C  }
0x45: {  	_ =	swait.ge [sflag:s18], $0x64  }
0x46: {  	[sflag:s18] =	ssyncset.done $0x0  }
0x47: {  	[sflag:s18] =	ssyncadd.s32 $0xFFFFFF9C  }
0x48: {  	_ =	swait.ge [sflag:s18], $0x64  }
0x49: {  	[sflag:s18] =	ssyncset.done $0x0  }
0x4a: {  	[sflag:s18] =	ssyncadd.s32 $0xFFFFFF9C  }
0x4b: {  	_ =	swait.ge [sflag:s18], $0x64  }
0x4c: {  	[sflag:s18] =	ssyncset.done $0x0  }
0x4d: {  	[sflag:s18] =	ssyncadd.s32 $0xFFFFFF9C  }
0x4e: {  	_ =	swait.ge [sflag:s18], $0x64  }
0x4f: {  	[sflag:s18] =	ssyncset.done $0x0  }
0x50: {  	[sflag:s18] =	ssyncadd.s32 $0xFFFFFF9C  }
0x51: {  	_ =	swait.ge [sflag:s18], $0x64  }
0x52: {  	s24 =	simm.s32 $0x500;
	s25 =	simm.s32 $0x2800;
	[sflag:s18] =	ssyncset.done $0x0  }
.LBB2_2:
0x53: {  	s26 =	sadd.s32 $0x2710, s24  }
0x54: {  	[sflag:s18] =	ssyncadd.s32 $0xFFFFFF9C;
	s23 =	smov.u32 s25;
	s22 =	sadd.s32 $0x1400, s25  }
0x55: {  	[spmem:s1] =	stream.indirect.scatter.add.f32 [tilespmem:s17], [sflag:$0x1], $0x1, s26, s16, $0xb8;
	[tilespmem:$0xE790] =	vst v63  }
0x56: {  	p2 =	sne.s32 s25, $0x17C00;
	s25 =	sadd.s32 $0x2790, s24  }
0x57: {  	[spmem:s1] =	stream.indirect.scatter.add.f32 [tilespmem:s17], [sflag:$0x1], $0x1, s25, s16, $0xb8;
	[tilespmem:$0xE790] =	vst v63  }
0x58: {  	s25 =	sadd.s32 $0x2810, s24  }
0x59: {  	[spmem:s1] =	stream.indirect.scatter.add.f32 [tilespmem:s17], [sflag:$0x1], $0x1, s25, s16, $0xb8;
	[tilespmem:$0xE790] =	vst v63  }
0x5a: {  	s25 =	sadd.s32 $0x2890, s24  }
0x5b: {  	[spmem:s1] =	stream.indirect.scatter.add.f32 [tilespmem:s17], [sflag:$0x1], $0x1, s25, s16, $0xb8;
	[tilespmem:$0xE790] =	vst v63  }
0x5c: {  	s25 =	sadd.s32 $0x2910, s24  }
0x5d: {  	[spmem:s1] =	stream.indirect.scatter.add.f32 [tilespmem:s17], [sflag:$0x1], $0x1, s25, s16, $0xb8;
	[tilespmem:$0xE790] =	vst v63  }
0x5e: {  	s25 =	sadd.s32 $0x2990, s24  }
0x5f: {  	[spmem:s1] =	stream.indirect.scatter.add.f32 [tilespmem:s17], [sflag:$0x1], $0x1, s25, s16, $0xb8;
	[tilespmem:$0xE790] =	vst v63  }
0x60: {  	s25 =	sadd.s32 $0x2A10, s24  }
0x61: {  	[spmem:s1] =	stream.indirect.scatter.add.f32 [tilespmem:s17], [sflag:$0x1], $0x1, s25, s16, $0xb8;
	[tilespmem:$0xE790] =	vst v63  }
0x62: {  	s25 =	sadd.s32 $0x2A90, s24  }
0x63: {  	[spmem:s1] =	stream.indirect.scatter.add.f32 [tilespmem:s17], [sflag:$0x1], $0x1, s25, s16, $0xb8;
	[tilespmem:$0xE790] =	vst v63  }
0x64: {  	s25 =	sadd.s32 $0x2B10, s24  }
0x65: {  	[spmem:s1] =	stream.indirect.scatter.add.f32 [tilespmem:s17], [sflag:$0x1], $0x1, s25, s16, $0xb8;
	[tilespmem:$0xE790] =	vst v63  }
0x66: {  	s24 =	sadd.s32 $0x2B90, s24  }
0x67: {  	[spmem:s1] =	stream.indirect.scatter.add.f32 [tilespmem:s17], [sflag:$0x1], $0x1, s24, s16, $0xb8;
	[tilespmem:$0xE790] =	vst v63  }
0x68: {  	_ =	swait.ge [sflag:s18], $0x64  }
0x69: {  	[sflag:s18] =	ssyncset.done $0x0  }
0x6a: {  	[sflag:s18] =	ssyncadd.s32 $0xFFFFFF9C  }
0x6b: {  	_ =	swait.ge [sflag:s18], $0x64  }
0x6c: {  	[sflag:s18] =	ssyncset.done $0x0  }
0x6d: {  	[sflag:s18] =	ssyncadd.s32 $0xFFFFFF9C  }
0x6e: {  	_ =	swait.ge [sflag:s18], $0x64  }
0x6f: {  	[sflag:s18] =	ssyncset.done $0x0  }
0x70: {  	[sflag:s18] =	ssyncadd.s32 $0xFFFFFF9C  }
0x71: {  	_ =	swait.ge [sflag:s18], $0x64  }
0x72: {  	[sflag:s18] =	ssyncset.done $0x0  }
0x73: {  	[sflag:s18] =	ssyncadd.s32 $0xFFFFFF9C  }
0x74: {  	_ =	swait.ge [sflag:s18], $0x64  }
0x75: {  	[sflag:s18] =	ssyncset.done $0x0  }
0x76: {  	[sflag:s18] =	ssyncadd.s32 $0xFFFFFF9C  }
0x77: {  	_ =	swait.ge [sflag:s18], $0x64  }
0x78: {  	[sflag:s18] =	ssyncset.done $0x0  }
0x79: {  	[sflag:s18] =	ssyncadd.s32 $0xFFFFFF9C  }
0x7a: {  	_ =	swait.ge [sflag:s18], $0x64  }
0x7b: {  	[sflag:s18] =	ssyncset.done $0x0  }
0x7c: {  	[sflag:s18] =	ssyncadd.s32 $0xFFFFFF9C  }
0x7d: {  	_ =	swait.ge [sflag:s18], $0x64  }
0x7e: {  	[sflag:s18] =	ssyncset.done $0x0  }
0x7f: {  	[sflag:s18] =	ssyncadd.s32 $0xFFFFFF9C  }
.Ltmp0:
0x80: {  	_ =	swait.ge [sflag:s18], $0x64;
	(pc) =	sbr.rel @p2 .LBB2_2-.Ltmp0, $4  }
0x81: {  	[sflag:s18] =	ssyncset.done $0x0  }
0x82: {  	[sflag:s18] =	ssyncadd.s32 $0xFFFFFF9C  }
0x83: {  	_ =	swait.ge [sflag:s18], $0x64  }
0x84: {  	s25 =	smov.u32 s22;
	s24 =	sshra.s32 s23, $0x2;
	[sflag:s18] =	ssyncset.done $0x0  }
0x85: {  	s22 =	sadd.s32 $0x2710, s24;
	[sflag:s18] =	ssyncadd.s32 $0xFFFFFF9C  }
0x86: {  	[spmem:s1] =	stream.indirect.scatter.add.f32 [tilespmem:s17], [sflag:$0x1], $0x1, s22, s16, $0xb8;
	[tilespmem:$0xE790] =	vst v63  }
0x87: {  	s30 =	sadd.s32 $0x2790, s24  }
0x88: {  	[spmem:s1] =	stream.indirect.scatter.add.f32 [tilespmem:s17], [sflag:$0x1], $0x1, s30, s16, $0xb8;
	[tilespmem:$0xE790] =	vst v63  }
0x89: {  	s31 =	sadd.s32 $0x2810, s24  }
0x8a: {  	[spmem:s1] =	stream.indirect.scatter.add.f32 [tilespmem:s17], [sflag:$0x1], $0x1, s31, s16, $0xb8;
	[tilespmem:$0xE790] =	vst v63  }
0x8b: {  	s23 =	sadd.s32 $0x2890, s24  }
0x8c: {  	[spmem:s1] =	stream.indirect.scatter.add.f32 [tilespmem:s17], [sflag:$0x1], $0x1, s23, s16, $0xb8;
	[tilespmem:$0xE790] =	vst v63  }
0x8d: {  	s25 =	sadd.s32 $0x2910, s24  }
0x8e: {  	[spmem:s1] =	stream.indirect.scatter.add.f32 [tilespmem:s17], [sflag:$0x1], $0x1, s25, s16, $0xb8;
	[tilespmem:$0xE790] =	vst v63  }
0x8f: {  	s26 =	sadd.s32 $0x2990, s24  }
0x90: {  	[spmem:s1] =	stream.indirect.scatter.add.f32 [tilespmem:s17], [sflag:$0x1], $0x1, s26, s16, $0xb8;
	[tilespmem:$0xE790] =	vst v63  }
0x91: {  	s28 =	sadd.s32 $0x2A10, s24  }
0x92: {  	[spmem:s1] =	stream.indirect.scatter.add.f32 [tilespmem:s17], [sflag:$0x1], $0x1, s28, s16, $0xb8;
	[tilespmem:$0xE790] =	vst v63  }
0x93: {  	s29 =	sadd.s32 $0x2A90, s24  }
0x94: {  	[spmem:s1] =	stream.indirect.scatter.add.f32 [tilespmem:s17], [sflag:$0x1], $0x1, s29, s16, $0xb8;
	[tilespmem:$0xE790] =	vst v63  }
0x95: {  	s30 =	sadd.s32 $0x2B10, s24  }
0x96: {  	[spmem:s1] =	stream.indirect.scatter.add.f32 [tilespmem:s17], [sflag:$0x1], $0x1, s30, s16, $0xb8;
	[tilespmem:$0xE790] =	vst v63  }
0x97: {  	s31 =	sadd.s32 $0x2B90, s24  }
0x98: {  	[spmem:s1] =	stream.indirect.scatter.add.f32 [tilespmem:s17], [sflag:$0x1], $0x1, s31, s16, $0xb8;
	[tilespmem:$0xE790] =	vst v63  }
0x99: {  	_ =	swait.ge [sflag:s18], $0x64  }
0x9a: {  	[sflag:s18] =	ssyncset.done $0x0  }
0x9b: {  	[sflag:s18] =	ssyncadd.s32 $0xFFFFFF9C  }
0x9c: {  	_ =	swait.ge [sflag:s18], $0x64  }
0x9d: {  	[sflag:s18] =	ssyncset.done $0x0  }
0x9e: {  	[sflag:s18] =	ssyncadd.s32 $0xFFFFFF9C  }
0x9f: {  	_ =	swait.ge [sflag:s18], $0x64  }
0xa0: {  	[sflag:s18] =	ssyncset.done $0x0  }
0xa1: {  	[sflag:s18] =	ssyncadd.s32 $0xFFFFFF9C  }
0xa2: {  	_ =	swait.ge [sflag:s18], $0x64  }
0xa3: {  	[sflag:s18] =	ssyncset.done $0x0  }
0xa4: {  	[sflag:s18] =	ssyncadd.s32 $0xFFFFFF9C  }
0xa5: {  	_ =	swait.ge [sflag:s18], $0x64  }
0xa6: {  	[sflag:s18] =	ssyncset.done $0x0  }
0xa7: {  	[sflag:s18] =	ssyncadd.s32 $0xFFFFFF9C  }
0xa8: {  	_ =	swait.ge [sflag:s18], $0x64  }
0xa9: {  	[sflag:s18] =	ssyncset.done $0x0  }
0xaa: {  	[sflag:s18] =	ssyncadd.s32 $0xFFFFFF9C  }
0xab: {  	_ =	swait.ge [sflag:s18], $0x64  }
0xac: {  	[sflag:s18] =	ssyncset.done $0x0  }
0xad: {  	[sflag:s18] =	ssyncadd.s32 $0xFFFFFF9C  }
0xae: {  	_ =	swait.ge [sflag:s18], $0x64  }
0xaf: {  	[sflag:s18] =	ssyncset.done $0x0  }
0xb0: {  	[sflag:s18] =	ssyncadd.s32 $0xFFFFFF9C  }
0xb1: {  	_ =	swait.ge [sflag:s18], $0x64  }
0xb2: {  	[sflag:s18] =	ssyncset.done $0x0  }
0xb3: {  	[sflag:s18] =	ssyncadd.s32 $0xFFFFFF9C  }
.Ltmp1:
0xb4: {  	_ =	swait.ge [sflag:s18], $0x64;
	(pc) =	sbr.rel @!p1 .LBB2_4-.Ltmp1, $3  }
0xb5: {  	[sflag:s18] =	ssyncset.done $0x0  }
0xb6: {  	[sflag:s18] =	ssyncadd.s32 $0xFFFFFF9C  }
0xb7: {  	[bflag:$0x0] =	sbarrier.arrive $0xFFFF;
	_ =	sdelay $0x1  }
0xb8: {  	[tilespmem:s19], [sflag:$0x2] =	stream.linear.gather [spmem:s8], $0x2800, $0x38;
	[tilespmem:$0xE790] =	vst v63  }
0xb9: {  	_ =	swait.ge [sflag:s14], $0x2800  }
0xba: {  	[sflag:s14] =	ssyncset.done $0x0  }
0xbb: {  	s22 =	simm.s32 $0x0;
	s23 =	simm.s32 $0x40;
	[sflag:s14] =	ssyncadd.s32 $0xFFFFD800  }
.LBB2_8:
0xbc: {  	p2 =	sne.s32 s23, $0x9FC0;
	v2 =	vld [tilespmem:s22+$0x8B90];
	_ =	sdelay $0x4  }
0xbd: {  	v2 =	vmax.f32 v2, $1.000000000e+00  }
0xbe: {  	(erf) = vrcp.f32 v2;
	_ =	sdelay $0x5  }
.Ltmp2:
0xbf: {  	(pc) =	sbr.rel @p2 .LBB2_8-.Ltmp2, $3  }
0xc0: {  	_ =	sdelay $0x1  }
0xc1: {  	v2 =	vpop (erf)  }
0xc2: {  	[tilespmem:s22+$0x8B90] =	vst v2;
	s22 =	sshra.s32 s23, $0x2;
	s23 =	sadd.s32 $0x40, s23  }
0xc3: {  	v2 =	vld [tilespmem:s22+$0x8B90];
	_ =	sdelay $0x4  }
0xc4: {  	v2 =	vmax.f32 v2, $1.000000000e+00  }
0xc5: {  	(erf) = vrcp.f32 v2;
	_ =	sdelay $0x8  }
0xc6: {  	v2 =	vpop (erf)  }
.Ltmp3:
0xc7: {  	[tilespmem:s22+$0x8B90] =	vst v2;
	(pc) =	sbr.rel .LBB2_10-.Ltmp3, $4  }
0xc8: {  	[hbm4b:s9+s2] =	stream.linear.scatter [tilespmem:s19], [sflag:$0x2], $0x2800, $0x38;
	[tilespmem:$0xE790] =	vst v63  }
0xc9: {  	_ =	swait.ge [sflag:s14], $0x2800  }
0xca: {  	[sflag:s14] =	ssyncset.done $0x0  }
0xcb: {  	[sflag:s14] =	ssyncadd.s32 $0xFFFFD800  }
.LBB2_4:
0xcc: {  	[tilespmem:s19], [sflag:$0x2] =	stream.linear.gather [spmem:s6], $0x2700, $0x38;
	[tilespmem:$0xE790] =	vst v63  }
0xcd: {  	_ =	swait.ge [sflag:s14], $0x2700  }
0xce: {  	[sflag:s14] =	ssyncset.done $0x0  }
0xcf: {  	s22 =	simm.s32 $0x0;
	s23 =	simm.s32 $0x40;
	[sflag:s14] =	ssyncadd.s32 $0xFFFFD900  }
.LBB2_5:
0xd0: {  	p2 =	sne.s32 s23, $0x9BC0;
	v2 =	vld [tilespmem:s22+$0x8B90];
	_ =	sdelay $0x4  }
0xd1: {  	v2 =	vmax.f32 v2, $1.000000000e+00  }
0xd2: {  	(erf) = vrcp.f32 v2;
	_ =	sdelay $0x5  }
.Ltmp4:
0xd3: {  	(pc) =	sbr.rel @p2 .LBB2_5-.Ltmp4, $3  }
0xd4: {  	_ =	sdelay $0x1  }
0xd5: {  	v2 =	vpop (erf)  }
0xd6: {  	[tilespmem:s22+$0x8B90] =	vst v2;
	s22 =	sshra.s32 s23, $0x2;
	s23 =	sadd.s32 $0x40, s23  }
0xd7: {  	v2 =	vld [tilespmem:s22+$0x8B90];
	_ =	sdelay $0x4  }
0xd8: {  	v2 =	vmax.f32 v2, $1.000000000e+00  }
0xd9: {  	(erf) = vrcp.f32 v2;
	_ =	sdelay $0x8  }
0xda: {  	v2 =	vpop (erf)  }
0xdb: {  	[tilespmem:s22+$0x8B90] =	vst v2  }
0xdc: {  	[hbm4b:s7+s2] =	stream.linear.scatter [tilespmem:s19], [sflag:$0x2], $0x2700, $0x38;
	[tilespmem:$0xE790] =	vst v63  }
0xdd: {  	_ =	swait.ge [sflag:s14], $0x2700  }
0xde: {  	[sflag:s14] =	ssyncset.done $0x0  }
0xdf: {  	[sflag:s14] =	ssyncadd.s32 $0xFFFFD900  }
.LBB2_10:
0xe0: {  	[bflag:$0x0] =	sbarrier.arrive $0xFFFF  }
0xe1: {  	[tilespmem:s13], [sflag:$0x2] =	stream.linear.gather [hbm4b:s10+s2], $0x3200, $0x38;
	[tilespmem:$0xE790] =	vst v63  }
0xe2: {  	_ =	swait.ge [sflag:s14], $0x3200  }
0xe3: {  	[sflag:s14] =	ssyncset.done $0x0  }
0xe4: {  	s22 =	simm.s32 $0x60;
	[sflag:s14] =	ssyncadd.s32 $0xFFFFCE00  }
0xe5: {  	v4 =	vld [tilespmem:s22+$0x26B0]  }
0xe6: {  	v6 =	vld [tilespmem:s22+$0x26C0]  }
0xe7: {  	v5 =	vld [tilespmem:s22+$0x26D0]  }
0xe8: {  	v3 =	vld [tilespmem:s22+$0x26E0]  }
0xe9: {  	v2 =	vld [tilespmem:s22+$0x26F0]  }
0xea: {  	s23 =	simm.s32 $0x380;
	v7 =	vadd.s32 v0, v4;
	v4 =	vld [tilespmem:s22+$0x2700]  }
.LBB2_11:
0xeb: {  	s24 =	sshra.s32 s23, $0x2;
	p2 =	sne.s32 s23, $0xC780;
	[tilespmem:s22+$0x26B0] =	vst v7;
	v6 =	vadd.s32 v0, v6;
	v7 =	vld [tilespmem:s22+$0x2710]  }
0xec: {  	v8 =	vld [tilespmem:s24+$0x26B0];
	[tilespmem:s22+$0x26C0] =	vst v6;
	v5 =	vadd.s32 v0, v5  }
.Ltmp5:
0xed: {  	v6 =	vld [tilespmem:s24+$0x26C0];
	[tilespmem:s22+$0x26D0] =	vst v5;
	v3 =	vadd.s32 v0, v3;
	(pc) =	sbr.rel @p2 .LBB2_11-.Ltmp5, $4  }
0xee: {  	v5 =	vld [tilespmem:s24+$0x26D0];
	[tilespmem:s22+$0x26E0] =	vst v3;
	v2 =	vadd.s32 v0, v2  }
0xef: {  	v3 =	vld [tilespmem:s24+$0x26E0];
	[tilespmem:s22+$0x26F0] =	vst v2;
	v4 =	vadd.s32 v0, v4  }
0xf0: {  	v2 =	vld [tilespmem:s24+$0x26F0];
	[tilespmem:s22+$0x2700] =	vst v4;
	v9 =	vadd.s32 v0, v7  }
0xf1: {  	s23 =	sadd.s32 $0x200, s23;
	v7 =	vadd.s32 v0, v8;
	v4 =	vld [tilespmem:s24+$0x2700];
	[tilespmem:s22+$0x2710] =	vst v9;
	s22 =	smov.u32 s24  }
0xf2: {  	[tilespmem:s22+$0x26B0] =	vst v7;
	v6 =	vadd.s32 v0, v6;
	v63 =	vld [tilespmem:s22+$0x2710]  }
0xf3: {  	[tilespmem:s22+$0x26C0] =	vst v6;
	v5 =	vadd.s32 v0, v5  }
0xf4: {  	[tilespmem:s22+$0x26D0] =	vst v5;
	v3 =	vadd.s32 v0, v3  }
0xf5: {  	[tilespmem:s22+$0x26E0] =	vst v3;
	v2 =	vadd.s32 v0, v2  }
0xf6: {  	[tilespmem:s22+$0x26F0] =	vst v2;
	v2 =	vadd.s32 v0, v4  }
0xf7: {  	[tilespmem:s22+$0x2700] =	vst v2;
	v2 =	vadd.s32 v0, v63  }
0xf8: {  	s29 =	simm.s32 $0xB390;
	s23 =	simm.s32 $0x2710;
	[tilespmem:s22+$0x2710] =	vst v2  }
0xf9: {  	[tilespmem:s29], [sflag:$0x1] =	stream.indirect.gather [hbm4b:s4+s16], $0x1, s23, s16, $0xb8;
	[tilespmem:$0xE790] =	vst v63  }
0xfa: {  	s30 =	simm.s32 $0xB410;
	s31 =	simm.s32 $0x2790  }
0xfb: {  	[tilespmem:s30], [sflag:$0x1] =	stream.indirect.gather [hbm4b:s4+s16], $0x1, s31, s16, $0xb8;
	[tilespmem:$0xE790] =	vst v63  }
0xfc: {  	s24 =	simm.s32 $0x2810;
	s23 =	simm.s32 $0xB490  }
0xfd: {  	[tilespmem:s23], [sflag:$0x1] =	stream.indirect.gather [hbm4b:s4+s16], $0x1, s24, s16, $0xb8;
	[tilespmem:$0xE790] =	vst v63  }
0xfe: {  	s25 =	simm.s32 $0xB510;
	s26 =	simm.s32 $0x2890  }
0xff: {  	[tilespmem:s25], [sflag:$0x1] =	stream.indirect.gather [hbm4b:s4+s16], $0x1, s26, s16, $0xb8;
	[tilespmem:$0xE790] =	vst v63  }
0x100: {  	s28 =	simm.s32 $0xB590;
	s29 =	simm.s32 $0x2910  }
0x101: {  	[tilespmem:s28], [sflag:$0x1] =	stream.indirect.gather [hbm4b:s4+s16], $0x1, s29, s16, $0xb8;
	[tilespmem:$0xE790] =	vst v63  }
0x102: {  	s30 =	simm.s32 $0xB610;
	s31 =	simm.s32 $0x2990  }
0x103: {  	[tilespmem:s30], [sflag:$0x1] =	stream.indirect.gather [hbm4b:s4+s16], $0x1, s31, s16, $0xb8;
	[tilespmem:$0xE790] =	vst v63  }
0x104: {  	s23 =	simm.s32 $0xB690;
	s24 =	simm.s32 $0x2A10  }
0x105: {  	[tilespmem:s23], [sflag:$0x1] =	stream.indirect.gather [hbm4b:s4+s16], $0x1, s24, s16, $0xb8;
	[tilespmem:$0xE790] =	vst v63  }
0x106: {  	s25 =	simm.s32 $0xB710;
	s26 =	simm.s32 $0x2A90  }
0x107: {  	[tilespmem:s25], [sflag:$0x1] =	stream.indirect.gather [hbm4b:s4+s16], $0x1, s26, s16, $0xb8;
	[tilespmem:$0xE790] =	vst v63  }
0x108: {  	s28 =	simm.s32 $0xB790;
	s29 =	simm.s32 $0x2B10  }
0x109: {  	[tilespmem:s28], [sflag:$0x1] =	stream.indirect.gather [hbm4b:s4+s16], $0x1, s29, s16, $0xb8;
	[tilespmem:$0xE790] =	vst v63  }
0x10a: {  	s30 =	simm.s32 $0xB810;
	s31 =	simm.s32 $0x2B90  }
0x10b: {  	[tilespmem:s30], [sflag:$0x1] =	stream.indirect.gather [hbm4b:s4+s16], $0x1, s31, s16, $0xb8;
	[tilespmem:$0xE790] =	vst v63  }
0x10c: {  	_ =	swait.ge [sflag:s18], $0x64  }
0x10d: {  	[sflag:s18] =	ssyncset.done $0x0  }
0x10e: {  	[sflag:s18] =	ssyncadd.s32 $0xFFFFFF9C  }
0x10f: {  	_ =	swait.ge [sflag:s18], $0x64  }
0x110: {  	[sflag:s18] =	ssyncset.done $0x0  }
0x111: {  	[sflag:s18] =	ssyncadd.s32 $0xFFFFFF9C  }
0x112: {  	_ =	swait.ge [sflag:s18], $0x64  }
0x113: {  	[sflag:s18] =	ssyncset.done $0x0  }
0x114: {  	[sflag:s18] =	ssyncadd.s32 $0xFFFFFF9C  }
0x115: {  	_ =	swait.ge [sflag:s18], $0x64  }
0x116: {  	[sflag:s18] =	ssyncset.done $0x0  }
0x117: {  	[sflag:s18] =	ssyncadd.s32 $0xFFFFFF9C  }
0x118: {  	_ =	swait.ge [sflag:s18], $0x64  }
0x119: {  	[sflag:s18] =	ssyncset.done $0x0  }
0x11a: {  	[sflag:s18] =	ssyncadd.s32 $0xFFFFFF9C  }
0x11b: {  	_ =	swait.ge [sflag:s18], $0x64  }
0x11c: {  	[sflag:s18] =	ssyncset.done $0x0  }
0x11d: {  	[sflag:s18] =	ssyncadd.s32 $0xFFFFFF9C  }
0x11e: {  	_ =	swait.ge [sflag:s18], $0x64  }
0x11f: {  	[sflag:s18] =	ssyncset.done $0x0  }
0x120: {  	[sflag:s18] =	ssyncadd.s32 $0xFFFFFF9C  }
0x121: {  	_ =	swait.ge [sflag:s18], $0x64  }
0x122: {  	[sflag:s18] =	ssyncset.done $0x0  }
0x123: {  	[sflag:s18] =	ssyncadd.s32 $0xFFFFFF9C  }
0x124: {  	_ =	swait.ge [sflag:s18], $0x64  }
0x125: {  	[sflag:s18] =	ssyncset.done $0x0  }
0x126: {  	[sflag:s18] =	ssyncadd.s32 $0xFFFFFF9C  }
0x127: {  	_ =	swait.ge [sflag:s18], $0x64  }
0x128: {  	s24 =	simm.s32 $0x500;
	s25 =	simm.s32 $0x2800;
	[sflag:s18] =	ssyncset.done $0x0  }
.LBB2_13:
0x129: {  	s23 =	sadd.s32 $0xB390, s24  }
0x12a: {  	s26 =	sadd.s32 $0x2710, s24;
	[sflag:s18] =	ssyncadd.s32 $0xFFFFFF9C;
	s22 =	smov.u32 s25  }
0x12b: {  	[tilespmem:s23], [sflag:$0x1] =	stream.indirect.gather [hbm4b:s4+s16], $0x1, s26, s16, $0xb8;
	[tilespmem:$0xE790] =	vst v63  }
0x12c: {  	s28 =	sadd.s32 $0x2790, s24;
	s23 =	sadd.s32 $0x1400, s25;
	s26 =	sadd.s32 $0xB410, s24  }
0x12d: {  	[tilespmem:s26], [sflag:$0x1] =	stream.indirect.gather [hbm4b:s4+s16], $0x1, s28, s16, $0xb8;
	[tilespmem:$0xE790] =	vst v63  }
0x12e: {  	p2 =	sne.s32 s25, $0xB400;
	s25 =	sadd.s32 $0xB490, s24;
	s26 =	sadd.s32 $0x2810, s24  }
0x12f: {  	[tilespmem:s25], [sflag:$0x1] =	stream.indirect.gather [hbm4b:s4+s16], $0x1, s26, s16, $0xb8;
	[tilespmem:$0xE790] =	vst v63  }
0x130: {  	s25 =	sadd.s32 $0xB510, s24;
	s26 =	sadd.s32 $0x2890, s24  }
0x131: {  	[tilespmem:s25], [sflag:$0x1] =	stream.indirect.gather [hbm4b:s4+s16], $0x1, s26, s16, $0xb8;
	[tilespmem:$0xE790] =	vst v63  }
0x132: {  	s25 =	sadd.s32 $0xB590, s24;
	s26 =	sadd.s32 $0x2910, s24  }
0x133: {  	[tilespmem:s25], [sflag:$0x1] =	stream.indirect.gather [hbm4b:s4+s16], $0x1, s26, s16, $0xb8;
	[tilespmem:$0xE790] =	vst v63  }
0x134: {  	s25 =	sadd.s32 $0xB610, s24;
	s26 =	sadd.s32 $0x2990, s24  }
0x135: {  	[tilespmem:s25], [sflag:$0x1] =	stream.indirect.gather [hbm4b:s4+s16], $0x1, s26, s16, $0xb8;
	[tilespmem:$0xE790] =	vst v63  }
0x136: {  	s25 =	sadd.s32 $0xB690, s24;
	s26 =	sadd.s32 $0x2A10, s24  }
0x137: {  	[tilespmem:s25], [sflag:$0x1] =	stream.indirect.gather [hbm4b:s4+s16], $0x1, s26, s16, $0xb8;
	[tilespmem:$0xE790] =	vst v63  }
0x138: {  	s25 =	sadd.s32 $0xB710, s24;
	s26 =	sadd.s32 $0x2A90, s24  }
0x139: {  	[tilespmem:s25], [sflag:$0x1] =	stream.indirect.gather [hbm4b:s4+s16], $0x1, s26, s16, $0xb8;
	[tilespmem:$0xE790] =	vst v63  }
0x13a: {  	s25 =	sadd.s32 $0xB790, s24;
	s26 =	sadd.s32 $0x2B10, s24  }
0x13b: {  	[tilespmem:s25], [sflag:$0x1] =	stream.indirect.gather [hbm4b:s4+s16], $0x1, s26, s16, $0xb8;
	[tilespmem:$0xE790] =	vst v63  }
0x13c: {  	s25 =	sadd.s32 $0xB810, s24;
	s24 =	sadd.s32 $0x2B90, s24  }
0x13d: {  	[tilespmem:s25], [sflag:$0x1] =	stream.indirect.gather [hbm4b:s4+s16], $0x1, s24, s16, $0xb8;
	[tilespmem:$0xE790] =	vst v63  }
0x13e: {  	_ =	swait.ge [sflag:s18], $0x64  }
0x13f: {  	[sflag:s18] =	ssyncset.done $0x0  }
0x140: {  	[sflag:s18] =	ssyncadd.s32 $0xFFFFFF9C  }
0x141: {  	_ =	swait.ge [sflag:s18], $0x64  }
0x142: {  	[sflag:s18] =	ssyncset.done $0x0  }
0x143: {  	[sflag:s18] =	ssyncadd.s32 $0xFFFFFF9C  }
0x144: {  	_ =	swait.ge [sflag:s18], $0x64  }
0x145: {  	[sflag:s18] =	ssyncset.done $0x0  }
0x146: {  	[sflag:s18] =	ssyncadd.s32 $0xFFFFFF9C  }
0x147: {  	_ =	swait.ge [sflag:s18], $0x64  }
0x148: {  	[sflag:s18] =	ssyncset.done $0x0  }
0x149: {  	[sflag:s18] =	ssyncadd.s32 $0xFFFFFF9C  }
0x14a: {  	_ =	swait.ge [sflag:s18], $0x64  }
0x14b: {  	[sflag:s18] =	ssyncset.done $0x0  }
0x14c: {  	[sflag:s18] =	ssyncadd.s32 $0xFFFFFF9C  }
0x14d: {  	_ =	swait.ge [sflag:s18], $0x64  }
0x14e: {  	[sflag:s18] =	ssyncset.done $0x0  }
0x14f: {  	[sflag:s18] =	ssyncadd.s32 $0xFFFFFF9C  }
0x150: {  	_ =	swait.ge [sflag:s18], $0x64  }
0x151: {  	[sflag:s18] =	ssyncset.done $0x0  }
0x152: {  	[sflag:s18] =	ssyncadd.s32 $0xFFFFFF9C  }
0x153: {  	_ =	swait.ge [sflag:s18], $0x64  }
0x154: {  	[sflag:s18] =	ssyncset.done $0x0  }
0x155: {  	[sflag:s18] =	ssyncadd.s32 $0xFFFFFF9C  }
.Ltmp6:
0x156: {  	_ =	swait.ge [sflag:s18], $0x64;
	(pc) =	sbr.rel @p2 .LBB2_13-.Ltmp6, $4  }
0x157: {  	[sflag:s18] =	ssyncset.done $0x0  }
0x158: {  	[sflag:s18] =	ssyncadd.s32 $0xFFFFFF9C  }
0x159: {  	_ =	swait.ge [sflag:s18], $0x64  }
0x15a: {  	s24 =	sshra.s32 s22, $0x2;
	s25 =	smov.u32 s23;
	[sflag:s18] =	ssyncset.done $0x0  }
0x15b: {  	s22 =	sadd.s32 $0xB390, s24;
	s23 =	sadd.s32 $0x2710, s24;
	[sflag:s18] =	ssyncadd.s32 $0xFFFFFF9C  }
0x15c: {  	[tilespmem:s22], [sflag:$0x1] =	stream.indirect.gather [hbm4b:s4+s16], $0x1, s23, s16, $0xb8;
	[tilespmem:$0xE790] =	vst v63  }
0x15d: {  	s25 =	sadd.s32 $0xB410, s24;
	s26 =	sadd.s32 $0x2790, s24  }
0x15e: {  	[tilespmem:s25], [sflag:$0x1] =	stream.indirect.gather [hbm4b:s4+s16], $0x1, s26, s16, $0xb8;
	[tilespmem:$0xE790] =	vst v63  }
0x15f: {  	s28 =	sadd.s32 $0xB490, s24;
	s29 =	sadd.s32 $0x2810, s24  }
0x160: {  	[tilespmem:s28], [sflag:$0x1] =	stream.indirect.gather [hbm4b:s4+s16], $0x1, s29, s16, $0xb8;
	[tilespmem:$0xE790] =	vst v63  }
0x161: {  	s30 =	sadd.s32 $0xB510, s24;
	s31 =	sadd.s32 $0x2890, s24  }
0x162: {  	[tilespmem:s30], [sflag:$0x1] =	stream.indirect.gather [hbm4b:s4+s16], $0x1, s31, s16, $0xb8;
	[tilespmem:$0xE790] =	vst v63  }
0x163: {  	s25 =	sadd.s32 $0xB590, s24;
	s26 =	sadd.s32 $0x2910, s24  }
0x164: {  	[tilespmem:s25], [sflag:$0x1] =	stream.indirect.gather [hbm4b:s4+s16], $0x1, s26, s16, $0xb8;
	[tilespmem:$0xE790] =	vst v63  }
0x165: {  	s28 =	sadd.s32 $0xB610, s24;
	s29 =	sadd.s32 $0x2990, s24  }
0x166: {  	[tilespmem:s28], [sflag:$0x1] =	stream.indirect.gather [hbm4b:s4+s16], $0x1, s29, s16, $0xb8;
	[tilespmem:$0xE790] =	vst v63  }
0x167: {  	s30 =	sadd.s32 $0xB690, s24;
	s31 =	sadd.s32 $0x2A10, s24  }
0x168: {  	[tilespmem:s30], [sflag:$0x1] =	stream.indirect.gather [hbm4b:s4+s16], $0x1, s31, s16, $0xb8;
	[tilespmem:$0xE790] =	vst v63  }
0x169: {  	s25 =	sadd.s32 $0xB710, s24;
	s26 =	sadd.s32 $0x2A90, s24  }
0x16a: {  	[tilespmem:s25], [sflag:$0x1] =	stream.indirect.gather [hbm4b:s4+s16], $0x1, s26, s16, $0xb8;
	[tilespmem:$0xE790] =	vst v63  }
0x16b: {  	s28 =	sadd.s32 $0xB790, s24;
	s29 =	sadd.s32 $0x2B10, s24  }
0x16c: {  	[tilespmem:s28], [sflag:$0x1] =	stream.indirect.gather [hbm4b:s4+s16], $0x1, s29, s16, $0xb8;
	[tilespmem:$0xE790] =	vst v63  }
0x16d: {  	s30 =	sadd.s32 $0xB810, s24;
	s31 =	sadd.s32 $0x2B90, s24  }
0x16e: {  	[tilespmem:s30], [sflag:$0x1] =	stream.indirect.gather [hbm4b:s4+s16], $0x1, s31, s16, $0xb8;
	[tilespmem:$0xE790] =	vst v63  }
0x16f: {  	_ =	swait.ge [sflag:s18], $0x64  }
0x170: {  	[sflag:s18] =	ssyncset.done $0x0  }
0x171: {  	[sflag:s18] =	ssyncadd.s32 $0xFFFFFF9C  }
0x172: {  	_ =	swait.ge [sflag:s18], $0x64  }
0x173: {  	[sflag:s18] =	ssyncset.done $0x0  }
0x174: {  	[sflag:s18] =	ssyncadd.s32 $0xFFFFFF9C  }
0x175: {  	_ =	swait.ge [sflag:s18], $0x64  }
0x176: {  	[sflag:s18] =	ssyncset.done $0x0  }
0x177: {  	[sflag:s18] =	ssyncadd.s32 $0xFFFFFF9C  }
0x178: {  	_ =	swait.ge [sflag:s18], $0x64  }
0x179: {  	[sflag:s18] =	ssyncset.done $0x0  }
0x17a: {  	[sflag:s18] =	ssyncadd.s32 $0xFFFFFF9C  }
0x17b: {  	_ =	swait.ge [sflag:s18], $0x64  }
0x17c: {  	[sflag:s18] =	ssyncset.done $0x0  }
0x17d: {  	[sflag:s18] =	ssyncadd.s32 $0xFFFFFF9C  }
0x17e: {  	_ =	swait.ge [sflag:s18], $0x64  }
0x17f: {  	[sflag:s18] =	ssyncset.done $0x0  }
0x180: {  	[sflag:s18] =	ssyncadd.s32 $0xFFFFFF9C  }
0x181: {  	_ =	swait.ge [sflag:s18], $0x64  }
0x182: {  	[sflag:s18] =	ssyncset.done $0x0  }
0x183: {  	[sflag:s18] =	ssyncadd.s32 $0xFFFFFF9C  }
0x184: {  	_ =	swait.ge [sflag:s18], $0x64  }
0x185: {  	[sflag:s18] =	ssyncset.done $0x0  }
0x186: {  	[sflag:s18] =	ssyncadd.s32 $0xFFFFFF9C  }
0x187: {  	_ =	swait.ge [sflag:s18], $0x64  }
0x188: {  	[sflag:s18] =	ssyncset.done $0x0  }
0x189: {  	[sflag:s18] =	ssyncadd.s32 $0xFFFFFF9C  }
0x18a: {  	s21 =	sadd.s32 $0x1, s21;
	_ =	swait.ge [sflag:s18], $0x64  }
0x18b: {  	p2 =	sne.s32 s21, s12;
	[sflag:s18] =	ssyncset.done $0x0  }
.Ltmp7:
0x18c: {  	[sflag:s18] =	ssyncadd.s32 $0xFFFFFF9C;
	(pc) =	sbr.rel @p2 .LBB2_1-.Ltmp7, $4  }
0x18d: {  	[hbm4b:s11+s2] =	stream.linear.scatter [tilespmem:s20], [sflag:$0x2], $0x3200, $0x38;
	[tilespmem:$0xE790] =	vst v63  }
0x18e: {  	_ =	swait.ge [sflag:s14], $0x3200  }
0x18f: {  	[sflag:s14] =	ssyncset.done $0x0  }
0x190: {  	[sflag:s14] =	ssyncadd.s32 $0xFFFFCE00  }
0x191: {  	_ =	sfence.sel $0x180000  }
0x192: {  	[bflag:$0x0] =	sbarrier.arrive $0xFFFF  }
0x193: {  	_ =	strace $0x90000047  }
0x194: {  	s0 =	sadd.s32 @!p0 $0x100000, s0;
	[bflag:$0x2] =	sbarrier.arrive $0xFFFF  }
0x195: {  	[sflag:s0] =	ssyncadd.tile.s32 @!p0 $0x1;
	_ =	shalt  }
.Lfunc_end2:
_tile_overlayer_lowered:
.L_overlay_start_2:
0x196: {  	(tag) =	ssettag $0x2  }
0x197: {  	s0 =	rddreg [dreg:$0x0];
	s2 =	stileid.u32  }
0x198: {  	s1 =	rddreg [dreg:$0x1];
	p0 =	sne.s32 s2, $0x0  }
0x199: {  	s3 =	rddreg [dreg:$0x2];
	[bflag:$0x3] =	sbarrier.arrive $0xFFFF;
	s2 =	simm.s32 @!p0 $0x1C02  }
0x19a: {  	[timem:s3], [sflag:s2] =	dma.local @!p0 [hbm:s0], s1  }
0x19b: {  	s0 =	simm.s32 @!p0 $0x2  }
0x19c: {  	_ =	swait.ge @!p0 [sflag:s0], s1  }
0x19d: {  	s1 =	ssub.s32 @!p0 $0x0, s1;
	[sflag:s0] =	ssyncset.done @!p0 $0x0  }
0x19e: {  	[sflag:s0] =	ssyncadd.s32 @!p0 s1  }
0x19f: {  	[bflag:$0x3] =	sbarrier.arrive $0xFFFF  }
0x1a0: {  	_ =	shalt  }

</sc_bundles>
